<compile_context>
chip_gen: v7x
topology: tpu7x:2x2x1
jax: 0.10.2.dev20260603
libtpu: 0.0.44.dev20260713+nightly
codegen_flags: <defaults>
</compile_context>

<pallas_src>
import functools

import jax
import jax.numpy as jnp
from jax import lax
from jax.experimental import pallas as pl
from jax.experimental.pallas import tpu as pltpu
from jax.experimental.pallas import tpu_sc as plsc

_GRID = 128
_CELLS = _GRID ** 3
_SCENES = 4
_HIDDEN = 16
_N = 262144
_ROWS = _N // 128
_BLK_ROWS = 256
_DECAY = 0.9

_NW = 32
_SPW = _N // _NW
_NB = 64
_BCELLS = _CELLS // _NB
_BSHIFT = 15
_PAD = 1024
_SLOT = 256


def _part1by2(x):
    x = x & jnp.uint32(0x3FF)
    x = (x | (x << 16)) & jnp.uint32(0x30000FF)
    x = (x | (x << 8)) & jnp.uint32(0x300F00F)
    x = (x | (x << 4)) & jnp.uint32(0x30C30C3)
    x = (x | (x << 2)) & jnp.uint32(0x9249249)
    return x


def _sigma_body(coords_ref, code_ref, Wc_ref, w1_ref, b1_ref, w2_ref, b2_ref,
                idx_ref, s01_ref, s23_ref):
    cx = coords_ref[0]
    cy = coords_ref[1]
    cz = coords_ref[2]
    mx = _part1by2(cx.astype(jnp.uint32))
    my = _part1by2(cy.astype(jnp.uint32))
    mz = _part1by2(cz.astype(jnp.uint32))
    idx_ref[...] = (mx | (my << 1) | (mz << 2)).astype(jnp.int32)
    scale = jnp.float32(2.0 / _GRID)
    half = jnp.float32((_GRID - 1) / 2.0)
    fx = (cx.astype(jnp.float32) - half) * scale
    fy = (cy.astype(jnp.float32) - half) * scale
    fz = (cz.astype(jnp.float32) - half) * scale
    cw = jnp.dot(code_ref[...], Wc_ref[...],
                 preferred_element_type=jnp.float32) + b1_ref[...]
    w1 = w1_ref[...]
    w2 = w2_ref[...]
    accs = [jnp.zeros(fx.shape, jnp.float32) for _ in range(_SCENES)]
    for j in range(_HIDDEN):
        base = fx * w1[0, j] + fy * w1[1, j] + fz * w1[2, j]
        for s in range(_SCENES):
            accs[s] = accs[s] + jnp.maximum(base + cw[s, j], 0.0) * w2[j, 0]
    b2v = b2_ref[0, 0]
    sig = [jax.nn.softplus(a + b2v) for a in accs]
    bits = [jax.lax.bitcast_convert_type(
        s.astype(jnp.bfloat16), jnp.uint16).astype(jnp.uint32) for s in sig]
    s01_ref[...] = bits[0] | (bits[1] << 16)
    s23_ref[...] = bits[2] | (bits[3] << 16)


def _sigma_stage(coords, code, W1, b1, Wc, W2, b2):
    coords3 = coords.T.reshape(3, _ROWS, 128)
    grid = (_ROWS // _BLK_ROWS,)
    full = lambda a: pl.BlockSpec(a.shape, lambda i: tuple(0 for _ in a.shape))
    b1r = b1.reshape(1, _HIDDEN)
    b2r = b2.reshape(1, 1)
    out_shape = [
        jax.ShapeDtypeStruct((_ROWS, 128), jnp.int32),
        jax.ShapeDtypeStruct((_ROWS, 128), jnp.uint32),
        jax.ShapeDtypeStruct((_ROWS, 128), jnp.uint32),
    ]
    idx, s01, s23 = pl.pallas_call(
        _sigma_body,
        grid=grid,
        in_specs=[
            pl.BlockSpec((3, _BLK_ROWS, 128), lambda i: (0, i, 0)),
            full(code), full(Wc), full(W1), full(b1r), full(W2), full(b2r),
        ],
        out_specs=[
            pl.BlockSpec((_BLK_ROWS, 128), lambda i: (i, 0)),
            pl.BlockSpec((_BLK_ROWS, 128), lambda i: (i, 0)),
            pl.BlockSpec((_BLK_ROWS, 128), lambda i: (i, 0)),
        ],
        out_shape=out_shape,
    )(coords3, code, Wc, W1, b1r, W2, b2r)
    return idx.reshape(-1), s01.reshape(-1), s23.reshape(-1)


def _wid():
    return lax.axis_index("s") * 2 + lax.axis_index("c")


def _iota16():
    return lax.iota(jnp.int32, 16)


def _scan_count_base():
    cnt0, _ = plsc.scan_count(jnp.zeros((16,), jnp.int32))
    return jnp.min(cnt0)


_SC_MESH = functools.partial(
    plsc.VectorSubcoreMesh, core_axis_name="c", subcore_axis_name="s")
_SC_PARAMS = pltpu.CompilerParams(needs_layout_passes=False)



def _route_body(idx_hbm, s01_hbm, s23_hbm,
                rloc_hbm, r01_hbm, r23_hbm, hist_hbm,
                idx_v, s01_v, s23_v, hist_v, lbase_v, rank_v,
                loc_v, o01_v, o23_v, sem):
    w = _wid()
    off = _scan_count_base()
    cp1 = pltpu.async_copy(idx_hbm.at[pl.ds(w * _SPW, _SPW)], idx_v, sem)
    cp2 = pltpu.async_copy(s01_hbm.at[pl.ds(w * _SPW, _SPW)], s01_v, sem)
    cp3 = pltpu.async_copy(s23_hbm.at[pl.ds(w * _SPW, _SPW)], s23_v, sem)
    cp1.wait()
    cp2.wait()
    cp3.wait()
    for c in range(4):
        hist_v[pl.ds(c * 16, 16)] = jnp.zeros((16,), jnp.int32)

    def hbody(i, carry):
        v = idx_v[pl.ds(i * 16, 16)]
        digit = jax.lax.shift_right_logical(v, _BSHIFT)
        cnt, last = plsc.scan_count(digit)
        g = plsc.load_gather(hist_v, [digit])
        crank = g + cnt - off
        rank_v[pl.ds(i * 16, 16)] = crank
        plsc.store_scatter(hist_v, [digit], crank + 1, mask=last)
        return carry

    lax.fori_loop(0, _SPW // 16, hbody, 0)
    cph = pltpu.async_copy(hist_v, hist_hbm.at[w], sem)

    carry = jnp.zeros((), jnp.int32)
    for c in range(4):
        t = hist_v[pl.ds(c * 16, 16)]
        lbase_v[pl.ds(c * 16, 16)] = plsc.cumsum(t) - t + carry
        carry = carry + jnp.sum(t)

    def pbody(i):
        v = idx_v[pl.ds(i * 16, 16)]
        digit = jax.lax.shift_right_logical(v, _BSHIFT)
        g = plsc.load_gather(lbase_v, [digit])
        dest = g + rank_v[pl.ds(i * 16, 16)]
        plsc.store_scatter(loc_v, [dest], v & jnp.int32(_BCELLS - 1))
        plsc.store_scatter(o01_v, [dest],
                           plsc.bitcast(s01_v[pl.ds(i * 16, 16)], jnp.int32))
        plsc.store_scatter(o23_v, [dest],
                           plsc.bitcast(s23_v[pl.ds(i * 16, 16)], jnp.int32))

    plsc.parallel_loop(0, _SPW // 16, 1, unroll=4)(pbody)

    co1 = pltpu.async_copy(loc_v, rloc_hbm.at[pl.ds(w * _SPW, _SPW)], sem)
    co2 = pltpu.async_copy(o01_v, r01_hbm.at[pl.ds(w * _SPW, _SPW)], sem)
    co3 = pltpu.async_copy(o23_v, r23_hbm.at[pl.ds(w * _SPW, _SPW)], sem)
    cph.wait()
    co1.wait()
    co2.wait()
    co3.wait()


def _route_stage(idx, s01, s23):
    k = pl.kernel(
        _route_body,
        out_type=[
            jax.ShapeDtypeStruct((_N + _PAD,), jnp.int32),
            jax.ShapeDtypeStruct((_N + _PAD,), jnp.int32),
            jax.ShapeDtypeStruct((_N + _PAD,), jnp.int32),
            jax.ShapeDtypeStruct((_NW, _NB), jnp.int32),
        ],
        mesh=_SC_MESH(),
        compiler_params=_SC_PARAMS,
        scratch_types=[
            pltpu.VMEM((_SPW,), jnp.int32),
            pltpu.VMEM((_SPW,), jnp.uint32),
            pltpu.VMEM((_SPW,), jnp.uint32),
            pltpu.VMEM((_NB,), jnp.int32),
            pltpu.VMEM((_NB,), jnp.int32),
            pltpu.VMEM((_SPW,), jnp.int32),
            pltpu.VMEM((_SPW,), jnp.int32),
            pltpu.VMEM((_SPW,), jnp.int32),
            pltpu.VMEM((_SPW,), jnp.int32),
            pltpu.SemaphoreType.DMA,
        ],
    )
    return k(idx, s01, s23)



def _extract(row_ref, wp, col):
    iot = _iota16()
    acc = jnp.zeros((), jnp.int32)
    for c in range(4):
        t = row_ref[wp, pl.ds(c * 16, 16)]
        acc = acc + jnp.sum(jnp.where(iot + c * 16 == col, t, 0))
    return acc


def _apply_body(dg_hbm, rloc_hbm, r01_hbm, r23_hbm, hist_hbm,
                out_hbm, part_hbm,
                d0_v, d1_v, tmp_v, sl_v, s01_v, s23_v, hist_v,
                meta_s, acc_v, sem, sem_d, sem_o0, sem_o1):
    w = _wid()
    iot = _iota16()
    cph = pltpu.async_copy(hist_hbm, hist_v, sem)
    b0 = w * 2
    pre0 = pltpu.async_copy(
        dg_hbm.at[0, pl.ds(b0 * _BCELLS, _BCELLS)], d0_v, sem_d)
    pre1 = pltpu.async_copy(
        dg_hbm.at[1, pl.ds(b0 * _BCELLS, _BCELLS)], d1_v, sem_d)
    cph.wait()

    def packrow(wp, carry):
        c0 = jnp.zeros((), jnp.int32)
        for c in range(4):
            t = hist_v[wp, pl.ds(c * 16, 16)]
            excl = plsc.cumsum(t) - t + c0
            c0 = c0 + jnp.sum(t)
            hist_v[wp, pl.ds(c * 16, 16)] = (excl << 13) | t
        return carry

    lax.fori_loop(0, _NW, packrow, 0)

    def fill0(i, carry):
        for c in range(8):
            tmp_v[pl.ds((i * 8 + c) * 16, 16)] = jnp.zeros((16,), jnp.int32)
        return carry

    lax.fori_loop(0, _BCELLS // 128, fill0, 0)

    acc = jnp.zeros((16,), jnp.float32)
    pending_out = [None, None]
    for h in range(2):
        b = w * 2 + h

        def stage(wp, carry):
            packed = _extract(hist_v, wp, b)
            glen = packed & jnp.int32(8191)
            gstart = wp * _SPW + (packed >> 13)
            astart = pl.multiple_of(gstart & jnp.int32(~7), 8)
            meta_s[2 * wp] = glen
            meta_s[2 * wp + 1] = gstart - astart
            for k in range(_SLOT // 128):
                src = pl.ds(astart + k * 128, 128)
                dst = pl.ds(wp * _SLOT + k * 128, 128)
                pltpu.async_copy(rloc_hbm.at[src], sl_v.at[dst], sem)
                pltpu.async_copy(r01_hbm.at[src], s01_v.at[dst], sem)
                pltpu.async_copy(r23_hbm.at[src], s23_v.at[dst], sem)
            return carry

        lax.fori_loop(0, _NW, stage, 0)

        def drain(i, carry):
            pltpu.make_async_copy(
                rloc_hbm.at[pl.ds(0, 128)], sl_v.at[pl.ds(0, 128)],
                sem).wait()
            return carry

        lax.fori_loop(0, _NW * (_SLOT // 128) * 3, drain, 0)

        def scatter_pass(mode):
            def segs(wp, carry):
                shift = meta_s[2 * wp + 1]
                endp = shift + meta_s[2 * wp]

                def seg(vi, c2):
                    pos = vi * 16 + iot
                    m = (pos >= shift) & (pos < endp)
                    sl = pl.ds(wp * _SLOT + vi * 16, 16)
                    loc = sl_v[sl] & jnp.int32(_BCELLS - 1)
                    if mode == 0:
                        word = s01_v[sl]
                    elif mode == 1:
                        word = s23_v[sl]
                    else:
                        word = jnp.zeros((16,), jnp.int32)
                    plsc.store_scatter(tmp_v, [loc], word, mask=m)
                    return c2

                lax.fori_loop(0, (endp + 15) // 16, seg, 0)
                return carry

            lax.fori_loop(0, _NW, segs, 0)

        for pair in range(2):
            s0, s1 = 2 * pair, 2 * pair + 1
            if pending_out[0] is not None:
                pending_out[0].wait()
                pending_out[1].wait()
                pending_out = [None, None]
            if h == 0 and pair == 0:
                cpd0, cpd1 = pre0, pre1
            else:
                cpd0 = pltpu.async_copy(
                    dg_hbm.at[s0, pl.ds(b * _BCELLS, _BCELLS)], d0_v, sem_d)
                cpd1 = pltpu.async_copy(
                    dg_hbm.at[s1, pl.ds(b * _BCELLS, _BCELLS)], d1_v, sem_d)
            scatter_pass(pair)
            cpd0.wait()
            cpd1.wait()

            def merge(i, a):
                for c in range(8):
                    slc = pl.ds((i * 8 + c) * 16, 16)
                    word = tmp_v[slc]
                    d0 = d0_v[slc]
                    d1 = d1_v[slc]
                    bits0 = jax.lax.shift_left(word, 16)
                    bits1 = word & jnp.int32(-65536)
                    t0 = plsc.bitcast(bits0, jnp.float32)
                    t1 = plsc.bitcast(bits1, jnp.float32)
                    o0 = jnp.where(bits0 != 0,
                                   jnp.maximum(d0 * jnp.float32(_DECAY), t0),
                                   d0)
                    o1 = jnp.where(bits1 != 0,
                                   jnp.maximum(d1 * jnp.float32(_DECAY), t1),
                                   d1)
                    d0_v[slc] = o0
                    d1_v[slc] = o1
                    a = a + o0 + o1
                return a

            acc = lax.fori_loop(0, _BCELLS // 128, merge, acc)
            pending_out = [
                pltpu.async_copy(
                    d0_v, out_hbm.at[s0, pl.ds(b * _BCELLS, _BCELLS)],
                    sem_o0),
                pltpu.async_copy(
                    d1_v, out_hbm.at[s1, pl.ds(b * _BCELLS, _BCELLS)],
                    sem_o1),
            ]
        if h == 0:
            scatter_pass(2)
    for cp in pending_out:
        if cp is not None:
            cp.wait()
    acc_v[...] = acc
    pltpu.async_copy(acc_v, part_hbm.at[w], sem_d).wait()


def _apply_stage(density_grid, rloc, r01, r23, hist):
    k = pl.kernel(
        _apply_body,
        out_type=[
            jax.ShapeDtypeStruct((_SCENES, _CELLS), jnp.float32),
            jax.ShapeDtypeStruct((_NW, 16), jnp.float32),
        ],
        mesh=_SC_MESH(),
        compiler_params=_SC_PARAMS,
        scratch_types=[
            pltpu.VMEM((_BCELLS,), jnp.float32),
            pltpu.VMEM((_BCELLS,), jnp.float32),
            pltpu.VMEM((_BCELLS,), jnp.int32),
            pltpu.VMEM((_NW * _SLOT,), jnp.int32),
            pltpu.VMEM((_NW * _SLOT,), jnp.int32),
            pltpu.VMEM((_NW * _SLOT,), jnp.int32),
            pltpu.VMEM((_NW, _NB), jnp.int32),
            pltpu.SMEM((2 * _NW,), jnp.int32),
            pltpu.VMEM((16,), jnp.float32),
            pltpu.SemaphoreType.DMA,
            pltpu.SemaphoreType.DMA,
            pltpu.SemaphoreType.DMA,
            pltpu.SemaphoreType.DMA,
        ],
    )
    return k(density_grid, rloc, r01, r23, hist)


def kernel(density_grid, code, W1, b1, Wc, W2, b2, coords):
    idx, s01, s23 = _sigma_stage(coords, code, W1, b1, Wc, W2, b2)
    rloc, r01, r23, hist = _route_stage(idx, s01, s23)
    new_grid, partials = _apply_stage(density_grid, rloc, r01, r23, hist)
    mean_density = jnp.sum(partials) / jnp.float32(_SCENES * _CELLS)
    return new_grid, mean_density

# --- scband reference (transcript-rebuilt; emitter-appended) ---
"""Pipeline reference for scband-volume-renderer-90477781057931 (READ-ONLY COPY).

The authoritative reference and input builder live on the scoring server;
editing this copy changes nothing except your own understanding.
"""

import jax, jax.numpy as jnp
import numpy as np

GRID_SIZE = 128
BOUND = 1.0
DECAY = 0.9
NUM_SCENES = 4
CODE_DIM = 256
HIDDEN = 16
N_SAMPLES = 262144


def _part1by2(x):
    # spread the lower 10 bits of x so there are two zero bits between each
    x = x & jnp.uint32(0x3FF)
    x = (x | (x << 16)) & jnp.uint32(0x30000FF)
    x = (x | (x << 8)) & jnp.uint32(0x300F00F)
    x = (x | (x << 4)) & jnp.uint32(0x30C30C3)
    x = (x | (x << 2)) & jnp.uint32(0x9249249)
    return x


def morton3d(coords):
    # coords: int32 [N, 3] with values in [0, GRID_SIZE)
    cx = coords[:, 0].astype(jnp.uint32)
    cy = coords[:, 1].astype(jnp.uint32)
    cz = coords[:, 2].astype(jnp.uint32)
    m = _part1by2(cx) | (_part1by2(cy) << 1) | (_part1by2(cz) << 2)
    return m.astype(jnp.int32)


def setup_inputs(seed: int = 0) -> dict:
    key = jax.random.key(seed)
    ks = jax.random.split(key, 8)
    density_grid = jax.random.uniform(ks[0], (NUM_SCENES, GRID_SIZE ** 3), dtype=jnp.float32)
    code = jax.random.normal(ks[1], (NUM_SCENES, CODE_DIM), dtype=jnp.float32)
    coords = jax.random.randint(ks[2], (N_SAMPLES, 3), 0, GRID_SIZE, dtype=jnp.int32)
    # surrogate point_density_decode parameters (code-conditioned MLP)
    W1 = jax.random.normal(ks[3], (3, HIDDEN), dtype=jnp.float32) * 0.5
    Wc = jax.random.normal(ks[4], (CODE_DIM, HIDDEN), dtype=jnp.float32) * 0.05
    b1 = jnp.zeros((HIDDEN,), dtype=jnp.float32)
    W2 = jax.random.normal(ks[5], (HIDDEN, 1), dtype=jnp.float32) * 0.5
    b2 = jnp.zeros((1,), dtype=jnp.float32)
    return {"density_grid": density_grid, "code": code, "W1": W1, "b1": b1,
            "Wc": Wc, "W2": W2, "b2": b2, "coords": coords}


def reference(density_grid, code, W1, b1, Wc, W2, b2, coords):
    # VolumeRenderer.update_extra_state occupancy-grid maintenance step
    # 1) voxel coords -> world coords inside [-bound, bound]
    xyzs = (coords.astype(jnp.float32) - (GRID_SIZE - 1) / 2.0) * (2.0 * BOUND / GRID_SIZE)
    # 2) point_density_decode (surrogate code-conditioned MLP)
    h = jax.nn.relu(xyzs @ W1 + b1 + (code @ Wc)[:, None, :])  # [S, N, H]
    sigmas = jax.nn.softplus(jnp.squeeze(h @ W2, -1) + b2[0])  # [S, N]
    # 3) morton-indexed scatter-overwrite into temp grid
    indices = morton3d(coords)  # [N]
    tmp_grid = jnp.full((NUM_SCENES, GRID_SIZE ** 3), -1.0, dtype=jnp.float32)
    tmp_grid = tmp_grid.at[:, indices].set(sigmas)
    # 4) EMA merge into persistent density grid
    valid_mask = (density_grid >= 0) & (tmp_grid >= 0)
    new_grid = jnp.where(valid_mask, jnp.maximum(density_grid * DECAY, tmp_grid), density_grid)
    mean_density = jnp.mean(jnp.clip(new_grid, 0.0, None))
    return new_grid, mean_density

if __name__ == "__main__":
    import jax
    _d = setup_inputs()
    print(jax.jit(kernel)(*tuple(_d.values())))

</pallas_src>

<mosaic_0001>
#map = affine_map<(d0, d1) -> (0, 0)>
#map1 = affine_map<(d0, d1) -> (0)>
module attributes {stable_mosaic.version = 14 : i64} {
  func.func @_apply_body(%arg0: i32, %arg1: i32, %arg2: memref<4x2097152xf32, #tpu.memory_space<hbm>>, %arg3: memref<263168xi32, #tpu.memory_space<hbm>>, %arg4: memref<263168xi32, #tpu.memory_space<hbm>>, %arg5: memref<263168xi32, #tpu.memory_space<hbm>>, %arg6: memref<32x64xi32, #tpu.memory_space<hbm>>, %arg7: memref<4x2097152xf32, #tpu.memory_space<hbm>>, %arg8: memref<32x16xf32, #tpu.memory_space<hbm>>, %arg9: memref<32768xf32, #tpu.memory_space<vmem>>, %arg10: memref<32768xf32, #tpu.memory_space<vmem>>, %arg11: memref<32768xi32, #tpu.memory_space<vmem>>, %arg12: memref<8192xi32, #tpu.memory_space<vmem>>, %arg13: memref<8192xi32, #tpu.memory_space<vmem>>, %arg14: memref<8192xi32, #tpu.memory_space<vmem>>, %arg15: memref<32x64xi32, #tpu.memory_space<vmem>>, %arg16: memref<64xi32, #tpu.memory_space<smem>>, %arg17: memref<16xf32, #tpu.memory_space<vmem>>, %arg18: memref<!tpu.dma_semaphore, #tpu.memory_space<semaphore_mem>>, %arg19: memref<!tpu.dma_semaphore, #tpu.memory_space<semaphore_mem>>, %arg20: memref<!tpu.dma_semaphore, #tpu.memory_space<semaphore_mem>>, %arg21: memref<!tpu.dma_semaphore, #tpu.memory_space<semaphore_mem>>) attributes {dimension_semantics = [#tpu.dimension_semantics<core_parallel>, #tpu.dimension_semantics<subcore_parallel>], iteration_bounds = array<i64: 2, 16>, scalar_prefetch = 0 : i64, scratch_operands = 13 : i64, tpu.core_type = #tpu.core_type<sc_vector_subcore>, window_params = [{transform_indices = #map}, {transform_indices = #map1}, {transform_indices = #map1}, {transform_indices = #map1}, {transform_indices = #map}, {transform_indices = #map}, {transform_indices = #map}]} {
    %mul3A = arith.constant 2 : i32
    %mul3A_0 = arith.muli %arg1, %mul3A : i32
    %add3A = arith.addi %mul3A_0, %arg0 : i32
    %iota3A = tpu.iota {dimensions = array<i32: 0>} : vector<16xi32>
    tpu.enqueue_dma source(%arg6 : memref<32x64xi32, #tpu.memory_space<hbm>>) target(%arg15 : memref<32x64xi32, #tpu.memory_space<vmem>>) target_semaphore(%arg18 : memref<!tpu.dma_semaphore, #tpu.memory_space<semaphore_mem>>)
    %mul3A_1 = arith.constant 2 : i32
    %mul3A_2 = arith.muli %add3A, %mul3A_1 : i32
    %mul3A_3 = arith.constant 32768 : i32
    %mul3A_4 = arith.muli %mul3A_2, %mul3A_3 : i32
    %dma_start3A = arith.constant 0 : i32
    %dma_start3A_5 = tpu.memref_slice %arg2[%dma_start3A, %mul3A_4] : memref<4x2097152xf32, #tpu.memory_space<hbm>> -> memref<1x32768xf32, #tpu.memory_space<hbm>>
    %dma_start3A_6 = tpu.memref_squeeze %dma_start3A_5 : memref<1x32768xf32, #tpu.memory_space<hbm>> -> memref<32768xf32, #tpu.memory_space<hbm>>
    %dma_start3A_7 = tpu.memref_slice %arg2[%dma_start3A, %mul3A_4] : memref<4x2097152xf32, #tpu.memory_space<hbm>> -> memref<1x32768xf32, #tpu.memory_space<hbm>>
    %dma_start3A_8 = tpu.memref_squeeze %dma_start3A_7 : memref<1x32768xf32, #tpu.memory_space<hbm>> -> memref<32768xf32, #tpu.memory_space<hbm>>
    tpu.enqueue_dma source(%dma_start3A_8 : memref<32768xf32, #tpu.memory_space<hbm>>) target(%arg9 : memref<32768xf32, #tpu.memory_space<vmem>>) target_semaphore(%arg19 : memref<!tpu.dma_semaphore, #tpu.memory_space<semaphore_mem>>)
    %mul3A_9 = arith.constant 32768 : i32
    %mul3A_10 = arith.muli %mul3A_2, %mul3A_9 : i32
    %dma_start3A_11 = arith.constant 1 : i32
    %dma_start3A_12 = tpu.memref_slice %arg2[%dma_start3A_11, %mul3A_10] : memref<4x2097152xf32, #tpu.memory_space<hbm>> -> memref<1x32768xf32, #tpu.memory_space<hbm>>
    %dma_start3A_13 = tpu.memref_squeeze %dma_start3A_12 : memref<1x32768xf32, #tpu.memory_space<hbm>> -> memref<32768xf32, #tpu.memory_space<hbm>>
    %dma_start3A_14 = tpu.memref_slice %arg2[%dma_start3A_11, %mul3A_10] : memref<4x2097152xf32, #tpu.memory_space<hbm>> -> memref<1x32768xf32, #tpu.memory_space<hbm>>
    %dma_start3A_15 = tpu.memref_squeeze %dma_start3A_14 : memref<1x32768xf32, #tpu.memory_space<hbm>> -> memref<32768xf32, #tpu.memory_space<hbm>>
    tpu.enqueue_dma source(%dma_start3A_15 : memref<32768xf32, #tpu.memory_space<hbm>>) target(%arg10 : memref<32768xf32, #tpu.memory_space<vmem>>) target_semaphore(%arg19 : memref<!tpu.dma_semaphore, #tpu.memory_space<semaphore_mem>>)
    tpu.wait_dma2 semaphore(%arg18 : memref<!tpu.dma_semaphore, #tpu.memory_space<semaphore_mem>>) src(%arg6 : memref<32x64xi32, #tpu.memory_space<hbm>>) dst(%arg15 : memref<32x64xi32, #tpu.memory_space<vmem>>)
    %scan3A = arith.constant 0 : i32
    %scan3A_16 = arith.constant 0 : i32
    %scan3A_17 = arith.constant 32 : i32
    %scan3A_18 = arith.addi %scan3A_16, %scan3A_17 : i32
    %scan3A_19 = arith.constant 1 : i32
    scf.for %scan3A_304 = %scan3A_16 to %scan3A_18 step %scan3A_19  : i32 {
      %get3A = arith.index_cast %scan3A_304 : i32 to index
      %get3A_305 = arith.constant 0 : index
      %get3A_306 = tpu.vector_load %arg15[%get3A, %get3A_305] {strides = array<i32>} : memref<32x64xi32, #tpu.memory_space<vmem>>, vector<16xi32>,
      %broadcast_in_dim3A_307 = arith.constant true
      %broadcast_in_dim3A_308 = vector.broadcast %broadcast_in_dim3A_307 : i1 to vector<16xi1>
      %masked_cumsum3A = tpu.scan <sum>, %get3A_306 masked %broadcast_in_dim3A_308 : vector<16xi32>, vector<16xi1> -> vector<16xi32>
      %sub3A = arith.subi %masked_cumsum3A, %get3A_306 : vector<16xi32>
      %add3A_309 = arith.constant 0 : i32
      %add3A_310 = vector.broadcast %add3A_309 : i32 to vector<16xi32>
      %add3A_311 = arith.addi %sub3A, %add3A_310 : vector<16xi32>
      %reduce_sum3A = arith.constant true
      %reduce_sum3A_312 = vector.broadcast %reduce_sum3A : i1 to vector<16xi1>
      %reduce_sum3A_313 = tpu.scan <sum>, %get3A_306 masked %reduce_sum3A_312 : vector<16xi32>, vector<16xi1> -> vector<16xi32>
      %reduce_sum3A_314 = vector.extract %reduce_sum3A_313[15] : i32 from vector<16xi32>
      %add3A_315 = arith.constant 0 : i32
      %add3A_316 = arith.addi %add3A_315, %reduce_sum3A_314 : i32
      %shift_left3A = arith.constant 13 : i32
      %shift_left3A_317 = vector.broadcast %shift_left3A : i32 to vector<16xi32>
      %shift_left3A_318 = arith.shli %add3A_311, %shift_left3A_317 : vector<16xi32>
      %or3A = arith.ori %shift_left3A_318, %get3A_306 : vector<16xi32>
      %swap3A_319 = arith.index_cast %scan3A_304 : i32 to index
      %swap3A_320 = arith.constant 0 : index
      %swap3A_321 = tpu.vector_load %arg15[%swap3A_319, %swap3A_320] {strides = array<i32>} : memref<32x64xi32, #tpu.memory_space<vmem>>, vector<16xi32>,
      tpu.vector_store %arg15[%swap3A_319, %swap3A_320], %or3A {strides = array<i32>} : memref<32x64xi32, #tpu.memory_space<vmem>>, vector<16xi32>,
      %get3A_322 = arith.index_cast %scan3A_304 : i32 to index
      %get3A_323 = arith.constant 16 : index
      %get3A_324 = tpu.vector_load %arg15[%get3A_322, %get3A_323] {strides = array<i32>} : memref<32x64xi32, #tpu.memory_space<vmem>>, vector<16xi32>,
      %broadcast_in_dim3A_325 = arith.constant true
      %broadcast_in_dim3A_326 = vector.broadcast %broadcast_in_dim3A_325 : i1 to vector<16xi1>
      %masked_cumsum3A_327 = tpu.scan <sum>, %get3A_324 masked %broadcast_in_dim3A_326 : vector<16xi32>, vector<16xi1> -> vector<16xi32>
      %sub3A_328 = arith.subi %masked_cumsum3A_327, %get3A_324 : vector<16xi32>
      %add3A_329 = vector.broadcast %add3A_316 : i32 to vector<16xi32>
      %add3A_330 = arith.addi %sub3A_328, %add3A_329 : vector<16xi32>
      %reduce_sum3A_331 = arith.constant true
      %reduce_sum3A_332 = vector.broadcast %reduce_sum3A_331 : i1 to vector<16xi1>
      %reduce_sum3A_333 = tpu.scan <sum>, %get3A_324 masked %reduce_sum3A_332 : vector<16xi32>, vector<16xi1> -> vector<16xi32>
      %reduce_sum3A_334 = vector.extract %reduce_sum3A_333[15] : i32 from vector<16xi32>
      %add3A_335 = arith.addi %add3A_316, %reduce_sum3A_334 : i32
      %shift_left3A_336 = arith.constant 13 : i32
      %shift_left3A_337 = vector.broadcast %shift_left3A_336 : i32 to vector<16xi32>
      %shift_left3A_338 = arith.shli %add3A_330, %shift_left3A_337 : vector<16xi32>
      %or3A_339 = arith.ori %shift_left3A_338, %get3A_324 : vector<16xi32>
      %swap3A_340 = arith.index_cast %scan3A_304 : i32 to index
      %swap3A_341 = arith.constant 16 : index
      %swap3A_342 = tpu.vector_load %arg15[%swap3A_340, %swap3A_341] {strides = array<i32>} : memref<32x64xi32, #tpu.memory_space<vmem>>, vector<16xi32>,
      tpu.vector_store %arg15[%swap3A_340, %swap3A_341], %or3A_339 {strides = array<i32>} : memref<32x64xi32, #tpu.memory_space<vmem>>, vector<16xi32>,
      %get3A_343 = arith.index_cast %scan3A_304 : i32 to index
      %get3A_344 = arith.constant 32 : index
      %get3A_345 = tpu.vector_load %arg15[%get3A_343, %get3A_344] {strides = array<i32>} : memref<32x64xi32, #tpu.memory_space<vmem>>, vector<16xi32>,
      %broadcast_in_dim3A_346 = arith.constant true
      %broadcast_in_dim3A_347 = vector.broadcast %broadcast_in_dim3A_346 : i1 to vector<16xi1>
      %masked_cumsum3A_348 = tpu.scan <sum>, %get3A_345 masked %broadcast_in_dim3A_347 : vector<16xi32>, vector<16xi1> -> vector<16xi32>
      %sub3A_349 = arith.subi %masked_cumsum3A_348, %get3A_345 : vector<16xi32>
      %add3A_350 = vector.broadcast %add3A_335 : i32 to vector<16xi32>
      %add3A_351 = arith.addi %sub3A_349, %add3A_350 : vector<16xi32>
      %reduce_sum3A_352 = arith.constant true
      %reduce_sum3A_353 = vector.broadcast %reduce_sum3A_352 : i1 to vector<16xi1>
      %reduce_sum3A_354 = tpu.scan <sum>, %get3A_345 masked %reduce_sum3A_353 : vector<16xi32>, vector<16xi1> -> vector<16xi32>
      %reduce_sum3A_355 = vector.extract %reduce_sum3A_354[15] : i32 from vector<16xi32>
      %add3A_356 = arith.addi %add3A_335, %reduce_sum3A_355 : i32
      %shift_left3A_357 = arith.constant 13 : i32
      %shift_left3A_358 = vector.broadcast %shift_left3A_357 : i32 to vector<16xi32>
      %shift_left3A_359 = arith.shli %add3A_351, %shift_left3A_358 : vector<16xi32>
      %or3A_360 = arith.ori %shift_left3A_359, %get3A_345 : vector<16xi32>
      %swap3A_361 = arith.index_cast %scan3A_304 : i32 to index
      %swap3A_362 = arith.constant 32 : index
      %swap3A_363 = tpu.vector_load %arg15[%swap3A_361, %swap3A_362] {strides = array<i32>} : memref<32x64xi32, #tpu.memory_space<vmem>>, vector<16xi32>,
      tpu.vector_store %arg15[%swap3A_361, %swap3A_362], %or3A_360 {strides = array<i32>} : memref<32x64xi32, #tpu.memory_space<vmem>>, vector<16xi32>,
      %get3A_364 = arith.index_cast %scan3A_304 : i32 to index
      %get3A_365 = arith.constant 48 : index
      %get3A_366 = tpu.vector_load %arg15[%get3A_364, %get3A_365] {strides = array<i32>} : memref<32x64xi32, #tpu.memory_space<vmem>>, vector<16xi32>,
      %broadcast_in_dim3A_367 = arith.constant true
      %broadcast_in_dim3A_368 = vector.broadcast %broadcast_in_dim3A_367 : i1 to vector<16xi1>
      %masked_cumsum3A_369 = tpu.scan <sum>, %get3A_366 masked %broadcast_in_dim3A_368 : vector<16xi32>, vector<16xi1> -> vector<16xi32>
      %sub3A_370 = arith.subi %masked_cumsum3A_369, %get3A_366 : vector<16xi32>
      %add3A_371 = vector.broadcast %add3A_356 : i32 to vector<16xi32>
      %add3A_372 = arith.addi %sub3A_370, %add3A_371 : vector<16xi32>
      %reduce_sum3A_373 = arith.constant true
      %reduce_sum3A_374 = vector.broadcast %reduce_sum3A_373 : i1 to vector<16xi1>
      %reduce_sum3A_375 = tpu.scan <sum>, %get3A_366 masked %reduce_sum3A_374 : vector<16xi32>, vector<16xi1> -> vector<16xi32>
      %reduce_sum3A_376 = vector.extract %reduce_sum3A_375[15] : i32 from vector<16xi32>
      %add3A_377 = arith.addi %add3A_356, %reduce_sum3A_376 : i32
      %shift_left3A_378 = arith.constant 13 : i32
      %shift_left3A_379 = vector.broadcast %shift_left3A_378 : i32 to vector<16xi32>
      %shift_left3A_380 = arith.shli %add3A_372, %shift_left3A_379 : vector<16xi32>
      %or3A_381 = arith.ori %shift_left3A_380, %get3A_366 : vector<16xi32>
      %swap3A_382 = arith.index_cast %scan3A_304 : i32 to index
      %swap3A_383 = arith.constant 48 : index
      %swap3A_384 = tpu.vector_load %arg15[%swap3A_382, %swap3A_383] {strides = array<i32>} : memref<32x64xi32, #tpu.memory_space<vmem>>, vector<16xi32>,
      tpu.vector_store %arg15[%swap3A_382, %swap3A_383], %or3A_381 {strides = array<i32>} : memref<32x64xi32, #tpu.memory_space<vmem>>, vector<16xi32>,
    }
    %scan3A_20 = arith.constant 32 : i32
    %scan3A_21 = arith.constant 0 : i32
    %scan3A_22 = arith.constant 0 : i32
    %scan3A_23 = arith.constant 256 : i32
    %scan3A_24 = arith.addi %scan3A_22, %scan3A_23 : i32
    %scan3A_25 = arith.constant 1 : i32
    scf.for %scan3A_304 = %scan3A_22 to %scan3A_24 step %scan3A_25  : i32 {
      %broadcast_in_dim3A_305 = arith.constant 0 : i32
      %broadcast_in_dim3A_306 = vector.broadcast %broadcast_in_dim3A_305 : i32 to vector<16xi32>
      %mul3A_307 = arith.constant 8 : i32
      %mul3A_308 = arith.muli %scan3A_304, %mul3A_307 : i32
      %add3A_309 = arith.constant 0 : i32
      %add3A_310 = arith.addi %mul3A_308, %add3A_309 : i32
      %mul3A_311 = arith.constant 16 : i32
      %mul3A_312 = arith.muli %add3A_310, %mul3A_311 : i32
      %swap3A_313 = arith.index_cast %mul3A_312 : i32 to index
      %swap3A_314 = tpu.vector_load %arg11[%swap3A_313] {strides = array<i32>} : memref<32768xi32, #tpu.memory_space<vmem>>, vector<16xi32>,
      tpu.vector_store %arg11[%swap3A_313], %broadcast_in_dim3A_306 {strides = array<i32>} : memref<32768xi32, #tpu.memory_space<vmem>>, vector<16xi32>,
      %broadcast_in_dim3A_315 = arith.constant 0 : i32
      %broadcast_in_dim3A_316 = vector.broadcast %broadcast_in_dim3A_315 : i32 to vector<16xi32>
      %mul3A_317 = arith.constant 8 : i32
      %mul3A_318 = arith.muli %scan3A_304, %mul3A_317 : i32
      %add3A_319 = arith.constant 1 : i32
      %add3A_320 = arith.addi %mul3A_318, %add3A_319 : i32
      %mul3A_321 = arith.constant 16 : i32
      %mul3A_322 = arith.muli %add3A_320, %mul3A_321 : i32
      %swap3A_323 = arith.index_cast %mul3A_322 : i32 to index
      %swap3A_324 = tpu.vector_load %arg11[%swap3A_323] {strides = array<i32>} : memref<32768xi32, #tpu.memory_space<vmem>>, vector<16xi32>,
      tpu.vector_store %arg11[%swap3A_323], %broadcast_in_dim3A_316 {strides = array<i32>} : memref<32768xi32, #tpu.memory_space<vmem>>, vector<16xi32>,
      %broadcast_in_dim3A_325 = arith.constant 0 : i32
      %broadcast_in_dim3A_326 = vector.broadcast %broadcast_in_dim3A_325 : i32 to vector<16xi32>
      %mul3A_327 = arith.constant 8 : i32
      %mul3A_328 = arith.muli %scan3A_304, %mul3A_327 : i32
      %add3A_329 = arith.constant 2 : i32
      %add3A_330 = arith.addi %mul3A_328, %add3A_329 : i32
      %mul3A_331 = arith.constant 16 : i32
      %mul3A_332 = arith.muli %add3A_330, %mul3A_331 : i32
      %swap3A_333 = arith.index_cast %mul3A_332 : i32 to index
      %swap3A_334 = tpu.vector_load %arg11[%swap3A_333] {strides = array<i32>} : memref<32768xi32, #tpu.memory_space<vmem>>, vector<16xi32>,
      tpu.vector_store %arg11[%swap3A_333], %broadcast_in_dim3A_326 {strides = array<i32>} : memref<32768xi32, #tpu.memory_space<vmem>>, vector<16xi32>,
      %broadcast_in_dim3A_335 = arith.constant 0 : i32
      %broadcast_in_dim3A_336 = vector.broadcast %broadcast_in_dim3A_335 : i32 to vector<16xi32>
      %mul3A_337 = arith.constant 8 : i32
      %mul3A_338 = arith.muli %scan3A_304, %mul3A_337 : i32
      %add3A_339 = arith.constant 3 : i32
      %add3A_340 = arith.addi %mul3A_338, %add3A_339 : i32
      %mul3A_341 = arith.constant 16 : i32
      %mul3A_342 = arith.muli %add3A_340, %mul3A_341 : i32
      %swap3A_343 = arith.index_cast %mul3A_342 : i32 to index
      %swap3A_344 = tpu.vector_load %arg11[%swap3A_343] {strides = array<i32>} : memref<32768xi32, #tpu.memory_space<vmem>>, vector<16xi32>,
      tpu.vector_store %arg11[%swap3A_343], %broadcast_in_dim3A_336 {strides = array<i32>} : memref<32768xi32, #tpu.memory_space<vmem>>, vector<16xi32>,
      %broadcast_in_dim3A_345 = arith.constant 0 : i32
      %broadcast_in_dim3A_346 = vector.broadcast %broadcast_in_dim3A_345 : i32 to vector<16xi32>
      %mul3A_347 = arith.constant 8 : i32
      %mul3A_348 = arith.muli %scan3A_304, %mul3A_347 : i32
      %add3A_349 = arith.constant 4 : i32
      %add3A_350 = arith.addi %mul3A_348, %add3A_349 : i32
      %mul3A_351 = arith.constant 16 : i32
      %mul3A_352 = arith.muli %add3A_350, %mul3A_351 : i32
      %swap3A_353 = arith.index_cast %mul3A_352 : i32 to index
      %swap3A_354 = tpu.vector_load %arg11[%swap3A_353] {strides = array<i32>} : memref<32768xi32, #tpu.memory_space<vmem>>, vector<16xi32>,
      tpu.vector_store %arg11[%swap3A_353], %broadcast_in_dim3A_346 {strides = array<i32>} : memref<32768xi32, #tpu.memory_space<vmem>>, vector<16xi32>,
      %broadcast_in_dim3A_355 = arith.constant 0 : i32
      %broadcast_in_dim3A_356 = vector.broadcast %broadcast_in_dim3A_355 : i32 to vector<16xi32>
      %mul3A_357 = arith.constant 8 : i32
      %mul3A_358 = arith.muli %scan3A_304, %mul3A_357 : i32
      %add3A_359 = arith.constant 5 : i32
      %add3A_360 = arith.addi %mul3A_358, %add3A_359 : i32
      %mul3A_361 = arith.constant 16 : i32
      %mul3A_362 = arith.muli %add3A_360, %mul3A_361 : i32
      %swap3A_363 = arith.index_cast %mul3A_362 : i32 to index
      %swap3A_364 = tpu.vector_load %arg11[%swap3A_363] {strides = array<i32>} : memref<32768xi32, #tpu.memory_space<vmem>>, vector<16xi32>,
      tpu.vector_store %arg11[%swap3A_363], %broadcast_in_dim3A_356 {strides = array<i32>} : memref<32768xi32, #tpu.memory_space<vmem>>, vector<16xi32>,
      %broadcast_in_dim3A_365 = arith.constant 0 : i32
      %broadcast_in_dim3A_366 = vector.broadcast %broadcast_in_dim3A_365 : i32 to vector<16xi32>
      %mul3A_367 = arith.constant 8 : i32
      %mul3A_368 = arith.muli %scan3A_304, %mul3A_367 : i32
      %add3A_369 = arith.constant 6 : i32
      %add3A_370 = arith.addi %mul3A_368, %add3A_369 : i32
      %mul3A_371 = arith.constant 16 : i32
      %mul3A_372 = arith.muli %add3A_370, %mul3A_371 : i32
      %swap3A_373 = arith.index_cast %mul3A_372 : i32 to index
      %swap3A_374 = tpu.vector_load %arg11[%swap3A_373] {strides = array<i32>} : memref<32768xi32, #tpu.memory_space<vmem>>, vector<16xi32>,
      tpu.vector_store %arg11[%swap3A_373], %broadcast_in_dim3A_366 {strides = array<i32>} : memref<32768xi32, #tpu.memory_space<vmem>>, vector<16xi32>,
      %broadcast_in_dim3A_375 = arith.constant 0 : i32
      %broadcast_in_dim3A_376 = vector.broadcast %broadcast_in_dim3A_375 : i32 to vector<16xi32>
      %mul3A_377 = arith.constant 8 : i32
      %mul3A_378 = arith.muli %scan3A_304, %mul3A_377 : i32
      %add3A_379 = arith.constant 7 : i32
      %add3A_380 = arith.addi %mul3A_378, %add3A_379 : i32
      %mul3A_381 = arith.constant 16 : i32
      %mul3A_382 = arith.muli %add3A_380, %mul3A_381 : i32
      %swap3A_383 = arith.index_cast %mul3A_382 : i32 to index
      %swap3A_384 = tpu.vector_load %arg11[%swap3A_383] {strides = array<i32>} : memref<32768xi32, #tpu.memory_space<vmem>>, vector<16xi32>,
      tpu.vector_store %arg11[%swap3A_383], %broadcast_in_dim3A_376 {strides = array<i32>} : memref<32768xi32, #tpu.memory_space<vmem>>, vector<16xi32>,
    }
    %scan3A_26 = arith.constant 256 : i32
    %broadcast_in_dim3A = arith.constant 0.000000e+00 : f32
    %broadcast_in_dim3A_27 = vector.broadcast %broadcast_in_dim3A : f32 to vector<16xf32>
    %mul3A_28 = arith.constant 2 : i32
    %mul3A_29 = arith.muli %add3A, %mul3A_28 : i32
    %add3A_30 = arith.constant 0 : i32
    %add3A_31 = arith.addi %mul3A_29, %add3A_30 : i32
    %scan3A_32 = arith.constant 0 : i32
    %scan3A_33 = arith.constant 0 : i32
    %scan3A_34 = arith.constant 32 : i32
    %scan3A_35 = arith.addi %scan3A_33, %scan3A_34 : i32
    %scan3A_36 = arith.constant 1 : i32
    scf.for %scan3A_304 = %scan3A_33 to %scan3A_35 step %scan3A_36  : i32 {
      %iota3A_305 = tpu.iota {dimensions = array<i32: 0>} : vector<16xi32>
      %get3A = arith.index_cast %scan3A_304 : i32 to index
      %get3A_306 = arith.constant 0 : index
      %get3A_307 = tpu.vector_load %arg15[%get3A, %get3A_306] {strides = array<i32>} : memref<32x64xi32, #tpu.memory_space<vmem>>, vector<16xi32>,
      %add3A_308 = arith.constant 0 : i32
      %add3A_309 = vector.broadcast %add3A_308 : i32 to vector<16xi32>
      %add3A_310 = arith.addi %iota3A_305, %add3A_309 : vector<16xi32>
      %eq3A = vector.broadcast %add3A_31 : i32 to vector<16xi32>
      %eq3A_311 = arith.cmpi eq, %add3A_310, %eq3A : vector<16xi32>
      %jit3A = arith.constant 0 : i32
      %broadcast_in_dim3A_312 = vector.broadcast %jit3A : i32 to vector<16xi32>
      %select_n3A = arith.select %eq3A_311, %get3A_307, %broadcast_in_dim3A_312 : vector<16xi1>, vector<16xi32>
      %reduce_sum3A = arith.constant true
      %reduce_sum3A_313 = vector.broadcast %reduce_sum3A : i1 to vector<16xi1>
      %reduce_sum3A_314 = tpu.scan <sum>, %select_n3A masked %reduce_sum3A_313 : vector<16xi32>, vector<16xi1> -> vector<16xi32>
      %reduce_sum3A_315 = vector.extract %reduce_sum3A_314[15] : i32 from vector<16xi32>
      %add3A_316 = arith.constant 0 : i32
      %add3A_317 = arith.addi %add3A_316, %reduce_sum3A_315 : i32
      %get3A_318 = arith.index_cast %scan3A_304 : i32 to index
      %get3A_319 = arith.constant 16 : index
      %get3A_320 = tpu.vector_load %arg15[%get3A_318, %get3A_319] {strides = array<i32>} : memref<32x64xi32, #tpu.memory_space<vmem>>, vector<16xi32>,
      %add3A_321 = arith.constant 16 : i32
      %add3A_322 = vector.broadcast %add3A_321 : i32 to vector<16xi32>
      %add3A_323 = arith.addi %iota3A_305, %add3A_322 : vector<16xi32>
      %eq3A_324 = vector.broadcast %add3A_31 : i32 to vector<16xi32>
      %eq3A_325 = arith.cmpi eq, %add3A_323, %eq3A_324 : vector<16xi32>
      %jit3A_326 = arith.constant 0 : i32
      %broadcast_in_dim3A_327 = vector.broadcast %jit3A_326 : i32 to vector<16xi32>
      %select_n3A_328 = arith.select %eq3A_325, %get3A_320, %broadcast_in_dim3A_327 : vector<16xi1>, vector<16xi32>
      %reduce_sum3A_329 = arith.constant true
      %reduce_sum3A_330 = vector.broadcast %reduce_sum3A_329 : i1 to vector<16xi1>
      %reduce_sum3A_331 = tpu.scan <sum>, %select_n3A_328 masked %reduce_sum3A_330 : vector<16xi32>, vector<16xi1> -> vector<16xi32>
      %reduce_sum3A_332 = vector.extract %reduce_sum3A_331[15] : i32 from vector<16xi32>
      %add3A_333 = arith.addi %add3A_317, %reduce_sum3A_332 : i32
      %get3A_334 = arith.index_cast %scan3A_304 : i32 to index
      %get3A_335 = arith.constant 32 : index
      %get3A_336 = tpu.vector_load %arg15[%get3A_334, %get3A_335] {strides = array<i32>} : memref<32x64xi32, #tpu.memory_space<vmem>>, vector<16xi32>,
      %add3A_337 = arith.constant 32 : i32
      %add3A_338 = vector.broadcast %add3A_337 : i32 to vector<16xi32>
      %add3A_339 = arith.addi %iota3A_305, %add3A_338 : vector<16xi32>
      %eq3A_340 = vector.broadcast %add3A_31 : i32 to vector<16xi32>
      %eq3A_341 = arith.cmpi eq, %add3A_339, %eq3A_340 : vector<16xi32>
      %jit3A_342 = arith.constant 0 : i32
      %broadcast_in_dim3A_343 = vector.broadcast %jit3A_342 : i32 to vector<16xi32>
      %select_n3A_344 = arith.select %eq3A_341, %get3A_336, %broadcast_in_dim3A_343 : vector<16xi1>, vector<16xi32>
      %reduce_sum3A_345 = arith.constant true
      %reduce_sum3A_346 = vector.broadcast %reduce_sum3A_345 : i1 to vector<16xi1>
      %reduce_sum3A_347 = tpu.scan <sum>, %select_n3A_344 masked %reduce_sum3A_346 : vector<16xi32>, vector<16xi1> -> vector<16xi32>
      %reduce_sum3A_348 = vector.extract %reduce_sum3A_347[15] : i32 from vector<16xi32>
      %add3A_349 = arith.addi %add3A_333, %reduce_sum3A_348 : i32
      %get3A_350 = arith.index_cast %scan3A_304 : i32 to index
      %get3A_351 = arith.constant 48 : index
      %get3A_352 = tpu.vector_load %arg15[%get3A_350, %get3A_351] {strides = array<i32>} : memref<32x64xi32, #tpu.memory_space<vmem>>, vector<16xi32>,
      %add3A_353 = arith.constant 48 : i32
      %add3A_354 = vector.broadcast %add3A_353 : i32 to vector<16xi32>
      %add3A_355 = arith.addi %iota3A_305, %add3A_354 : vector<16xi32>
      %eq3A_356 = vector.broadcast %add3A_31 : i32 to vector<16xi32>
      %eq3A_357 = arith.cmpi eq, %add3A_355, %eq3A_356 : vector<16xi32>
      %jit3A_358 = arith.constant 0 : i32
      %broadcast_in_dim3A_359 = vector.broadcast %jit3A_358 : i32 to vector<16xi32>
      %select_n3A_360 = arith.select %eq3A_357, %get3A_352, %broadcast_in_dim3A_359 : vector<16xi1>, vector<16xi32>
      %reduce_sum3A_361 = arith.constant true
      %reduce_sum3A_362 = vector.broadcast %reduce_sum3A_361 : i1 to vector<16xi1>
      %reduce_sum3A_363 = tpu.scan <sum>, %select_n3A_360 masked %reduce_sum3A_362 : vector<16xi32>, vector<16xi1> -> vector<16xi32>
      %reduce_sum3A_364 = vector.extract %reduce_sum3A_363[15] : i32 from vector<16xi32>
      %add3A_365 = arith.addi %add3A_349, %reduce_sum3A_364 : i32
      %and3A = arith.constant 8191 : i32
      %and3A_366 = arith.andi %add3A_365, %and3A : i32
      %mul3A_367 = arith.constant 8192 : i32
      %mul3A_368 = arith.muli %scan3A_304, %mul3A_367 : i32
      %shift_right_arithmetic3A = arith.constant 13 : i32
      %shift_right_arithmetic3A_369 = arith.shrsi %add3A_365, %shift_right_arithmetic3A : i32
      %add3A_370 = arith.addi %mul3A_368, %shift_right_arithmetic3A_369 : i32
      %and3A_371 = arith.constant -8 : i32
      %and3A_372 = arith.andi %add3A_370, %and3A_371 : i32
      %multiple_of3A = tpu.assume_multiple %and3A_372, 8 : i32
      %mul3A_373 = arith.constant 2 : i32
      %mul3A_374 = arith.muli %mul3A_373, %scan3A_304 : i32
      %swap3A_375 = arith.index_cast %mul3A_374 : i32 to index
      %swap3A_376 = memref.load %arg16[%swap3A_375] : memref<64xi32, #tpu.memory_space<smem>>
      memref.store %and3A_366, %arg16[%swap3A_375] : memref<64xi32, #tpu.memory_space<smem>>
      %sub3A = arith.subi %add3A_370, %multiple_of3A : i32
      %mul3A_377 = arith.constant 2 : i32
      %mul3A_378 = arith.muli %mul3A_377, %scan3A_304 : i32
      %add3A_379 = arith.constant 1 : i32
      %add3A_380 = arith.addi %mul3A_378, %add3A_379 : i32
      %swap3A_381 = arith.index_cast %add3A_380 : i32 to index
      %swap3A_382 = memref.load %arg16[%swap3A_381] : memref<64xi32, #tpu.memory_space<smem>>
      memref.store %sub3A, %arg16[%swap3A_381] : memref<64xi32, #tpu.memory_space<smem>>
      %add3A_383 = arith.constant 0 : i32
      %add3A_384 = arith.addi %multiple_of3A, %add3A_383 : i32
      %mul3A_385 = arith.constant 256 : i32
      %mul3A_386 = arith.muli %scan3A_304, %mul3A_385 : i32
      %add3A_387 = arith.constant 0 : i32
      %add3A_388 = arith.addi %mul3A_386, %add3A_387 : i32
      %dma_start3A_389 = tpu.memref_slice %arg12[%add3A_388] : memref<8192xi32, #tpu.memory_space<vmem>> -> memref<128xi32, #tpu.memory_space<vmem>>
      %dma_start3A_390 = tpu.memref_slice %arg3[%add3A_384] : memref<263168xi32, #tpu.memory_space<hbm>> -> memref<128xi32, #tpu.memory_space<hbm>>
      %dma_start3A_391 = tpu.memref_slice %arg12[%add3A_388] : memref<8192xi32, #tpu.memory_space<vmem>> -> memref<128xi32, #tpu.memory_space<vmem>>
      %dma_start3A_392 = tpu.memref_slice %arg3[%add3A_384] : memref<263168xi32, #tpu.memory_space<hbm>> -> memref<128xi32, #tpu.memory_space<hbm>>
      tpu.enqueue_dma source(%dma_start3A_392 : memref<128xi32, #tpu.memory_space<hbm>>) target(%dma_start3A_391 : memref<128xi32, #tpu.memory_space<vmem>>) target_semaphore(%arg18 : memref<!tpu.dma_semaphore, #tpu.memory_space<semaphore_mem>>)
      %dma_start3A_393 = tpu.memref_slice %arg13[%add3A_388] : memref<8192xi32, #tpu.memory_space<vmem>> -> memref<128xi32, #tpu.memory_space<vmem>>
      %dma_start3A_394 = tpu.memref_slice %arg4[%add3A_384] : memref<263168xi32, #tpu.memory_space<hbm>> -> memref<128xi32, #tpu.memory_space<hbm>>
      %dma_start3A_395 = tpu.memref_slice %arg13[%add3A_388] : memref<8192xi32, #tpu.memory_space<vmem>> -> memref<128xi32, #tpu.memory_space<vmem>>
      %dma_start3A_396 = tpu.memref_slice %arg4[%add3A_384] : memref<263168xi32, #tpu.memory_space<hbm>> -> memref<128xi32, #tpu.memory_space<hbm>>
      tpu.enqueue_dma source(%dma_start3A_396 : memref<128xi32, #tpu.memory_space<hbm>>) target(%dma_start3A_395 : memref<128xi32, #tpu.memory_space<vmem>>) target_semaphore(%arg18 : memref<!tpu.dma_semaphore, #tpu.memory_space<semaphore_mem>>)
      %dma_start3A_397 = tpu.memref_slice %arg14[%add3A_388] : memref<8192xi32, #tpu.memory_space<vmem>> -> memref<128xi32, #tpu.memory_space<vmem>>
      %dma_start3A_398 = tpu.memref_slice %arg5[%add3A_384] : memref<263168xi32, #tpu.memory_space<hbm>> -> memref<128xi32, #tpu.memory_space<hbm>>
      %dma_start3A_399 = tpu.memref_slice %arg14[%add3A_388] : memref<8192xi32, #tpu.memory_space<vmem>> -> memref<128xi32, #tpu.memory_space<vmem>>
      %dma_start3A_400 = tpu.memref_slice %arg5[%add3A_384] : memref<263168xi32, #tpu.memory_space<hbm>> -> memref<128xi32, #tpu.memory_space<hbm>>
      tpu.enqueue_dma source(%dma_start3A_400 : memref<128xi32, #tpu.memory_space<hbm>>) target(%dma_start3A_399 : memref<128xi32, #tpu.memory_space<vmem>>) target_semaphore(%arg18 : memref<!tpu.dma_semaphore, #tpu.memory_space<semaphore_mem>>)
      %add3A_401 = arith.constant 128 : i32
      %add3A_402 = arith.addi %multiple_of3A, %add3A_401 : i32
      %mul3A_403 = arith.constant 256 : i32
      %mul3A_404 = arith.muli %scan3A_304, %mul3A_403 : i32
      %add3A_405 = arith.constant 128 : i32
      %add3A_406 = arith.addi %mul3A_404, %add3A_405 : i32
      %dma_start3A_407 = tpu.memref_slice %arg12[%add3A_406] : memref<8192xi32, #tpu.memory_space<vmem>> -> memref<128xi32, #tpu.memory_space<vmem>>
      %dma_start3A_408 = tpu.memref_slice %arg3[%add3A_402] : memref<263168xi32, #tpu.memory_space<hbm>> -> memref<128xi32, #tpu.memory_space<hbm>>
      %dma_start3A_409 = tpu.memref_slice %arg12[%add3A_406] : memref<8192xi32, #tpu.memory_space<vmem>> -> memref<128xi32, #tpu.memory_space<vmem>>
      %dma_start3A_410 = tpu.memref_slice %arg3[%add3A_402] : memref<263168xi32, #tpu.memory_space<hbm>> -> memref<128xi32, #tpu.memory_space<hbm>>
      tpu.enqueue_dma source(%dma_start3A_410 : memref<128xi32, #tpu.memory_space<hbm>>) target(%dma_start3A_409 : memref<128xi32, #tpu.memory_space<vmem>>) target_semaphore(%arg18 : memref<!tpu.dma_semaphore, #tpu.memory_space<semaphore_mem>>)
      %dma_start3A_411 = tpu.memref_slice %arg13[%add3A_406] : memref<8192xi32, #tpu.memory_space<vmem>> -> memref<128xi32, #tpu.memory_space<vmem>>
      %dma_start3A_412 = tpu.memref_slice %arg4[%add3A_402] : memref<263168xi32, #tpu.memory_space<hbm>> -> memref<128xi32, #tpu.memory_space<hbm>>
      %dma_start3A_413 = tpu.memref_slice %arg13[%add3A_406] : memref<8192xi32, #tpu.memory_space<vmem>> -> memref<128xi32, #tpu.memory_space<vmem>>
      %dma_start3A_414 = tpu.memref_slice %arg4[%add3A_402] : memref<263168xi32, #tpu.memory_space<hbm>> -> memref<128xi32, #tpu.memory_space<hbm>>
      tpu.enqueue_dma source(%dma_start3A_414 : memref<128xi32, #tpu.memory_space<hbm>>) target(%dma_start3A_413 : memref<128xi32, #tpu.memory_space<vmem>>) target_semaphore(%arg18 : memref<!tpu.dma_semaphore, #tpu.memory_space<semaphore_mem>>)
      %dma_start3A_415 = tpu.memref_slice %arg14[%add3A_406] : memref<8192xi32, #tpu.memory_space<vmem>> -> memref<128xi32, #tpu.memory_space<vmem>>
      %dma_start3A_416 = tpu.memref_slice %arg5[%add3A_402] : memref<263168xi32, #tpu.memory_space<hbm>> -> memref<128xi32, #tpu.memory_space<hbm>>
      %dma_start3A_417 = tpu.memref_slice %arg14[%add3A_406] : memref<8192xi32, #tpu.memory_space<vmem>> -> memref<128xi32, #tpu.memory_space<vmem>>
      %dma_start3A_418 = tpu.memref_slice %arg5[%add3A_402] : memref<263168xi32, #tpu.memory_space<hbm>> -> memref<128xi32, #tpu.memory_space<hbm>>
      tpu.enqueue_dma source(%dma_start3A_418 : memref<128xi32, #tpu.memory_space<hbm>>) target(%dma_start3A_417 : memref<128xi32, #tpu.memory_space<vmem>>) target_semaphore(%arg18 : memref<!tpu.dma_semaphore, #tpu.memory_space<semaphore_mem>>)
    }
    %scan3A_37 = arith.constant 32 : i32
    %scan3A_38 = arith.constant 0 : i32
    %scan3A_39 = arith.constant 0 : i32
    %scan3A_40 = arith.constant 192 : i32
    %scan3A_41 = arith.addi %scan3A_39, %scan3A_40 : i32
    %scan3A_42 = arith.constant 1 : i32
    scf.for %scan3A_304 = %scan3A_39 to %scan3A_41 step %scan3A_42  : i32 {
      %dma_wait3A_305 = arith.constant 0 : i32
      %dma_wait3A_306 = tpu.memref_slice %arg12[%dma_wait3A_305] : memref<8192xi32, #tpu.memory_space<vmem>> -> memref<128xi32, #tpu.memory_space<vmem>>
      %dma_wait3A_307 = arith.constant 0 : i32
      %dma_wait3A_308 = tpu.memref_slice %arg3[%dma_wait3A_307] : memref<263168xi32, #tpu.memory_space<hbm>> -> memref<128xi32, #tpu.memory_space<hbm>>
      %dma_wait3A_309 = arith.constant 0 : i32
      %dma_wait3A_310 = tpu.memref_slice %arg12[%dma_wait3A_309] : memref<8192xi32, #tpu.memory_space<vmem>> -> memref<128xi32, #tpu.memory_space<vmem>>
      %dma_wait3A_311 = arith.constant 0 : i32
      %dma_wait3A_312 = tpu.memref_slice %arg3[%dma_wait3A_311] : memref<263168xi32, #tpu.memory_space<hbm>> -> memref<128xi32, #tpu.memory_space<hbm>>
      tpu.wait_dma2 semaphore(%arg18 : memref<!tpu.dma_semaphore, #tpu.memory_space<semaphore_mem>>) src(%dma_wait3A_312 : memref<128xi32, #tpu.memory_space<hbm>>) dst(%dma_wait3A_310 : memref<128xi32, #tpu.memory_space<vmem>>)
    }
    %scan3A_43 = arith.constant 192 : i32
    %scan3A_44 = arith.constant 0 : i32
    %scan3A_45 = arith.constant 0 : i32
    %scan3A_46 = arith.constant 32 : i32
    %scan3A_47 = arith.addi %scan3A_45, %scan3A_46 : i32
    %scan3A_48 = arith.constant 1 : i32
    scf.for %scan3A_304 = %scan3A_45 to %scan3A_47 step %scan3A_48  : i32 {
      %mul3A_305 = arith.constant 2 : i32
      %mul3A_306 = arith.muli %mul3A_305, %scan3A_304 : i32
      %add3A_307 = arith.constant 1 : i32
      %add3A_308 = arith.addi %mul3A_306, %add3A_307 : i32
      %get3A = arith.index_cast %add3A_308 : i32 to index
      %get3A_309 = memref.load %arg16[%get3A] : memref<64xi32, #tpu.memory_space<smem>>
      %mul3A_310 = arith.constant 2 : i32
      %mul3A_311 = arith.muli %mul3A_310, %scan3A_304 : i32
      %get3A_312 = arith.index_cast %mul3A_311 : i32 to index
      %get3A_313 = memref.load %arg16[%get3A_312] : memref<64xi32, #tpu.memory_space<smem>>
      %add3A_314 = arith.addi %get3A_309, %get3A_313 : i32
      %add3A_315 = arith.constant 15 : i32
      %add3A_316 = arith.addi %add3A_314, %add3A_315 : i32
      %jit3A = arith.constant 16 : i32
      %div3A = arith.divsi %add3A_316, %jit3A : i32
      %sign3A = arith.constant 0 : i32
      %sign3A_317 = arith.cmpi sgt, %add3A_316, %sign3A : i32
      %sign3A_318 = arith.extui %sign3A_317 : i1 to i32
      %sign3A_319 = arith.constant 0 : i32
      %sign3A_320 = arith.cmpi slt, %add3A_316, %sign3A_319 : i32
      %sign3A_321 = arith.extui %sign3A_320 : i1 to i32
      %sign3A_322 = arith.subi %sign3A_318, %sign3A_321 : i32
      %sign3A_323 = arith.constant 0 : i32
      %sign3A_324 = arith.cmpi sgt, %jit3A, %sign3A_323 : i32
      %sign3A_325 = arith.extui %sign3A_324 : i1 to i32
      %sign3A_326 = arith.constant 0 : i32
      %sign3A_327 = arith.cmpi slt, %jit3A, %sign3A_326 : i32
      %sign3A_328 = arith.extui %sign3A_327 : i1 to i32
      %sign3A_329 = arith.subi %sign3A_325, %sign3A_328 : i32
      %ne3A = arith.cmpi ne, %sign3A_322, %sign3A_329 : i32
      %rem3A = arith.remsi %add3A_316, %jit3A : i32
      %ne3A_330 = arith.constant 0 : i32
      %ne3A_331 = arith.cmpi ne, %rem3A, %ne3A_330 : i32
      %and3A = arith.andi %ne3A, %ne3A_331 : i1
      %sub3A = arith.constant 1 : i32
      %sub3A_332 = arith.subi %div3A, %sub3A : i32
      %select_n3A = arith.select %and3A, %sub3A_332, %div3A : i32
      %while3A = arith.constant 0 : i32
      %while3A_333 = arith.constant 0 : i32
      %while3A_334 = arith.subi %select_n3A, %while3A_333 : i32
      %while3A_335 = arith.addi %while3A_333, %while3A_334 : i32
      %while3A_336 = arith.constant 1 : i32
      %while3A_337 = arith.divsi %while3A_334, %while3A_336 : i32
      %while3A_338 = arith.muli %while3A_337, %while3A_336 : i32
      %while3A_339 = arith.addi %while3A_333, %while3A_338 : i32
      %while3A_340 = arith.constant 1 : i32
      scf.for %while3A_342 = %while3A_333 to %while3A_339 step %while3A_340  : i32 {
        %mul3A_343 = arith.constant 16 : i32
        %mul3A_344 = arith.muli %while3A_342, %mul3A_343 : i32
        %add3A_345 = vector.broadcast %mul3A_344 : i32 to vector<16xi32>
        %add3A_346 = arith.addi %add3A_345, %iota3A : vector<16xi32>
        %ge3A = vector.broadcast %get3A_309 : i32 to vector<16xi32>
        %ge3A_347 = arith.cmpi sge, %add3A_346, %ge3A : vector<16xi32>
        %lt3A = vector.broadcast %add3A_314 : i32 to vector<16xi32>
        %lt3A_348 = arith.cmpi slt, %add3A_346, %lt3A : vector<16xi32>
        %and3A_349 = arith.andi %ge3A_347, %lt3A_348 : vector<16xi1>
        %mul3A_350 = arith.constant 256 : i32
        %mul3A_351 = arith.muli %scan3A_304, %mul3A_350 : i32
        %mul3A_352 = arith.constant 16 : i32
        %mul3A_353 = arith.muli %while3A_342, %mul3A_352 : i32
        %add3A_354 = arith.addi %mul3A_351, %mul3A_353 : i32
        %get3A_355 = arith.index_cast %add3A_354 : i32 to index
        %get3A_356 = tpu.vector_load %arg12[%get3A_355] {strides = array<i32>} : memref<8192xi32, #tpu.memory_space<vmem>>, vector<16xi32>,
        %and3A_357 = arith.constant 32767 : i32
        %and3A_358 = vector.broadcast %and3A_357 : i32 to vector<16xi32>
        %and3A_359 = arith.andi %get3A_356, %and3A_358 : vector<16xi32>
        %get3A_360 = arith.index_cast %add3A_354 : i32 to index
        %get3A_361 = tpu.vector_load %arg13[%get3A_360] {strides = array<i32>} : memref<8192xi32, #tpu.memory_space<vmem>>, vector<16xi32>,
        tpu.vector_store_idx %arg11[%and3A_359], %get3A_361 masked %and3A_349 : memref<32768xi32, #tpu.memory_space<vmem>>[vector<16xi32>], vector<16xi32>, vector<16xi1>
      }
      %while3A_341 = arith.constant 1 : i32
      scf.for %while3A_342 = %while3A_339 to %while3A_335 step %while3A_341  : i32 {
        %mul3A_343 = arith.constant 16 : i32
        %mul3A_344 = arith.muli %while3A_342, %mul3A_343 : i32
        %add3A_345 = vector.broadcast %mul3A_344 : i32 to vector<16xi32>
        %add3A_346 = arith.addi %add3A_345, %iota3A : vector<16xi32>
        %ge3A = vector.broadcast %get3A_309 : i32 to vector<16xi32>
        %ge3A_347 = arith.cmpi sge, %add3A_346, %ge3A : vector<16xi32>
        %lt3A = vector.broadcast %add3A_314 : i32 to vector<16xi32>
        %lt3A_348 = arith.cmpi slt, %add3A_346, %lt3A : vector<16xi32>
        %and3A_349 = arith.andi %ge3A_347, %lt3A_348 : vector<16xi1>
        %mul3A_350 = arith.constant 256 : i32
        %mul3A_351 = arith.muli %scan3A_304, %mul3A_350 : i32
        %mul3A_352 = arith.constant 16 : i32
        %mul3A_353 = arith.muli %while3A_342, %mul3A_352 : i32
        %add3A_354 = arith.addi %mul3A_351, %mul3A_353 : i32
        %get3A_355 = arith.index_cast %add3A_354 : i32 to index
        %get3A_356 = tpu.vector_load %arg12[%get3A_355] {strides = array<i32>} : memref<8192xi32, #tpu.memory_space<vmem>>, vector<16xi32>,
        %and3A_357 = arith.constant 32767 : i32
        %and3A_358 = vector.broadcast %and3A_357 : i32 to vector<16xi32>
        %and3A_359 = arith.andi %get3A_356, %and3A_358 : vector<16xi32>
        %get3A_360 = arith.index_cast %add3A_354 : i32 to index
        %get3A_361 = tpu.vector_load %arg13[%get3A_360] {strides = array<i32>} : memref<8192xi32, #tpu.memory_space<vmem>>, vector<16xi32>,
        tpu.vector_store_idx %arg11[%and3A_359], %get3A_361 masked %and3A_349 : memref<32768xi32, #tpu.memory_space<vmem>>[vector<16xi32>], vector<16xi32>, vector<16xi1>
      }
    }
    %scan3A_49 = arith.constant 32 : i32
    %dma_wait3A = arith.constant 0 : i32
    %dma_wait3A_50 = tpu.memref_slice %arg2[%dma_wait3A, %mul3A_4] : memref<4x2097152xf32, #tpu.memory_space<hbm>> -> memref<1x32768xf32, #tpu.memory_space<hbm>>
    %dma_wait3A_51 = tpu.memref_squeeze %dma_wait3A_50 : memref<1x32768xf32, #tpu.memory_space<hbm>> -> memref<32768xf32, #tpu.memory_space<hbm>>
    %dma_wait3A_52 = tpu.memref_slice %arg2[%dma_wait3A, %mul3A_4] : memref<4x2097152xf32, #tpu.memory_space<hbm>> -> memref<1x32768xf32, #tpu.memory_space<hbm>>
    %dma_wait3A_53 = tpu.memref_squeeze %dma_wait3A_52 : memref<1x32768xf32, #tpu.memory_space<hbm>> -> memref<32768xf32, #tpu.memory_space<hbm>>
    tpu.wait_dma2 semaphore(%arg19 : memref<!tpu.dma_semaphore, #tpu.memory_space<semaphore_mem>>) src(%dma_wait3A_53 : memref<32768xf32, #tpu.memory_space<hbm>>) dst(%arg9 : memref<32768xf32, #tpu.memory_space<vmem>>)
    %dma_wait3A_54 = arith.constant 1 : i32
    %dma_wait3A_55 = tpu.memref_slice %arg2[%dma_wait3A_54, %mul3A_10] : memref<4x2097152xf32, #tpu.memory_space<hbm>> -> memref<1x32768xf32, #tpu.memory_space<hbm>>
    %dma_wait3A_56 = tpu.memref_squeeze %dma_wait3A_55 : memref<1x32768xf32, #tpu.memory_space<hbm>> -> memref<32768xf32, #tpu.memory_space<hbm>>
    %dma_wait3A_57 = tpu.memref_slice %arg2[%dma_wait3A_54, %mul3A_10] : memref<4x2097152xf32, #tpu.memory_space<hbm>> -> memref<1x32768xf32, #tpu.memory_space<hbm>>
    %dma_wait3A_58 = tpu.memref_squeeze %dma_wait3A_57 : memref<1x32768xf32, #tpu.memory_space<hbm>> -> memref<32768xf32, #tpu.memory_space<hbm>>
    tpu.wait_dma2 semaphore(%arg19 : memref<!tpu.dma_semaphore, #tpu.memory_space<semaphore_mem>>) src(%dma_wait3A_58 : memref<32768xf32, #tpu.memory_space<hbm>>) dst(%arg10 : memref<32768xf32, #tpu.memory_space<vmem>>)
    %scan3A_59 = arith.constant 0 : i32
    %scan3A_60 = arith.constant 256 : i32
    %scan3A_61 = arith.addi %scan3A_59, %scan3A_60 : i32
    %scan3A_62 = arith.constant 1 : i32
    %scan3A_63 = scf.for %scan3A_304 = %scan3A_59 to %scan3A_61 step %scan3A_62 iter_args(%scan3A_305 = %broadcast_in_dim3A_27) -> (vector<16xf32>)  : i32 {
      %mul3A_306 = arith.constant 8 : i32
      %mul3A_307 = arith.muli %scan3A_304, %mul3A_306 : i32
      %add3A_308 = arith.constant 0 : i32
      %add3A_309 = arith.addi %mul3A_307, %add3A_308 : i32
      %mul3A_310 = arith.constant 16 : i32
      %mul3A_311 = arith.muli %add3A_309, %mul3A_310 : i32
      %get3A = arith.index_cast %mul3A_311 : i32 to index
      %get3A_312 = tpu.vector_load %arg11[%get3A] {strides = array<i32>} : memref<32768xi32, #tpu.memory_space<vmem>>, vector<16xi32>,
      %get3A_313 = arith.index_cast %mul3A_311 : i32 to index
      %get3A_314 = tpu.vector_load %arg9[%get3A_313] {strides = array<i32>} : memref<32768xf32, #tpu.memory_space<vmem>>, vector<16xf32>,
      %get3A_315 = arith.index_cast %mul3A_311 : i32 to index
      %get3A_316 = tpu.vector_load %arg10[%get3A_315] {strides = array<i32>} : memref<32768xf32, #tpu.memory_space<vmem>>, vector<16xf32>,
      %shift_left3A = arith.constant 16 : i32
      %shift_left3A_317 = vector.broadcast %shift_left3A : i32 to vector<16xi32>
      %shift_left3A_318 = arith.shli %get3A_312, %shift_left3A_317 : vector<16xi32>
      %and3A = arith.constant -65536 : i32
      %and3A_319 = vector.broadcast %and3A : i32 to vector<16xi32>
      %and3A_320 = arith.andi %get3A_312, %and3A_319 : vector<16xi32>
      %bitcast3A = vector.bitcast %shift_left3A_318 : vector<16xi32> to vector<16xf32>
      %bitcast3A_321 = vector.bitcast %and3A_320 : vector<16xi32> to vector<16xf32>
      %ne3A = arith.constant 0 : i32
      %ne3A_322 = vector.broadcast %ne3A : i32 to vector<16xi32>
      %ne3A_323 = arith.cmpi ne, %shift_left3A_318, %ne3A_322 : vector<16xi32>
      %mul3A_324 = arith.constant 0.899999976 : f32
      %mul3A_325 = vector.broadcast %mul3A_324 : f32 to vector<16xf32>
      %mul3A_326 = arith.mulf %get3A_314, %mul3A_325 : vector<16xf32>
      %max3A = arith.maximumf %mul3A_326, %bitcast3A : vector<16xf32>
      %select_n3A = arith.select %ne3A_323, %max3A, %get3A_314 : vector<16xi1>, vector<16xf32>
      %ne3A_327 = arith.constant 0 : i32
      %ne3A_328 = vector.broadcast %ne3A_327 : i32 to vector<16xi32>
      %ne3A_329 = arith.cmpi ne, %and3A_320, %ne3A_328 : vector<16xi32>
      %mul3A_330 = arith.constant 0.899999976 : f32
      %mul3A_331 = vector.broadcast %mul3A_330 : f32 to vector<16xf32>
      %mul3A_332 = arith.mulf %get3A_316, %mul3A_331 : vector<16xf32>
      %max3A_333 = arith.maximumf %mul3A_332, %bitcast3A_321 : vector<16xf32>
      %select_n3A_334 = arith.select %ne3A_329, %max3A_333, %get3A_316 : vector<16xi1>, vector<16xf32>
      %swap3A_335 = arith.index_cast %mul3A_311 : i32 to index
      %swap3A_336 = tpu.vector_load %arg9[%swap3A_335] {strides = array<i32>} : memref<32768xf32, #tpu.memory_space<vmem>>, vector<16xf32>,
      tpu.vector_store %arg9[%swap3A_335], %select_n3A {strides = array<i32>} : memref<32768xf32, #tpu.memory_space<vmem>>, vector<16xf32>,
      %swap3A_337 = arith.index_cast %mul3A_311 : i32 to index
      %swap3A_338 = tpu.vector_load %arg10[%swap3A_337] {strides = array<i32>} : memref<32768xf32, #tpu.memory_space<vmem>>, vector<16xf32>,
      tpu.vector_store %arg10[%swap3A_337], %select_n3A_334 {strides = array<i32>} : memref<32768xf32, #tpu.memory_space<vmem>>, vector<16xf32>,
      %add3A_339 = arith.addf %scan3A_305, %select_n3A : vector<16xf32>
      %add3A_340 = arith.addf %add3A_339, %select_n3A_334 : vector<16xf32>
      %mul3A_341 = arith.constant 8 : i32
      %mul3A_342 = arith.muli %scan3A_304, %mul3A_341 : i32
      %add3A_343 = arith.constant 1 : i32
      %add3A_344 = arith.addi %mul3A_342, %add3A_343 : i32
      %mul3A_345 = arith.constant 16 : i32
      %mul3A_346 = arith.muli %add3A_344, %mul3A_345 : i32
      %get3A_347 = arith.index_cast %mul3A_346 : i32 to index
      %get3A_348 = tpu.vector_load %arg11[%get3A_347] {strides = array<i32>} : memref<32768xi32, #tpu.memory_space<vmem>>, vector<16xi32>,
      %get3A_349 = arith.index_cast %mul3A_346 : i32 to index
      %get3A_350 = tpu.vector_load %arg9[%get3A_349] {strides = array<i32>} : memref<32768xf32, #tpu.memory_space<vmem>>, vector<16xf32>,
      %get3A_351 = arith.index_cast %mul3A_346 : i32 to index
      %get3A_352 = tpu.vector_load %arg10[%get3A_351] {strides = array<i32>} : memref<32768xf32, #tpu.memory_space<vmem>>, vector<16xf32>,
      %shift_left3A_353 = arith.constant 16 : i32
      %shift_left3A_354 = vector.broadcast %shift_left3A_353 : i32 to vector<16xi32>
      %shift_left3A_355 = arith.shli %get3A_348, %shift_left3A_354 : vector<16xi32>
      %and3A_356 = arith.constant -65536 : i32
      %and3A_357 = vector.broadcast %and3A_356 : i32 to vector<16xi32>
      %and3A_358 = arith.andi %get3A_348, %and3A_357 : vector<16xi32>
      %bitcast3A_359 = vector.bitcast %shift_left3A_355 : vector<16xi32> to vector<16xf32>
      %bitcast3A_360 = vector.bitcast %and3A_358 : vector<16xi32> to vector<16xf32>
      %ne3A_361 = arith.constant 0 : i32
      %ne3A_362 = vector.broadcast %ne3A_361 : i32 to vector<16xi32>
      %ne3A_363 = arith.cmpi ne, %shift_left3A_355, %ne3A_362 : vector<16xi32>
      %mul3A_364 = arith.constant 0.899999976 : f32
      %mul3A_365 = vector.broadcast %mul3A_364 : f32 to vector<16xf32>
      %mul3A_366 = arith.mulf %get3A_350, %mul3A_365 : vector<16xf32>
      %max3A_367 = arith.maximumf %mul3A_366, %bitcast3A_359 : vector<16xf32>
      %select_n3A_368 = arith.select %ne3A_363, %max3A_367, %get3A_350 : vector<16xi1>, vector<16xf32>
      %ne3A_369 = arith.constant 0 : i32
      %ne3A_370 = vector.broadcast %ne3A_369 : i32 to vector<16xi32>
      %ne3A_371 = arith.cmpi ne, %and3A_358, %ne3A_370 : vector<16xi32>
      %mul3A_372 = arith.constant 0.899999976 : f32
      %mul3A_373 = vector.broadcast %mul3A_372 : f32 to vector<16xf32>
      %mul3A_374 = arith.mulf %get3A_352, %mul3A_373 : vector<16xf32>
      %max3A_375 = arith.maximumf %mul3A_374, %bitcast3A_360 : vector<16xf32>
      %select_n3A_376 = arith.select %ne3A_371, %max3A_375, %get3A_352 : vector<16xi1>, vector<16xf32>
      %swap3A_377 = arith.index_cast %mul3A_346 : i32 to index
      %swap3A_378 = tpu.vector_load %arg9[%swap3A_377] {strides = array<i32>} : memref<32768xf32, #tpu.memory_space<vmem>>, vector<16xf32>,
      tpu.vector_store %arg9[%swap3A_377], %select_n3A_368 {strides = array<i32>} : memref<32768xf32, #tpu.memory_space<vmem>>, vector<16xf32>,
      %swap3A_379 = arith.index_cast %mul3A_346 : i32 to index
      %swap3A_380 = tpu.vector_load %arg10[%swap3A_379] {strides = array<i32>} : memref<32768xf32, #tpu.memory_space<vmem>>, vector<16xf32>,
      tpu.vector_store %arg10[%swap3A_379], %select_n3A_376 {strides = array<i32>} : memref<32768xf32, #tpu.memory_space<vmem>>, vector<16xf32>,
      %add3A_381 = arith.addf %add3A_340, %select_n3A_368 : vector<16xf32>
      %add3A_382 = arith.addf %add3A_381, %select_n3A_376 : vector<16xf32>
      %mul3A_383 = arith.constant 8 : i32
      %mul3A_384 = arith.muli %scan3A_304, %mul3A_383 : i32
      %add3A_385 = arith.constant 2 : i32
      %add3A_386 = arith.addi %mul3A_384, %add3A_385 : i32
      %mul3A_387 = arith.constant 16 : i32
      %mul3A_388 = arith.muli %add3A_386, %mul3A_387 : i32
      %get3A_389 = arith.index_cast %mul3A_388 : i32 to index
      %get3A_390 = tpu.vector_load %arg11[%get3A_389] {strides = array<i32>} : memref<32768xi32, #tpu.memory_space<vmem>>, vector<16xi32>,
      %get3A_391 = arith.index_cast %mul3A_388 : i32 to index
      %get3A_392 = tpu.vector_load %arg9[%get3A_391] {strides = array<i32>} : memref<32768xf32, #tpu.memory_space<vmem>>, vector<16xf32>,
      %get3A_393 = arith.index_cast %mul3A_388 : i32 to index
      %get3A_394 = tpu.vector_load %arg10[%get3A_393] {strides = array<i32>} : memref<32768xf32, #tpu.memory_space<vmem>>, vector<16xf32>,
      %shift_left3A_395 = arith.constant 16 : i32
      %shift_left3A_396 = vector.broadcast %shift_left3A_395 : i32 to vector<16xi32>
      %shift_left3A_397 = arith.shli %get3A_390, %shift_left3A_396 : vector<16xi32>
      %and3A_398 = arith.constant -65536 : i32
      %and3A_399 = vector.broadcast %and3A_398 : i32 to vector<16xi32>
      %and3A_400 = arith.andi %get3A_390, %and3A_399 : vector<16xi32>
      %bitcast3A_401 = vector.bitcast %shift_left3A_397 : vector<16xi32> to vector<16xf32>
      %bitcast3A_402 = vector.bitcast %and3A_400 : vector<16xi32> to vector<16xf32>
      %ne3A_403 = arith.constant 0 : i32
      %ne3A_404 = vector.broadcast %ne3A_403 : i32 to vector<16xi32>
      %ne3A_405 = arith.cmpi ne, %shift_left3A_397, %ne3A_404 : vector<16xi32>
      %mul3A_406 = arith.constant 0.899999976 : f32
      %mul3A_407 = vector.broadcast %mul3A_406 : f32 to vector<16xf32>
      %mul3A_408 = arith.mulf %get3A_392, %mul3A_407 : vector<16xf32>
      %max3A_409 = arith.maximumf %mul3A_408, %bitcast3A_401 : vector<16xf32>
      %select_n3A_410 = arith.select %ne3A_405, %max3A_409, %get3A_392 : vector<16xi1>, vector<16xf32>
      %ne3A_411 = arith.constant 0 : i32
      %ne3A_412 = vector.broadcast %ne3A_411 : i32 to vector<16xi32>
      %ne3A_413 = arith.cmpi ne, %and3A_400, %ne3A_412 : vector<16xi32>
      %mul3A_414 = arith.constant 0.899999976 : f32
      %mul3A_415 = vector.broadcast %mul3A_414 : f32 to vector<16xf32>
      %mul3A_416 = arith.mulf %get3A_394, %mul3A_415 : vector<16xf32>
      %max3A_417 = arith.maximumf %mul3A_416, %bitcast3A_402 : vector<16xf32>
      %select_n3A_418 = arith.select %ne3A_413, %max3A_417, %get3A_394 : vector<16xi1>, vector<16xf32>
      %swap3A_419 = arith.index_cast %mul3A_388 : i32 to index
      %swap3A_420 = tpu.vector_load %arg9[%swap3A_419] {strides = array<i32>} : memref<32768xf32, #tpu.memory_space<vmem>>, vector<16xf32>,
      tpu.vector_store %arg9[%swap3A_419], %select_n3A_410 {strides = array<i32>} : memref<32768xf32, #tpu.memory_space<vmem>>, vector<16xf32>,
      %swap3A_421 = arith.index_cast %mul3A_388 : i32 to index
      %swap3A_422 = tpu.vector_load %arg10[%swap3A_421] {strides = array<i32>} : memref<32768xf32, #tpu.memory_space<vmem>>, vector<16xf32>,
      tpu.vector_store %arg10[%swap3A_421], %select_n3A_418 {strides = array<i32>} : memref<32768xf32, #tpu.memory_space<vmem>>, vector<16xf32>,
      %add3A_423 = arith.addf %add3A_382, %select_n3A_410 : vector<16xf32>
      %add3A_424 = arith.addf %add3A_423, %select_n3A_418 : vector<16xf32>
      %mul3A_425 = arith.constant 8 : i32
      %mul3A_426 = arith.muli %scan3A_304, %mul3A_425 : i32
      %add3A_427 = arith.constant 3 : i32
      %add3A_428 = arith.addi %mul3A_426, %add3A_427 : i32
      %mul3A_429 = arith.constant 16 : i32
      %mul3A_430 = arith.muli %add3A_428, %mul3A_429 : i32
      %get3A_431 = arith.index_cast %mul3A_430 : i32 to index
      %get3A_432 = tpu.vector_load %arg11[%get3A_431] {strides = array<i32>} : memref<32768xi32, #tpu.memory_space<vmem>>, vector<16xi32>,
      %get3A_433 = arith.index_cast %mul3A_430 : i32 to index
      %get3A_434 = tpu.vector_load %arg9[%get3A_433] {strides = array<i32>} : memref<32768xf32, #tpu.memory_space<vmem>>, vector<16xf32>,
      %get3A_435 = arith.index_cast %mul3A_430 : i32 to index
      %get3A_436 = tpu.vector_load %arg10[%get3A_435] {strides = array<i32>} : memref<32768xf32, #tpu.memory_space<vmem>>, vector<16xf32>,
      %shift_left3A_437 = arith.constant 16 : i32
      %shift_left3A_438 = vector.broadcast %shift_left3A_437 : i32 to vector<16xi32>
      %shift_left3A_439 = arith.shli %get3A_432, %shift_left3A_438 : vector<16xi32>
      %and3A_440 = arith.constant -65536 : i32
      %and3A_441 = vector.broadcast %and3A_440 : i32 to vector<16xi32>
      %and3A_442 = arith.andi %get3A_432, %and3A_441 : vector<16xi32>
      %bitcast3A_443 = vector.bitcast %shift_left3A_439 : vector<16xi32> to vector<16xf32>
      %bitcast3A_444 = vector.bitcast %and3A_442 : vector<16xi32> to vector<16xf32>
      %ne3A_445 = arith.constant 0 : i32
      %ne3A_446 = vector.broadcast %ne3A_445 : i32 to vector<16xi32>
      %ne3A_447 = arith.cmpi ne, %shift_left3A_439, %ne3A_446 : vector<16xi32>
      %mul3A_448 = arith.constant 0.899999976 : f32
      %mul3A_449 = vector.broadcast %mul3A_448 : f32 to vector<16xf32>
      %mul3A_450 = arith.mulf %get3A_434, %mul3A_449 : vector<16xf32>
      %max3A_451 = arith.maximumf %mul3A_450, %bitcast3A_443 : vector<16xf32>
      %select_n3A_452 = arith.select %ne3A_447, %max3A_451, %get3A_434 : vector<16xi1>, vector<16xf32>
      %ne3A_453 = arith.constant 0 : i32
      %ne3A_454 = vector.broadcast %ne3A_453 : i32 to vector<16xi32>
      %ne3A_455 = arith.cmpi ne, %and3A_442, %ne3A_454 : vector<16xi32>
      %mul3A_456 = arith.constant 0.899999976 : f32
      %mul3A_457 = vector.broadcast %mul3A_456 : f32 to vector<16xf32>
      %mul3A_458 = arith.mulf %get3A_436, %mul3A_457 : vector<16xf32>
      %max3A_459 = arith.maximumf %mul3A_458, %bitcast3A_444 : vector<16xf32>
      %select_n3A_460 = arith.select %ne3A_455, %max3A_459, %get3A_436 : vector<16xi1>, vector<16xf32>
      %swap3A_461 = arith.index_cast %mul3A_430 : i32 to index
      %swap3A_462 = tpu.vector_load %arg9[%swap3A_461] {strides = array<i32>} : memref<32768xf32, #tpu.memory_space<vmem>>, vector<16xf32>,
      tpu.vector_store %arg9[%swap3A_461], %select_n3A_452 {strides = array<i32>} : memref<32768xf32, #tpu.memory_space<vmem>>, vector<16xf32>,
      %swap3A_463 = arith.index_cast %mul3A_430 : i32 to index
      %swap3A_464 = tpu.vector_load %arg10[%swap3A_463] {strides = array<i32>} : memref<32768xf32, #tpu.memory_space<vmem>>, vector<16xf32>,
      tpu.vector_store %arg10[%swap3A_463], %select_n3A_460 {strides = array<i32>} : memref<32768xf32, #tpu.memory_space<vmem>>, vector<16xf32>,
      %add3A_465 = arith.addf %add3A_424, %select_n3A_452 : vector<16xf32>
      %add3A_466 = arith.addf %add3A_465, %select_n3A_460 : vector<16xf32>
      %mul3A_467 = arith.constant 8 : i32
      %mul3A_468 = arith.muli %scan3A_304, %mul3A_467 : i32
      %add3A_469 = arith.constant 4 : i32
      %add3A_470 = arith.addi %mul3A_468, %add3A_469 : i32
      %mul3A_471 = arith.constant 16 : i32
      %mul3A_472 = arith.muli %add3A_470, %mul3A_471 : i32
      %get3A_473 = arith.index_cast %mul3A_472 : i32 to index
      %get3A_474 = tpu.vector_load %arg11[%get3A_473] {strides = array<i32>} : memref<32768xi32, #tpu.memory_space<vmem>>, vector<16xi32>,
      %get3A_475 = arith.index_cast %mul3A_472 : i32 to index
      %get3A_476 = tpu.vector_load %arg9[%get3A_475] {strides = array<i32>} : memref<32768xf32, #tpu.memory_space<vmem>>, vector<16xf32>,
      %get3A_477 = arith.index_cast %mul3A_472 : i32 to index
      %get3A_478 = tpu.vector_load %arg10[%get3A_477] {strides = array<i32>} : memref<32768xf32, #tpu.memory_space<vmem>>, vector<16xf32>,
      %shift_left3A_479 = arith.constant 16 : i32
      %shift_left3A_480 = vector.broadcast %shift_left3A_479 : i32 to vector<16xi32>
      %shift_left3A_481 = arith.shli %get3A_474, %shift_left3A_480 : vector<16xi32>
      %and3A_482 = arith.constant -65536 : i32
      %and3A_483 = vector.broadcast %and3A_482 : i32 to vector<16xi32>
      %and3A_484 = arith.andi %get3A_474, %and3A_483 : vector<16xi32>
      %bitcast3A_485 = vector.bitcast %shift_left3A_481 : vector<16xi32> to vector<16xf32>
      %bitcast3A_486 = vector.bitcast %and3A_484 : vector<16xi32> to vector<16xf32>
      %ne3A_487 = arith.constant 0 : i32
      %ne3A_488 = vector.broadcast %ne3A_487 : i32 to vector<16xi32>
      %ne3A_489 = arith.cmpi ne, %shift_left3A_481, %ne3A_488 : vector<16xi32>
      %mul3A_490 = arith.constant 0.899999976 : f32
      %mul3A_491 = vector.broadcast %mul3A_490 : f32 to vector<16xf32>
      %mul3A_492 = arith.mulf %get3A_476, %mul3A_491 : vector<16xf32>
      %max3A_493 = arith.maximumf %mul3A_492, %bitcast3A_485 : vector<16xf32>
      %select_n3A_494 = arith.select %ne3A_489, %max3A_493, %get3A_476 : vector<16xi1>, vector<16xf32>
      %ne3A_495 = arith.constant 0 : i32
      %ne3A_496 = vector.broadcast %ne3A_495 : i32 to vector<16xi32>
      %ne3A_497 = arith.cmpi ne, %and3A_484, %ne3A_496 : vector<16xi32>
      %mul3A_498 = arith.constant 0.899999976 : f32
      %mul3A_499 = vector.broadcast %mul3A_498 : f32 to vector<16xf32>
      %mul3A_500 = arith.mulf %get3A_478, %mul3A_499 : vector<16xf32>
      %max3A_501 = arith.maximumf %mul3A_500, %bitcast3A_486 : vector<16xf32>
      %select_n3A_502 = arith.select %ne3A_497, %max3A_501, %get3A_478 : vector<16xi1>, vector<16xf32>
      %swap3A_503 = arith.index_cast %mul3A_472 : i32 to index
      %swap3A_504 = tpu.vector_load %arg9[%swap3A_503] {strides = array<i32>} : memref<32768xf32, #tpu.memory_space<vmem>>, vector<16xf32>,
      tpu.vector_store %arg9[%swap3A_503], %select_n3A_494 {strides = array<i32>} : memref<32768xf32, #tpu.memory_space<vmem>>, vector<16xf32>,
      %swap3A_505 = arith.index_cast %mul3A_472 : i32 to index
      %swap3A_506 = tpu.vector_load %arg10[%swap3A_505] {strides = array<i32>} : memref<32768xf32, #tpu.memory_space<vmem>>, vector<16xf32>,
      tpu.vector_store %arg10[%swap3A_505], %select_n3A_502 {strides = array<i32>} : memref<32768xf32, #tpu.memory_space<vmem>>, vector<16xf32>,
      %add3A_507 = arith.addf %add3A_466, %select_n3A_494 : vector<16xf32>
      %add3A_508 = arith.addf %add3A_507, %select_n3A_502 : vector<16xf32>
      %mul3A_509 = arith.constant 8 : i32
      %mul3A_510 = arith.muli %scan3A_304, %mul3A_509 : i32
      %add3A_511 = arith.constant 5 : i32
      %add3A_512 = arith.addi %mul3A_510, %add3A_511 : i32
      %mul3A_513 = arith.constant 16 : i32
      %mul3A_514 = arith.muli %add3A_512, %mul3A_513 : i32
      %get3A_515 = arith.index_cast %mul3A_514 : i32 to index
      %get3A_516 = tpu.vector_load %arg11[%get3A_515] {strides = array<i32>} : memref<32768xi32, #tpu.memory_space<vmem>>, vector<16xi32>,
      %get3A_517 = arith.index_cast %mul3A_514 : i32 to index
      %get3A_518 = tpu.vector_load %arg9[%get3A_517] {strides = array<i32>} : memref<32768xf32, #tpu.memory_space<vmem>>, vector<16xf32>,
      %get3A_519 = arith.index_cast %mul3A_514 : i32 to index
      %get3A_520 = tpu.vector_load %arg10[%get3A_519] {strides = array<i32>} : memref<32768xf32, #tpu.memory_space<vmem>>, vector<16xf32>,
      %shift_left3A_521 = arith.constant 16 : i32
      %shift_left3A_522 = vector.broadcast %shift_left3A_521 : i32 to vector<16xi32>
      %shift_left3A_523 = arith.shli %get3A_516, %shift_left3A_522 : vector<16xi32>
      %and3A_524 = arith.constant -65536 : i32
      %and3A_525 = vector.broadcast %and3A_524 : i32 to vector<16xi32>
      %and3A_526 = arith.andi %get3A_516, %and3A_525 : vector<16xi32>
      %bitcast3A_527 = vector.bitcast %shift_left3A_523 : vector<16xi32> to vector<16xf32>
      %bitcast3A_528 = vector.bitcast %and3A_526 : vector<16xi32> to vector<16xf32>
      %ne3A_529 = arith.constant 0 : i32
      %ne3A_530 = vector.broadcast %ne3A_529 : i32 to vector<16xi32>
      %ne3A_531 = arith.cmpi ne, %shift_left3A_523, %ne3A_530 : vector<16xi32>
      %mul3A_532 = arith.constant 0.899999976 : f32
      %mul3A_533 = vector.broadcast %mul3A_532 : f32 to vector<16xf32>
      %mul3A_534 = arith.mulf %get3A_518, %mul3A_533 : vector<16xf32>
      %max3A_535 = arith.maximumf %mul3A_534, %bitcast3A_527 : vector<16xf32>
      %select_n3A_536 = arith.select %ne3A_531, %max3A_535, %get3A_518 : vector<16xi1>, vector<16xf32>
      %ne3A_537 = arith.constant 0 : i32
      %ne3A_538 = vector.broadcast %ne3A_537 : i32 to vector<16xi32>
      %ne3A_539 = arith.cmpi ne, %and3A_526, %ne3A_538 : vector<16xi32>
      %mul3A_540 = arith.constant 0.899999976 : f32
      %mul3A_541 = vector.broadcast %mul3A_540 : f32 to vector<16xf32>
      %mul3A_542 = arith.mulf %get3A_520, %mul3A_541 : vector<16xf32>
      %max3A_543 = arith.maximumf %mul3A_542, %bitcast3A_528 : vector<16xf32>
      %select_n3A_544 = arith.select %ne3A_539, %max3A_543, %get3A_520 : vector<16xi1>, vector<16xf32>
      %swap3A_545 = arith.index_cast %mul3A_514 : i32 to index
      %swap3A_546 = tpu.vector_load %arg9[%swap3A_545] {strides = array<i32>} : memref<32768xf32, #tpu.memory_space<vmem>>, vector<16xf32>,
      tpu.vector_store %arg9[%swap3A_545], %select_n3A_536 {strides = array<i32>} : memref<32768xf32, #tpu.memory_space<vmem>>, vector<16xf32>,
      %swap3A_547 = arith.index_cast %mul3A_514 : i32 to index
      %swap3A_548 = tpu.vector_load %arg10[%swap3A_547] {strides = array<i32>} : memref<32768xf32, #tpu.memory_space<vmem>>, vector<16xf32>,
      tpu.vector_store %arg10[%swap3A_547], %select_n3A_544 {strides = array<i32>} : memref<32768xf32, #tpu.memory_space<vmem>>, vector<16xf32>,
      %add3A_549 = arith.addf %add3A_508, %select_n3A_536 : vector<16xf32>
      %add3A_550 = arith.addf %add3A_549, %select_n3A_544 : vector<16xf32>
      %mul3A_551 = arith.constant 8 : i32
      %mul3A_552 = arith.muli %scan3A_304, %mul3A_551 : i32
      %add3A_553 = arith.constant 6 : i32
      %add3A_554 = arith.addi %mul3A_552, %add3A_553 : i32
      %mul3A_555 = arith.constant 16 : i32
      %mul3A_556 = arith.muli %add3A_554, %mul3A_555 : i32
      %get3A_557 = arith.index_cast %mul3A_556 : i32 to index
      %get3A_558 = tpu.vector_load %arg11[%get3A_557] {strides = array<i32>} : memref<32768xi32, #tpu.memory_space<vmem>>, vector<16xi32>,
      %get3A_559 = arith.index_cast %mul3A_556 : i32 to index
      %get3A_560 = tpu.vector_load %arg9[%get3A_559] {strides = array<i32>} : memref<32768xf32, #tpu.memory_space<vmem>>, vector<16xf32>,
      %get3A_561 = arith.index_cast %mul3A_556 : i32 to index
      %get3A_562 = tpu.vector_load %arg10[%get3A_561] {strides = array<i32>} : memref<32768xf32, #tpu.memory_space<vmem>>, vector<16xf32>,
      %shift_left3A_563 = arith.constant 16 : i32
      %shift_left3A_564 = vector.broadcast %shift_left3A_563 : i32 to vector<16xi32>
      %shift_left3A_565 = arith.shli %get3A_558, %shift_left3A_564 : vector<16xi32>
      %and3A_566 = arith.constant -65536 : i32
      %and3A_567 = vector.broadcast %and3A_566 : i32 to vector<16xi32>
      %and3A_568 = arith.andi %get3A_558, %and3A_567 : vector<16xi32>
      %bitcast3A_569 = vector.bitcast %shift_left3A_565 : vector<16xi32> to vector<16xf32>
      %bitcast3A_570 = vector.bitcast %and3A_568 : vector<16xi32> to vector<16xf32>
      %ne3A_571 = arith.constant 0 : i32
      %ne3A_572 = vector.broadcast %ne3A_571 : i32 to vector<16xi32>
      %ne3A_573 = arith.cmpi ne, %shift_left3A_565, %ne3A_572 : vector<16xi32>
      %mul3A_574 = arith.constant 0.899999976 : f32
      %mul3A_575 = vector.broadcast %mul3A_574 : f32 to vector<16xf32>
      %mul3A_576 = arith.mulf %get3A_560, %mul3A_575 : vector<16xf32>
      %max3A_577 = arith.maximumf %mul3A_576, %bitcast3A_569 : vector<16xf32>
      %select_n3A_578 = arith.select %ne3A_573, %max3A_577, %get3A_560 : vector<16xi1>, vector<16xf32>
      %ne3A_579 = arith.constant 0 : i32
      %ne3A_580 = vector.broadcast %ne3A_579 : i32 to vector<16xi32>
      %ne3A_581 = arith.cmpi ne, %and3A_568, %ne3A_580 : vector<16xi32>
      %mul3A_582 = arith.constant 0.899999976 : f32
      %mul3A_583 = vector.broadcast %mul3A_582 : f32 to vector<16xf32>
      %mul3A_584 = arith.mulf %get3A_562, %mul3A_583 : vector<16xf32>
      %max3A_585 = arith.maximumf %mul3A_584, %bitcast3A_570 : vector<16xf32>
      %select_n3A_586 = arith.select %ne3A_581, %max3A_585, %get3A_562 : vector<16xi1>, vector<16xf32>
      %swap3A_587 = arith.index_cast %mul3A_556 : i32 to index
      %swap3A_588 = tpu.vector_load %arg9[%swap3A_587] {strides = array<i32>} : memref<32768xf32, #tpu.memory_space<vmem>>, vector<16xf32>,
      tpu.vector_store %arg9[%swap3A_587], %select_n3A_578 {strides = array<i32>} : memref<32768xf32, #tpu.memory_space<vmem>>, vector<16xf32>,
      %swap3A_589 = arith.index_cast %mul3A_556 : i32 to index
      %swap3A_590 = tpu.vector_load %arg10[%swap3A_589] {strides = array<i32>} : memref<32768xf32, #tpu.memory_space<vmem>>, vector<16xf32>,
      tpu.vector_store %arg10[%swap3A_589], %select_n3A_586 {strides = array<i32>} : memref<32768xf32, #tpu.memory_space<vmem>>, vector<16xf32>,
      %add3A_591 = arith.addf %add3A_550, %select_n3A_578 : vector<16xf32>
      %add3A_592 = arith.addf %add3A_591, %select_n3A_586 : vector<16xf32>
      %mul3A_593 = arith.constant 8 : i32
      %mul3A_594 = arith.muli %scan3A_304, %mul3A_593 : i32
      %add3A_595 = arith.constant 7 : i32
      %add3A_596 = arith.addi %mul3A_594, %add3A_595 : i32
      %mul3A_597 = arith.constant 16 : i32
      %mul3A_598 = arith.muli %add3A_596, %mul3A_597 : i32
      %get3A_599 = arith.index_cast %mul3A_598 : i32 to index
      %get3A_600 = tpu.vector_load %arg11[%get3A_599] {strides = array<i32>} : memref<32768xi32, #tpu.memory_space<vmem>>, vector<16xi32>,
      %get3A_601 = arith.index_cast %mul3A_598 : i32 to index
      %get3A_602 = tpu.vector_load %arg9[%get3A_601] {strides = array<i32>} : memref<32768xf32, #tpu.memory_space<vmem>>, vector<16xf32>,
      %get3A_603 = arith.index_cast %mul3A_598 : i32 to index
      %get3A_604 = tpu.vector_load %arg10[%get3A_603] {strides = array<i32>} : memref<32768xf32, #tpu.memory_space<vmem>>, vector<16xf32>,
      %shift_left3A_605 = arith.constant 16 : i32
      %shift_left3A_606 = vector.broadcast %shift_left3A_605 : i32 to vector<16xi32>
      %shift_left3A_607 = arith.shli %get3A_600, %shift_left3A_606 : vector<16xi32>
      %and3A_608 = arith.constant -65536 : i32
      %and3A_609 = vector.broadcast %and3A_608 : i32 to vector<16xi32>
      %and3A_610 = arith.andi %get3A_600, %and3A_609 : vector<16xi32>
      %bitcast3A_611 = vector.bitcast %shift_left3A_607 : vector<16xi32> to vector<16xf32>
      %bitcast3A_612 = vector.bitcast %and3A_610 : vector<16xi32> to vector<16xf32>
      %ne3A_613 = arith.constant 0 : i32
      %ne3A_614 = vector.broadcast %ne3A_613 : i32 to vector<16xi32>
      %ne3A_615 = arith.cmpi ne, %shift_left3A_607, %ne3A_614 : vector<16xi32>
      %mul3A_616 = arith.constant 0.899999976 : f32
      %mul3A_617 = vector.broadcast %mul3A_616 : f32 to vector<16xf32>
      %mul3A_618 = arith.mulf %get3A_602, %mul3A_617 : vector<16xf32>
      %max3A_619 = arith.maximumf %mul3A_618, %bitcast3A_611 : vector<16xf32>
      %select_n3A_620 = arith.select %ne3A_615, %max3A_619, %get3A_602 : vector<16xi1>, vector<16xf32>
      %ne3A_621 = arith.constant 0 : i32
      %ne3A_622 = vector.broadcast %ne3A_621 : i32 to vector<16xi32>
      %ne3A_623 = arith.cmpi ne, %and3A_610, %ne3A_622 : vector<16xi32>
      %mul3A_624 = arith.constant 0.899999976 : f32
      %mul3A_625 = vector.broadcast %mul3A_624 : f32 to vector<16xf32>
      %mul3A_626 = arith.mulf %get3A_604, %mul3A_625 : vector<16xf32>
      %max3A_627 = arith.maximumf %mul3A_626, %bitcast3A_612 : vector<16xf32>
      %select_n3A_628 = arith.select %ne3A_623, %max3A_627, %get3A_604 : vector<16xi1>, vector<16xf32>
      %swap3A_629 = arith.index_cast %mul3A_598 : i32 to index
      %swap3A_630 = tpu.vector_load %arg9[%swap3A_629] {strides = array<i32>} : memref<32768xf32, #tpu.memory_space<vmem>>, vector<16xf32>,
      tpu.vector_store %arg9[%swap3A_629], %select_n3A_620 {strides = array<i32>} : memref<32768xf32, #tpu.memory_space<vmem>>, vector<16xf32>,
      %swap3A_631 = arith.index_cast %mul3A_598 : i32 to index
      %swap3A_632 = tpu.vector_load %arg10[%swap3A_631] {strides = array<i32>} : memref<32768xf32, #tpu.memory_space<vmem>>, vector<16xf32>,
      tpu.vector_store %arg10[%swap3A_631], %select_n3A_628 {strides = array<i32>} : memref<32768xf32, #tpu.memory_space<vmem>>, vector<16xf32>,
      %add3A_633 = arith.addf %add3A_592, %select_n3A_620 : vector<16xf32>
      %add3A_634 = arith.addf %add3A_633, %select_n3A_628 : vector<16xf32>
      scf.yield %add3A_634 : vector<16xf32>
    }
    %scan3A_64 = arith.constant 256 : i32
    %mul3A_65 = arith.constant 32768 : i32
    %mul3A_66 = arith.muli %add3A_31, %mul3A_65 : i32
    %dma_start3A_67 = arith.constant 0 : i32
    %dma_start3A_68 = tpu.memref_slice %arg7[%dma_start3A_67, %mul3A_66] : memref<4x2097152xf32, #tpu.memory_space<hbm>> -> memref<1x32768xf32, #tpu.memory_space<hbm>>
    %dma_start3A_69 = tpu.memref_squeeze %dma_start3A_68 : memref<1x32768xf32, #tpu.memory_space<hbm>> -> memref<32768xf32, #tpu.memory_space<hbm>>
    %dma_start3A_70 = tpu.memref_slice %arg7[%dma_start3A_67, %mul3A_66] : memref<4x2097152xf32, #tpu.memory_space<hbm>> -> memref<1x32768xf32, #tpu.memory_space<hbm>>
    %dma_start3A_71 = tpu.memref_squeeze %dma_start3A_70 : memref<1x32768xf32, #tpu.memory_space<hbm>> -> memref<32768xf32, #tpu.memory_space<hbm>>
    tpu.enqueue_dma source(%arg9 : memref<32768xf32, #tpu.memory_space<vmem>>) target(%dma_start3A_71 : memref<32768xf32, #tpu.memory_space<hbm>>) target_semaphore(%arg20 : memref<!tpu.dma_semaphore, #tpu.memory_space<semaphore_mem>>)
    %mul3A_72 = arith.constant 32768 : i32
    %mul3A_73 = arith.muli %add3A_31, %mul3A_72 : i32
    %dma_start3A_74 = arith.constant 1 : i32
    %dma_start3A_75 = tpu.memref_slice %arg7[%dma_start3A_74, %mul3A_73] : memref<4x2097152xf32, #tpu.memory_space<hbm>> -> memref<1x32768xf32, #tpu.memory_space<hbm>>
    %dma_start3A_76 = tpu.memref_squeeze %dma_start3A_75 : memref<1x32768xf32, #tpu.memory_space<hbm>> -> memref<32768xf32, #tpu.memory_space<hbm>>
    %dma_start3A_77 = tpu.memref_slice %arg7[%dma_start3A_74, %mul3A_73] : memref<4x2097152xf32, #tpu.memory_space<hbm>> -> memref<1x32768xf32, #tpu.memory_space<hbm>>
    %dma_start3A_78 = tpu.memref_squeeze %dma_start3A_77 : memref<1x32768xf32, #tpu.memory_space<hbm>> -> memref<32768xf32, #tpu.memory_space<hbm>>
    tpu.enqueue_dma source(%arg10 : memref<32768xf32, #tpu.memory_space<vmem>>) target(%dma_start3A_78 : memref<32768xf32, #tpu.memory_space<hbm>>) target_semaphore(%arg21 : memref<!tpu.dma_semaphore, #tpu.memory_space<semaphore_mem>>)
    %dma_wait3A_79 = arith.constant 0 : i32
    %dma_wait3A_80 = tpu.memref_slice %arg7[%dma_wait3A_79, %mul3A_66] : memref<4x2097152xf32, #tpu.memory_space<hbm>> -> memref<1x32768xf32, #tpu.memory_space<hbm>>
    %dma_wait3A_81 = tpu.memref_squeeze %dma_wait3A_80 : memref<1x32768xf32, #tpu.memory_space<hbm>> -> memref<32768xf32, #tpu.memory_space<hbm>>
    %dma_wait3A_82 = tpu.memref_slice %arg7[%dma_wait3A_79, %mul3A_66] : memref<4x2097152xf32, #tpu.memory_space<hbm>> -> memref<1x32768xf32, #tpu.memory_space<hbm>>
    %dma_wait3A_83 = tpu.memref_squeeze %dma_wait3A_82 : memref<1x32768xf32, #tpu.memory_space<hbm>> -> memref<32768xf32, #tpu.memory_space<hbm>>
    tpu.wait_dma2 semaphore(%arg20 : memref<!tpu.dma_semaphore, #tpu.memory_space<semaphore_mem>>) src(%arg9 : memref<32768xf32, #tpu.memory_space<vmem>>) dst(%dma_wait3A_83 : memref<32768xf32, #tpu.memory_space<hbm>>)
    %dma_wait3A_84 = arith.constant 1 : i32
    %dma_wait3A_85 = tpu.memref_slice %arg7[%dma_wait3A_84, %mul3A_73] : memref<4x2097152xf32, #tpu.memory_space<hbm>> -> memref<1x32768xf32, #tpu.memory_space<hbm>>
    %dma_wait3A_86 = tpu.memref_squeeze %dma_wait3A_85 : memref<1x32768xf32, #tpu.memory_space<hbm>> -> memref<32768xf32, #tpu.memory_space<hbm>>
    %dma_wait3A_87 = tpu.memref_slice %arg7[%dma_wait3A_84, %mul3A_73] : memref<4x2097152xf32, #tpu.memory_space<hbm>> -> memref<1x32768xf32, #tpu.memory_space<hbm>>
    %dma_wait3A_88 = tpu.memref_squeeze %dma_wait3A_87 : memref<1x32768xf32, #tpu.memory_space<hbm>> -> memref<32768xf32, #tpu.memory_space<hbm>>
    tpu.wait_dma2 semaphore(%arg21 : memref<!tpu.dma_semaphore, #tpu.memory_space<semaphore_mem>>) src(%arg10 : memref<32768xf32, #tpu.memory_space<vmem>>) dst(%dma_wait3A_88 : memref<32768xf32, #tpu.memory_space<hbm>>)
    %mul3A_89 = arith.constant 32768 : i32
    %mul3A_90 = arith.muli %add3A_31, %mul3A_89 : i32
    %dma_start3A_91 = arith.constant 2 : i32
    %dma_start3A_92 = tpu.memref_slice %arg2[%dma_start3A_91, %mul3A_90] : memref<4x2097152xf32, #tpu.memory_space<hbm>> -> memref<1x32768xf32, #tpu.memory_space<hbm>>
    %dma_start3A_93 = tpu.memref_squeeze %dma_start3A_92 : memref<1x32768xf32, #tpu.memory_space<hbm>> -> memref<32768xf32, #tpu.memory_space<hbm>>
    %dma_start3A_94 = tpu.memref_slice %arg2[%dma_start3A_91, %mul3A_90] : memref<4x2097152xf32, #tpu.memory_space<hbm>> -> memref<1x32768xf32, #tpu.memory_space<hbm>>
    %dma_start3A_95 = tpu.memref_squeeze %dma_start3A_94 : memref<1x32768xf32, #tpu.memory_space<hbm>> -> memref<32768xf32, #tpu.memory_space<hbm>>
    tpu.enqueue_dma source(%dma_start3A_95 : memref<32768xf32, #tpu.memory_space<hbm>>) target(%arg9 : memref<32768xf32, #tpu.memory_space<vmem>>) target_semaphore(%arg19 : memref<!tpu.dma_semaphore, #tpu.memory_space<semaphore_mem>>)
    %mul3A_96 = arith.constant 32768 : i32
    %mul3A_97 = arith.muli %add3A_31, %mul3A_96 : i32
    %dma_start3A_98 = arith.constant 3 : i32
    %dma_start3A_99 = tpu.memref_slice %arg2[%dma_start3A_98, %mul3A_97] : memref<4x2097152xf32, #tpu.memory_space<hbm>> -> memref<1x32768xf32, #tpu.memory_space<hbm>>
    %dma_start3A_100 = tpu.memref_squeeze %dma_start3A_99 : memref<1x32768xf32, #tpu.memory_space<hbm>> -> memref<32768xf32, #tpu.memory_space<hbm>>
    %dma_start3A_101 = tpu.memref_slice %arg2[%dma_start3A_98, %mul3A_97] : memref<4x2097152xf32, #tpu.memory_space<hbm>> -> memref<1x32768xf32, #tpu.memory_space<hbm>>
    %dma_start3A_102 = tpu.memref_squeeze %dma_start3A_101 : memref<1x32768xf32, #tpu.memory_space<hbm>> -> memref<32768xf32, #tpu.memory_space<hbm>>
    tpu.enqueue_dma source(%dma_start3A_102 : memref<32768xf32, #tpu.memory_space<hbm>>) target(%arg10 : memref<32768xf32, #tpu.memory_space<vmem>>) target_semaphore(%arg19 : memref<!tpu.dma_semaphore, #tpu.memory_space<semaphore_mem>>)
    %scan3A_103 = arith.constant 0 : i32
    %scan3A_104 = arith.constant 0 : i32
    %scan3A_105 = arith.constant 32 : i32
    %scan3A_106 = arith.addi %scan3A_104, %scan3A_105 : i32
    %scan3A_107 = arith.constant 1 : i32
    scf.for %scan3A_304 = %scan3A_104 to %scan3A_106 step %scan3A_107  : i32 {
      %mul3A_305 = arith.constant 2 : i32
      %mul3A_306 = arith.muli %mul3A_305, %scan3A_304 : i32
      %add3A_307 = arith.constant 1 : i32
      %add3A_308 = arith.addi %mul3A_306, %add3A_307 : i32
      %get3A = arith.index_cast %add3A_308 : i32 to index
      %get3A_309 = memref.load %arg16[%get3A] : memref<64xi32, #tpu.memory_space<smem>>
      %mul3A_310 = arith.constant 2 : i32
      %mul3A_311 = arith.muli %mul3A_310, %scan3A_304 : i32
      %get3A_312 = arith.index_cast %mul3A_311 : i32 to index
      %get3A_313 = memref.load %arg16[%get3A_312] : memref<64xi32, #tpu.memory_space<smem>>
      %add3A_314 = arith.addi %get3A_309, %get3A_313 : i32
      %add3A_315 = arith.constant 15 : i32
      %add3A_316 = arith.addi %add3A_314, %add3A_315 : i32
      %jit3A = arith.constant 16 : i32
      %div3A = arith.divsi %add3A_316, %jit3A : i32
      %sign3A = arith.constant 0 : i32
      %sign3A_317 = arith.cmpi sgt, %add3A_316, %sign3A : i32
      %sign3A_318 = arith.extui %sign3A_317 : i1 to i32
      %sign3A_319 = arith.constant 0 : i32
      %sign3A_320 = arith.cmpi slt, %add3A_316, %sign3A_319 : i32
      %sign3A_321 = arith.extui %sign3A_320 : i1 to i32
      %sign3A_322 = arith.subi %sign3A_318, %sign3A_321 : i32
      %sign3A_323 = arith.constant 0 : i32
      %sign3A_324 = arith.cmpi sgt, %jit3A, %sign3A_323 : i32
      %sign3A_325 = arith.extui %sign3A_324 : i1 to i32
      %sign3A_326 = arith.constant 0 : i32
      %sign3A_327 = arith.cmpi slt, %jit3A, %sign3A_326 : i32
      %sign3A_328 = arith.extui %sign3A_327 : i1 to i32
      %sign3A_329 = arith.subi %sign3A_325, %sign3A_328 : i32
      %ne3A = arith.cmpi ne, %sign3A_322, %sign3A_329 : i32
      %rem3A = arith.remsi %add3A_316, %jit3A : i32
      %ne3A_330 = arith.constant 0 : i32
      %ne3A_331 = arith.cmpi ne, %rem3A, %ne3A_330 : i32
      %and3A = arith.andi %ne3A, %ne3A_331 : i1
      %sub3A = arith.constant 1 : i32
      %sub3A_332 = arith.subi %div3A, %sub3A : i32
      %select_n3A = arith.select %and3A, %sub3A_332, %div3A : i32
      %while3A = arith.constant 0 : i32
      %while3A_333 = arith.constant 0 : i32
      %while3A_334 = arith.subi %select_n3A, %while3A_333 : i32
      %while3A_335 = arith.addi %while3A_333, %while3A_334 : i32
      %while3A_336 = arith.constant 1 : i32
      %while3A_337 = arith.divsi %while3A_334, %while3A_336 : i32
      %while3A_338 = arith.muli %while3A_337, %while3A_336 : i32
      %while3A_339 = arith.addi %while3A_333, %while3A_338 : i32
      %while3A_340 = arith.constant 1 : i32
      scf.for %while3A_342 = %while3A_333 to %while3A_339 step %while3A_340  : i32 {
        %mul3A_343 = arith.constant 16 : i32
        %mul3A_344 = arith.muli %while3A_342, %mul3A_343 : i32
        %add3A_345 = vector.broadcast %mul3A_344 : i32 to vector<16xi32>
        %add3A_346 = arith.addi %add3A_345, %iota3A : vector<16xi32>
        %ge3A = vector.broadcast %get3A_309 : i32 to vector<16xi32>
        %ge3A_347 = arith.cmpi sge, %add3A_346, %ge3A : vector<16xi32>
        %lt3A = vector.broadcast %add3A_314 : i32 to vector<16xi32>
        %lt3A_348 = arith.cmpi slt, %add3A_346, %lt3A : vector<16xi32>
        %and3A_349 = arith.andi %ge3A_347, %lt3A_348 : vector<16xi1>
        %mul3A_350 = arith.constant 256 : i32
        %mul3A_351 = arith.muli %scan3A_304, %mul3A_350 : i32
        %mul3A_352 = arith.constant 16 : i32
        %mul3A_353 = arith.muli %while3A_342, %mul3A_352 : i32
        %add3A_354 = arith.addi %mul3A_351, %mul3A_353 : i32
        %get3A_355 = arith.index_cast %add3A_354 : i32 to index
        %get3A_356 = tpu.vector_load %arg12[%get3A_355] {strides = array<i32>} : memref<8192xi32, #tpu.memory_space<vmem>>, vector<16xi32>,
        %and3A_357 = arith.constant 32767 : i32
        %and3A_358 = vector.broadcast %and3A_357 : i32 to vector<16xi32>
        %and3A_359 = arith.andi %get3A_356, %and3A_358 : vector<16xi32>
        %get3A_360 = arith.index_cast %add3A_354 : i32 to index
        %get3A_361 = tpu.vector_load %arg14[%get3A_360] {strides = array<i32>} : memref<8192xi32, #tpu.memory_space<vmem>>, vector<16xi32>,
        tpu.vector_store_idx %arg11[%and3A_359], %get3A_361 masked %and3A_349 : memref<32768xi32, #tpu.memory_space<vmem>>[vector<16xi32>], vector<16xi32>, vector<16xi1>
      }
      %while3A_341 = arith.constant 1 : i32
      scf.for %while3A_342 = %while3A_339 to %while3A_335 step %while3A_341  : i32 {
        %mul3A_343 = arith.constant 16 : i32
        %mul3A_344 = arith.muli %while3A_342, %mul3A_343 : i32
        %add3A_345 = vector.broadcast %mul3A_344 : i32 to vector<16xi32>
        %add3A_346 = arith.addi %add3A_345, %iota3A : vector<16xi32>
        %ge3A = vector.broadcast %get3A_309 : i32 to vector<16xi32>
        %ge3A_347 = arith.cmpi sge, %add3A_346, %ge3A : vector<16xi32>
        %lt3A = vector.broadcast %add3A_314 : i32 to vector<16xi32>
        %lt3A_348 = arith.cmpi slt, %add3A_346, %lt3A : vector<16xi32>
        %and3A_349 = arith.andi %ge3A_347, %lt3A_348 : vector<16xi1>
        %mul3A_350 = arith.constant 256 : i32
        %mul3A_351 = arith.muli %scan3A_304, %mul3A_350 : i32
        %mul3A_352 = arith.constant 16 : i32
        %mul3A_353 = arith.muli %while3A_342, %mul3A_352 : i32
        %add3A_354 = arith.addi %mul3A_351, %mul3A_353 : i32
        %get3A_355 = arith.index_cast %add3A_354 : i32 to index
        %get3A_356 = tpu.vector_load %arg12[%get3A_355] {strides = array<i32>} : memref<8192xi32, #tpu.memory_space<vmem>>, vector<16xi32>,
        %and3A_357 = arith.constant 32767 : i32
        %and3A_358 = vector.broadcast %and3A_357 : i32 to vector<16xi32>
        %and3A_359 = arith.andi %get3A_356, %and3A_358 : vector<16xi32>
        %get3A_360 = arith.index_cast %add3A_354 : i32 to index
        %get3A_361 = tpu.vector_load %arg14[%get3A_360] {strides = array<i32>} : memref<8192xi32, #tpu.memory_space<vmem>>, vector<16xi32>,
        tpu.vector_store_idx %arg11[%and3A_359], %get3A_361 masked %and3A_349 : memref<32768xi32, #tpu.memory_space<vmem>>[vector<16xi32>], vector<16xi32>, vector<16xi1>
      }
    }
    %scan3A_108 = arith.constant 32 : i32
    %dma_wait3A_109 = arith.constant 2 : i32
    %dma_wait3A_110 = tpu.memref_slice %arg2[%dma_wait3A_109, %mul3A_90] : memref<4x2097152xf32, #tpu.memory_space<hbm>> -> memref<1x32768xf32, #tpu.memory_space<hbm>>
    %dma_wait3A_111 = tpu.memref_squeeze %dma_wait3A_110 : memref<1x32768xf32, #tpu.memory_space<hbm>> -> memref<32768xf32, #tpu.memory_space<hbm>>
    %dma_wait3A_112 = tpu.memref_slice %arg2[%dma_wait3A_109, %mul3A_90] : memref<4x2097152xf32, #tpu.memory_space<hbm>> -> memref<1x32768xf32, #tpu.memory_space<hbm>>
    %dma_wait3A_113 = tpu.memref_squeeze %dma_wait3A_112 : memref<1x32768xf32, #tpu.memory_space<hbm>> -> memref<32768xf32, #tpu.memory_space<hbm>>
    tpu.wait_dma2 semaphore(%arg19 : memref<!tpu.dma_semaphore, #tpu.memory_space<semaphore_mem>>) src(%dma_wait3A_113 : memref<32768xf32, #tpu.memory_space<hbm>>) dst(%arg9 : memref<32768xf32, #tpu.memory_space<vmem>>)
    %dma_wait3A_114 = arith.constant 3 : i32
    %dma_wait3A_115 = tpu.memref_slice %arg2[%dma_wait3A_114, %mul3A_97] : memref<4x2097152xf32, #tpu.memory_space<hbm>> -> memref<1x32768xf32, #tpu.memory_space<hbm>>
    %dma_wait3A_116 = tpu.memref_squeeze %dma_wait3A_115 : memref<1x32768xf32, #tpu.memory_space<hbm>> -> memref<32768xf32, #tpu.memory_space<hbm>>
    %dma_wait3A_117 = tpu.memref_slice %arg2[%dma_wait3A_114, %mul3A_97] : memref<4x2097152xf32, #tpu.memory_space<hbm>> -> memref<1x32768xf32, #tpu.memory_space<hbm>>
    %dma_wait3A_118 = tpu.memref_squeeze %dma_wait3A_117 : memref<1x32768xf32, #tpu.memory_space<hbm>> -> memref<32768xf32, #tpu.memory_space<hbm>>
    tpu.wait_dma2 semaphore(%arg19 : memref<!tpu.dma_semaphore, #tpu.memory_space<semaphore_mem>>) src(%dma_wait3A_118 : memref<32768xf32, #tpu.memory_space<hbm>>) dst(%arg10 : memref<32768xf32, #tpu.memory_space<vmem>>)
    %scan3A_119 = arith.constant 0 : i32
    %scan3A_120 = arith.constant 256 : i32
    %scan3A_121 = arith.addi %scan3A_119, %scan3A_120 : i32
    %scan3A_122 = arith.constant 1 : i32
    %scan3A_123 = scf.for %scan3A_304 = %scan3A_119 to %scan3A_121 step %scan3A_122 iter_args(%scan3A_305 = %scan3A_63) -> (vector<16xf32>)  : i32 {
      %mul3A_306 = arith.constant 8 : i32
      %mul3A_307 = arith.muli %scan3A_304, %mul3A_306 : i32
      %add3A_308 = arith.constant 0 : i32
      %add3A_309 = arith.addi %mul3A_307, %add3A_308 : i32
      %mul3A_310 = arith.constant 16 : i32
      %mul3A_311 = arith.muli %add3A_309, %mul3A_310 : i32
      %get3A = arith.index_cast %mul3A_311 : i32 to index
      %get3A_312 = tpu.vector_load %arg11[%get3A] {strides = array<i32>} : memref<32768xi32, #tpu.memory_space<vmem>>, vector<16xi32>,
      %get3A_313 = arith.index_cast %mul3A_311 : i32 to index
      %get3A_314 = tpu.vector_load %arg9[%get3A_313] {strides = array<i32>} : memref<32768xf32, #tpu.memory_space<vmem>>, vector<16xf32>,
      %get3A_315 = arith.index_cast %mul3A_311 : i32 to index
      %get3A_316 = tpu.vector_load %arg10[%get3A_315] {strides = array<i32>} : memref<32768xf32, #tpu.memory_space<vmem>>, vector<16xf32>,
      %shift_left3A = arith.constant 16 : i32
      %shift_left3A_317 = vector.broadcast %shift_left3A : i32 to vector<16xi32>
      %shift_left3A_318 = arith.shli %get3A_312, %shift_left3A_317 : vector<16xi32>
      %and3A = arith.constant -65536 : i32
      %and3A_319 = vector.broadcast %and3A : i32 to vector<16xi32>
      %and3A_320 = arith.andi %get3A_312, %and3A_319 : vector<16xi32>
      %bitcast3A = vector.bitcast %shift_left3A_318 : vector<16xi32> to vector<16xf32>
      %bitcast3A_321 = vector.bitcast %and3A_320 : vector<16xi32> to vector<16xf32>
      %ne3A = arith.constant 0 : i32
      %ne3A_322 = vector.broadcast %ne3A : i32 to vector<16xi32>
      %ne3A_323 = arith.cmpi ne, %shift_left3A_318, %ne3A_322 : vector<16xi32>
      %mul3A_324 = arith.constant 0.899999976 : f32
      %mul3A_325 = vector.broadcast %mul3A_324 : f32 to vector<16xf32>
      %mul3A_326 = arith.mulf %get3A_314, %mul3A_325 : vector<16xf32>
      %max3A = arith.maximumf %mul3A_326, %bitcast3A : vector<16xf32>
      %select_n3A = arith.select %ne3A_323, %max3A, %get3A_314 : vector<16xi1>, vector<16xf32>
      %ne3A_327 = arith.constant 0 : i32
      %ne3A_328 = vector.broadcast %ne3A_327 : i32 to vector<16xi32>
      %ne3A_329 = arith.cmpi ne, %and3A_320, %ne3A_328 : vector<16xi32>
      %mul3A_330 = arith.constant 0.899999976 : f32
      %mul3A_331 = vector.broadcast %mul3A_330 : f32 to vector<16xf32>
      %mul3A_332 = arith.mulf %get3A_316, %mul3A_331 : vector<16xf32>
      %max3A_333 = arith.maximumf %mul3A_332, %bitcast3A_321 : vector<16xf32>
      %select_n3A_334 = arith.select %ne3A_329, %max3A_333, %get3A_316 : vector<16xi1>, vector<16xf32>
      %swap3A_335 = arith.index_cast %mul3A_311 : i32 to index
      %swap3A_336 = tpu.vector_load %arg9[%swap3A_335] {strides = array<i32>} : memref<32768xf32, #tpu.memory_space<vmem>>, vector<16xf32>,
      tpu.vector_store %arg9[%swap3A_335], %select_n3A {strides = array<i32>} : memref<32768xf32, #tpu.memory_space<vmem>>, vector<16xf32>,
      %swap3A_337 = arith.index_cast %mul3A_311 : i32 to index
      %swap3A_338 = tpu.vector_load %arg10[%swap3A_337] {strides = array<i32>} : memref<32768xf32, #tpu.memory_space<vmem>>, vector<16xf32>,
      tpu.vector_store %arg10[%swap3A_337], %select_n3A_334 {strides = array<i32>} : memref<32768xf32, #tpu.memory_space<vmem>>, vector<16xf32>,
      %add3A_339 = arith.addf %scan3A_305, %select_n3A : vector<16xf32>
      %add3A_340 = arith.addf %add3A_339, %select_n3A_334 : vector<16xf32>
      %mul3A_341 = arith.constant 8 : i32
      %mul3A_342 = arith.muli %scan3A_304, %mul3A_341 : i32
      %add3A_343 = arith.constant 1 : i32
      %add3A_344 = arith.addi %mul3A_342, %add3A_343 : i32
      %mul3A_345 = arith.constant 16 : i32
      %mul3A_346 = arith.muli %add3A_344, %mul3A_345 : i32
      %get3A_347 = arith.index_cast %mul3A_346 : i32 to index
      %get3A_348 = tpu.vector_load %arg11[%get3A_347] {strides = array<i32>} : memref<32768xi32, #tpu.memory_space<vmem>>, vector<16xi32>,
      %get3A_349 = arith.index_cast %mul3A_346 : i32 to index
      %get3A_350 = tpu.vector_load %arg9[%get3A_349] {strides = array<i32>} : memref<32768xf32, #tpu.memory_space<vmem>>, vector<16xf32>,
      %get3A_351 = arith.index_cast %mul3A_346 : i32 to index
      %get3A_352 = tpu.vector_load %arg10[%get3A_351] {strides = array<i32>} : memref<32768xf32, #tpu.memory_space<vmem>>, vector<16xf32>,
      %shift_left3A_353 = arith.constant 16 : i32
      %shift_left3A_354 = vector.broadcast %shift_left3A_353 : i32 to vector<16xi32>
      %shift_left3A_355 = arith.shli %get3A_348, %shift_left3A_354 : vector<16xi32>
      %and3A_356 = arith.constant -65536 : i32
      %and3A_357 = vector.broadcast %and3A_356 : i32 to vector<16xi32>
      %and3A_358 = arith.andi %get3A_348, %and3A_357 : vector<16xi32>
      %bitcast3A_359 = vector.bitcast %shift_left3A_355 : vector<16xi32> to vector<16xf32>
      %bitcast3A_360 = vector.bitcast %and3A_358 : vector<16xi32> to vector<16xf32>
      %ne3A_361 = arith.constant 0 : i32
      %ne3A_362 = vector.broadcast %ne3A_361 : i32 to vector<16xi32>
      %ne3A_363 = arith.cmpi ne, %shift_left3A_355, %ne3A_362 : vector<16xi32>
      %mul3A_364 = arith.constant 0.899999976 : f32
      %mul3A_365 = vector.broadcast %mul3A_364 : f32 to vector<16xf32>
      %mul3A_366 = arith.mulf %get3A_350, %mul3A_365 : vector<16xf32>
      %max3A_367 = arith.maximumf %mul3A_366, %bitcast3A_359 : vector<16xf32>
      %select_n3A_368 = arith.select %ne3A_363, %max3A_367, %get3A_350 : vector<16xi1>, vector<16xf32>
      %ne3A_369 = arith.constant 0 : i32
      %ne3A_370 = vector.broadcast %ne3A_369 : i32 to vector<16xi32>
      %ne3A_371 = arith.cmpi ne, %and3A_358, %ne3A_370 : vector<16xi32>
      %mul3A_372 = arith.constant 0.899999976 : f32
      %mul3A_373 = vector.broadcast %mul3A_372 : f32 to vector<16xf32>
      %mul3A_374 = arith.mulf %get3A_352, %mul3A_373 : vector<16xf32>
      %max3A_375 = arith.maximumf %mul3A_374, %bitcast3A_360 : vector<16xf32>
      %select_n3A_376 = arith.select %ne3A_371, %max3A_375, %get3A_352 : vector<16xi1>, vector<16xf32>
      %swap3A_377 = arith.index_cast %mul3A_346 : i32 to index
      %swap3A_378 = tpu.vector_load %arg9[%swap3A_377] {strides = array<i32>} : memref<32768xf32, #tpu.memory_space<vmem>>, vector<16xf32>,
      tpu.vector_store %arg9[%swap3A_377], %select_n3A_368 {strides = array<i32>} : memref<32768xf32, #tpu.memory_space<vmem>>, vector<16xf32>,
      %swap3A_379 = arith.index_cast %mul3A_346 : i32 to index
      %swap3A_380 = tpu.vector_load %arg10[%swap3A_379] {strides = array<i32>} : memref<32768xf32, #tpu.memory_space<vmem>>, vector<16xf32>,
      tpu.vector_store %arg10[%swap3A_379], %select_n3A_376 {strides = array<i32>} : memref<32768xf32, #tpu.memory_space<vmem>>, vector<16xf32>,
      %add3A_381 = arith.addf %add3A_340, %select_n3A_368 : vector<16xf32>
      %add3A_382 = arith.addf %add3A_381, %select_n3A_376 : vector<16xf32>
      %mul3A_383 = arith.constant 8 : i32
      %mul3A_384 = arith.muli %scan3A_304, %mul3A_383 : i32
      %add3A_385 = arith.constant 2 : i32
      %add3A_386 = arith.addi %mul3A_384, %add3A_385 : i32
      %mul3A_387 = arith.constant 16 : i32
      %mul3A_388 = arith.muli %add3A_386, %mul3A_387 : i32
      %get3A_389 = arith.index_cast %mul3A_388 : i32 to index
      %get3A_390 = tpu.vector_load %arg11[%get3A_389] {strides = array<i32>} : memref<32768xi32, #tpu.memory_space<vmem>>, vector<16xi32>,
      %get3A_391 = arith.index_cast %mul3A_388 : i32 to index
      %get3A_392 = tpu.vector_load %arg9[%get3A_391] {strides = array<i32>} : memref<32768xf32, #tpu.memory_space<vmem>>, vector<16xf32>,
      %get3A_393 = arith.index_cast %mul3A_388 : i32 to index
      %get3A_394 = tpu.vector_load %arg10[%get3A_393] {strides = array<i32>} : memref<32768xf32, #tpu.memory_space<vmem>>, vector<16xf32>,
      %shift_left3A_395 = arith.constant 16 : i32
      %shift_left3A_396 = vector.broadcast %shift_left3A_395 : i32 to vector<16xi32>
      %shift_left3A_397 = arith.shli %get3A_390, %shift_left3A_396 : vector<16xi32>
      %and3A_398 = arith.constant -65536 : i32
      %and3A_399 = vector.broadcast %and3A_398 : i32 to vector<16xi32>
      %and3A_400 = arith.andi %get3A_390, %and3A_399 : vector<16xi32>
      %bitcast3A_401 = vector.bitcast %shift_left3A_397 : vector<16xi32> to vector<16xf32>
      %bitcast3A_402 = vector.bitcast %and3A_400 : vector<16xi32> to vector<16xf32>
      %ne3A_403 = arith.constant 0 : i32
      %ne3A_404 = vector.broadcast %ne3A_403 : i32 to vector<16xi32>
      %ne3A_405 = arith.cmpi ne, %shift_left3A_397, %ne3A_404 : vector<16xi32>
      %mul3A_406 = arith.constant 0.899999976 : f32
      %mul3A_407 = vector.broadcast %mul3A_406 : f32 to vector<16xf32>
      %mul3A_408 = arith.mulf %get3A_392, %mul3A_407 : vector<16xf32>
      %max3A_409 = arith.maximumf %mul3A_408, %bitcast3A_401 : vector<16xf32>
      %select_n3A_410 = arith.select %ne3A_405, %max3A_409, %get3A_392 : vector<16xi1>, vector<16xf32>
      %ne3A_411 = arith.constant 0 : i32
      %ne3A_412 = vector.broadcast %ne3A_411 : i32 to vector<16xi32>
      %ne3A_413 = arith.cmpi ne, %and3A_400, %ne3A_412 : vector<16xi32>
      %mul3A_414 = arith.constant 0.899999976 : f32
      %mul3A_415 = vector.broadcast %mul3A_414 : f32 to vector<16xf32>
      %mul3A_416 = arith.mulf %get3A_394, %mul3A_415 : vector<16xf32>
      %max3A_417 = arith.maximumf %mul3A_416, %bitcast3A_402 : vector<16xf32>
      %select_n3A_418 = arith.select %ne3A_413, %max3A_417, %get3A_394 : vector<16xi1>, vector<16xf32>
      %swap3A_419 = arith.index_cast %mul3A_388 : i32 to index
      %swap3A_420 = tpu.vector_load %arg9[%swap3A_419] {strides = array<i32>} : memref<32768xf32, #tpu.memory_space<vmem>>, vector<16xf32>,
      tpu.vector_store %arg9[%swap3A_419], %select_n3A_410 {strides = array<i32>} : memref<32768xf32, #tpu.memory_space<vmem>>, vector<16xf32>,
      %swap3A_421 = arith.index_cast %mul3A_388 : i32 to index
      %swap3A_422 = tpu.vector_load %arg10[%swap3A_421] {strides = array<i32>} : memref<32768xf32, #tpu.memory_space<vmem>>, vector<16xf32>,
      tpu.vector_store %arg10[%swap3A_421], %select_n3A_418 {strides = array<i32>} : memref<32768xf32, #tpu.memory_space<vmem>>, vector<16xf32>,
      %add3A_423 = arith.addf %add3A_382, %select_n3A_410 : vector<16xf32>
      %add3A_424 = arith.addf %add3A_423, %select_n3A_418 : vector<16xf32>
      %mul3A_425 = arith.constant 8 : i32
      %mul3A_426 = arith.muli %scan3A_304, %mul3A_425 : i32
      %add3A_427 = arith.constant 3 : i32
      %add3A_428 = arith.addi %mul3A_426, %add3A_427 : i32
      %mul3A_429 = arith.constant 16 : i32
      %mul3A_430 = arith.muli %add3A_428, %mul3A_429 : i32
      %get3A_431 = arith.index_cast %mul3A_430 : i32 to index
      %get3A_432 = tpu.vector_load %arg11[%get3A_431] {strides = array<i32>} : memref<32768xi32, #tpu.memory_space<vmem>>, vector<16xi32>,
      %get3A_433 = arith.index_cast %mul3A_430 : i32 to index
      %get3A_434 = tpu.vector_load %arg9[%get3A_433] {strides = array<i32>} : memref<32768xf32, #tpu.memory_space<vmem>>, vector<16xf32>,
      %get3A_435 = arith.index_cast %mul3A_430 : i32 to index
      %get3A_436 = tpu.vector_load %arg10[%get3A_435] {strides = array<i32>} : memref<32768xf32, #tpu.memory_space<vmem>>, vector<16xf32>,
      %shift_left3A_437 = arith.constant 16 : i32
      %shift_left3A_438 = vector.broadcast %shift_left3A_437 : i32 to vector<16xi32>
      %shift_left3A_439 = arith.shli %get3A_432, %shift_left3A_438 : vector<16xi32>
      %and3A_440 = arith.constant -65536 : i32
      %and3A_441 = vector.broadcast %and3A_440 : i32 to vector<16xi32>
      %and3A_442 = arith.andi %get3A_432, %and3A_441 : vector<16xi32>
      %bitcast3A_443 = vector.bitcast %shift_left3A_439 : vector<16xi32> to vector<16xf32>
      %bitcast3A_444 = vector.bitcast %and3A_442 : vector<16xi32> to vector<16xf32>
      %ne3A_445 = arith.constant 0 : i32
      %ne3A_446 = vector.broadcast %ne3A_445 : i32 to vector<16xi32>
      %ne3A_447 = arith.cmpi ne, %shift_left3A_439, %ne3A_446 : vector<16xi32>
      %mul3A_448 = arith.constant 0.899999976 : f32
      %mul3A_449 = vector.broadcast %mul3A_448 : f32 to vector<16xf32>
      %mul3A_450 = arith.mulf %get3A_434, %mul3A_449 : vector<16xf32>
      %max3A_451 = arith.maximumf %mul3A_450, %bitcast3A_443 : vector<16xf32>
      %select_n3A_452 = arith.select %ne3A_447, %max3A_451, %get3A_434 : vector<16xi1>, vector<16xf32>
      %ne3A_453 = arith.constant 0 : i32
      %ne3A_454 = vector.broadcast %ne3A_453 : i32 to vector<16xi32>
      %ne3A_455 = arith.cmpi ne, %and3A_442, %ne3A_454 : vector<16xi32>
      %mul3A_456 = arith.constant 0.899999976 : f32
      %mul3A_457 = vector.broadcast %mul3A_456 : f32 to vector<16xf32>
      %mul3A_458 = arith.mulf %get3A_436, %mul3A_457 : vector<16xf32>
      %max3A_459 = arith.maximumf %mul3A_458, %bitcast3A_444 : vector<16xf32>
      %select_n3A_460 = arith.select %ne3A_455, %max3A_459, %get3A_436 : vector<16xi1>, vector<16xf32>
      %swap3A_461 = arith.index_cast %mul3A_430 : i32 to index
      %swap3A_462 = tpu.vector_load %arg9[%swap3A_461] {strides = array<i32>} : memref<32768xf32, #tpu.memory_space<vmem>>, vector<16xf32>,
      tpu.vector_store %arg9[%swap3A_461], %select_n3A_452 {strides = array<i32>} : memref<32768xf32, #tpu.memory_space<vmem>>, vector<16xf32>,
      %swap3A_463 = arith.index_cast %mul3A_430 : i32 to index
      %swap3A_464 = tpu.vector_load %arg10[%swap3A_463] {strides = array<i32>} : memref<32768xf32, #tpu.memory_space<vmem>>, vector<16xf32>,
      tpu.vector_store %arg10[%swap3A_463], %select_n3A_460 {strides = array<i32>} : memref<32768xf32, #tpu.memory_space<vmem>>, vector<16xf32>,
      %add3A_465 = arith.addf %add3A_424, %select_n3A_452 : vector<16xf32>
      %add3A_466 = arith.addf %add3A_465, %select_n3A_460 : vector<16xf32>
      %mul3A_467 = arith.constant 8 : i32
      %mul3A_468 = arith.muli %scan3A_304, %mul3A_467 : i32
      %add3A_469 = arith.constant 4 : i32
      %add3A_470 = arith.addi %mul3A_468, %add3A_469 : i32
      %mul3A_471 = arith.constant 16 : i32
      %mul3A_472 = arith.muli %add3A_470, %mul3A_471 : i32
      %get3A_473 = arith.index_cast %mul3A_472 : i32 to index
      %get3A_474 = tpu.vector_load %arg11[%get3A_473] {strides = array<i32>} : memref<32768xi32, #tpu.memory_space<vmem>>, vector<16xi32>,
      %get3A_475 = arith.index_cast %mul3A_472 : i32 to index
      %get3A_476 = tpu.vector_load %arg9[%get3A_475] {strides = array<i32>} : memref<32768xf32, #tpu.memory_space<vmem>>, vector<16xf32>,
      %get3A_477 = arith.index_cast %mul3A_472 : i32 to index
      %get3A_478 = tpu.vector_load %arg10[%get3A_477] {strides = array<i32>} : memref<32768xf32, #tpu.memory_space<vmem>>, vector<16xf32>,
      %shift_left3A_479 = arith.constant 16 : i32
      %shift_left3A_480 = vector.broadcast %shift_left3A_479 : i32 to vector<16xi32>
      %shift_left3A_481 = arith.shli %get3A_474, %shift_left3A_480 : vector<16xi32>
      %and3A_482 = arith.constant -65536 : i32
      %and3A_483 = vector.broadcast %and3A_482 : i32 to vector<16xi32>
      %and3A_484 = arith.andi %get3A_474, %and3A_483 : vector<16xi32>
      %bitcast3A_485 = vector.bitcast %shift_left3A_481 : vector<16xi32> to vector<16xf32>
      %bitcast3A_486 = vector.bitcast %and3A_484 : vector<16xi32> to vector<16xf32>
      %ne3A_487 = arith.constant 0 : i32
      %ne3A_488 = vector.broadcast %ne3A_487 : i32 to vector<16xi32>
      %ne3A_489 = arith.cmpi ne, %shift_left3A_481, %ne3A_488 : vector<16xi32>
      %mul3A_490 = arith.constant 0.899999976 : f32
      %mul3A_491 = vector.broadcast %mul3A_490 : f32 to vector<16xf32>
      %mul3A_492 = arith.mulf %get3A_476, %mul3A_491 : vector<16xf32>
      %max3A_493 = arith.maximumf %mul3A_492, %bitcast3A_485 : vector<16xf32>
      %select_n3A_494 = arith.select %ne3A_489, %max3A_493, %get3A_476 : vector<16xi1>, vector<16xf32>
      %ne3A_495 = arith.constant 0 : i32
      %ne3A_496 = vector.broadcast %ne3A_495 : i32 to vector<16xi32>
      %ne3A_497 = arith.cmpi ne, %and3A_484, %ne3A_496 : vector<16xi32>
      %mul3A_498 = arith.constant 0.899999976 : f32
      %mul3A_499 = vector.broadcast %mul3A_498 : f32 to vector<16xf32>
      %mul3A_500 = arith.mulf %get3A_478, %mul3A_499 : vector<16xf32>
      %max3A_501 = arith.maximumf %mul3A_500, %bitcast3A_486 : vector<16xf32>
      %select_n3A_502 = arith.select %ne3A_497, %max3A_501, %get3A_478 : vector<16xi1>, vector<16xf32>
      %swap3A_503 = arith.index_cast %mul3A_472 : i32 to index
      %swap3A_504 = tpu.vector_load %arg9[%swap3A_503] {strides = array<i32>} : memref<32768xf32, #tpu.memory_space<vmem>>, vector<16xf32>,
      tpu.vector_store %arg9[%swap3A_503], %select_n3A_494 {strides = array<i32>} : memref<32768xf32, #tpu.memory_space<vmem>>, vector<16xf32>,
      %swap3A_505 = arith.index_cast %mul3A_472 : i32 to index
      %swap3A_506 = tpu.vector_load %arg10[%swap3A_505] {strides = array<i32>} : memref<32768xf32, #tpu.memory_space<vmem>>, vector<16xf32>,
      tpu.vector_store %arg10[%swap3A_505], %select_n3A_502 {strides = array<i32>} : memref<32768xf32, #tpu.memory_space<vmem>>, vector<16xf32>,
      %add3A_507 = arith.addf %add3A_466, %select_n3A_494 : vector<16xf32>
      %add3A_508 = arith.addf %add3A_507, %select_n3A_502 : vector<16xf32>
      %mul3A_509 = arith.constant 8 : i32
      %mul3A_510 = arith.muli %scan3A_304, %mul3A_509 : i32
      %add3A_511 = arith.constant 5 : i32
      %add3A_512 = arith.addi %mul3A_510, %add3A_511 : i32
      %mul3A_513 = arith.constant 16 : i32
      %mul3A_514 = arith.muli %add3A_512, %mul3A_513 : i32
      %get3A_515 = arith.index_cast %mul3A_514 : i32 to index
      %get3A_516 = tpu.vector_load %arg11[%get3A_515] {strides = array<i32>} : memref<32768xi32, #tpu.memory_space<vmem>>, vector<16xi32>,
      %get3A_517 = arith.index_cast %mul3A_514 : i32 to index
      %get3A_518 = tpu.vector_load %arg9[%get3A_517] {strides = array<i32>} : memref<32768xf32, #tpu.memory_space<vmem>>, vector<16xf32>,
      %get3A_519 = arith.index_cast %mul3A_514 : i32 to index
      %get3A_520 = tpu.vector_load %arg10[%get3A_519] {strides = array<i32>} : memref<32768xf32, #tpu.memory_space<vmem>>, vector<16xf32>,
      %shift_left3A_521 = arith.constant 16 : i32
      %shift_left3A_522 = vector.broadcast %shift_left3A_521 : i32 to vector<16xi32>
      %shift_left3A_523 = arith.shli %get3A_516, %shift_left3A_522 : vector<16xi32>
      %and3A_524 = arith.constant -65536 : i32
      %and3A_525 = vector.broadcast %and3A_524 : i32 to vector<16xi32>
      %and3A_526 = arith.andi %get3A_516, %and3A_525 : vector<16xi32>
      %bitcast3A_527 = vector.bitcast %shift_left3A_523 : vector<16xi32> to vector<16xf32>
      %bitcast3A_528 = vector.bitcast %and3A_526 : vector<16xi32> to vector<16xf32>
      %ne3A_529 = arith.constant 0 : i32
      %ne3A_530 = vector.broadcast %ne3A_529 : i32 to vector<16xi32>
      %ne3A_531 = arith.cmpi ne, %shift_left3A_523, %ne3A_530 : vector<16xi32>
      %mul3A_532 = arith.constant 0.899999976 : f32
      %mul3A_533 = vector.broadcast %mul3A_532 : f32 to vector<16xf32>
      %mul3A_534 = arith.mulf %get3A_518, %mul3A_533 : vector<16xf32>
      %max3A_535 = arith.maximumf %mul3A_534, %bitcast3A_527 : vector<16xf32>
      %select_n3A_536 = arith.select %ne3A_531, %max3A_535, %get3A_518 : vector<16xi1>, vector<16xf32>
      %ne3A_537 = arith.constant 0 : i32
      %ne3A_538 = vector.broadcast %ne3A_537 : i32 to vector<16xi32>
      %ne3A_539 = arith.cmpi ne, %and3A_526, %ne3A_538 : vector<16xi32>
      %mul3A_540 = arith.constant 0.899999976 : f32
      %mul3A_541 = vector.broadcast %mul3A_540 : f32 to vector<16xf32>
      %mul3A_542 = arith.mulf %get3A_520, %mul3A_541 : vector<16xf32>
      %max3A_543 = arith.maximumf %mul3A_542, %bitcast3A_528 : vector<16xf32>
      %select_n3A_544 = arith.select %ne3A_539, %max3A_543, %get3A_520 : vector<16xi1>, vector<16xf32>
      %swap3A_545 = arith.index_cast %mul3A_514 : i32 to index
      %swap3A_546 = tpu.vector_load %arg9[%swap3A_545] {strides = array<i32>} : memref<32768xf32, #tpu.memory_space<vmem>>, vector<16xf32>,
      tpu.vector_store %arg9[%swap3A_545], %select_n3A_536 {strides = array<i32>} : memref<32768xf32, #tpu.memory_space<vmem>>, vector<16xf32>,
      %swap3A_547 = arith.index_cast %mul3A_514 : i32 to index
      %swap3A_548 = tpu.vector_load %arg10[%swap3A_547] {strides = array<i32>} : memref<32768xf32, #tpu.memory_space<vmem>>, vector<16xf32>,
      tpu.vector_store %arg10[%swap3A_547], %select_n3A_544 {strides = array<i32>} : memref<32768xf32, #tpu.memory_space<vmem>>, vector<16xf32>,
      %add3A_549 = arith.addf %add3A_508, %select_n3A_536 : vector<16xf32>
      %add3A_550 = arith.addf %add3A_549, %select_n3A_544 : vector<16xf32>
      %mul3A_551 = arith.constant 8 : i32
      %mul3A_552 = arith.muli %scan3A_304, %mul3A_551 : i32
      %add3A_553 = arith.constant 6 : i32
      %add3A_554 = arith.addi %mul3A_552, %add3A_553 : i32
      %mul3A_555 = arith.constant 16 : i32
      %mul3A_556 = arith.muli %add3A_554, %mul3A_555 : i32
      %get3A_557 = arith.index_cast %mul3A_556 : i32 to index
      %get3A_558 = tpu.vector_load %arg11[%get3A_557] {strides = array<i32>} : memref<32768xi32, #tpu.memory_space<vmem>>, vector<16xi32>,
      %get3A_559 = arith.index_cast %mul3A_556 : i32 to index
      %get3A_560 = tpu.vector_load %arg9[%get3A_559] {strides = array<i32>} : memref<32768xf32, #tpu.memory_space<vmem>>, vector<16xf32>,
      %get3A_561 = arith.index_cast %mul3A_556 : i32 to index
      %get3A_562 = tpu.vector_load %arg10[%get3A_561] {strides = array<i32>} : memref<32768xf32, #tpu.memory_space<vmem>>, vector<16xf32>,
      %shift_left3A_563 = arith.constant 16 : i32
      %shift_left3A_564 = vector.broadcast %shift_left3A_563 : i32 to vector<16xi32>
      %shift_left3A_565 = arith.shli %get3A_558, %shift_left3A_564 : vector<16xi32>
      %and3A_566 = arith.constant -65536 : i32
      %and3A_567 = vector.broadcast %and3A_566 : i32 to vector<16xi32>
      %and3A_568 = arith.andi %get3A_558, %and3A_567 : vector<16xi32>
      %bitcast3A_569 = vector.bitcast %shift_left3A_565 : vector<16xi32> to vector<16xf32>
      %bitcast3A_570 = vector.bitcast %and3A_568 : vector<16xi32> to vector<16xf32>
      %ne3A_571 = arith.constant 0 : i32
      %ne3A_572 = vector.broadcast %ne3A_571 : i32 to vector<16xi32>
      %ne3A_573 = arith.cmpi ne, %shift_left3A_565, %ne3A_572 : vector<16xi32>
      %mul3A_574 = arith.constant 0.899999976 : f32
      %mul3A_575 = vector.broadcast %mul3A_574 : f32 to vector<16xf32>
      %mul3A_576 = arith.mulf %get3A_560, %mul3A_575 : vector<16xf32>
      %max3A_577 = arith.maximumf %mul3A_576, %bitcast3A_569 : vector<16xf32>
      %select_n3A_578 = arith.select %ne3A_573, %max3A_577, %get3A_560 : vector<16xi1>, vector<16xf32>
      %ne3A_579 = arith.constant 0 : i32
      %ne3A_580 = vector.broadcast %ne3A_579 : i32 to vector<16xi32>
      %ne3A_581 = arith.cmpi ne, %and3A_568, %ne3A_580 : vector<16xi32>
      %mul3A_582 = arith.constant 0.899999976 : f32
      %mul3A_583 = vector.broadcast %mul3A_582 : f32 to vector<16xf32>
      %mul3A_584 = arith.mulf %get3A_562, %mul3A_583 : vector<16xf32>
      %max3A_585 = arith.maximumf %mul3A_584, %bitcast3A_570 : vector<16xf32>
      %select_n3A_586 = arith.select %ne3A_581, %max3A_585, %get3A_562 : vector<16xi1>, vector<16xf32>
      %swap3A_587 = arith.index_cast %mul3A_556 : i32 to index
      %swap3A_588 = tpu.vector_load %arg9[%swap3A_587] {strides = array<i32>} : memref<32768xf32, #tpu.memory_space<vmem>>, vector<16xf32>,
      tpu.vector_store %arg9[%swap3A_587], %select_n3A_578 {strides = array<i32>} : memref<32768xf32, #tpu.memory_space<vmem>>, vector<16xf32>,
      %swap3A_589 = arith.index_cast %mul3A_556 : i32 to index
      %swap3A_590 = tpu.vector_load %arg10[%swap3A_589] {strides = array<i32>} : memref<32768xf32, #tpu.memory_space<vmem>>, vector<16xf32>,
      tpu.vector_store %arg10[%swap3A_589], %select_n3A_586 {strides = array<i32>} : memref<32768xf32, #tpu.memory_space<vmem>>, vector<16xf32>,
      %add3A_591 = arith.addf %add3A_550, %select_n3A_578 : vector<16xf32>
      %add3A_592 = arith.addf %add3A_591, %select_n3A_586 : vector<16xf32>
      %mul3A_593 = arith.constant 8 : i32
      %mul3A_594 = arith.muli %scan3A_304, %mul3A_593 : i32
      %add3A_595 = arith.constant 7 : i32
      %add3A_596 = arith.addi %mul3A_594, %add3A_595 : i32
      %mul3A_597 = arith.constant 16 : i32
      %mul3A_598 = arith.muli %add3A_596, %mul3A_597 : i32
      %get3A_599 = arith.index_cast %mul3A_598 : i32 to index
      %get3A_600 = tpu.vector_load %arg11[%get3A_599] {strides = array<i32>} : memref<32768xi32, #tpu.memory_space<vmem>>, vector<16xi32>,
      %get3A_601 = arith.index_cast %mul3A_598 : i32 to index
      %get3A_602 = tpu.vector_load %arg9[%get3A_601] {strides = array<i32>} : memref<32768xf32, #tpu.memory_space<vmem>>, vector<16xf32>,
      %get3A_603 = arith.index_cast %mul3A_598 : i32 to index
      %get3A_604 = tpu.vector_load %arg10[%get3A_603] {strides = array<i32>} : memref<32768xf32, #tpu.memory_space<vmem>>, vector<16xf32>,
      %shift_left3A_605 = arith.constant 16 : i32
      %shift_left3A_606 = vector.broadcast %shift_left3A_605 : i32 to vector<16xi32>
      %shift_left3A_607 = arith.shli %get3A_600, %shift_left3A_606 : vector<16xi32>
      %and3A_608 = arith.constant -65536 : i32
      %and3A_609 = vector.broadcast %and3A_608 : i32 to vector<16xi32>
      %and3A_610 = arith.andi %get3A_600, %and3A_609 : vector<16xi32>
      %bitcast3A_611 = vector.bitcast %shift_left3A_607 : vector<16xi32> to vector<16xf32>
      %bitcast3A_612 = vector.bitcast %and3A_610 : vector<16xi32> to vector<16xf32>
      %ne3A_613 = arith.constant 0 : i32
      %ne3A_614 = vector.broadcast %ne3A_613 : i32 to vector<16xi32>
      %ne3A_615 = arith.cmpi ne, %shift_left3A_607, %ne3A_614 : vector<16xi32>
      %mul3A_616 = arith.constant 0.899999976 : f32
      %mul3A_617 = vector.broadcast %mul3A_616 : f32 to vector<16xf32>
      %mul3A_618 = arith.mulf %get3A_602, %mul3A_617 : vector<16xf32>
      %max3A_619 = arith.maximumf %mul3A_618, %bitcast3A_611 : vector<16xf32>
      %select_n3A_620 = arith.select %ne3A_615, %max3A_619, %get3A_602 : vector<16xi1>, vector<16xf32>
      %ne3A_621 = arith.constant 0 : i32
      %ne3A_622 = vector.broadcast %ne3A_621 : i32 to vector<16xi32>
      %ne3A_623 = arith.cmpi ne, %and3A_610, %ne3A_622 : vector<16xi32>
      %mul3A_624 = arith.constant 0.899999976 : f32
      %mul3A_625 = vector.broadcast %mul3A_624 : f32 to vector<16xf32>
      %mul3A_626 = arith.mulf %get3A_604, %mul3A_625 : vector<16xf32>
      %max3A_627 = arith.maximumf %mul3A_626, %bitcast3A_612 : vector<16xf32>
      %select_n3A_628 = arith.select %ne3A_623, %max3A_627, %get3A_604 : vector<16xi1>, vector<16xf32>
      %swap3A_629 = arith.index_cast %mul3A_598 : i32 to index
      %swap3A_630 = tpu.vector_load %arg9[%swap3A_629] {strides = array<i32>} : memref<32768xf32, #tpu.memory_space<vmem>>, vector<16xf32>,
      tpu.vector_store %arg9[%swap3A_629], %select_n3A_620 {strides = array<i32>} : memref<32768xf32, #tpu.memory_space<vmem>>, vector<16xf32>,
      %swap3A_631 = arith.index_cast %mul3A_598 : i32 to index
      %swap3A_632 = tpu.vector_load %arg10[%swap3A_631] {strides = array<i32>} : memref<32768xf32, #tpu.memory_space<vmem>>, vector<16xf32>,
      tpu.vector_store %arg10[%swap3A_631], %select_n3A_628 {strides = array<i32>} : memref<32768xf32, #tpu.memory_space<vmem>>, vector<16xf32>,
      %add3A_633 = arith.addf %add3A_592, %select_n3A_620 : vector<16xf32>
      %add3A_634 = arith.addf %add3A_633, %select_n3A_628 : vector<16xf32>
      scf.yield %add3A_634 : vector<16xf32>
    }
    %scan3A_124 = arith.constant 256 : i32
    %mul3A_125 = arith.constant 32768 : i32
    %mul3A_126 = arith.muli %add3A_31, %mul3A_125 : i32
    %dma_start3A_127 = arith.constant 2 : i32
    %dma_start3A_128 = tpu.memref_slice %arg7[%dma_start3A_127, %mul3A_126] : memref<4x2097152xf32, #tpu.memory_space<hbm>> -> memref<1x32768xf32, #tpu.memory_space<hbm>>
    %dma_start3A_129 = tpu.memref_squeeze %dma_start3A_128 : memref<1x32768xf32, #tpu.memory_space<hbm>> -> memref<32768xf32, #tpu.memory_space<hbm>>
    %dma_start3A_130 = tpu.memref_slice %arg7[%dma_start3A_127, %mul3A_126] : memref<4x2097152xf32, #tpu.memory_space<hbm>> -> memref<1x32768xf32, #tpu.memory_space<hbm>>
    %dma_start3A_131 = tpu.memref_squeeze %dma_start3A_130 : memref<1x32768xf32, #tpu.memory_space<hbm>> -> memref<32768xf32, #tpu.memory_space<hbm>>
    tpu.enqueue_dma source(%arg9 : memref<32768xf32, #tpu.memory_space<vmem>>) target(%dma_start3A_131 : memref<32768xf32, #tpu.memory_space<hbm>>) target_semaphore(%arg20 : memref<!tpu.dma_semaphore, #tpu.memory_space<semaphore_mem>>)
    %mul3A_132 = arith.constant 32768 : i32
    %mul3A_133 = arith.muli %add3A_31, %mul3A_132 : i32
    %dma_start3A_134 = arith.constant 3 : i32
    %dma_start3A_135 = tpu.memref_slice %arg7[%dma_start3A_134, %mul3A_133] : memref<4x2097152xf32, #tpu.memory_space<hbm>> -> memref<1x32768xf32, #tpu.memory_space<hbm>>
    %dma_start3A_136 = tpu.memref_squeeze %dma_start3A_135 : memref<1x32768xf32, #tpu.memory_space<hbm>> -> memref<32768xf32, #tpu.memory_space<hbm>>
    %dma_start3A_137 = tpu.memref_slice %arg7[%dma_start3A_134, %mul3A_133] : memref<4x2097152xf32, #tpu.memory_space<hbm>> -> memref<1x32768xf32, #tpu.memory_space<hbm>>
    %dma_start3A_138 = tpu.memref_squeeze %dma_start3A_137 : memref<1x32768xf32, #tpu.memory_space<hbm>> -> memref<32768xf32, #tpu.memory_space<hbm>>
    tpu.enqueue_dma source(%arg10 : memref<32768xf32, #tpu.memory_space<vmem>>) target(%dma_start3A_138 : memref<32768xf32, #tpu.memory_space<hbm>>) target_semaphore(%arg21 : memref<!tpu.dma_semaphore, #tpu.memory_space<semaphore_mem>>)
    %scan3A_139 = arith.constant 0 : i32
    %scan3A_140 = arith.constant 0 : i32
    %scan3A_141 = arith.constant 32 : i32
    %scan3A_142 = arith.addi %scan3A_140, %scan3A_141 : i32
    %scan3A_143 = arith.constant 1 : i32
    scf.for %scan3A_304 = %scan3A_140 to %scan3A_142 step %scan3A_143  : i32 {
      %mul3A_305 = arith.constant 2 : i32
      %mul3A_306 = arith.muli %mul3A_305, %scan3A_304 : i32
      %add3A_307 = arith.constant 1 : i32
      %add3A_308 = arith.addi %mul3A_306, %add3A_307 : i32
      %get3A = arith.index_cast %add3A_308 : i32 to index
      %get3A_309 = memref.load %arg16[%get3A] : memref<64xi32, #tpu.memory_space<smem>>
      %mul3A_310 = arith.constant 2 : i32
      %mul3A_311 = arith.muli %mul3A_310, %scan3A_304 : i32
      %get3A_312 = arith.index_cast %mul3A_311 : i32 to index
      %get3A_313 = memref.load %arg16[%get3A_312] : memref<64xi32, #tpu.memory_space<smem>>
      %add3A_314 = arith.addi %get3A_309, %get3A_313 : i32
      %add3A_315 = arith.constant 15 : i32
      %add3A_316 = arith.addi %add3A_314, %add3A_315 : i32
      %jit3A = arith.constant 16 : i32
      %div3A = arith.divsi %add3A_316, %jit3A : i32
      %sign3A = arith.constant 0 : i32
      %sign3A_317 = arith.cmpi sgt, %add3A_316, %sign3A : i32
      %sign3A_318 = arith.extui %sign3A_317 : i1 to i32
      %sign3A_319 = arith.constant 0 : i32
      %sign3A_320 = arith.cmpi slt, %add3A_316, %sign3A_319 : i32
      %sign3A_321 = arith.extui %sign3A_320 : i1 to i32
      %sign3A_322 = arith.subi %sign3A_318, %sign3A_321 : i32
      %sign3A_323 = arith.constant 0 : i32
      %sign3A_324 = arith.cmpi sgt, %jit3A, %sign3A_323 : i32
      %sign3A_325 = arith.extui %sign3A_324 : i1 to i32
      %sign3A_326 = arith.constant 0 : i32
      %sign3A_327 = arith.cmpi slt, %jit3A, %sign3A_326 : i32
      %sign3A_328 = arith.extui %sign3A_327 : i1 to i32
      %sign3A_329 = arith.subi %sign3A_325, %sign3A_328 : i32
      %ne3A = arith.cmpi ne, %sign3A_322, %sign3A_329 : i32
      %rem3A = arith.remsi %add3A_316, %jit3A : i32
      %ne3A_330 = arith.constant 0 : i32
      %ne3A_331 = arith.cmpi ne, %rem3A, %ne3A_330 : i32
      %and3A = arith.andi %ne3A, %ne3A_331 : i1
      %sub3A = arith.constant 1 : i32
      %sub3A_332 = arith.subi %div3A, %sub3A : i32
      %select_n3A = arith.select %and3A, %sub3A_332, %div3A : i32
      %while3A = arith.constant 0 : i32
      %while3A_333 = arith.constant 0 : i32
      %while3A_334 = arith.subi %select_n3A, %while3A_333 : i32
      %while3A_335 = arith.addi %while3A_333, %while3A_334 : i32
      %while3A_336 = arith.constant 1 : i32
      %while3A_337 = arith.divsi %while3A_334, %while3A_336 : i32
      %while3A_338 = arith.muli %while3A_337, %while3A_336 : i32
      %while3A_339 = arith.addi %while3A_333, %while3A_338 : i32
      %while3A_340 = arith.constant 1 : i32
      scf.for %while3A_342 = %while3A_333 to %while3A_339 step %while3A_340  : i32 {
        %mul3A_343 = arith.constant 16 : i32
        %mul3A_344 = arith.muli %while3A_342, %mul3A_343 : i32
        %add3A_345 = vector.broadcast %mul3A_344 : i32 to vector<16xi32>
        %add3A_346 = arith.addi %add3A_345, %iota3A : vector<16xi32>
        %ge3A = vector.broadcast %get3A_309 : i32 to vector<16xi32>
        %ge3A_347 = arith.cmpi sge, %add3A_346, %ge3A : vector<16xi32>
        %lt3A = vector.broadcast %add3A_314 : i32 to vector<16xi32>
        %lt3A_348 = arith.cmpi slt, %add3A_346, %lt3A : vector<16xi32>
        %and3A_349 = arith.andi %ge3A_347, %lt3A_348 : vector<16xi1>
        %mul3A_350 = arith.constant 256 : i32
        %mul3A_351 = arith.muli %scan3A_304, %mul3A_350 : i32
        %mul3A_352 = arith.constant 16 : i32
        %mul3A_353 = arith.muli %while3A_342, %mul3A_352 : i32
        %add3A_354 = arith.addi %mul3A_351, %mul3A_353 : i32
        %get3A_355 = arith.index_cast %add3A_354 : i32 to index
        %get3A_356 = tpu.vector_load %arg12[%get3A_355] {strides = array<i32>} : memref<8192xi32, #tpu.memory_space<vmem>>, vector<16xi32>,
        %and3A_357 = arith.constant 32767 : i32
        %and3A_358 = vector.broadcast %and3A_357 : i32 to vector<16xi32>
        %and3A_359 = arith.andi %get3A_356, %and3A_358 : vector<16xi32>
        %broadcast_in_dim3A_360 = arith.constant 0 : i32
        %broadcast_in_dim3A_361 = vector.broadcast %broadcast_in_dim3A_360 : i32 to vector<16xi32>
        tpu.vector_store_idx %arg11[%and3A_359], %broadcast_in_dim3A_361 masked %and3A_349 : memref<32768xi32, #tpu.memory_space<vmem>>[vector<16xi32>], vector<16xi32>, vector<16xi1>
      }
      %while3A_341 = arith.constant 1 : i32
      scf.for %while3A_342 = %while3A_339 to %while3A_335 step %while3A_341  : i32 {
        %mul3A_343 = arith.constant 16 : i32
        %mul3A_344 = arith.muli %while3A_342, %mul3A_343 : i32
        %add3A_345 = vector.broadcast %mul3A_344 : i32 to vector<16xi32>
        %add3A_346 = arith.addi %add3A_345, %iota3A : vector<16xi32>
        %ge3A = vector.broadcast %get3A_309 : i32 to vector<16xi32>
        %ge3A_347 = arith.cmpi sge, %add3A_346, %ge3A : vector<16xi32>
        %lt3A = vector.broadcast %add3A_314 : i32 to vector<16xi32>
        %lt3A_348 = arith.cmpi slt, %add3A_346, %lt3A : vector<16xi32>
        %and3A_349 = arith.andi %ge3A_347, %lt3A_348 : vector<16xi1>
        %mul3A_350 = arith.constant 256 : i32
        %mul3A_351 = arith.muli %scan3A_304, %mul3A_350 : i32
        %mul3A_352 = arith.constant 16 : i32
        %mul3A_353 = arith.muli %while3A_342, %mul3A_352 : i32
        %add3A_354 = arith.addi %mul3A_351, %mul3A_353 : i32
        %get3A_355 = arith.index_cast %add3A_354 : i32 to index
        %get3A_356 = tpu.vector_load %arg12[%get3A_355] {strides = array<i32>} : memref<8192xi32, #tpu.memory_space<vmem>>, vector<16xi32>,
        %and3A_357 = arith.constant 32767 : i32
        %and3A_358 = vector.broadcast %and3A_357 : i32 to vector<16xi32>
        %and3A_359 = arith.andi %get3A_356, %and3A_358 : vector<16xi32>
        %broadcast_in_dim3A_360 = arith.constant 0 : i32
        %broadcast_in_dim3A_361 = vector.broadcast %broadcast_in_dim3A_360 : i32 to vector<16xi32>
        tpu.vector_store_idx %arg11[%and3A_359], %broadcast_in_dim3A_361 masked %and3A_349 : memref<32768xi32, #tpu.memory_space<vmem>>[vector<16xi32>], vector<16xi32>, vector<16xi1>
      }
    }
    %scan3A_144 = arith.constant 32 : i32
    %mul3A_145 = arith.constant 2 : i32
    %mul3A_146 = arith.muli %add3A, %mul3A_145 : i32
    %add3A_147 = arith.constant 1 : i32
    %add3A_148 = arith.addi %mul3A_146, %add3A_147 : i32
    %scan3A_149 = arith.constant 0 : i32
    %scan3A_150 = arith.constant 0 : i32
    %scan3A_151 = arith.constant 32 : i32
    %scan3A_152 = arith.addi %scan3A_150, %scan3A_151 : i32
    %scan3A_153 = arith.constant 1 : i32
    scf.for %scan3A_304 = %scan3A_150 to %scan3A_152 step %scan3A_153  : i32 {
      %iota3A_305 = tpu.iota {dimensions = array<i32: 0>} : vector<16xi32>
      %get3A = arith.index_cast %scan3A_304 : i32 to index
      %get3A_306 = arith.constant 0 : index
      %get3A_307 = tpu.vector_load %arg15[%get3A, %get3A_306] {strides = array<i32>} : memref<32x64xi32, #tpu.memory_space<vmem>>, vector<16xi32>,
      %add3A_308 = arith.constant 0 : i32
      %add3A_309 = vector.broadcast %add3A_308 : i32 to vector<16xi32>
      %add3A_310 = arith.addi %iota3A_305, %add3A_309 : vector<16xi32>
      %eq3A = vector.broadcast %add3A_148 : i32 to vector<16xi32>
      %eq3A_311 = arith.cmpi eq, %add3A_310, %eq3A : vector<16xi32>
      %jit3A = arith.constant 0 : i32
      %broadcast_in_dim3A_312 = vector.broadcast %jit3A : i32 to vector<16xi32>
      %select_n3A = arith.select %eq3A_311, %get3A_307, %broadcast_in_dim3A_312 : vector<16xi1>, vector<16xi32>
      %reduce_sum3A = arith.constant true
      %reduce_sum3A_313 = vector.broadcast %reduce_sum3A : i1 to vector<16xi1>
      %reduce_sum3A_314 = tpu.scan <sum>, %select_n3A masked %reduce_sum3A_313 : vector<16xi32>, vector<16xi1> -> vector<16xi32>
      %reduce_sum3A_315 = vector.extract %reduce_sum3A_314[15] : i32 from vector<16xi32>
      %add3A_316 = arith.constant 0 : i32
      %add3A_317 = arith.addi %add3A_316, %reduce_sum3A_315 : i32
      %get3A_318 = arith.index_cast %scan3A_304 : i32 to index
      %get3A_319 = arith.constant 16 : index
      %get3A_320 = tpu.vector_load %arg15[%get3A_318, %get3A_319] {strides = array<i32>} : memref<32x64xi32, #tpu.memory_space<vmem>>, vector<16xi32>,
      %add3A_321 = arith.constant 16 : i32
      %add3A_322 = vector.broadcast %add3A_321 : i32 to vector<16xi32>
      %add3A_323 = arith.addi %iota3A_305, %add3A_322 : vector<16xi32>
      %eq3A_324 = vector.broadcast %add3A_148 : i32 to vector<16xi32>
      %eq3A_325 = arith.cmpi eq, %add3A_323, %eq3A_324 : vector<16xi32>
      %jit3A_326 = arith.constant 0 : i32
      %broadcast_in_dim3A_327 = vector.broadcast %jit3A_326 : i32 to vector<16xi32>
      %select_n3A_328 = arith.select %eq3A_325, %get3A_320, %broadcast_in_dim3A_327 : vector<16xi1>, vector<16xi32>
      %reduce_sum3A_329 = arith.constant true
      %reduce_sum3A_330 = vector.broadcast %reduce_sum3A_329 : i1 to vector<16xi1>
      %reduce_sum3A_331 = tpu.scan <sum>, %select_n3A_328 masked %reduce_sum3A_330 : vector<16xi32>, vector<16xi1> -> vector<16xi32>
      %reduce_sum3A_332 = vector.extract %reduce_sum3A_331[15] : i32 from vector<16xi32>
      %add3A_333 = arith.addi %add3A_317, %reduce_sum3A_332 : i32
      %get3A_334 = arith.index_cast %scan3A_304 : i32 to index
      %get3A_335 = arith.constant 32 : index
      %get3A_336 = tpu.vector_load %arg15[%get3A_334, %get3A_335] {strides = array<i32>} : memref<32x64xi32, #tpu.memory_space<vmem>>, vector<16xi32>,
      %add3A_337 = arith.constant 32 : i32
      %add3A_338 = vector.broadcast %add3A_337 : i32 to vector<16xi32>
      %add3A_339 = arith.addi %iota3A_305, %add3A_338 : vector<16xi32>
      %eq3A_340 = vector.broadcast %add3A_148 : i32 to vector<16xi32>
      %eq3A_341 = arith.cmpi eq, %add3A_339, %eq3A_340 : vector<16xi32>
      %jit3A_342 = arith.constant 0 : i32
      %broadcast_in_dim3A_343 = vector.broadcast %jit3A_342 : i32 to vector<16xi32>
      %select_n3A_344 = arith.select %eq3A_341, %get3A_336, %broadcast_in_dim3A_343 : vector<16xi1>, vector<16xi32>
      %reduce_sum3A_345 = arith.constant true
      %reduce_sum3A_346 = vector.broadcast %reduce_sum3A_345 : i1 to vector<16xi1>
      %reduce_sum3A_347 = tpu.scan <sum>, %select_n3A_344 masked %reduce_sum3A_346 : vector<16xi32>, vector<16xi1> -> vector<16xi32>
      %reduce_sum3A_348 = vector.extract %reduce_sum3A_347[15] : i32 from vector<16xi32>
      %add3A_349 = arith.addi %add3A_333, %reduce_sum3A_348 : i32
      %get3A_350 = arith.index_cast %scan3A_304 : i32 to index
      %get3A_351 = arith.constant 48 : index
      %get3A_352 = tpu.vector_load %arg15[%get3A_350, %get3A_351] {strides = array<i32>} : memref<32x64xi32, #tpu.memory_space<vmem>>, vector<16xi32>,
      %add3A_353 = arith.constant 48 : i32
      %add3A_354 = vector.broadcast %add3A_353 : i32 to vector<16xi32>
      %add3A_355 = arith.addi %iota3A_305, %add3A_354 : vector<16xi32>
      %eq3A_356 = vector.broadcast %add3A_148 : i32 to vector<16xi32>
      %eq3A_357 = arith.cmpi eq, %add3A_355, %eq3A_356 : vector<16xi32>
      %jit3A_358 = arith.constant 0 : i32
      %broadcast_in_dim3A_359 = vector.broadcast %jit3A_358 : i32 to vector<16xi32>
      %select_n3A_360 = arith.select %eq3A_357, %get3A_352, %broadcast_in_dim3A_359 : vector<16xi1>, vector<16xi32>
      %reduce_sum3A_361 = arith.constant true
      %reduce_sum3A_362 = vector.broadcast %reduce_sum3A_361 : i1 to vector<16xi1>
      %reduce_sum3A_363 = tpu.scan <sum>, %select_n3A_360 masked %reduce_sum3A_362 : vector<16xi32>, vector<16xi1> -> vector<16xi32>
      %reduce_sum3A_364 = vector.extract %reduce_sum3A_363[15] : i32 from vector<16xi32>
      %add3A_365 = arith.addi %add3A_349, %reduce_sum3A_364 : i32
      %and3A = arith.constant 8191 : i32
      %and3A_366 = arith.andi %add3A_365, %and3A : i32
      %mul3A_367 = arith.constant 8192 : i32
      %mul3A_368 = arith.muli %scan3A_304, %mul3A_367 : i32
      %shift_right_arithmetic3A = arith.constant 13 : i32
      %shift_right_arithmetic3A_369 = arith.shrsi %add3A_365, %shift_right_arithmetic3A : i32
      %add3A_370 = arith.addi %mul3A_368, %shift_right_arithmetic3A_369 : i32
      %and3A_371 = arith.constant -8 : i32
      %and3A_372 = arith.andi %add3A_370, %and3A_371 : i32
      %multiple_of3A = tpu.assume_multiple %and3A_372, 8 : i32
      %mul3A_373 = arith.constant 2 : i32
      %mul3A_374 = arith.muli %mul3A_373, %scan3A_304 : i32
      %swap3A_375 = arith.index_cast %mul3A_374 : i32 to index
      %swap3A_376 = memref.load %arg16[%swap3A_375] : memref<64xi32, #tpu.memory_space<smem>>
      memref.store %and3A_366, %arg16[%swap3A_375] : memref<64xi32, #tpu.memory_space<smem>>
      %sub3A = arith.subi %add3A_370, %multiple_of3A : i32
      %mul3A_377 = arith.constant 2 : i32
      %mul3A_378 = arith.muli %mul3A_377, %scan3A_304 : i32
      %add3A_379 = arith.constant 1 : i32
      %add3A_380 = arith.addi %mul3A_378, %add3A_379 : i32
      %swap3A_381 = arith.index_cast %add3A_380 : i32 to index
      %swap3A_382 = memref.load %arg16[%swap3A_381] : memref<64xi32, #tpu.memory_space<smem>>
      memref.store %sub3A, %arg16[%swap3A_381] : memref<64xi32, #tpu.memory_space<smem>>
      %add3A_383 = arith.constant 0 : i32
      %add3A_384 = arith.addi %multiple_of3A, %add3A_383 : i32
      %mul3A_385 = arith.constant 256 : i32
      %mul3A_386 = arith.muli %scan3A_304, %mul3A_385 : i32
      %add3A_387 = arith.constant 0 : i32
      %add3A_388 = arith.addi %mul3A_386, %add3A_387 : i32
      %dma_start3A_389 = tpu.memref_slice %arg12[%add3A_388] : memref<8192xi32, #tpu.memory_space<vmem>> -> memref<128xi32, #tpu.memory_space<vmem>>
      %dma_start3A_390 = tpu.memref_slice %arg3[%add3A_384] : memref<263168xi32, #tpu.memory_space<hbm>> -> memref<128xi32, #tpu.memory_space<hbm>>
      %dma_start3A_391 = tpu.memref_slice %arg12[%add3A_388] : memref<8192xi32, #tpu.memory_space<vmem>> -> memref<128xi32, #tpu.memory_space<vmem>>
      %dma_start3A_392 = tpu.memref_slice %arg3[%add3A_384] : memref<263168xi32, #tpu.memory_space<hbm>> -> memref<128xi32, #tpu.memory_space<hbm>>
      tpu.enqueue_dma source(%dma_start3A_392 : memref<128xi32, #tpu.memory_space<hbm>>) target(%dma_start3A_391 : memref<128xi32, #tpu.memory_space<vmem>>) target_semaphore(%arg18 : memref<!tpu.dma_semaphore, #tpu.memory_space<semaphore_mem>>)
      %dma_start3A_393 = tpu.memref_slice %arg13[%add3A_388] : memref<8192xi32, #tpu.memory_space<vmem>> -> memref<128xi32, #tpu.memory_space<vmem>>
      %dma_start3A_394 = tpu.memref_slice %arg4[%add3A_384] : memref<263168xi32, #tpu.memory_space<hbm>> -> memref<128xi32, #tpu.memory_space<hbm>>
      %dma_start3A_395 = tpu.memref_slice %arg13[%add3A_388] : memref<8192xi32, #tpu.memory_space<vmem>> -> memref<128xi32, #tpu.memory_space<vmem>>
      %dma_start3A_396 = tpu.memref_slice %arg4[%add3A_384] : memref<263168xi32, #tpu.memory_space<hbm>> -> memref<128xi32, #tpu.memory_space<hbm>>
      tpu.enqueue_dma source(%dma_start3A_396 : memref<128xi32, #tpu.memory_space<hbm>>) target(%dma_start3A_395 : memref<128xi32, #tpu.memory_space<vmem>>) target_semaphore(%arg18 : memref<!tpu.dma_semaphore, #tpu.memory_space<semaphore_mem>>)
      %dma_start3A_397 = tpu.memref_slice %arg14[%add3A_388] : memref<8192xi32, #tpu.memory_space<vmem>> -> memref<128xi32, #tpu.memory_space<vmem>>
      %dma_start3A_398 = tpu.memref_slice %arg5[%add3A_384] : memref<263168xi32, #tpu.memory_space<hbm>> -> memref<128xi32, #tpu.memory_space<hbm>>
      %dma_start3A_399 = tpu.memref_slice %arg14[%add3A_388] : memref<8192xi32, #tpu.memory_space<vmem>> -> memref<128xi32, #tpu.memory_space<vmem>>
      %dma_start3A_400 = tpu.memref_slice %arg5[%add3A_384] : memref<263168xi32, #tpu.memory_space<hbm>> -> memref<128xi32, #tpu.memory_space<hbm>>
      tpu.enqueue_dma source(%dma_start3A_400 : memref<128xi32, #tpu.memory_space<hbm>>) target(%dma_start3A_399 : memref<128xi32, #tpu.memory_space<vmem>>) target_semaphore(%arg18 : memref<!tpu.dma_semaphore, #tpu.memory_space<semaphore_mem>>)
      %add3A_401 = arith.constant 128 : i32
      %add3A_402 = arith.addi %multiple_of3A, %add3A_401 : i32
      %mul3A_403 = arith.constant 256 : i32
      %mul3A_404 = arith.muli %scan3A_304, %mul3A_403 : i32
      %add3A_405 = arith.constant 128 : i32
      %add3A_406 = arith.addi %mul3A_404, %add3A_405 : i32
      %dma_start3A_407 = tpu.memref_slice %arg12[%add3A_406] : memref<8192xi32, #tpu.memory_space<vmem>> -> memref<128xi32, #tpu.memory_space<vmem>>
      %dma_start3A_408 = tpu.memref_slice %arg3[%add3A_402] : memref<263168xi32, #tpu.memory_space<hbm>> -> memref<128xi32, #tpu.memory_space<hbm>>
      %dma_start3A_409 = tpu.memref_slice %arg12[%add3A_406] : memref<8192xi32, #tpu.memory_space<vmem>> -> memref<128xi32, #tpu.memory_space<vmem>>
      %dma_start3A_410 = tpu.memref_slice %arg3[%add3A_402] : memref<263168xi32, #tpu.memory_space<hbm>> -> memref<128xi32, #tpu.memory_space<hbm>>
      tpu.enqueue_dma source(%dma_start3A_410 : memref<128xi32, #tpu.memory_space<hbm>>) target(%dma_start3A_409 : memref<128xi32, #tpu.memory_space<vmem>>) target_semaphore(%arg18 : memref<!tpu.dma_semaphore, #tpu.memory_space<semaphore_mem>>)
      %dma_start3A_411 = tpu.memref_slice %arg13[%add3A_406] : memref<8192xi32, #tpu.memory_space<vmem>> -> memref<128xi32, #tpu.memory_space<vmem>>
      %dma_start3A_412 = tpu.memref_slice %arg4[%add3A_402] : memref<263168xi32, #tpu.memory_space<hbm>> -> memref<128xi32, #tpu.memory_space<hbm>>
      %dma_start3A_413 = tpu.memref_slice %arg13[%add3A_406] : memref<8192xi32, #tpu.memory_space<vmem>> -> memref<128xi32, #tpu.memory_space<vmem>>
      %dma_start3A_414 = tpu.memref_slice %arg4[%add3A_402] : memref<263168xi32, #tpu.memory_space<hbm>> -> memref<128xi32, #tpu.memory_space<hbm>>
      tpu.enqueue_dma source(%dma_start3A_414 : memref<128xi32, #tpu.memory_space<hbm>>) target(%dma_start3A_413 : memref<128xi32, #tpu.memory_space<vmem>>) target_semaphore(%arg18 : memref<!tpu.dma_semaphore, #tpu.memory_space<semaphore_mem>>)
      %dma_start3A_415 = tpu.memref_slice %arg14[%add3A_406] : memref<8192xi32, #tpu.memory_space<vmem>> -> memref<128xi32, #tpu.memory_space<vmem>>
      %dma_start3A_416 = tpu.memref_slice %arg5[%add3A_402] : memref<263168xi32, #tpu.memory_space<hbm>> -> memref<128xi32, #tpu.memory_space<hbm>>
      %dma_start3A_417 = tpu.memref_slice %arg14[%add3A_406] : memref<8192xi32, #tpu.memory_space<vmem>> -> memref<128xi32, #tpu.memory_space<vmem>>
      %dma_start3A_418 = tpu.memref_slice %arg5[%add3A_402] : memref<263168xi32, #tpu.memory_space<hbm>> -> memref<128xi32, #tpu.memory_space<hbm>>
      tpu.enqueue_dma source(%dma_start3A_418 : memref<128xi32, #tpu.memory_space<hbm>>) target(%dma_start3A_417 : memref<128xi32, #tpu.memory_space<vmem>>) target_semaphore(%arg18 : memref<!tpu.dma_semaphore, #tpu.memory_space<semaphore_mem>>)
    }
    %scan3A_154 = arith.constant 32 : i32
    %scan3A_155 = arith.constant 0 : i32
    %scan3A_156 = arith.constant 0 : i32
    %scan3A_157 = arith.constant 192 : i32
    %scan3A_158 = arith.addi %scan3A_156, %scan3A_157 : i32
    %scan3A_159 = arith.constant 1 : i32
    scf.for %scan3A_304 = %scan3A_156 to %scan3A_158 step %scan3A_159  : i32 {
      %dma_wait3A_305 = arith.constant 0 : i32
      %dma_wait3A_306 = tpu.memref_slice %arg12[%dma_wait3A_305] : memref<8192xi32, #tpu.memory_space<vmem>> -> memref<128xi32, #tpu.memory_space<vmem>>
      %dma_wait3A_307 = arith.constant 0 : i32
      %dma_wait3A_308 = tpu.memref_slice %arg3[%dma_wait3A_307] : memref<263168xi32, #tpu.memory_space<hbm>> -> memref<128xi32, #tpu.memory_space<hbm>>
      %dma_wait3A_309 = arith.constant 0 : i32
      %dma_wait3A_310 = tpu.memref_slice %arg12[%dma_wait3A_309] : memref<8192xi32, #tpu.memory_space<vmem>> -> memref<128xi32, #tpu.memory_space<vmem>>
      %dma_wait3A_311 = arith.constant 0 : i32
      %dma_wait3A_312 = tpu.memref_slice %arg3[%dma_wait3A_311] : memref<263168xi32, #tpu.memory_space<hbm>> -> memref<128xi32, #tpu.memory_space<hbm>>
      tpu.wait_dma2 semaphore(%arg18 : memref<!tpu.dma_semaphore, #tpu.memory_space<semaphore_mem>>) src(%dma_wait3A_312 : memref<128xi32, #tpu.memory_space<hbm>>) dst(%dma_wait3A_310 : memref<128xi32, #tpu.memory_space<vmem>>)
    }
    %scan3A_160 = arith.constant 192 : i32
    %dma_wait3A_161 = arith.constant 2 : i32
    %dma_wait3A_162 = tpu.memref_slice %arg7[%dma_wait3A_161, %mul3A_126] : memref<4x2097152xf32, #tpu.memory_space<hbm>> -> memref<1x32768xf32, #tpu.memory_space<hbm>>
    %dma_wait3A_163 = tpu.memref_squeeze %dma_wait3A_162 : memref<1x32768xf32, #tpu.memory_space<hbm>> -> memref<32768xf32, #tpu.memory_space<hbm>>
    %dma_wait3A_164 = tpu.memref_slice %arg7[%dma_wait3A_161, %mul3A_126] : memref<4x2097152xf32, #tpu.memory_space<hbm>> -> memref<1x32768xf32, #tpu.memory_space<hbm>>
    %dma_wait3A_165 = tpu.memref_squeeze %dma_wait3A_164 : memref<1x32768xf32, #tpu.memory_space<hbm>> -> memref<32768xf32, #tpu.memory_space<hbm>>
    tpu.wait_dma2 semaphore(%arg20 : memref<!tpu.dma_semaphore, #tpu.memory_space<semaphore_mem>>) src(%arg9 : memref<32768xf32, #tpu.memory_space<vmem>>) dst(%dma_wait3A_165 : memref<32768xf32, #tpu.memory_space<hbm>>)
    %dma_wait3A_166 = arith.constant 3 : i32
    %dma_wait3A_167 = tpu.memref_slice %arg7[%dma_wait3A_166, %mul3A_133] : memref<4x2097152xf32, #tpu.memory_space<hbm>> -> memref<1x32768xf32, #tpu.memory_space<hbm>>
    %dma_wait3A_168 = tpu.memref_squeeze %dma_wait3A_167 : memref<1x32768xf32, #tpu.memory_space<hbm>> -> memref<32768xf32, #tpu.memory_space<hbm>>
    %dma_wait3A_169 = tpu.memref_slice %arg7[%dma_wait3A_166, %mul3A_133] : memref<4x2097152xf32, #tpu.memory_space<hbm>> -> memref<1x32768xf32, #tpu.memory_space<hbm>>
    %dma_wait3A_170 = tpu.memref_squeeze %dma_wait3A_169 : memref<1x32768xf32, #tpu.memory_space<hbm>> -> memref<32768xf32, #tpu.memory_space<hbm>>
    tpu.wait_dma2 semaphore(%arg21 : memref<!tpu.dma_semaphore, #tpu.memory_space<semaphore_mem>>) src(%arg10 : memref<32768xf32, #tpu.memory_space<vmem>>) dst(%dma_wait3A_170 : memref<32768xf32, #tpu.memory_space<hbm>>)
    %mul3A_171 = arith.constant 32768 : i32
    %mul3A_172 = arith.muli %add3A_148, %mul3A_171 : i32
    %dma_start3A_173 = arith.constant 0 : i32
    %dma_start3A_174 = tpu.memref_slice %arg2[%dma_start3A_173, %mul3A_172] : memref<4x2097152xf32, #tpu.memory_space<hbm>> -> memref<1x32768xf32, #tpu.memory_space<hbm>>
    %dma_start3A_175 = tpu.memref_squeeze %dma_start3A_174 : memref<1x32768xf32, #tpu.memory_space<hbm>> -> memref<32768xf32, #tpu.memory_space<hbm>>
    %dma_start3A_176 = tpu.memref_slice %arg2[%dma_start3A_173, %mul3A_172] : memref<4x2097152xf32, #tpu.memory_space<hbm>> -> memref<1x32768xf32, #tpu.memory_space<hbm>>
    %dma_start3A_177 = tpu.memref_squeeze %dma_start3A_176 : memref<1x32768xf32, #tpu.memory_space<hbm>> -> memref<32768xf32, #tpu.memory_space<hbm>>
    tpu.enqueue_dma source(%dma_start3A_177 : memref<32768xf32, #tpu.memory_space<hbm>>) target(%arg9 : memref<32768xf32, #tpu.memory_space<vmem>>) target_semaphore(%arg19 : memref<!tpu.dma_semaphore, #tpu.memory_space<semaphore_mem>>)
    %mul3A_178 = arith.constant 32768 : i32
    %mul3A_179 = arith.muli %add3A_148, %mul3A_178 : i32
    %dma_start3A_180 = arith.constant 1 : i32
    %dma_start3A_181 = tpu.memref_slice %arg2[%dma_start3A_180, %mul3A_179] : memref<4x2097152xf32, #tpu.memory_space<hbm>> -> memref<1x32768xf32, #tpu.memory_space<hbm>>
    %dma_start3A_182 = tpu.memref_squeeze %dma_start3A_181 : memref<1x32768xf32, #tpu.memory_space<hbm>> -> memref<32768xf32, #tpu.memory_space<hbm>>
    %dma_start3A_183 = tpu.memref_slice %arg2[%dma_start3A_180, %mul3A_179] : memref<4x2097152xf32, #tpu.memory_space<hbm>> -> memref<1x32768xf32, #tpu.memory_space<hbm>>
    %dma_start3A_184 = tpu.memref_squeeze %dma_start3A_183 : memref<1x32768xf32, #tpu.memory_space<hbm>> -> memref<32768xf32, #tpu.memory_space<hbm>>
    tpu.enqueue_dma source(%dma_start3A_184 : memref<32768xf32, #tpu.memory_space<hbm>>) target(%arg10 : memref<32768xf32, #tpu.memory_space<vmem>>) target_semaphore(%arg19 : memref<!tpu.dma_semaphore, #tpu.memory_space<semaphore_mem>>)
    %scan3A_185 = arith.constant 0 : i32
    %scan3A_186 = arith.constant 0 : i32
    %scan3A_187 = arith.constant 32 : i32
    %scan3A_188 = arith.addi %scan3A_186, %scan3A_187 : i32
    %scan3A_189 = arith.constant 1 : i32
    scf.for %scan3A_304 = %scan3A_186 to %scan3A_188 step %scan3A_189  : i32 {
      %mul3A_305 = arith.constant 2 : i32
      %mul3A_306 = arith.muli %mul3A_305, %scan3A_304 : i32
      %add3A_307 = arith.constant 1 : i32
      %add3A_308 = arith.addi %mul3A_306, %add3A_307 : i32
      %get3A = arith.index_cast %add3A_308 : i32 to index
      %get3A_309 = memref.load %arg16[%get3A] : memref<64xi32, #tpu.memory_space<smem>>
      %mul3A_310 = arith.constant 2 : i32
      %mul3A_311 = arith.muli %mul3A_310, %scan3A_304 : i32
      %get3A_312 = arith.index_cast %mul3A_311 : i32 to index
      %get3A_313 = memref.load %arg16[%get3A_312] : memref<64xi32, #tpu.memory_space<smem>>
      %add3A_314 = arith.addi %get3A_309, %get3A_313 : i32
      %add3A_315 = arith.constant 15 : i32
      %add3A_316 = arith.addi %add3A_314, %add3A_315 : i32
      %jit3A = arith.constant 16 : i32
      %div3A = arith.divsi %add3A_316, %jit3A : i32
      %sign3A = arith.constant 0 : i32
      %sign3A_317 = arith.cmpi sgt, %add3A_316, %sign3A : i32
      %sign3A_318 = arith.extui %sign3A_317 : i1 to i32
      %sign3A_319 = arith.constant 0 : i32
      %sign3A_320 = arith.cmpi slt, %add3A_316, %sign3A_319 : i32
      %sign3A_321 = arith.extui %sign3A_320 : i1 to i32
      %sign3A_322 = arith.subi %sign3A_318, %sign3A_321 : i32
      %sign3A_323 = arith.constant 0 : i32
      %sign3A_324 = arith.cmpi sgt, %jit3A, %sign3A_323 : i32
      %sign3A_325 = arith.extui %sign3A_324 : i1 to i32
      %sign3A_326 = arith.constant 0 : i32
      %sign3A_327 = arith.cmpi slt, %jit3A, %sign3A_326 : i32
      %sign3A_328 = arith.extui %sign3A_327 : i1 to i32
      %sign3A_329 = arith.subi %sign3A_325, %sign3A_328 : i32
      %ne3A = arith.cmpi ne, %sign3A_322, %sign3A_329 : i32
      %rem3A = arith.remsi %add3A_316, %jit3A : i32
      %ne3A_330 = arith.constant 0 : i32
      %ne3A_331 = arith.cmpi ne, %rem3A, %ne3A_330 : i32
      %and3A = arith.andi %ne3A, %ne3A_331 : i1
      %sub3A = arith.constant 1 : i32
      %sub3A_332 = arith.subi %div3A, %sub3A : i32
      %select_n3A = arith.select %and3A, %sub3A_332, %div3A : i32
      %while3A = arith.constant 0 : i32
      %while3A_333 = arith.constant 0 : i32
      %while3A_334 = arith.subi %select_n3A, %while3A_333 : i32
      %while3A_335 = arith.addi %while3A_333, %while3A_334 : i32
      %while3A_336 = arith.constant 1 : i32
      %while3A_337 = arith.divsi %while3A_334, %while3A_336 : i32
      %while3A_338 = arith.muli %while3A_337, %while3A_336 : i32
      %while3A_339 = arith.addi %while3A_333, %while3A_338 : i32
      %while3A_340 = arith.constant 1 : i32
      scf.for %while3A_342 = %while3A_333 to %while3A_339 step %while3A_340  : i32 {
        %mul3A_343 = arith.constant 16 : i32
        %mul3A_344 = arith.muli %while3A_342, %mul3A_343 : i32
        %add3A_345 = vector.broadcast %mul3A_344 : i32 to vector<16xi32>
        %add3A_346 = arith.addi %add3A_345, %iota3A : vector<16xi32>
        %ge3A = vector.broadcast %get3A_309 : i32 to vector<16xi32>
        %ge3A_347 = arith.cmpi sge, %add3A_346, %ge3A : vector<16xi32>
        %lt3A = vector.broadcast %add3A_314 : i32 to vector<16xi32>
        %lt3A_348 = arith.cmpi slt, %add3A_346, %lt3A : vector<16xi32>
        %and3A_349 = arith.andi %ge3A_347, %lt3A_348 : vector<16xi1>
        %mul3A_350 = arith.constant 256 : i32
        %mul3A_351 = arith.muli %scan3A_304, %mul3A_350 : i32
        %mul3A_352 = arith.constant 16 : i32
        %mul3A_353 = arith.muli %while3A_342, %mul3A_352 : i32
        %add3A_354 = arith.addi %mul3A_351, %mul3A_353 : i32
        %get3A_355 = arith.index_cast %add3A_354 : i32 to index
        %get3A_356 = tpu.vector_load %arg12[%get3A_355] {strides = array<i32>} : memref<8192xi32, #tpu.memory_space<vmem>>, vector<16xi32>,
        %and3A_357 = arith.constant 32767 : i32
        %and3A_358 = vector.broadcast %and3A_357 : i32 to vector<16xi32>
        %and3A_359 = arith.andi %get3A_356, %and3A_358 : vector<16xi32>
        %get3A_360 = arith.index_cast %add3A_354 : i32 to index
        %get3A_361 = tpu.vector_load %arg13[%get3A_360] {strides = array<i32>} : memref<8192xi32, #tpu.memory_space<vmem>>, vector<16xi32>,
        tpu.vector_store_idx %arg11[%and3A_359], %get3A_361 masked %and3A_349 : memref<32768xi32, #tpu.memory_space<vmem>>[vector<16xi32>], vector<16xi32>, vector<16xi1>
      }
      %while3A_341 = arith.constant 1 : i32
      scf.for %while3A_342 = %while3A_339 to %while3A_335 step %while3A_341  : i32 {
        %mul3A_343 = arith.constant 16 : i32
        %mul3A_344 = arith.muli %while3A_342, %mul3A_343 : i32
        %add3A_345 = vector.broadcast %mul3A_344 : i32 to vector<16xi32>
        %add3A_346 = arith.addi %add3A_345, %iota3A : vector<16xi32>
        %ge3A = vector.broadcast %get3A_309 : i32 to vector<16xi32>
        %ge3A_347 = arith.cmpi sge, %add3A_346, %ge3A : vector<16xi32>
        %lt3A = vector.broadcast %add3A_314 : i32 to vector<16xi32>
        %lt3A_348 = arith.cmpi slt, %add3A_346, %lt3A : vector<16xi32>
        %and3A_349 = arith.andi %ge3A_347, %lt3A_348 : vector<16xi1>
        %mul3A_350 = arith.constant 256 : i32
        %mul3A_351 = arith.muli %scan3A_304, %mul3A_350 : i32
        %mul3A_352 = arith.constant 16 : i32
        %mul3A_353 = arith.muli %while3A_342, %mul3A_352 : i32
        %add3A_354 = arith.addi %mul3A_351, %mul3A_353 : i32
        %get3A_355 = arith.index_cast %add3A_354 : i32 to index
        %get3A_356 = tpu.vector_load %arg12[%get3A_355] {strides = array<i32>} : memref<8192xi32, #tpu.memory_space<vmem>>, vector<16xi32>,
        %and3A_357 = arith.constant 32767 : i32
        %and3A_358 = vector.broadcast %and3A_357 : i32 to vector<16xi32>
        %and3A_359 = arith.andi %get3A_356, %and3A_358 : vector<16xi32>
        %get3A_360 = arith.index_cast %add3A_354 : i32 to index
        %get3A_361 = tpu.vector_load %arg13[%get3A_360] {strides = array<i32>} : memref<8192xi32, #tpu.memory_space<vmem>>, vector<16xi32>,
        tpu.vector_store_idx %arg11[%and3A_359], %get3A_361 masked %and3A_349 : memref<32768xi32, #tpu.memory_space<vmem>>[vector<16xi32>], vector<16xi32>, vector<16xi1>
      }
    }
    %scan3A_190 = arith.constant 32 : i32
    %dma_wait3A_191 = arith.constant 0 : i32
    %dma_wait3A_192 = tpu.memref_slice %arg2[%dma_wait3A_191, %mul3A_172] : memref<4x2097152xf32, #tpu.memory_space<hbm>> -> memref<1x32768xf32, #tpu.memory_space<hbm>>
    %dma_wait3A_193 = tpu.memref_squeeze %dma_wait3A_192 : memref<1x32768xf32, #tpu.memory_space<hbm>> -> memref<32768xf32, #tpu.memory_space<hbm>>
    %dma_wait3A_194 = tpu.memref_slice %arg2[%dma_wait3A_191, %mul3A_172] : memref<4x2097152xf32, #tpu.memory_space<hbm>> -> memref<1x32768xf32, #tpu.memory_space<hbm>>
    %dma_wait3A_195 = tpu.memref_squeeze %dma_wait3A_194 : memref<1x32768xf32, #tpu.memory_space<hbm>> -> memref<32768xf32, #tpu.memory_space<hbm>>
    tpu.wait_dma2 semaphore(%arg19 : memref<!tpu.dma_semaphore, #tpu.memory_space<semaphore_mem>>) src(%dma_wait3A_195 : memref<32768xf32, #tpu.memory_space<hbm>>) dst(%arg9 : memref<32768xf32, #tpu.memory_space<vmem>>)
    %dma_wait3A_196 = arith.constant 1 : i32
    %dma_wait3A_197 = tpu.memref_slice %arg2[%dma_wait3A_196, %mul3A_179] : memref<4x2097152xf32, #tpu.memory_space<hbm>> -> memref<1x32768xf32, #tpu.memory_space<hbm>>
    %dma_wait3A_198 = tpu.memref_squeeze %dma_wait3A_197 : memref<1x32768xf32, #tpu.memory_space<hbm>> -> memref<32768xf32, #tpu.memory_space<hbm>>
    %dma_wait3A_199 = tpu.memref_slice %arg2[%dma_wait3A_196, %mul3A_179] : memref<4x2097152xf32, #tpu.memory_space<hbm>> -> memref<1x32768xf32, #tpu.memory_space<hbm>>
    %dma_wait3A_200 = tpu.memref_squeeze %dma_wait3A_199 : memref<1x32768xf32, #tpu.memory_space<hbm>> -> memref<32768xf32, #tpu.memory_space<hbm>>
    tpu.wait_dma2 semaphore(%arg19 : memref<!tpu.dma_semaphore, #tpu.memory_space<semaphore_mem>>) src(%dma_wait3A_200 : memref<32768xf32, #tpu.memory_space<hbm>>) dst(%arg10 : memref<32768xf32, #tpu.memory_space<vmem>>)
    %scan3A_201 = arith.constant 0 : i32
    %scan3A_202 = arith.constant 256 : i32
    %scan3A_203 = arith.addi %scan3A_201, %scan3A_202 : i32
    %scan3A_204 = arith.constant 1 : i32
    %scan3A_205 = scf.for %scan3A_304 = %scan3A_201 to %scan3A_203 step %scan3A_204 iter_args(%scan3A_305 = %scan3A_123) -> (vector<16xf32>)  : i32 {
      %mul3A_306 = arith.constant 8 : i32
      %mul3A_307 = arith.muli %scan3A_304, %mul3A_306 : i32
      %add3A_308 = arith.constant 0 : i32
      %add3A_309 = arith.addi %mul3A_307, %add3A_308 : i32
      %mul3A_310 = arith.constant 16 : i32
      %mul3A_311 = arith.muli %add3A_309, %mul3A_310 : i32
      %get3A = arith.index_cast %mul3A_311 : i32 to index
      %get3A_312 = tpu.vector_load %arg11[%get3A] {strides = array<i32>} : memref<32768xi32, #tpu.memory_space<vmem>>, vector<16xi32>,
      %get3A_313 = arith.index_cast %mul3A_311 : i32 to index
      %get3A_314 = tpu.vector_load %arg9[%get3A_313] {strides = array<i32>} : memref<32768xf32, #tpu.memory_space<vmem>>, vector<16xf32>,
      %get3A_315 = arith.index_cast %mul3A_311 : i32 to index
      %get3A_316 = tpu.vector_load %arg10[%get3A_315] {strides = array<i32>} : memref<32768xf32, #tpu.memory_space<vmem>>, vector<16xf32>,
      %shift_left3A = arith.constant 16 : i32
      %shift_left3A_317 = vector.broadcast %shift_left3A : i32 to vector<16xi32>
      %shift_left3A_318 = arith.shli %get3A_312, %shift_left3A_317 : vector<16xi32>
      %and3A = arith.constant -65536 : i32
      %and3A_319 = vector.broadcast %and3A : i32 to vector<16xi32>
      %and3A_320 = arith.andi %get3A_312, %and3A_319 : vector<16xi32>
      %bitcast3A = vector.bitcast %shift_left3A_318 : vector<16xi32> to vector<16xf32>
      %bitcast3A_321 = vector.bitcast %and3A_320 : vector<16xi32> to vector<16xf32>
      %ne3A = arith.constant 0 : i32
      %ne3A_322 = vector.broadcast %ne3A : i32 to vector<16xi32>
      %ne3A_323 = arith.cmpi ne, %shift_left3A_318, %ne3A_322 : vector<16xi32>
      %mul3A_324 = arith.constant 0.899999976 : f32
      %mul3A_325 = vector.broadcast %mul3A_324 : f32 to vector<16xf32>
      %mul3A_326 = arith.mulf %get3A_314, %mul3A_325 : vector<16xf32>
      %max3A = arith.maximumf %mul3A_326, %bitcast3A : vector<16xf32>
      %select_n3A = arith.select %ne3A_323, %max3A, %get3A_314 : vector<16xi1>, vector<16xf32>
      %ne3A_327 = arith.constant 0 : i32
      %ne3A_328 = vector.broadcast %ne3A_327 : i32 to vector<16xi32>
      %ne3A_329 = arith.cmpi ne, %and3A_320, %ne3A_328 : vector<16xi32>
      %mul3A_330 = arith.constant 0.899999976 : f32
      %mul3A_331 = vector.broadcast %mul3A_330 : f32 to vector<16xf32>
      %mul3A_332 = arith.mulf %get3A_316, %mul3A_331 : vector<16xf32>
      %max3A_333 = arith.maximumf %mul3A_332, %bitcast3A_321 : vector<16xf32>
      %select_n3A_334 = arith.select %ne3A_329, %max3A_333, %get3A_316 : vector<16xi1>, vector<16xf32>
      %swap3A_335 = arith.index_cast %mul3A_311 : i32 to index
      %swap3A_336 = tpu.vector_load %arg9[%swap3A_335] {strides = array<i32>} : memref<32768xf32, #tpu.memory_space<vmem>>, vector<16xf32>,
      tpu.vector_store %arg9[%swap3A_335], %select_n3A {strides = array<i32>} : memref<32768xf32, #tpu.memory_space<vmem>>, vector<16xf32>,
      %swap3A_337 = arith.index_cast %mul3A_311 : i32 to index
      %swap3A_338 = tpu.vector_load %arg10[%swap3A_337] {strides = array<i32>} : memref<32768xf32, #tpu.memory_space<vmem>>, vector<16xf32>,
      tpu.vector_store %arg10[%swap3A_337], %select_n3A_334 {strides = array<i32>} : memref<32768xf32, #tpu.memory_space<vmem>>, vector<16xf32>,
      %add3A_339 = arith.addf %scan3A_305, %select_n3A : vector<16xf32>
      %add3A_340 = arith.addf %add3A_339, %select_n3A_334 : vector<16xf32>
      %mul3A_341 = arith.constant 8 : i32
      %mul3A_342 = arith.muli %scan3A_304, %mul3A_341 : i32
      %add3A_343 = arith.constant 1 : i32
      %add3A_344 = arith.addi %mul3A_342, %add3A_343 : i32
      %mul3A_345 = arith.constant 16 : i32
      %mul3A_346 = arith.muli %add3A_344, %mul3A_345 : i32
      %get3A_347 = arith.index_cast %mul3A_346 : i32 to index
      %get3A_348 = tpu.vector_load %arg11[%get3A_347] {strides = array<i32>} : memref<32768xi32, #tpu.memory_space<vmem>>, vector<16xi32>,
      %get3A_349 = arith.index_cast %mul3A_346 : i32 to index
      %get3A_350 = tpu.vector_load %arg9[%get3A_349] {strides = array<i32>} : memref<32768xf32, #tpu.memory_space<vmem>>, vector<16xf32>,
      %get3A_351 = arith.index_cast %mul3A_346 : i32 to index
      %get3A_352 = tpu.vector_load %arg10[%get3A_351] {strides = array<i32>} : memref<32768xf32, #tpu.memory_space<vmem>>, vector<16xf32>,
      %shift_left3A_353 = arith.constant 16 : i32
      %shift_left3A_354 = vector.broadcast %shift_left3A_353 : i32 to vector<16xi32>
      %shift_left3A_355 = arith.shli %get3A_348, %shift_left3A_354 : vector<16xi32>
      %and3A_356 = arith.constant -65536 : i32
      %and3A_357 = vector.broadcast %and3A_356 : i32 to vector<16xi32>
      %and3A_358 = arith.andi %get3A_348, %and3A_357 : vector<16xi32>
      %bitcast3A_359 = vector.bitcast %shift_left3A_355 : vector<16xi32> to vector<16xf32>
      %bitcast3A_360 = vector.bitcast %and3A_358 : vector<16xi32> to vector<16xf32>
      %ne3A_361 = arith.constant 0 : i32
      %ne3A_362 = vector.broadcast %ne3A_361 : i32 to vector<16xi32>
      %ne3A_363 = arith.cmpi ne, %shift_left3A_355, %ne3A_362 : vector<16xi32>
      %mul3A_364 = arith.constant 0.899999976 : f32
      %mul3A_365 = vector.broadcast %mul3A_364 : f32 to vector<16xf32>
      %mul3A_366 = arith.mulf %get3A_350, %mul3A_365 : vector<16xf32>
      %max3A_367 = arith.maximumf %mul3A_366, %bitcast3A_359 : vector<16xf32>
      %select_n3A_368 = arith.select %ne3A_363, %max3A_367, %get3A_350 : vector<16xi1>, vector<16xf32>
      %ne3A_369 = arith.constant 0 : i32
      %ne3A_370 = vector.broadcast %ne3A_369 : i32 to vector<16xi32>
      %ne3A_371 = arith.cmpi ne, %and3A_358, %ne3A_370 : vector<16xi32>
      %mul3A_372 = arith.constant 0.899999976 : f32
      %mul3A_373 = vector.broadcast %mul3A_372 : f32 to vector<16xf32>
      %mul3A_374 = arith.mulf %get3A_352, %mul3A_373 : vector<16xf32>
      %max3A_375 = arith.maximumf %mul3A_374, %bitcast3A_360 : vector<16xf32>
      %select_n3A_376 = arith.select %ne3A_371, %max3A_375, %get3A_352 : vector<16xi1>, vector<16xf32>
      %swap3A_377 = arith.index_cast %mul3A_346 : i32 to index
      %swap3A_378 = tpu.vector_load %arg9[%swap3A_377] {strides = array<i32>} : memref<32768xf32, #tpu.memory_space<vmem>>, vector<16xf32>,
      tpu.vector_store %arg9[%swap3A_377], %select_n3A_368 {strides = array<i32>} : memref<32768xf32, #tpu.memory_space<vmem>>, vector<16xf32>,
      %swap3A_379 = arith.index_cast %mul3A_346 : i32 to index
      %swap3A_380 = tpu.vector_load %arg10[%swap3A_379] {strides = array<i32>} : memref<32768xf32, #tpu.memory_space<vmem>>, vector<16xf32>,
      tpu.vector_store %arg10[%swap3A_379], %select_n3A_376 {strides = array<i32>} : memref<32768xf32, #tpu.memory_space<vmem>>, vector<16xf32>,
      %add3A_381 = arith.addf %add3A_340, %select_n3A_368 : vector<16xf32>
      %add3A_382 = arith.addf %add3A_381, %select_n3A_376 : vector<16xf32>
      %mul3A_383 = arith.constant 8 : i32
      %mul3A_384 = arith.muli %scan3A_304, %mul3A_383 : i32
      %add3A_385 = arith.constant 2 : i32
      %add3A_386 = arith.addi %mul3A_384, %add3A_385 : i32
      %mul3A_387 = arith.constant 16 : i32
      %mul3A_388 = arith.muli %add3A_386, %mul3A_387 : i32
      %get3A_389 = arith.index_cast %mul3A_388 : i32 to index
      %get3A_390 = tpu.vector_load %arg11[%get3A_389] {strides = array<i32>} : memref<32768xi32, #tpu.memory_space<vmem>>, vector<16xi32>,
      %get3A_391 = arith.index_cast %mul3A_388 : i32 to index
      %get3A_392 = tpu.vector_load %arg9[%get3A_391] {strides = array<i32>} : memref<32768xf32, #tpu.memory_space<vmem>>, vector<16xf32>,
      %get3A_393 = arith.index_cast %mul3A_388 : i32 to index
      %get3A_394 = tpu.vector_load %arg10[%get3A_393] {strides = array<i32>} : memref<32768xf32, #tpu.memory_space<vmem>>, vector<16xf32>,
      %shift_left3A_395 = arith.constant 16 : i32
      %shift_left3A_396 = vector.broadcast %shift_left3A_395 : i32 to vector<16xi32>
      %shift_left3A_397 = arith.shli %get3A_390, %shift_left3A_396 : vector<16xi32>
      %and3A_398 = arith.constant -65536 : i32
      %and3A_399 = vector.broadcast %and3A_398 : i32 to vector<16xi32>
      %and3A_400 = arith.andi %get3A_390, %and3A_399 : vector<16xi32>
      %bitcast3A_401 = vector.bitcast %shift_left3A_397 : vector<16xi32> to vector<16xf32>
      %bitcast3A_402 = vector.bitcast %and3A_400 : vector<16xi32> to vector<16xf32>
      %ne3A_403 = arith.constant 0 : i32
      %ne3A_404 = vector.broadcast %ne3A_403 : i32 to vector<16xi32>
      %ne3A_405 = arith.cmpi ne, %shift_left3A_397, %ne3A_404 : vector<16xi32>
      %mul3A_406 = arith.constant 0.899999976 : f32
      %mul3A_407 = vector.broadcast %mul3A_406 : f32 to vector<16xf32>
      %mul3A_408 = arith.mulf %get3A_392, %mul3A_407 : vector<16xf32>
      %max3A_409 = arith.maximumf %mul3A_408, %bitcast3A_401 : vector<16xf32>
      %select_n3A_410 = arith.select %ne3A_405, %max3A_409, %get3A_392 : vector<16xi1>, vector<16xf32>
      %ne3A_411 = arith.constant 0 : i32
      %ne3A_412 = vector.broadcast %ne3A_411 : i32 to vector<16xi32>
      %ne3A_413 = arith.cmpi ne, %and3A_400, %ne3A_412 : vector<16xi32>
      %mul3A_414 = arith.constant 0.899999976 : f32
      %mul3A_415 = vector.broadcast %mul3A_414 : f32 to vector<16xf32>
      %mul3A_416 = arith.mulf %get3A_394, %mul3A_415 : vector<16xf32>
      %max3A_417 = arith.maximumf %mul3A_416, %bitcast3A_402 : vector<16xf32>
      %select_n3A_418 = arith.select %ne3A_413, %max3A_417, %get3A_394 : vector<16xi1>, vector<16xf32>
      %swap3A_419 = arith.index_cast %mul3A_388 : i32 to index
      %swap3A_420 = tpu.vector_load %arg9[%swap3A_419] {strides = array<i32>} : memref<32768xf32, #tpu.memory_space<vmem>>, vector<16xf32>,
      tpu.vector_store %arg9[%swap3A_419], %select_n3A_410 {strides = array<i32>} : memref<32768xf32, #tpu.memory_space<vmem>>, vector<16xf32>,
      %swap3A_421 = arith.index_cast %mul3A_388 : i32 to index
      %swap3A_422 = tpu.vector_load %arg10[%swap3A_421] {strides = array<i32>} : memref<32768xf32, #tpu.memory_space<vmem>>, vector<16xf32>,
      tpu.vector_store %arg10[%swap3A_421], %select_n3A_418 {strides = array<i32>} : memref<32768xf32, #tpu.memory_space<vmem>>, vector<16xf32>,
      %add3A_423 = arith.addf %add3A_382, %select_n3A_410 : vector<16xf32>
      %add3A_424 = arith.addf %add3A_423, %select_n3A_418 : vector<16xf32>
      %mul3A_425 = arith.constant 8 : i32
      %mul3A_426 = arith.muli %scan3A_304, %mul3A_425 : i32
      %add3A_427 = arith.constant 3 : i32
      %add3A_428 = arith.addi %mul3A_426, %add3A_427 : i32
      %mul3A_429 = arith.constant 16 : i32
      %mul3A_430 = arith.muli %add3A_428, %mul3A_429 : i32
      %get3A_431 = arith.index_cast %mul3A_430 : i32 to index
      %get3A_432 = tpu.vector_load %arg11[%get3A_431] {strides = array<i32>} : memref<32768xi32, #tpu.memory_space<vmem>>, vector<16xi32>,
      %get3A_433 = arith.index_cast %mul3A_430 : i32 to index
      %get3A_434 = tpu.vector_load %arg9[%get3A_433] {strides = array<i32>} : memref<32768xf32, #tpu.memory_space<vmem>>, vector<16xf32>,
      %get3A_435 = arith.index_cast %mul3A_430 : i32 to index
      %get3A_436 = tpu.vector_load %arg10[%get3A_435] {strides = array<i32>} : memref<32768xf32, #tpu.memory_space<vmem>>, vector<16xf32>,
      %shift_left3A_437 = arith.constant 16 : i32
      %shift_left3A_438 = vector.broadcast %shift_left3A_437 : i32 to vector<16xi32>
      %shift_left3A_439 = arith.shli %get3A_432, %shift_left3A_438 : vector<16xi32>
      %and3A_440 = arith.constant -65536 : i32
      %and3A_441 = vector.broadcast %and3A_440 : i32 to vector<16xi32>
      %and3A_442 = arith.andi %get3A_432, %and3A_441 : vector<16xi32>
      %bitcast3A_443 = vector.bitcast %shift_left3A_439 : vector<16xi32> to vector<16xf32>
      %bitcast3A_444 = vector.bitcast %and3A_442 : vector<16xi32> to vector<16xf32>
      %ne3A_445 = arith.constant 0 : i32
      %ne3A_446 = vector.broadcast %ne3A_445 : i32 to vector<16xi32>
      %ne3A_447 = arith.cmpi ne, %shift_left3A_439, %ne3A_446 : vector<16xi32>
      %mul3A_448 = arith.constant 0.899999976 : f32
      %mul3A_449 = vector.broadcast %mul3A_448 : f32 to vector<16xf32>
      %mul3A_450 = arith.mulf %get3A_434, %mul3A_449 : vector<16xf32>
      %max3A_451 = arith.maximumf %mul3A_450, %bitcast3A_443 : vector<16xf32>
      %select_n3A_452 = arith.select %ne3A_447, %max3A_451, %get3A_434 : vector<16xi1>, vector<16xf32>
      %ne3A_453 = arith.constant 0 : i32
      %ne3A_454 = vector.broadcast %ne3A_453 : i32 to vector<16xi32>
      %ne3A_455 = arith.cmpi ne, %and3A_442, %ne3A_454 : vector<16xi32>
      %mul3A_456 = arith.constant 0.899999976 : f32
      %mul3A_457 = vector.broadcast %mul3A_456 : f32 to vector<16xf32>
      %mul3A_458 = arith.mulf %get3A_436, %mul3A_457 : vector<16xf32>
      %max3A_459 = arith.maximumf %mul3A_458, %bitcast3A_444 : vector<16xf32>
      %select_n3A_460 = arith.select %ne3A_455, %max3A_459, %get3A_436 : vector<16xi1>, vector<16xf32>
      %swap3A_461 = arith.index_cast %mul3A_430 : i32 to index
      %swap3A_462 = tpu.vector_load %arg9[%swap3A_461] {strides = array<i32>} : memref<32768xf32, #tpu.memory_space<vmem>>, vector<16xf32>,
      tpu.vector_store %arg9[%swap3A_461], %select_n3A_452 {strides = array<i32>} : memref<32768xf32, #tpu.memory_space<vmem>>, vector<16xf32>,
      %swap3A_463 = arith.index_cast %mul3A_430 : i32 to index
      %swap3A_464 = tpu.vector_load %arg10[%swap3A_463] {strides = array<i32>} : memref<32768xf32, #tpu.memory_space<vmem>>, vector<16xf32>,
      tpu.vector_store %arg10[%swap3A_463], %select_n3A_460 {strides = array<i32>} : memref<32768xf32, #tpu.memory_space<vmem>>, vector<16xf32>,
      %add3A_465 = arith.addf %add3A_424, %select_n3A_452 : vector<16xf32>
      %add3A_466 = arith.addf %add3A_465, %select_n3A_460 : vector<16xf32>
      %mul3A_467 = arith.constant 8 : i32
      %mul3A_468 = arith.muli %scan3A_304, %mul3A_467 : i32
      %add3A_469 = arith.constant 4 : i32
      %add3A_470 = arith.addi %mul3A_468, %add3A_469 : i32
      %mul3A_471 = arith.constant 16 : i32
      %mul3A_472 = arith.muli %add3A_470, %mul3A_471 : i32
      %get3A_473 = arith.index_cast %mul3A_472 : i32 to index
      %get3A_474 = tpu.vector_load %arg11[%get3A_473] {strides = array<i32>} : memref<32768xi32, #tpu.memory_space<vmem>>, vector<16xi32>,
      %get3A_475 = arith.index_cast %mul3A_472 : i32 to index
      %get3A_476 = tpu.vector_load %arg9[%get3A_475] {strides = array<i32>} : memref<32768xf32, #tpu.memory_space<vmem>>, vector<16xf32>,
      %get3A_477 = arith.index_cast %mul3A_472 : i32 to index
      %get3A_478 = tpu.vector_load %arg10[%get3A_477] {strides = array<i32>} : memref<32768xf32, #tpu.memory_space<vmem>>, vector<16xf32>,
      %shift_left3A_479 = arith.constant 16 : i32
      %shift_left3A_480 = vector.broadcast %shift_left3A_479 : i32 to vector<16xi32>
      %shift_left3A_481 = arith.shli %get3A_474, %shift_left3A_480 : vector<16xi32>
      %and3A_482 = arith.constant -65536 : i32
      %and3A_483 = vector.broadcast %and3A_482 : i32 to vector<16xi32>
      %and3A_484 = arith.andi %get3A_474, %and3A_483 : vector<16xi32>
      %bitcast3A_485 = vector.bitcast %shift_left3A_481 : vector<16xi32> to vector<16xf32>
      %bitcast3A_486 = vector.bitcast %and3A_484 : vector<16xi32> to vector<16xf32>
      %ne3A_487 = arith.constant 0 : i32
      %ne3A_488 = vector.broadcast %ne3A_487 : i32 to vector<16xi32>
      %ne3A_489 = arith.cmpi ne, %shift_left3A_481, %ne3A_488 : vector<16xi32>
      %mul3A_490 = arith.constant 0.899999976 : f32
      %mul3A_491 = vector.broadcast %mul3A_490 : f32 to vector<16xf32>
      %mul3A_492 = arith.mulf %get3A_476, %mul3A_491 : vector<16xf32>
      %max3A_493 = arith.maximumf %mul3A_492, %bitcast3A_485 : vector<16xf32>
      %select_n3A_494 = arith.select %ne3A_489, %max3A_493, %get3A_476 : vector<16xi1>, vector<16xf32>
      %ne3A_495 = arith.constant 0 : i32
      %ne3A_496 = vector.broadcast %ne3A_495 : i32 to vector<16xi32>
      %ne3A_497 = arith.cmpi ne, %and3A_484, %ne3A_496 : vector<16xi32>
      %mul3A_498 = arith.constant 0.899999976 : f32
      %mul3A_499 = vector.broadcast %mul3A_498 : f32 to vector<16xf32>
      %mul3A_500 = arith.mulf %get3A_478, %mul3A_499 : vector<16xf32>
      %max3A_501 = arith.maximumf %mul3A_500, %bitcast3A_486 : vector<16xf32>
      %select_n3A_502 = arith.select %ne3A_497, %max3A_501, %get3A_478 : vector<16xi1>, vector<16xf32>
      %swap3A_503 = arith.index_cast %mul3A_472 : i32 to index
      %swap3A_504 = tpu.vector_load %arg9[%swap3A_503] {strides = array<i32>} : memref<32768xf32, #tpu.memory_space<vmem>>, vector<16xf32>,
      tpu.vector_store %arg9[%swap3A_503], %select_n3A_494 {strides = array<i32>} : memref<32768xf32, #tpu.memory_space<vmem>>, vector<16xf32>,
      %swap3A_505 = arith.index_cast %mul3A_472 : i32 to index
      %swap3A_506 = tpu.vector_load %arg10[%swap3A_505] {strides = array<i32>} : memref<32768xf32, #tpu.memory_space<vmem>>, vector<16xf32>,
      tpu.vector_store %arg10[%swap3A_505], %select_n3A_502 {strides = array<i32>} : memref<32768xf32, #tpu.memory_space<vmem>>, vector<16xf32>,
      %add3A_507 = arith.addf %add3A_466, %select_n3A_494 : vector<16xf32>
      %add3A_508 = arith.addf %add3A_507, %select_n3A_502 : vector<16xf32>
      %mul3A_509 = arith.constant 8 : i32
      %mul3A_510 = arith.muli %scan3A_304, %mul3A_509 : i32
      %add3A_511 = arith.constant 5 : i32
      %add3A_512 = arith.addi %mul3A_510, %add3A_511 : i32
      %mul3A_513 = arith.constant 16 : i32
      %mul3A_514 = arith.muli %add3A_512, %mul3A_513 : i32
      %get3A_515 = arith.index_cast %mul3A_514 : i32 to index
      %get3A_516 = tpu.vector_load %arg11[%get3A_515] {strides = array<i32>} : memref<32768xi32, #tpu.memory_space<vmem>>, vector<16xi32>,
      %get3A_517 = arith.index_cast %mul3A_514 : i32 to index
      %get3A_518 = tpu.vector_load %arg9[%get3A_517] {strides = array<i32>} : memref<32768xf32, #tpu.memory_space<vmem>>, vector<16xf32>,
      %get3A_519 = arith.index_cast %mul3A_514 : i32 to index
      %get3A_520 = tpu.vector_load %arg10[%get3A_519] {strides = array<i32>} : memref<32768xf32, #tpu.memory_space<vmem>>, vector<16xf32>,
      %shift_left3A_521 = arith.constant 16 : i32
      %shift_left3A_522 = vector.broadcast %shift_left3A_521 : i32 to vector<16xi32>
      %shift_left3A_523 = arith.shli %get3A_516, %shift_left3A_522 : vector<16xi32>
      %and3A_524 = arith.constant -65536 : i32
      %and3A_525 = vector.broadcast %and3A_524 : i32 to vector<16xi32>
      %and3A_526 = arith.andi %get3A_516, %and3A_525 : vector<16xi32>
      %bitcast3A_527 = vector.bitcast %shift_left3A_523 : vector<16xi32> to vector<16xf32>
      %bitcast3A_528 = vector.bitcast %and3A_526 : vector<16xi32> to vector<16xf32>
      %ne3A_529 = arith.constant 0 : i32
      %ne3A_530 = vector.broadcast %ne3A_529 : i32 to vector<16xi32>
      %ne3A_531 = arith.cmpi ne, %shift_left3A_523, %ne3A_530 : vector<16xi32>
      %mul3A_532 = arith.constant 0.899999976 : f32
      %mul3A_533 = vector.broadcast %mul3A_532 : f32 to vector<16xf32>
      %mul3A_534 = arith.mulf %get3A_518, %mul3A_533 : vector<16xf32>
      %max3A_535 = arith.maximumf %mul3A_534, %bitcast3A_527 : vector<16xf32>
      %select_n3A_536 = arith.select %ne3A_531, %max3A_535, %get3A_518 : vector<16xi1>, vector<16xf32>
      %ne3A_537 = arith.constant 0 : i32
      %ne3A_538 = vector.broadcast %ne3A_537 : i32 to vector<16xi32>
      %ne3A_539 = arith.cmpi ne, %and3A_526, %ne3A_538 : vector<16xi32>
      %mul3A_540 = arith.constant 0.899999976 : f32
      %mul3A_541 = vector.broadcast %mul3A_540 : f32 to vector<16xf32>
      %mul3A_542 = arith.mulf %get3A_520, %mul3A_541 : vector<16xf32>
      %max3A_543 = arith.maximumf %mul3A_542, %bitcast3A_528 : vector<16xf32>
      %select_n3A_544 = arith.select %ne3A_539, %max3A_543, %get3A_520 : vector<16xi1>, vector<16xf32>
      %swap3A_545 = arith.index_cast %mul3A_514 : i32 to index
      %swap3A_546 = tpu.vector_load %arg9[%swap3A_545] {strides = array<i32>} : memref<32768xf32, #tpu.memory_space<vmem>>, vector<16xf32>,
      tpu.vector_store %arg9[%swap3A_545], %select_n3A_536 {strides = array<i32>} : memref<32768xf32, #tpu.memory_space<vmem>>, vector<16xf32>,
      %swap3A_547 = arith.index_cast %mul3A_514 : i32 to index
      %swap3A_548 = tpu.vector_load %arg10[%swap3A_547] {strides = array<i32>} : memref<32768xf32, #tpu.memory_space<vmem>>, vector<16xf32>,
      tpu.vector_store %arg10[%swap3A_547], %select_n3A_544 {strides = array<i32>} : memref<32768xf32, #tpu.memory_space<vmem>>, vector<16xf32>,
      %add3A_549 = arith.addf %add3A_508, %select_n3A_536 : vector<16xf32>
      %add3A_550 = arith.addf %add3A_549, %select_n3A_544 : vector<16xf32>
      %mul3A_551 = arith.constant 8 : i32
      %mul3A_552 = arith.muli %scan3A_304, %mul3A_551 : i32
      %add3A_553 = arith.constant 6 : i32
      %add3A_554 = arith.addi %mul3A_552, %add3A_553 : i32
      %mul3A_555 = arith.constant 16 : i32
      %mul3A_556 = arith.muli %add3A_554, %mul3A_555 : i32
      %get3A_557 = arith.index_cast %mul3A_556 : i32 to index
      %get3A_558 = tpu.vector_load %arg11[%get3A_557] {strides = array<i32>} : memref<32768xi32, #tpu.memory_space<vmem>>, vector<16xi32>,
      %get3A_559 = arith.index_cast %mul3A_556 : i32 to index
      %get3A_560 = tpu.vector_load %arg9[%get3A_559] {strides = array<i32>} : memref<32768xf32, #tpu.memory_space<vmem>>, vector<16xf32>,
      %get3A_561 = arith.index_cast %mul3A_556 : i32 to index
      %get3A_562 = tpu.vector_load %arg10[%get3A_561] {strides = array<i32>} : memref<32768xf32, #tpu.memory_space<vmem>>, vector<16xf32>,
      %shift_left3A_563 = arith.constant 16 : i32
      %shift_left3A_564 = vector.broadcast %shift_left3A_563 : i32 to vector<16xi32>
      %shift_left3A_565 = arith.shli %get3A_558, %shift_left3A_564 : vector<16xi32>
      %and3A_566 = arith.constant -65536 : i32
      %and3A_567 = vector.broadcast %and3A_566 : i32 to vector<16xi32>
      %and3A_568 = arith.andi %get3A_558, %and3A_567 : vector<16xi32>
      %bitcast3A_569 = vector.bitcast %shift_left3A_565 : vector<16xi32> to vector<16xf32>
      %bitcast3A_570 = vector.bitcast %and3A_568 : vector<16xi32> to vector<16xf32>
      %ne3A_571 = arith.constant 0 : i32
      %ne3A_572 = vector.broadcast %ne3A_571 : i32 to vector<16xi32>
      %ne3A_573 = arith.cmpi ne, %shift_left3A_565, %ne3A_572 : vector<16xi32>
      %mul3A_574 = arith.constant 0.899999976 : f32
      %mul3A_575 = vector.broadcast %mul3A_574 : f32 to vector<16xf32>
      %mul3A_576 = arith.mulf %get3A_560, %mul3A_575 : vector<16xf32>
      %max3A_577 = arith.maximumf %mul3A_576, %bitcast3A_569 : vector<16xf32>
      %select_n3A_578 = arith.select %ne3A_573, %max3A_577, %get3A_560 : vector<16xi1>, vector<16xf32>
      %ne3A_579 = arith.constant 0 : i32
      %ne3A_580 = vector.broadcast %ne3A_579 : i32 to vector<16xi32>
      %ne3A_581 = arith.cmpi ne, %and3A_568, %ne3A_580 : vector<16xi32>
      %mul3A_582 = arith.constant 0.899999976 : f32
      %mul3A_583 = vector.broadcast %mul3A_582 : f32 to vector<16xf32>
      %mul3A_584 = arith.mulf %get3A_562, %mul3A_583 : vector<16xf32>
      %max3A_585 = arith.maximumf %mul3A_584, %bitcast3A_570 : vector<16xf32>
      %select_n3A_586 = arith.select %ne3A_581, %max3A_585, %get3A_562 : vector<16xi1>, vector<16xf32>
      %swap3A_587 = arith.index_cast %mul3A_556 : i32 to index
      %swap3A_588 = tpu.vector_load %arg9[%swap3A_587] {strides = array<i32>} : memref<32768xf32, #tpu.memory_space<vmem>>, vector<16xf32>,
      tpu.vector_store %arg9[%swap3A_587], %select_n3A_578 {strides = array<i32>} : memref<32768xf32, #tpu.memory_space<vmem>>, vector<16xf32>,
      %swap3A_589 = arith.index_cast %mul3A_556 : i32 to index
      %swap3A_590 = tpu.vector_load %arg10[%swap3A_589] {strides = array<i32>} : memref<32768xf32, #tpu.memory_space<vmem>>, vector<16xf32>,
      tpu.vector_store %arg10[%swap3A_589], %select_n3A_586 {strides = array<i32>} : memref<32768xf32, #tpu.memory_space<vmem>>, vector<16xf32>,
      %add3A_591 = arith.addf %add3A_550, %select_n3A_578 : vector<16xf32>
      %add3A_592 = arith.addf %add3A_591, %select_n3A_586 : vector<16xf32>
      %mul3A_593 = arith.constant 8 : i32
      %mul3A_594 = arith.muli %scan3A_304, %mul3A_593 : i32
      %add3A_595 = arith.constant 7 : i32
      %add3A_596 = arith.addi %mul3A_594, %add3A_595 : i32
      %mul3A_597 = arith.constant 16 : i32
      %mul3A_598 = arith.muli %add3A_596, %mul3A_597 : i32
      %get3A_599 = arith.index_cast %mul3A_598 : i32 to index
      %get3A_600 = tpu.vector_load %arg11[%get3A_599] {strides = array<i32>} : memref<32768xi32, #tpu.memory_space<vmem>>, vector<16xi32>,
      %get3A_601 = arith.index_cast %mul3A_598 : i32 to index
      %get3A_602 = tpu.vector_load %arg9[%get3A_601] {strides = array<i32>} : memref<32768xf32, #tpu.memory_space<vmem>>, vector<16xf32>,
      %get3A_603 = arith.index_cast %mul3A_598 : i32 to index
      %get3A_604 = tpu.vector_load %arg10[%get3A_603] {strides = array<i32>} : memref<32768xf32, #tpu.memory_space<vmem>>, vector<16xf32>,
      %shift_left3A_605 = arith.constant 16 : i32
      %shift_left3A_606 = vector.broadcast %shift_left3A_605 : i32 to vector<16xi32>
      %shift_left3A_607 = arith.shli %get3A_600, %shift_left3A_606 : vector<16xi32>
      %and3A_608 = arith.constant -65536 : i32
      %and3A_609 = vector.broadcast %and3A_608 : i32 to vector<16xi32>
      %and3A_610 = arith.andi %get3A_600, %and3A_609 : vector<16xi32>
      %bitcast3A_611 = vector.bitcast %shift_left3A_607 : vector<16xi32> to vector<16xf32>
      %bitcast3A_612 = vector.bitcast %and3A_610 : vector<16xi32> to vector<16xf32>
      %ne3A_613 = arith.constant 0 : i32
      %ne3A_614 = vector.broadcast %ne3A_613 : i32 to vector<16xi32>
      %ne3A_615 = arith.cmpi ne, %shift_left3A_607, %ne3A_614 : vector<16xi32>
      %mul3A_616 = arith.constant 0.899999976 : f32
      %mul3A_617 = vector.broadcast %mul3A_616 : f32 to vector<16xf32>
      %mul3A_618 = arith.mulf %get3A_602, %mul3A_617 : vector<16xf32>
      %max3A_619 = arith.maximumf %mul3A_618, %bitcast3A_611 : vector<16xf32>
      %select_n3A_620 = arith.select %ne3A_615, %max3A_619, %get3A_602 : vector<16xi1>, vector<16xf32>
      %ne3A_621 = arith.constant 0 : i32
      %ne3A_622 = vector.broadcast %ne3A_621 : i32 to vector<16xi32>
      %ne3A_623 = arith.cmpi ne, %and3A_610, %ne3A_622 : vector<16xi32>
      %mul3A_624 = arith.constant 0.899999976 : f32
      %mul3A_625 = vector.broadcast %mul3A_624 : f32 to vector<16xf32>
      %mul3A_626 = arith.mulf %get3A_604, %mul3A_625 : vector<16xf32>
      %max3A_627 = arith.maximumf %mul3A_626, %bitcast3A_612 : vector<16xf32>
      %select_n3A_628 = arith.select %ne3A_623, %max3A_627, %get3A_604 : vector<16xi1>, vector<16xf32>
      %swap3A_629 = arith.index_cast %mul3A_598 : i32 to index
      %swap3A_630 = tpu.vector_load %arg9[%swap3A_629] {strides = array<i32>} : memref<32768xf32, #tpu.memory_space<vmem>>, vector<16xf32>,
      tpu.vector_store %arg9[%swap3A_629], %select_n3A_620 {strides = array<i32>} : memref<32768xf32, #tpu.memory_space<vmem>>, vector<16xf32>,
      %swap3A_631 = arith.index_cast %mul3A_598 : i32 to index
      %swap3A_632 = tpu.vector_load %arg10[%swap3A_631] {strides = array<i32>} : memref<32768xf32, #tpu.memory_space<vmem>>, vector<16xf32>,
      tpu.vector_store %arg10[%swap3A_631], %select_n3A_628 {strides = array<i32>} : memref<32768xf32, #tpu.memory_space<vmem>>, vector<16xf32>,
      %add3A_633 = arith.addf %add3A_592, %select_n3A_620 : vector<16xf32>
      %add3A_634 = arith.addf %add3A_633, %select_n3A_628 : vector<16xf32>
      scf.yield %add3A_634 : vector<16xf32>
    }
    %scan3A_206 = arith.constant 256 : i32
    %mul3A_207 = arith.constant 32768 : i32
    %mul3A_208 = arith.muli %add3A_148, %mul3A_207 : i32
    %dma_start3A_209 = arith.constant 0 : i32
    %dma_start3A_210 = tpu.memref_slice %arg7[%dma_start3A_209, %mul3A_208] : memref<4x2097152xf32, #tpu.memory_space<hbm>> -> memref<1x32768xf32, #tpu.memory_space<hbm>>
    %dma_start3A_211 = tpu.memref_squeeze %dma_start3A_210 : memref<1x32768xf32, #tpu.memory_space<hbm>> -> memref<32768xf32, #tpu.memory_space<hbm>>
    %dma_start3A_212 = tpu.memref_slice %arg7[%dma_start3A_209, %mul3A_208] : memref<4x2097152xf32, #tpu.memory_space<hbm>> -> memref<1x32768xf32, #tpu.memory_space<hbm>>
    %dma_start3A_213 = tpu.memref_squeeze %dma_start3A_212 : memref<1x32768xf32, #tpu.memory_space<hbm>> -> memref<32768xf32, #tpu.memory_space<hbm>>
    tpu.enqueue_dma source(%arg9 : memref<32768xf32, #tpu.memory_space<vmem>>) target(%dma_start3A_213 : memref<32768xf32, #tpu.memory_space<hbm>>) target_semaphore(%arg20 : memref<!tpu.dma_semaphore, #tpu.memory_space<semaphore_mem>>)
    %mul3A_214 = arith.constant 32768 : i32
    %mul3A_215 = arith.muli %add3A_148, %mul3A_214 : i32
    %dma_start3A_216 = arith.constant 1 : i32
    %dma_start3A_217 = tpu.memref_slice %arg7[%dma_start3A_216, %mul3A_215] : memref<4x2097152xf32, #tpu.memory_space<hbm>> -> memref<1x32768xf32, #tpu.memory_space<hbm>>
    %dma_start3A_218 = tpu.memref_squeeze %dma_start3A_217 : memref<1x32768xf32, #tpu.memory_space<hbm>> -> memref<32768xf32, #tpu.memory_space<hbm>>
    %dma_start3A_219 = tpu.memref_slice %arg7[%dma_start3A_216, %mul3A_215] : memref<4x2097152xf32, #tpu.memory_space<hbm>> -> memref<1x32768xf32, #tpu.memory_space<hbm>>
    %dma_start3A_220 = tpu.memref_squeeze %dma_start3A_219 : memref<1x32768xf32, #tpu.memory_space<hbm>> -> memref<32768xf32, #tpu.memory_space<hbm>>
    tpu.enqueue_dma source(%arg10 : memref<32768xf32, #tpu.memory_space<vmem>>) target(%dma_start3A_220 : memref<32768xf32, #tpu.memory_space<hbm>>) target_semaphore(%arg21 : memref<!tpu.dma_semaphore, #tpu.memory_space<semaphore_mem>>)
    %dma_wait3A_221 = arith.constant 0 : i32
    %dma_wait3A_222 = tpu.memref_slice %arg7[%dma_wait3A_221, %mul3A_208] : memref<4x2097152xf32, #tpu.memory_space<hbm>> -> memref<1x32768xf32, #tpu.memory_space<hbm>>
    %dma_wait3A_223 = tpu.memref_squeeze %dma_wait3A_222 : memref<1x32768xf32, #tpu.memory_space<hbm>> -> memref<32768xf32, #tpu.memory_space<hbm>>
    %dma_wait3A_224 = tpu.memref_slice %arg7[%dma_wait3A_221, %mul3A_208] : memref<4x2097152xf32, #tpu.memory_space<hbm>> -> memref<1x32768xf32, #tpu.memory_space<hbm>>
    %dma_wait3A_225 = tpu.memref_squeeze %dma_wait3A_224 : memref<1x32768xf32, #tpu.memory_space<hbm>> -> memref<32768xf32, #tpu.memory_space<hbm>>
    tpu.wait_dma2 semaphore(%arg20 : memref<!tpu.dma_semaphore, #tpu.memory_space<semaphore_mem>>) src(%arg9 : memref<32768xf32, #tpu.memory_space<vmem>>) dst(%dma_wait3A_225 : memref<32768xf32, #tpu.memory_space<hbm>>)
    %dma_wait3A_226 = arith.constant 1 : i32
    %dma_wait3A_227 = tpu.memref_slice %arg7[%dma_wait3A_226, %mul3A_215] : memref<4x2097152xf32, #tpu.memory_space<hbm>> -> memref<1x32768xf32, #tpu.memory_space<hbm>>
    %dma_wait3A_228 = tpu.memref_squeeze %dma_wait3A_227 : memref<1x32768xf32, #tpu.memory_space<hbm>> -> memref<32768xf32, #tpu.memory_space<hbm>>
    %dma_wait3A_229 = tpu.memref_slice %arg7[%dma_wait3A_226, %mul3A_215] : memref<4x2097152xf32, #tpu.memory_space<hbm>> -> memref<1x32768xf32, #tpu.memory_space<hbm>>
    %dma_wait3A_230 = tpu.memref_squeeze %dma_wait3A_229 : memref<1x32768xf32, #tpu.memory_space<hbm>> -> memref<32768xf32, #tpu.memory_space<hbm>>
    tpu.wait_dma2 semaphore(%arg21 : memref<!tpu.dma_semaphore, #tpu.memory_space<semaphore_mem>>) src(%arg10 : memref<32768xf32, #tpu.memory_space<vmem>>) dst(%dma_wait3A_230 : memref<32768xf32, #tpu.memory_space<hbm>>)
    %mul3A_231 = arith.constant 32768 : i32
    %mul3A_232 = arith.muli %add3A_148, %mul3A_231 : i32
    %dma_start3A_233 = arith.constant 2 : i32
    %dma_start3A_234 = tpu.memref_slice %arg2[%dma_start3A_233, %mul3A_232] : memref<4x2097152xf32, #tpu.memory_space<hbm>> -> memref<1x32768xf32, #tpu.memory_space<hbm>>
    %dma_start3A_235 = tpu.memref_squeeze %dma_start3A_234 : memref<1x32768xf32, #tpu.memory_space<hbm>> -> memref<32768xf32, #tpu.memory_space<hbm>>
    %dma_start3A_236 = tpu.memref_slice %arg2[%dma_start3A_233, %mul3A_232] : memref<4x2097152xf32, #tpu.memory_space<hbm>> -> memref<1x32768xf32, #tpu.memory_space<hbm>>
    %dma_start3A_237 = tpu.memref_squeeze %dma_start3A_236 : memref<1x32768xf32, #tpu.memory_space<hbm>> -> memref<32768xf32, #tpu.memory_space<hbm>>
    tpu.enqueue_dma source(%dma_start3A_237 : memref<32768xf32, #tpu.memory_space<hbm>>) target(%arg9 : memref<32768xf32, #tpu.memory_space<vmem>>) target_semaphore(%arg19 : memref<!tpu.dma_semaphore, #tpu.memory_space<semaphore_mem>>)
    %mul3A_238 = arith.constant 32768 : i32
    %mul3A_239 = arith.muli %add3A_148, %mul3A_238 : i32
    %dma_start3A_240 = arith.constant 3 : i32
    %dma_start3A_241 = tpu.memref_slice %arg2[%dma_start3A_240, %mul3A_239] : memref<4x2097152xf32, #tpu.memory_space<hbm>> -> memref<1x32768xf32, #tpu.memory_space<hbm>>
    %dma_start3A_242 = tpu.memref_squeeze %dma_start3A_241 : memref<1x32768xf32, #tpu.memory_space<hbm>> -> memref<32768xf32, #tpu.memory_space<hbm>>
    %dma_start3A_243 = tpu.memref_slice %arg2[%dma_start3A_240, %mul3A_239] : memref<4x2097152xf32, #tpu.memory_space<hbm>> -> memref<1x32768xf32, #tpu.memory_space<hbm>>
    %dma_start3A_244 = tpu.memref_squeeze %dma_start3A_243 : memref<1x32768xf32, #tpu.memory_space<hbm>> -> memref<32768xf32, #tpu.memory_space<hbm>>
    tpu.enqueue_dma source(%dma_start3A_244 : memref<32768xf32, #tpu.memory_space<hbm>>) target(%arg10 : memref<32768xf32, #tpu.memory_space<vmem>>) target_semaphore(%arg19 : memref<!tpu.dma_semaphore, #tpu.memory_space<semaphore_mem>>)
    %scan3A_245 = arith.constant 0 : i32
    %scan3A_246 = arith.constant 0 : i32
    %scan3A_247 = arith.constant 32 : i32
    %scan3A_248 = arith.addi %scan3A_246, %scan3A_247 : i32
    %scan3A_249 = arith.constant 1 : i32
    scf.for %scan3A_304 = %scan3A_246 to %scan3A_248 step %scan3A_249  : i32 {
      %mul3A_305 = arith.constant 2 : i32
      %mul3A_306 = arith.muli %mul3A_305, %scan3A_304 : i32
      %add3A_307 = arith.constant 1 : i32
      %add3A_308 = arith.addi %mul3A_306, %add3A_307 : i32
      %get3A = arith.index_cast %add3A_308 : i32 to index
      %get3A_309 = memref.load %arg16[%get3A] : memref<64xi32, #tpu.memory_space<smem>>
      %mul3A_310 = arith.constant 2 : i32
      %mul3A_311 = arith.muli %mul3A_310, %scan3A_304 : i32
      %get3A_312 = arith.index_cast %mul3A_311 : i32 to index
      %get3A_313 = memref.load %arg16[%get3A_312] : memref<64xi32, #tpu.memory_space<smem>>
      %add3A_314 = arith.addi %get3A_309, %get3A_313 : i32
      %add3A_315 = arith.constant 15 : i32
      %add3A_316 = arith.addi %add3A_314, %add3A_315 : i32
      %jit3A = arith.constant 16 : i32
      %div3A = arith.divsi %add3A_316, %jit3A : i32
      %sign3A = arith.constant 0 : i32
      %sign3A_317 = arith.cmpi sgt, %add3A_316, %sign3A : i32
      %sign3A_318 = arith.extui %sign3A_317 : i1 to i32
      %sign3A_319 = arith.constant 0 : i32
      %sign3A_320 = arith.cmpi slt, %add3A_316, %sign3A_319 : i32
      %sign3A_321 = arith.extui %sign3A_320 : i1 to i32
      %sign3A_322 = arith.subi %sign3A_318, %sign3A_321 : i32
      %sign3A_323 = arith.constant 0 : i32
      %sign3A_324 = arith.cmpi sgt, %jit3A, %sign3A_323 : i32
      %sign3A_325 = arith.extui %sign3A_324 : i1 to i32
      %sign3A_326 = arith.constant 0 : i32
      %sign3A_327 = arith.cmpi slt, %jit3A, %sign3A_326 : i32
      %sign3A_328 = arith.extui %sign3A_327 : i1 to i32
      %sign3A_329 = arith.subi %sign3A_325, %sign3A_328 : i32
      %ne3A = arith.cmpi ne, %sign3A_322, %sign3A_329 : i32
      %rem3A = arith.remsi %add3A_316, %jit3A : i32
      %ne3A_330 = arith.constant 0 : i32
      %ne3A_331 = arith.cmpi ne, %rem3A, %ne3A_330 : i32
      %and3A = arith.andi %ne3A, %ne3A_331 : i1
      %sub3A = arith.constant 1 : i32
      %sub3A_332 = arith.subi %div3A, %sub3A : i32
      %select_n3A = arith.select %and3A, %sub3A_332, %div3A : i32
      %while3A = arith.constant 0 : i32
      %while3A_333 = arith.constant 0 : i32
      %while3A_334 = arith.subi %select_n3A, %while3A_333 : i32
      %while3A_335 = arith.addi %while3A_333, %while3A_334 : i32
      %while3A_336 = arith.constant 1 : i32
      %while3A_337 = arith.divsi %while3A_334, %while3A_336 : i32
      %while3A_338 = arith.muli %while3A_337, %while3A_336 : i32
      %while3A_339 = arith.addi %while3A_333, %while3A_338 : i32
      %while3A_340 = arith.constant 1 : i32
      scf.for %while3A_342 = %while3A_333 to %while3A_339 step %while3A_340  : i32 {
        %mul3A_343 = arith.constant 16 : i32
        %mul3A_344 = arith.muli %while3A_342, %mul3A_343 : i32
        %add3A_345 = vector.broadcast %mul3A_344 : i32 to vector<16xi32>
        %add3A_346 = arith.addi %add3A_345, %iota3A : vector<16xi32>
        %ge3A = vector.broadcast %get3A_309 : i32 to vector<16xi32>
        %ge3A_347 = arith.cmpi sge, %add3A_346, %ge3A : vector<16xi32>
        %lt3A = vector.broadcast %add3A_314 : i32 to vector<16xi32>
        %lt3A_348 = arith.cmpi slt, %add3A_346, %lt3A : vector<16xi32>
        %and3A_349 = arith.andi %ge3A_347, %lt3A_348 : vector<16xi1>
        %mul3A_350 = arith.constant 256 : i32
        %mul3A_351 = arith.muli %scan3A_304, %mul3A_350 : i32
        %mul3A_352 = arith.constant 16 : i32
        %mul3A_353 = arith.muli %while3A_342, %mul3A_352 : i32
        %add3A_354 = arith.addi %mul3A_351, %mul3A_353 : i32
        %get3A_355 = arith.index_cast %add3A_354 : i32 to index
        %get3A_356 = tpu.vector_load %arg12[%get3A_355] {strides = array<i32>} : memref<8192xi32, #tpu.memory_space<vmem>>, vector<16xi32>,
        %and3A_357 = arith.constant 32767 : i32
        %and3A_358 = vector.broadcast %and3A_357 : i32 to vector<16xi32>
        %and3A_359 = arith.andi %get3A_356, %and3A_358 : vector<16xi32>
        %get3A_360 = arith.index_cast %add3A_354 : i32 to index
        %get3A_361 = tpu.vector_load %arg14[%get3A_360] {strides = array<i32>} : memref<8192xi32, #tpu.memory_space<vmem>>, vector<16xi32>,
        tpu.vector_store_idx %arg11[%and3A_359], %get3A_361 masked %and3A_349 : memref<32768xi32, #tpu.memory_space<vmem>>[vector<16xi32>], vector<16xi32>, vector<16xi1>
      }
      %while3A_341 = arith.constant 1 : i32
      scf.for %while3A_342 = %while3A_339 to %while3A_335 step %while3A_341  : i32 {
        %mul3A_343 = arith.constant 16 : i32
        %mul3A_344 = arith.muli %while3A_342, %mul3A_343 : i32
        %add3A_345 = vector.broadcast %mul3A_344 : i32 to vector<16xi32>
        %add3A_346 = arith.addi %add3A_345, %iota3A : vector<16xi32>
        %ge3A = vector.broadcast %get3A_309 : i32 to vector<16xi32>
        %ge3A_347 = arith.cmpi sge, %add3A_346, %ge3A : vector<16xi32>
        %lt3A = vector.broadcast %add3A_314 : i32 to vector<16xi32>
        %lt3A_348 = arith.cmpi slt, %add3A_346, %lt3A : vector<16xi32>
        %and3A_349 = arith.andi %ge3A_347, %lt3A_348 : vector<16xi1>
        %mul3A_350 = arith.constant 256 : i32
        %mul3A_351 = arith.muli %scan3A_304, %mul3A_350 : i32
        %mul3A_352 = arith.constant 16 : i32
        %mul3A_353 = arith.muli %while3A_342, %mul3A_352 : i32
        %add3A_354 = arith.addi %mul3A_351, %mul3A_353 : i32
        %get3A_355 = arith.index_cast %add3A_354 : i32 to index
        %get3A_356 = tpu.vector_load %arg12[%get3A_355] {strides = array<i32>} : memref<8192xi32, #tpu.memory_space<vmem>>, vector<16xi32>,
        %and3A_357 = arith.constant 32767 : i32
        %and3A_358 = vector.broadcast %and3A_357 : i32 to vector<16xi32>
        %and3A_359 = arith.andi %get3A_356, %and3A_358 : vector<16xi32>
        %get3A_360 = arith.index_cast %add3A_354 : i32 to index
        %get3A_361 = tpu.vector_load %arg14[%get3A_360] {strides = array<i32>} : memref<8192xi32, #tpu.memory_space<vmem>>, vector<16xi32>,
        tpu.vector_store_idx %arg11[%and3A_359], %get3A_361 masked %and3A_349 : memref<32768xi32, #tpu.memory_space<vmem>>[vector<16xi32>], vector<16xi32>, vector<16xi1>
      }
    }
    %scan3A_250 = arith.constant 32 : i32
    %dma_wait3A_251 = arith.constant 2 : i32
    %dma_wait3A_252 = tpu.memref_slice %arg2[%dma_wait3A_251, %mul3A_232] : memref<4x2097152xf32, #tpu.memory_space<hbm>> -> memref<1x32768xf32, #tpu.memory_space<hbm>>
    %dma_wait3A_253 = tpu.memref_squeeze %dma_wait3A_252 : memref<1x32768xf32, #tpu.memory_space<hbm>> -> memref<32768xf32, #tpu.memory_space<hbm>>
    %dma_wait3A_254 = tpu.memref_slice %arg2[%dma_wait3A_251, %mul3A_232] : memref<4x2097152xf32, #tpu.memory_space<hbm>> -> memref<1x32768xf32, #tpu.memory_space<hbm>>
    %dma_wait3A_255 = tpu.memref_squeeze %dma_wait3A_254 : memref<1x32768xf32, #tpu.memory_space<hbm>> -> memref<32768xf32, #tpu.memory_space<hbm>>
    tpu.wait_dma2 semaphore(%arg19 : memref<!tpu.dma_semaphore, #tpu.memory_space<semaphore_mem>>) src(%dma_wait3A_255 : memref<32768xf32, #tpu.memory_space<hbm>>) dst(%arg9 : memref<32768xf32, #tpu.memory_space<vmem>>)
    %dma_wait3A_256 = arith.constant 3 : i32
    %dma_wait3A_257 = tpu.memref_slice %arg2[%dma_wait3A_256, %mul3A_239] : memref<4x2097152xf32, #tpu.memory_space<hbm>> -> memref<1x32768xf32, #tpu.memory_space<hbm>>
    %dma_wait3A_258 = tpu.memref_squeeze %dma_wait3A_257 : memref<1x32768xf32, #tpu.memory_space<hbm>> -> memref<32768xf32, #tpu.memory_space<hbm>>
    %dma_wait3A_259 = tpu.memref_slice %arg2[%dma_wait3A_256, %mul3A_239] : memref<4x2097152xf32, #tpu.memory_space<hbm>> -> memref<1x32768xf32, #tpu.memory_space<hbm>>
    %dma_wait3A_260 = tpu.memref_squeeze %dma_wait3A_259 : memref<1x32768xf32, #tpu.memory_space<hbm>> -> memref<32768xf32, #tpu.memory_space<hbm>>
    tpu.wait_dma2 semaphore(%arg19 : memref<!tpu.dma_semaphore, #tpu.memory_space<semaphore_mem>>) src(%dma_wait3A_260 : memref<32768xf32, #tpu.memory_space<hbm>>) dst(%arg10 : memref<32768xf32, #tpu.memory_space<vmem>>)
    %scan3A_261 = arith.constant 0 : i32
    %scan3A_262 = arith.constant 256 : i32
    %scan3A_263 = arith.addi %scan3A_261, %scan3A_262 : i32
    %scan3A_264 = arith.constant 1 : i32
    %scan3A_265 = scf.for %scan3A_304 = %scan3A_261 to %scan3A_263 step %scan3A_264 iter_args(%scan3A_305 = %scan3A_205) -> (vector<16xf32>)  : i32 {
      %mul3A_306 = arith.constant 8 : i32
      %mul3A_307 = arith.muli %scan3A_304, %mul3A_306 : i32
      %add3A_308 = arith.constant 0 : i32
      %add3A_309 = arith.addi %mul3A_307, %add3A_308 : i32
      %mul3A_310 = arith.constant 16 : i32
      %mul3A_311 = arith.muli %add3A_309, %mul3A_310 : i32
      %get3A = arith.index_cast %mul3A_311 : i32 to index
      %get3A_312 = tpu.vector_load %arg11[%get3A] {strides = array<i32>} : memref<32768xi32, #tpu.memory_space<vmem>>, vector<16xi32>,
      %get3A_313 = arith.index_cast %mul3A_311 : i32 to index
      %get3A_314 = tpu.vector_load %arg9[%get3A_313] {strides = array<i32>} : memref<32768xf32, #tpu.memory_space<vmem>>, vector<16xf32>,
      %get3A_315 = arith.index_cast %mul3A_311 : i32 to index
      %get3A_316 = tpu.vector_load %arg10[%get3A_315] {strides = array<i32>} : memref<32768xf32, #tpu.memory_space<vmem>>, vector<16xf32>,
      %shift_left3A = arith.constant 16 : i32
      %shift_left3A_317 = vector.broadcast %shift_left3A : i32 to vector<16xi32>
      %shift_left3A_318 = arith.shli %get3A_312, %shift_left3A_317 : vector<16xi32>
      %and3A = arith.constant -65536 : i32
      %and3A_319 = vector.broadcast %and3A : i32 to vector<16xi32>
      %and3A_320 = arith.andi %get3A_312, %and3A_319 : vector<16xi32>
      %bitcast3A = vector.bitcast %shift_left3A_318 : vector<16xi32> to vector<16xf32>
      %bitcast3A_321 = vector.bitcast %and3A_320 : vector<16xi32> to vector<16xf32>
      %ne3A = arith.constant 0 : i32
      %ne3A_322 = vector.broadcast %ne3A : i32 to vector<16xi32>
      %ne3A_323 = arith.cmpi ne, %shift_left3A_318, %ne3A_322 : vector<16xi32>
      %mul3A_324 = arith.constant 0.899999976 : f32
      %mul3A_325 = vector.broadcast %mul3A_324 : f32 to vector<16xf32>
      %mul3A_326 = arith.mulf %get3A_314, %mul3A_325 : vector<16xf32>
      %max3A = arith.maximumf %mul3A_326, %bitcast3A : vector<16xf32>
      %select_n3A = arith.select %ne3A_323, %max3A, %get3A_314 : vector<16xi1>, vector<16xf32>
      %ne3A_327 = arith.constant 0 : i32
      %ne3A_328 = vector.broadcast %ne3A_327 : i32 to vector<16xi32>
      %ne3A_329 = arith.cmpi ne, %and3A_320, %ne3A_328 : vector<16xi32>
      %mul3A_330 = arith.constant 0.899999976 : f32
      %mul3A_331 = vector.broadcast %mul3A_330 : f32 to vector<16xf32>
      %mul3A_332 = arith.mulf %get3A_316, %mul3A_331 : vector<16xf32>
      %max3A_333 = arith.maximumf %mul3A_332, %bitcast3A_321 : vector<16xf32>
      %select_n3A_334 = arith.select %ne3A_329, %max3A_333, %get3A_316 : vector<16xi1>, vector<16xf32>
      %swap3A_335 = arith.index_cast %mul3A_311 : i32 to index
      %swap3A_336 = tpu.vector_load %arg9[%swap3A_335] {strides = array<i32>} : memref<32768xf32, #tpu.memory_space<vmem>>, vector<16xf32>,
      tpu.vector_store %arg9[%swap3A_335], %select_n3A {strides = array<i32>} : memref<32768xf32, #tpu.memory_space<vmem>>, vector<16xf32>,
      %swap3A_337 = arith.index_cast %mul3A_311 : i32 to index
      %swap3A_338 = tpu.vector_load %arg10[%swap3A_337] {strides = array<i32>} : memref<32768xf32, #tpu.memory_space<vmem>>, vector<16xf32>,
      tpu.vector_store %arg10[%swap3A_337], %select_n3A_334 {strides = array<i32>} : memref<32768xf32, #tpu.memory_space<vmem>>, vector<16xf32>,
      %add3A_339 = arith.addf %scan3A_305, %select_n3A : vector<16xf32>
      %add3A_340 = arith.addf %add3A_339, %select_n3A_334 : vector<16xf32>
      %mul3A_341 = arith.constant 8 : i32
      %mul3A_342 = arith.muli %scan3A_304, %mul3A_341 : i32
      %add3A_343 = arith.constant 1 : i32
      %add3A_344 = arith.addi %mul3A_342, %add3A_343 : i32
      %mul3A_345 = arith.constant 16 : i32
      %mul3A_346 = arith.muli %add3A_344, %mul3A_345 : i32
      %get3A_347 = arith.index_cast %mul3A_346 : i32 to index
      %get3A_348 = tpu.vector_load %arg11[%get3A_347] {strides = array<i32>} : memref<32768xi32, #tpu.memory_space<vmem>>, vector<16xi32>,
      %get3A_349 = arith.index_cast %mul3A_346 : i32 to index
      %get3A_350 = tpu.vector_load %arg9[%get3A_349] {strides = array<i32>} : memref<32768xf32, #tpu.memory_space<vmem>>, vector<16xf32>,
      %get3A_351 = arith.index_cast %mul3A_346 : i32 to index
      %get3A_352 = tpu.vector_load %arg10[%get3A_351] {strides = array<i32>} : memref<32768xf32, #tpu.memory_space<vmem>>, vector<16xf32>,
      %shift_left3A_353 = arith.constant 16 : i32
      %shift_left3A_354 = vector.broadcast %shift_left3A_353 : i32 to vector<16xi32>
      %shift_left3A_355 = arith.shli %get3A_348, %shift_left3A_354 : vector<16xi32>
      %and3A_356 = arith.constant -65536 : i32
      %and3A_357 = vector.broadcast %and3A_356 : i32 to vector<16xi32>
      %and3A_358 = arith.andi %get3A_348, %and3A_357 : vector<16xi32>
      %bitcast3A_359 = vector.bitcast %shift_left3A_355 : vector<16xi32> to vector<16xf32>
      %bitcast3A_360 = vector.bitcast %and3A_358 : vector<16xi32> to vector<16xf32>
      %ne3A_361 = arith.constant 0 : i32
      %ne3A_362 = vector.broadcast %ne3A_361 : i32 to vector<16xi32>
      %ne3A_363 = arith.cmpi ne, %shift_left3A_355, %ne3A_362 : vector<16xi32>
      %mul3A_364 = arith.constant 0.899999976 : f32
      %mul3A_365 = vector.broadcast %mul3A_364 : f32 to vector<16xf32>
      %mul3A_366 = arith.mulf %get3A_350, %mul3A_365 : vector<16xf32>
      %max3A_367 = arith.maximumf %mul3A_366, %bitcast3A_359 : vector<16xf32>
      %select_n3A_368 = arith.select %ne3A_363, %max3A_367, %get3A_350 : vector<16xi1>, vector<16xf32>
      %ne3A_369 = arith.constant 0 : i32
      %ne3A_370 = vector.broadcast %ne3A_369 : i32 to vector<16xi32>
      %ne3A_371 = arith.cmpi ne, %and3A_358, %ne3A_370 : vector<16xi32>
      %mul3A_372 = arith.constant 0.899999976 : f32
      %mul3A_373 = vector.broadcast %mul3A_372 : f32 to vector<16xf32>
      %mul3A_374 = arith.mulf %get3A_352, %mul3A_373 : vector<16xf32>
      %max3A_375 = arith.maximumf %mul3A_374, %bitcast3A_360 : vector<16xf32>
      %select_n3A_376 = arith.select %ne3A_371, %max3A_375, %get3A_352 : vector<16xi1>, vector<16xf32>
      %swap3A_377 = arith.index_cast %mul3A_346 : i32 to index
      %swap3A_378 = tpu.vector_load %arg9[%swap3A_377] {strides = array<i32>} : memref<32768xf32, #tpu.memory_space<vmem>>, vector<16xf32>,
      tpu.vector_store %arg9[%swap3A_377], %select_n3A_368 {strides = array<i32>} : memref<32768xf32, #tpu.memory_space<vmem>>, vector<16xf32>,
      %swap3A_379 = arith.index_cast %mul3A_346 : i32 to index
      %swap3A_380 = tpu.vector_load %arg10[%swap3A_379] {strides = array<i32>} : memref<32768xf32, #tpu.memory_space<vmem>>, vector<16xf32>,
      tpu.vector_store %arg10[%swap3A_379], %select_n3A_376 {strides = array<i32>} : memref<32768xf32, #tpu.memory_space<vmem>>, vector<16xf32>,
      %add3A_381 = arith.addf %add3A_340, %select_n3A_368 : vector<16xf32>
      %add3A_382 = arith.addf %add3A_381, %select_n3A_376 : vector<16xf32>
      %mul3A_383 = arith.constant 8 : i32
      %mul3A_384 = arith.muli %scan3A_304, %mul3A_383 : i32
      %add3A_385 = arith.constant 2 : i32
      %add3A_386 = arith.addi %mul3A_384, %add3A_385 : i32
      %mul3A_387 = arith.constant 16 : i32
      %mul3A_388 = arith.muli %add3A_386, %mul3A_387 : i32
      %get3A_389 = arith.index_cast %mul3A_388 : i32 to index
      %get3A_390 = tpu.vector_load %arg11[%get3A_389] {strides = array<i32>} : memref<32768xi32, #tpu.memory_space<vmem>>, vector<16xi32>,
      %get3A_391 = arith.index_cast %mul3A_388 : i32 to index
      %get3A_392 = tpu.vector_load %arg9[%get3A_391] {strides = array<i32>} : memref<32768xf32, #tpu.memory_space<vmem>>, vector<16xf32>,
      %get3A_393 = arith.index_cast %mul3A_388 : i32 to index
      %get3A_394 = tpu.vector_load %arg10[%get3A_393] {strides = array<i32>} : memref<32768xf32, #tpu.memory_space<vmem>>, vector<16xf32>,
      %shift_left3A_395 = arith.constant 16 : i32
      %shift_left3A_396 = vector.broadcast %shift_left3A_395 : i32 to vector<16xi32>
      %shift_left3A_397 = arith.shli %get3A_390, %shift_left3A_396 : vector<16xi32>
      %and3A_398 = arith.constant -65536 : i32
      %and3A_399 = vector.broadcast %and3A_398 : i32 to vector<16xi32>
      %and3A_400 = arith.andi %get3A_390, %and3A_399 : vector<16xi32>
      %bitcast3A_401 = vector.bitcast %shift_left3A_397 : vector<16xi32> to vector<16xf32>
      %bitcast3A_402 = vector.bitcast %and3A_400 : vector<16xi32> to vector<16xf32>
      %ne3A_403 = arith.constant 0 : i32
      %ne3A_404 = vector.broadcast %ne3A_403 : i32 to vector<16xi32>
      %ne3A_405 = arith.cmpi ne, %shift_left3A_397, %ne3A_404 : vector<16xi32>
      %mul3A_406 = arith.constant 0.899999976 : f32
      %mul3A_407 = vector.broadcast %mul3A_406 : f32 to vector<16xf32>
      %mul3A_408 = arith.mulf %get3A_392, %mul3A_407 : vector<16xf32>
      %max3A_409 = arith.maximumf %mul3A_408, %bitcast3A_401 : vector<16xf32>
      %select_n3A_410 = arith.select %ne3A_405, %max3A_409, %get3A_392 : vector<16xi1>, vector<16xf32>
      %ne3A_411 = arith.constant 0 : i32
      %ne3A_412 = vector.broadcast %ne3A_411 : i32 to vector<16xi32>
      %ne3A_413 = arith.cmpi ne, %and3A_400, %ne3A_412 : vector<16xi32>
      %mul3A_414 = arith.constant 0.899999976 : f32
      %mul3A_415 = vector.broadcast %mul3A_414 : f32 to vector<16xf32>
      %mul3A_416 = arith.mulf %get3A_394, %mul3A_415 : vector<16xf32>
      %max3A_417 = arith.maximumf %mul3A_416, %bitcast3A_402 : vector<16xf32>
      %select_n3A_418 = arith.select %ne3A_413, %max3A_417, %get3A_394 : vector<16xi1>, vector<16xf32>
      %swap3A_419 = arith.index_cast %mul3A_388 : i32 to index
      %swap3A_420 = tpu.vector_load %arg9[%swap3A_419] {strides = array<i32>} : memref<32768xf32, #tpu.memory_space<vmem>>, vector<16xf32>,
      tpu.vector_store %arg9[%swap3A_419], %select_n3A_410 {strides = array<i32>} : memref<32768xf32, #tpu.memory_space<vmem>>, vector<16xf32>,
      %swap3A_421 = arith.index_cast %mul3A_388 : i32 to index
      %swap3A_422 = tpu.vector_load %arg10[%swap3A_421] {strides = array<i32>} : memref<32768xf32, #tpu.memory_space<vmem>>, vector<16xf32>,
      tpu.vector_store %arg10[%swap3A_421], %select_n3A_418 {strides = array<i32>} : memref<32768xf32, #tpu.memory_space<vmem>>, vector<16xf32>,
      %add3A_423 = arith.addf %add3A_382, %select_n3A_410 : vector<16xf32>
      %add3A_424 = arith.addf %add3A_423, %select_n3A_418 : vector<16xf32>
      %mul3A_425 = arith.constant 8 : i32
      %mul3A_426 = arith.muli %scan3A_304, %mul3A_425 : i32
      %add3A_427 = arith.constant 3 : i32
      %add3A_428 = arith.addi %mul3A_426, %add3A_427 : i32
      %mul3A_429 = arith.constant 16 : i32
      %mul3A_430 = arith.muli %add3A_428, %mul3A_429 : i32
      %get3A_431 = arith.index_cast %mul3A_430 : i32 to index
      %get3A_432 = tpu.vector_load %arg11[%get3A_431] {strides = array<i32>} : memref<32768xi32, #tpu.memory_space<vmem>>, vector<16xi32>,
      %get3A_433 = arith.index_cast %mul3A_430 : i32 to index
      %get3A_434 = tpu.vector_load %arg9[%get3A_433] {strides = array<i32>} : memref<32768xf32, #tpu.memory_space<vmem>>, vector<16xf32>,
      %get3A_435 = arith.index_cast %mul3A_430 : i32 to index
      %get3A_436 = tpu.vector_load %arg10[%get3A_435] {strides = array<i32>} : memref<32768xf32, #tpu.memory_space<vmem>>, vector<16xf32>,
      %shift_left3A_437 = arith.constant 16 : i32
      %shift_left3A_438 = vector.broadcast %shift_left3A_437 : i32 to vector<16xi32>
      %shift_left3A_439 = arith.shli %get3A_432, %shift_left3A_438 : vector<16xi32>
      %and3A_440 = arith.constant -65536 : i32
      %and3A_441 = vector.broadcast %and3A_440 : i32 to vector<16xi32>
      %and3A_442 = arith.andi %get3A_432, %and3A_441 : vector<16xi32>
      %bitcast3A_443 = vector.bitcast %shift_left3A_439 : vector<16xi32> to vector<16xf32>
      %bitcast3A_444 = vector.bitcast %and3A_442 : vector<16xi32> to vector<16xf32>
      %ne3A_445 = arith.constant 0 : i32
      %ne3A_446 = vector.broadcast %ne3A_445 : i32 to vector<16xi32>
      %ne3A_447 = arith.cmpi ne, %shift_left3A_439, %ne3A_446 : vector<16xi32>
      %mul3A_448 = arith.constant 0.899999976 : f32
      %mul3A_449 = vector.broadcast %mul3A_448 : f32 to vector<16xf32>
      %mul3A_450 = arith.mulf %get3A_434, %mul3A_449 : vector<16xf32>
      %max3A_451 = arith.maximumf %mul3A_450, %bitcast3A_443 : vector<16xf32>
      %select_n3A_452 = arith.select %ne3A_447, %max3A_451, %get3A_434 : vector<16xi1>, vector<16xf32>
      %ne3A_453 = arith.constant 0 : i32
      %ne3A_454 = vector.broadcast %ne3A_453 : i32 to vector<16xi32>
      %ne3A_455 = arith.cmpi ne, %and3A_442, %ne3A_454 : vector<16xi32>
      %mul3A_456 = arith.constant 0.899999976 : f32
      %mul3A_457 = vector.broadcast %mul3A_456 : f32 to vector<16xf32>
      %mul3A_458 = arith.mulf %get3A_436, %mul3A_457 : vector<16xf32>
      %max3A_459 = arith.maximumf %mul3A_458, %bitcast3A_444 : vector<16xf32>
      %select_n3A_460 = arith.select %ne3A_455, %max3A_459, %get3A_436 : vector<16xi1>, vector<16xf32>
      %swap3A_461 = arith.index_cast %mul3A_430 : i32 to index
      %swap3A_462 = tpu.vector_load %arg9[%swap3A_461] {strides = array<i32>} : memref<32768xf32, #tpu.memory_space<vmem>>, vector<16xf32>,
      tpu.vector_store %arg9[%swap3A_461], %select_n3A_452 {strides = array<i32>} : memref<32768xf32, #tpu.memory_space<vmem>>, vector<16xf32>,
      %swap3A_463 = arith.index_cast %mul3A_430 : i32 to index
      %swap3A_464 = tpu.vector_load %arg10[%swap3A_463] {strides = array<i32>} : memref<32768xf32, #tpu.memory_space<vmem>>, vector<16xf32>,
      tpu.vector_store %arg10[%swap3A_463], %select_n3A_460 {strides = array<i32>} : memref<32768xf32, #tpu.memory_space<vmem>>, vector<16xf32>,
      %add3A_465 = arith.addf %add3A_424, %select_n3A_452 : vector<16xf32>
      %add3A_466 = arith.addf %add3A_465, %select_n3A_460 : vector<16xf32>
      %mul3A_467 = arith.constant 8 : i32
      %mul3A_468 = arith.muli %scan3A_304, %mul3A_467 : i32
      %add3A_469 = arith.constant 4 : i32
      %add3A_470 = arith.addi %mul3A_468, %add3A_469 : i32
      %mul3A_471 = arith.constant 16 : i32
      %mul3A_472 = arith.muli %add3A_470, %mul3A_471 : i32
      %get3A_473 = arith.index_cast %mul3A_472 : i32 to index
      %get3A_474 = tpu.vector_load %arg11[%get3A_473] {strides = array<i32>} : memref<32768xi32, #tpu.memory_space<vmem>>, vector<16xi32>,
      %get3A_475 = arith.index_cast %mul3A_472 : i32 to index
      %get3A_476 = tpu.vector_load %arg9[%get3A_475] {strides = array<i32>} : memref<32768xf32, #tpu.memory_space<vmem>>, vector<16xf32>,
      %get3A_477 = arith.index_cast %mul3A_472 : i32 to index
      %get3A_478 = tpu.vector_load %arg10[%get3A_477] {strides = array<i32>} : memref<32768xf32, #tpu.memory_space<vmem>>, vector<16xf32>,
      %shift_left3A_479 = arith.constant 16 : i32
      %shift_left3A_480 = vector.broadcast %shift_left3A_479 : i32 to vector<16xi32>
      %shift_left3A_481 = arith.shli %get3A_474, %shift_left3A_480 : vector<16xi32>
      %and3A_482 = arith.constant -65536 : i32
      %and3A_483 = vector.broadcast %and3A_482 : i32 to vector<16xi32>
      %and3A_484 = arith.andi %get3A_474, %and3A_483 : vector<16xi32>
      %bitcast3A_485 = vector.bitcast %shift_left3A_481 : vector<16xi32> to vector<16xf32>
      %bitcast3A_486 = vector.bitcast %and3A_484 : vector<16xi32> to vector<16xf32>
      %ne3A_487 = arith.constant 0 : i32
      %ne3A_488 = vector.broadcast %ne3A_487 : i32 to vector<16xi32>
      %ne3A_489 = arith.cmpi ne, %shift_left3A_481, %ne3A_488 : vector<16xi32>
      %mul3A_490 = arith.constant 0.899999976 : f32
      %mul3A_491 = vector.broadcast %mul3A_490 : f32 to vector<16xf32>
      %mul3A_492 = arith.mulf %get3A_476, %mul3A_491 : vector<16xf32>
      %max3A_493 = arith.maximumf %mul3A_492, %bitcast3A_485 : vector<16xf32>
      %select_n3A_494 = arith.select %ne3A_489, %max3A_493, %get3A_476 : vector<16xi1>, vector<16xf32>
      %ne3A_495 = arith.constant 0 : i32
      %ne3A_496 = vector.broadcast %ne3A_495 : i32 to vector<16xi32>
      %ne3A_497 = arith.cmpi ne, %and3A_484, %ne3A_496 : vector<16xi32>
      %mul3A_498 = arith.constant 0.899999976 : f32
      %mul3A_499 = vector.broadcast %mul3A_498 : f32 to vector<16xf32>
      %mul3A_500 = arith.mulf %get3A_478, %mul3A_499 : vector<16xf32>
      %max3A_501 = arith.maximumf %mul3A_500, %bitcast3A_486 : vector<16xf32>
      %select_n3A_502 = arith.select %ne3A_497, %max3A_501, %get3A_478 : vector<16xi1>, vector<16xf32>
      %swap3A_503 = arith.index_cast %mul3A_472 : i32 to index
      %swap3A_504 = tpu.vector_load %arg9[%swap3A_503] {strides = array<i32>} : memref<32768xf32, #tpu.memory_space<vmem>>, vector<16xf32>,
      tpu.vector_store %arg9[%swap3A_503], %select_n3A_494 {strides = array<i32>} : memref<32768xf32, #tpu.memory_space<vmem>>, vector<16xf32>,
      %swap3A_505 = arith.index_cast %mul3A_472 : i32 to index
      %swap3A_506 = tpu.vector_load %arg10[%swap3A_505] {strides = array<i32>} : memref<32768xf32, #tpu.memory_space<vmem>>, vector<16xf32>,
      tpu.vector_store %arg10[%swap3A_505], %select_n3A_502 {strides = array<i32>} : memref<32768xf32, #tpu.memory_space<vmem>>, vector<16xf32>,
      %add3A_507 = arith.addf %add3A_466, %select_n3A_494 : vector<16xf32>
      %add3A_508 = arith.addf %add3A_507, %select_n3A_502 : vector<16xf32>
      %mul3A_509 = arith.constant 8 : i32
      %mul3A_510 = arith.muli %scan3A_304, %mul3A_509 : i32
      %add3A_511 = arith.constant 5 : i32
      %add3A_512 = arith.addi %mul3A_510, %add3A_511 : i32
      %mul3A_513 = arith.constant 16 : i32
      %mul3A_514 = arith.muli %add3A_512, %mul3A_513 : i32
      %get3A_515 = arith.index_cast %mul3A_514 : i32 to index
      %get3A_516 = tpu.vector_load %arg11[%get3A_515] {strides = array<i32>} : memref<32768xi32, #tpu.memory_space<vmem>>, vector<16xi32>,
      %get3A_517 = arith.index_cast %mul3A_514 : i32 to index
      %get3A_518 = tpu.vector_load %arg9[%get3A_517] {strides = array<i32>} : memref<32768xf32, #tpu.memory_space<vmem>>, vector<16xf32>,
      %get3A_519 = arith.index_cast %mul3A_514 : i32 to index
      %get3A_520 = tpu.vector_load %arg10[%get3A_519] {strides = array<i32>} : memref<32768xf32, #tpu.memory_space<vmem>>, vector<16xf32>,
      %shift_left3A_521 = arith.constant 16 : i32
      %shift_left3A_522 = vector.broadcast %shift_left3A_521 : i32 to vector<16xi32>
      %shift_left3A_523 = arith.shli %get3A_516, %shift_left3A_522 : vector<16xi32>
      %and3A_524 = arith.constant -65536 : i32
      %and3A_525 = vector.broadcast %and3A_524 : i32 to vector<16xi32>
      %and3A_526 = arith.andi %get3A_516, %and3A_525 : vector<16xi32>
      %bitcast3A_527 = vector.bitcast %shift_left3A_523 : vector<16xi32> to vector<16xf32>
      %bitcast3A_528 = vector.bitcast %and3A_526 : vector<16xi32> to vector<16xf32>
      %ne3A_529 = arith.constant 0 : i32
      %ne3A_530 = vector.broadcast %ne3A_529 : i32 to vector<16xi32>
      %ne3A_531 = arith.cmpi ne, %shift_left3A_523, %ne3A_530 : vector<16xi32>
      %mul3A_532 = arith.constant 0.899999976 : f32
      %mul3A_533 = vector.broadcast %mul3A_532 : f32 to vector<16xf32>
      %mul3A_534 = arith.mulf %get3A_518, %mul3A_533 : vector<16xf32>
      %max3A_535 = arith.maximumf %mul3A_534, %bitcast3A_527 : vector<16xf32>
      %select_n3A_536 = arith.select %ne3A_531, %max3A_535, %get3A_518 : vector<16xi1>, vector<16xf32>
      %ne3A_537 = arith.constant 0 : i32
      %ne3A_538 = vector.broadcast %ne3A_537 : i32 to vector<16xi32>
      %ne3A_539 = arith.cmpi ne, %and3A_526, %ne3A_538 : vector<16xi32>
      %mul3A_540 = arith.constant 0.899999976 : f32
      %mul3A_541 = vector.broadcast %mul3A_540 : f32 to vector<16xf32>
      %mul3A_542 = arith.mulf %get3A_520, %mul3A_541 : vector<16xf32>
      %max3A_543 = arith.maximumf %mul3A_542, %bitcast3A_528 : vector<16xf32>
      %select_n3A_544 = arith.select %ne3A_539, %max3A_543, %get3A_520 : vector<16xi1>, vector<16xf32>
      %swap3A_545 = arith.index_cast %mul3A_514 : i32 to index
      %swap3A_546 = tpu.vector_load %arg9[%swap3A_545] {strides = array<i32>} : memref<32768xf32, #tpu.memory_space<vmem>>, vector<16xf32>,
      tpu.vector_store %arg9[%swap3A_545], %select_n3A_536 {strides = array<i32>} : memref<32768xf32, #tpu.memory_space<vmem>>, vector<16xf32>,
      %swap3A_547 = arith.index_cast %mul3A_514 : i32 to index
      %swap3A_548 = tpu.vector_load %arg10[%swap3A_547] {strides = array<i32>} : memref<32768xf32, #tpu.memory_space<vmem>>, vector<16xf32>,
      tpu.vector_store %arg10[%swap3A_547], %select_n3A_544 {strides = array<i32>} : memref<32768xf32, #tpu.memory_space<vmem>>, vector<16xf32>,
      %add3A_549 = arith.addf %add3A_508, %select_n3A_536 : vector<16xf32>
      %add3A_550 = arith.addf %add3A_549, %select_n3A_544 : vector<16xf32>
      %mul3A_551 = arith.constant 8 : i32
      %mul3A_552 = arith.muli %scan3A_304, %mul3A_551 : i32
      %add3A_553 = arith.constant 6 : i32
      %add3A_554 = arith.addi %mul3A_552, %add3A_553 : i32
      %mul3A_555 = arith.constant 16 : i32
      %mul3A_556 = arith.muli %add3A_554, %mul3A_555 : i32
      %get3A_557 = arith.index_cast %mul3A_556 : i32 to index
      %get3A_558 = tpu.vector_load %arg11[%get3A_557] {strides = array<i32>} : memref<32768xi32, #tpu.memory_space<vmem>>, vector<16xi32>,
      %get3A_559 = arith.index_cast %mul3A_556 : i32 to index
      %get3A_560 = tpu.vector_load %arg9[%get3A_559] {strides = array<i32>} : memref<32768xf32, #tpu.memory_space<vmem>>, vector<16xf32>,
      %get3A_561 = arith.index_cast %mul3A_556 : i32 to index
      %get3A_562 = tpu.vector_load %arg10[%get3A_561] {strides = array<i32>} : memref<32768xf32, #tpu.memory_space<vmem>>, vector<16xf32>,
      %shift_left3A_563 = arith.constant 16 : i32
      %shift_left3A_564 = vector.broadcast %shift_left3A_563 : i32 to vector<16xi32>
      %shift_left3A_565 = arith.shli %get3A_558, %shift_left3A_564 : vector<16xi32>
      %and3A_566 = arith.constant -65536 : i32
      %and3A_567 = vector.broadcast %and3A_566 : i32 to vector<16xi32>
      %and3A_568 = arith.andi %get3A_558, %and3A_567 : vector<16xi32>
      %bitcast3A_569 = vector.bitcast %shift_left3A_565 : vector<16xi32> to vector<16xf32>
      %bitcast3A_570 = vector.bitcast %and3A_568 : vector<16xi32> to vector<16xf32>
      %ne3A_571 = arith.constant 0 : i32
      %ne3A_572 = vector.broadcast %ne3A_571 : i32 to vector<16xi32>
      %ne3A_573 = arith.cmpi ne, %shift_left3A_565, %ne3A_572 : vector<16xi32>
      %mul3A_574 = arith.constant 0.899999976 : f32
      %mul3A_575 = vector.broadcast %mul3A_574 : f32 to vector<16xf32>
      %mul3A_576 = arith.mulf %get3A_560, %mul3A_575 : vector<16xf32>
      %max3A_577 = arith.maximumf %mul3A_576, %bitcast3A_569 : vector<16xf32>
      %select_n3A_578 = arith.select %ne3A_573, %max3A_577, %get3A_560 : vector<16xi1>, vector<16xf32>
      %ne3A_579 = arith.constant 0 : i32
      %ne3A_580 = vector.broadcast %ne3A_579 : i32 to vector<16xi32>
      %ne3A_581 = arith.cmpi ne, %and3A_568, %ne3A_580 : vector<16xi32>
      %mul3A_582 = arith.constant 0.899999976 : f32
      %mul3A_583 = vector.broadcast %mul3A_582 : f32 to vector<16xf32>
      %mul3A_584 = arith.mulf %get3A_562, %mul3A_583 : vector<16xf32>
      %max3A_585 = arith.maximumf %mul3A_584, %bitcast3A_570 : vector<16xf32>
      %select_n3A_586 = arith.select %ne3A_581, %max3A_585, %get3A_562 : vector<16xi1>, vector<16xf32>
      %swap3A_587 = arith.index_cast %mul3A_556 : i32 to index
      %swap3A_588 = tpu.vector_load %arg9[%swap3A_587] {strides = array<i32>} : memref<32768xf32, #tpu.memory_space<vmem>>, vector<16xf32>,
      tpu.vector_store %arg9[%swap3A_587], %select_n3A_578 {strides = array<i32>} : memref<32768xf32, #tpu.memory_space<vmem>>, vector<16xf32>,
      %swap3A_589 = arith.index_cast %mul3A_556 : i32 to index
      %swap3A_590 = tpu.vector_load %arg10[%swap3A_589] {strides = array<i32>} : memref<32768xf32, #tpu.memory_space<vmem>>, vector<16xf32>,
      tpu.vector_store %arg10[%swap3A_589], %select_n3A_586 {strides = array<i32>} : memref<32768xf32, #tpu.memory_space<vmem>>, vector<16xf32>,
      %add3A_591 = arith.addf %add3A_550, %select_n3A_578 : vector<16xf32>
      %add3A_592 = arith.addf %add3A_591, %select_n3A_586 : vector<16xf32>
      %mul3A_593 = arith.constant 8 : i32
      %mul3A_594 = arith.muli %scan3A_304, %mul3A_593 : i32
      %add3A_595 = arith.constant 7 : i32
      %add3A_596 = arith.addi %mul3A_594, %add3A_595 : i32
      %mul3A_597 = arith.constant 16 : i32
      %mul3A_598 = arith.muli %add3A_596, %mul3A_597 : i32
      %get3A_599 = arith.index_cast %mul3A_598 : i32 to index
      %get3A_600 = tpu.vector_load %arg11[%get3A_599] {strides = array<i32>} : memref<32768xi32, #tpu.memory_space<vmem>>, vector<16xi32>,
      %get3A_601 = arith.index_cast %mul3A_598 : i32 to index
      %get3A_602 = tpu.vector_load %arg9[%get3A_601] {strides = array<i32>} : memref<32768xf32, #tpu.memory_space<vmem>>, vector<16xf32>,
      %get3A_603 = arith.index_cast %mul3A_598 : i32 to index
      %get3A_604 = tpu.vector_load %arg10[%get3A_603] {strides = array<i32>} : memref<32768xf32, #tpu.memory_space<vmem>>, vector<16xf32>,
      %shift_left3A_605 = arith.constant 16 : i32
      %shift_left3A_606 = vector.broadcast %shift_left3A_605 : i32 to vector<16xi32>
      %shift_left3A_607 = arith.shli %get3A_600, %shift_left3A_606 : vector<16xi32>
      %and3A_608 = arith.constant -65536 : i32
      %and3A_609 = vector.broadcast %and3A_608 : i32 to vector<16xi32>
      %and3A_610 = arith.andi %get3A_600, %and3A_609 : vector<16xi32>
      %bitcast3A_611 = vector.bitcast %shift_left3A_607 : vector<16xi32> to vector<16xf32>
      %bitcast3A_612 = vector.bitcast %and3A_610 : vector<16xi32> to vector<16xf32>
      %ne3A_613 = arith.constant 0 : i32
      %ne3A_614 = vector.broadcast %ne3A_613 : i32 to vector<16xi32>
      %ne3A_615 = arith.cmpi ne, %shift_left3A_607, %ne3A_614 : vector<16xi32>
      %mul3A_616 = arith.constant 0.899999976 : f32
      %mul3A_617 = vector.broadcast %mul3A_616 : f32 to vector<16xf32>
      %mul3A_618 = arith.mulf %get3A_602, %mul3A_617 : vector<16xf32>
      %max3A_619 = arith.maximumf %mul3A_618, %bitcast3A_611 : vector<16xf32>
      %select_n3A_620 = arith.select %ne3A_615, %max3A_619, %get3A_602 : vector<16xi1>, vector<16xf32>
      %ne3A_621 = arith.constant 0 : i32
      %ne3A_622 = vector.broadcast %ne3A_621 : i32 to vector<16xi32>
      %ne3A_623 = arith.cmpi ne, %and3A_610, %ne3A_622 : vector<16xi32>
      %mul3A_624 = arith.constant 0.899999976 : f32
      %mul3A_625 = vector.broadcast %mul3A_624 : f32 to vector<16xf32>
      %mul3A_626 = arith.mulf %get3A_604, %mul3A_625 : vector<16xf32>
      %max3A_627 = arith.maximumf %mul3A_626, %bitcast3A_612 : vector<16xf32>
      %select_n3A_628 = arith.select %ne3A_623, %max3A_627, %get3A_604 : vector<16xi1>, vector<16xf32>
      %swap3A_629 = arith.index_cast %mul3A_598 : i32 to index
      %swap3A_630 = tpu.vector_load %arg9[%swap3A_629] {strides = array<i32>} : memref<32768xf32, #tpu.memory_space<vmem>>, vector<16xf32>,
      tpu.vector_store %arg9[%swap3A_629], %select_n3A_620 {strides = array<i32>} : memref<32768xf32, #tpu.memory_space<vmem>>, vector<16xf32>,
      %swap3A_631 = arith.index_cast %mul3A_598 : i32 to index
      %swap3A_632 = tpu.vector_load %arg10[%swap3A_631] {strides = array<i32>} : memref<32768xf32, #tpu.memory_space<vmem>>, vector<16xf32>,
      tpu.vector_store %arg10[%swap3A_631], %select_n3A_628 {strides = array<i32>} : memref<32768xf32, #tpu.memory_space<vmem>>, vector<16xf32>,
      %add3A_633 = arith.addf %add3A_592, %select_n3A_620 : vector<16xf32>
      %add3A_634 = arith.addf %add3A_633, %select_n3A_628 : vector<16xf32>
      scf.yield %add3A_634 : vector<16xf32>
    }
    %scan3A_266 = arith.constant 256 : i32
    %mul3A_267 = arith.constant 32768 : i32
    %mul3A_268 = arith.muli %add3A_148, %mul3A_267 : i32
    %dma_start3A_269 = arith.constant 2 : i32
    %dma_start3A_270 = tpu.memref_slice %arg7[%dma_start3A_269, %mul3A_268] : memref<4x2097152xf32, #tpu.memory_space<hbm>> -> memref<1x32768xf32, #tpu.memory_space<hbm>>
    %dma_start3A_271 = tpu.memref_squeeze %dma_start3A_270 : memref<1x32768xf32, #tpu.memory_space<hbm>> -> memref<32768xf32, #tpu.memory_space<hbm>>
    %dma_start3A_272 = tpu.memref_slice %arg7[%dma_start3A_269, %mul3A_268] : memref<4x2097152xf32, #tpu.memory_space<hbm>> -> memref<1x32768xf32, #tpu.memory_space<hbm>>
    %dma_start3A_273 = tpu.memref_squeeze %dma_start3A_272 : memref<1x32768xf32, #tpu.memory_space<hbm>> -> memref<32768xf32, #tpu.memory_space<hbm>>
    tpu.enqueue_dma source(%arg9 : memref<32768xf32, #tpu.memory_space<vmem>>) target(%dma_start3A_273 : memref<32768xf32, #tpu.memory_space<hbm>>) target_semaphore(%arg20 : memref<!tpu.dma_semaphore, #tpu.memory_space<semaphore_mem>>)
    %mul3A_274 = arith.constant 32768 : i32
    %mul3A_275 = arith.muli %add3A_148, %mul3A_274 : i32
    %dma_start3A_276 = arith.constant 3 : i32
    %dma_start3A_277 = tpu.memref_slice %arg7[%dma_start3A_276, %mul3A_275] : memref<4x2097152xf32, #tpu.memory_space<hbm>> -> memref<1x32768xf32, #tpu.memory_space<hbm>>
    %dma_start3A_278 = tpu.memref_squeeze %dma_start3A_277 : memref<1x32768xf32, #tpu.memory_space<hbm>> -> memref<32768xf32, #tpu.memory_space<hbm>>
    %dma_start3A_279 = tpu.memref_slice %arg7[%dma_start3A_276, %mul3A_275] : memref<4x2097152xf32, #tpu.memory_space<hbm>> -> memref<1x32768xf32, #tpu.memory_space<hbm>>
    %dma_start3A_280 = tpu.memref_squeeze %dma_start3A_279 : memref<1x32768xf32, #tpu.memory_space<hbm>> -> memref<32768xf32, #tpu.memory_space<hbm>>
    tpu.enqueue_dma source(%arg10 : memref<32768xf32, #tpu.memory_space<vmem>>) target(%dma_start3A_280 : memref<32768xf32, #tpu.memory_space<hbm>>) target_semaphore(%arg21 : memref<!tpu.dma_semaphore, #tpu.memory_space<semaphore_mem>>)
    %dma_wait3A_281 = arith.constant 2 : i32
    %dma_wait3A_282 = tpu.memref_slice %arg7[%dma_wait3A_281, %mul3A_268] : memref<4x2097152xf32, #tpu.memory_space<hbm>> -> memref<1x32768xf32, #tpu.memory_space<hbm>>
    %dma_wait3A_283 = tpu.memref_squeeze %dma_wait3A_282 : memref<1x32768xf32, #tpu.memory_space<hbm>> -> memref<32768xf32, #tpu.memory_space<hbm>>
    %dma_wait3A_284 = tpu.memref_slice %arg7[%dma_wait3A_281, %mul3A_268] : memref<4x2097152xf32, #tpu.memory_space<hbm>> -> memref<1x32768xf32, #tpu.memory_space<hbm>>
    %dma_wait3A_285 = tpu.memref_squeeze %dma_wait3A_284 : memref<1x32768xf32, #tpu.memory_space<hbm>> -> memref<32768xf32, #tpu.memory_space<hbm>>
    tpu.wait_dma2 semaphore(%arg20 : memref<!tpu.dma_semaphore, #tpu.memory_space<semaphore_mem>>) src(%arg9 : memref<32768xf32, #tpu.memory_space<vmem>>) dst(%dma_wait3A_285 : memref<32768xf32, #tpu.memory_space<hbm>>)
    %dma_wait3A_286 = arith.constant 3 : i32
    %dma_wait3A_287 = tpu.memref_slice %arg7[%dma_wait3A_286, %mul3A_275] : memref<4x2097152xf32, #tpu.memory_space<hbm>> -> memref<1x32768xf32, #tpu.memory_space<hbm>>
    %dma_wait3A_288 = tpu.memref_squeeze %dma_wait3A_287 : memref<1x32768xf32, #tpu.memory_space<hbm>> -> memref<32768xf32, #tpu.memory_space<hbm>>
    %dma_wait3A_289 = tpu.memref_slice %arg7[%dma_wait3A_286, %mul3A_275] : memref<4x2097152xf32, #tpu.memory_space<hbm>> -> memref<1x32768xf32, #tpu.memory_space<hbm>>
    %dma_wait3A_290 = tpu.memref_squeeze %dma_wait3A_289 : memref<1x32768xf32, #tpu.memory_space<hbm>> -> memref<32768xf32, #tpu.memory_space<hbm>>
    tpu.wait_dma2 semaphore(%arg21 : memref<!tpu.dma_semaphore, #tpu.memory_space<semaphore_mem>>) src(%arg10 : memref<32768xf32, #tpu.memory_space<vmem>>) dst(%dma_wait3A_290 : memref<32768xf32, #tpu.memory_space<hbm>>)
    %swap3A = arith.constant 0 : index
    %swap3A_291 = tpu.vector_load %arg17[%swap3A] {strides = array<i32>} : memref<16xf32, #tpu.memory_space<vmem>>, vector<16xf32>,
    tpu.vector_store %arg17[%swap3A], %scan3A_265 {strides = array<i32>} : memref<16xf32, #tpu.memory_space<vmem>>, vector<16xf32>,
    %dma_start3A_292 = arith.constant 0 : i32
    %dma_start3A_293 = tpu.memref_slice %arg8[%add3A, %dma_start3A_292] : memref<32x16xf32, #tpu.memory_space<hbm>> -> memref<1x16xf32, #tpu.memory_space<hbm>>
    %dma_start3A_294 = tpu.memref_squeeze %dma_start3A_293 : memref<1x16xf32, #tpu.memory_space<hbm>> -> memref<16xf32, #tpu.memory_space<hbm>>
    %dma_start3A_295 = arith.constant 0 : i32
    %dma_start3A_296 = tpu.memref_slice %arg8[%add3A, %dma_start3A_295] : memref<32x16xf32, #tpu.memory_space<hbm>> -> memref<1x16xf32, #tpu.memory_space<hbm>>
    %dma_start3A_297 = tpu.memref_squeeze %dma_start3A_296 : memref<1x16xf32, #tpu.memory_space<hbm>> -> memref<16xf32, #tpu.memory_space<hbm>>
    tpu.enqueue_dma source(%arg17 : memref<16xf32, #tpu.memory_space<vmem>>) target(%dma_start3A_297 : memref<16xf32, #tpu.memory_space<hbm>>) target_semaphore(%arg19 : memref<!tpu.dma_semaphore, #tpu.memory_space<semaphore_mem>>)
    %dma_wait3A_298 = arith.constant 0 : i32
    %dma_wait3A_299 = tpu.memref_slice %arg8[%add3A, %dma_wait3A_298] : memref<32x16xf32, #tpu.memory_space<hbm>> -> memref<1x16xf32, #tpu.memory_space<hbm>>
    %dma_wait3A_300 = tpu.memref_squeeze %dma_wait3A_299 : memref<1x16xf32, #tpu.memory_space<hbm>> -> memref<16xf32, #tpu.memory_space<hbm>>
    %dma_wait3A_301 = arith.constant 0 : i32
    %dma_wait3A_302 = tpu.memref_slice %arg8[%add3A, %dma_wait3A_301] : memref<32x16xf32, #tpu.memory_space<hbm>> -> memref<1x16xf32, #tpu.memory_space<hbm>>
    %dma_wait3A_303 = tpu.memref_squeeze %dma_wait3A_302 : memref<1x16xf32, #tpu.memory_space<hbm>> -> memref<16xf32, #tpu.memory_space<hbm>>
    tpu.wait_dma2 semaphore(%arg19 : memref<!tpu.dma_semaphore, #tpu.memory_space<semaphore_mem>>) src(%arg17 : memref<16xf32, #tpu.memory_space<vmem>>) dst(%dma_wait3A_303 : memref<16xf32, #tpu.memory_space<hbm>>)
    return
  }
}

#map = affine_map<(d0, d1) -> (0)>
#map1 = affine_map<(d0, d1) -> (0, 0)>
module attributes {stable_mosaic.version = 14 : i64} {
  func.func @_route_body(%arg0: i32, %arg1: i32, %arg2: memref<262144xi32, #tpu.memory_space<hbm>>, %arg3: memref<262144xi32, #tpu.memory_space<hbm>>, %arg4: memref<262144xi32, #tpu.memory_space<hbm>>, %arg5: memref<263168xi32, #tpu.memory_space<hbm>>, %arg6: memref<263168xi32, #tpu.memory_space<hbm>>, %arg7: memref<263168xi32, #tpu.memory_space<hbm>>, %arg8: memref<32x64xi32, #tpu.memory_space<hbm>>, %arg9: memref<8192xi32, #tpu.memory_space<vmem>>, %arg10: memref<8192xi32, #tpu.memory_space<vmem>>, %arg11: memref<8192xi32, #tpu.memory_space<vmem>>, %arg12: memref<64xi32, #tpu.memory_space<vmem>>, %arg13: memref<64xi32, #tpu.memory_space<vmem>>, %arg14: memref<8192xi32, #tpu.memory_space<vmem>>, %arg15: memref<8192xi32, #tpu.memory_space<vmem>>, %arg16: memref<8192xi32, #tpu.memory_space<vmem>>, %arg17: memref<8192xi32, #tpu.memory_space<vmem>>, %arg18: memref<!tpu.dma_semaphore, #tpu.memory_space<semaphore_mem>>) attributes {dimension_semantics = [#tpu.dimension_semantics<core_parallel>, #tpu.dimension_semantics<subcore_parallel>], iteration_bounds = array<i64: 2, 16>, scalar_prefetch = 0 : i64, scratch_operands = 10 : i64, tpu.core_type = #tpu.core_type<sc_vector_subcore>, window_params = [{transform_indices = #map}, {transform_indices = #map}, {transform_indices = #map}, {transform_indices = #map}, {transform_indices = #map}, {transform_indices = #map}, {transform_indices = #map1}]} {
    %mul3A = arith.constant 2 : i32
    %mul3A_0 = arith.muli %arg1, %mul3A : i32
    %add3A = arith.addi %mul3A_0, %arg0 : i32
    %broadcast_in_dim3A = arith.constant 0 : i32
    %broadcast_in_dim3A_1 = vector.broadcast %broadcast_in_dim3A : i32 to vector<16xi32>
    %broadcast_in_dim3A_2 = arith.constant true
    %broadcast_in_dim3A_3 = vector.broadcast %broadcast_in_dim3A_2 : i1 to vector<16xi1>
    %unique3A, %unique3A_4 = tpu.scan_count mask(%broadcast_in_dim3A_3 : vector<16xi1>) value(%broadcast_in_dim3A_1 : vector<16xi32>) : vector<16xi1>, vector<16xi32>
    %reduce_min3A = arith.constant true
    %reduce_min3A_5 = vector.broadcast %reduce_min3A : i1 to vector<16xi1>
    %reduce_min3A_6 = arith.constant -2147483648 : i32
    %reduce_min3A_7 = vector.broadcast %reduce_min3A_6 : i32 to vector<16xi32>
    %reduce_min3A_8 = arith.xori %unique3A_4, %reduce_min3A_7 : vector<16xi32>
    %reduce_min3A_9 = tpu.scan <min>, %reduce_min3A_8 masked %reduce_min3A_5 : vector<16xi32>, vector<16xi1> -> vector<16xi32>
    %reduce_min3A_10 = arith.xori %reduce_min3A_9, %reduce_min3A_7 : vector<16xi32>
    %reduce_min3A_11 = vector.extract %reduce_min3A_10[15] : i32 from vector<16xi32>
    %mul3A_12 = arith.constant 8192 : i32
    %mul3A_13 = arith.muli %add3A, %mul3A_12 : i32
    %dma_start3A = tpu.memref_slice %arg2[%mul3A_13] : memref<262144xi32, #tpu.memory_space<hbm>> -> memref<8192xi32, #tpu.memory_space<hbm>>
    %dma_start3A_14 = tpu.memref_slice %arg2[%mul3A_13] : memref<262144xi32, #tpu.memory_space<hbm>> -> memref<8192xi32, #tpu.memory_space<hbm>>
    tpu.enqueue_dma source(%dma_start3A_14 : memref<8192xi32, #tpu.memory_space<hbm>>) target(%arg9 : memref<8192xi32, #tpu.memory_space<vmem>>) target_semaphore(%arg18 : memref<!tpu.dma_semaphore, #tpu.memory_space<semaphore_mem>>)
    %mul3A_15 = arith.constant 8192 : i32
    %mul3A_16 = arith.muli %add3A, %mul3A_15 : i32
    %dma_start3A_17 = tpu.memref_slice %arg3[%mul3A_16] : memref<262144xi32, #tpu.memory_space<hbm>> -> memref<8192xi32, #tpu.memory_space<hbm>>
    %dma_start3A_18 = tpu.memref_slice %arg3[%mul3A_16] : memref<262144xi32, #tpu.memory_space<hbm>> -> memref<8192xi32, #tpu.memory_space<hbm>>
    tpu.enqueue_dma source(%dma_start3A_18 : memref<8192xi32, #tpu.memory_space<hbm>>) target(%arg10 : memref<8192xi32, #tpu.memory_space<vmem>>) target_semaphore(%arg18 : memref<!tpu.dma_semaphore, #tpu.memory_space<semaphore_mem>>)
    %mul3A_19 = arith.constant 8192 : i32
    %mul3A_20 = arith.muli %add3A, %mul3A_19 : i32
    %dma_start3A_21 = tpu.memref_slice %arg4[%mul3A_20] : memref<262144xi32, #tpu.memory_space<hbm>> -> memref<8192xi32, #tpu.memory_space<hbm>>
    %dma_start3A_22 = tpu.memref_slice %arg4[%mul3A_20] : memref<262144xi32, #tpu.memory_space<hbm>> -> memref<8192xi32, #tpu.memory_space<hbm>>
    tpu.enqueue_dma source(%dma_start3A_22 : memref<8192xi32, #tpu.memory_space<hbm>>) target(%arg11 : memref<8192xi32, #tpu.memory_space<vmem>>) target_semaphore(%arg18 : memref<!tpu.dma_semaphore, #tpu.memory_space<semaphore_mem>>)
    %dma_wait3A = tpu.memref_slice %arg2[%mul3A_13] : memref<262144xi32, #tpu.memory_space<hbm>> -> memref<8192xi32, #tpu.memory_space<hbm>>
    %dma_wait3A_23 = tpu.memref_slice %arg2[%mul3A_13] : memref<262144xi32, #tpu.memory_space<hbm>> -> memref<8192xi32, #tpu.memory_space<hbm>>
    tpu.wait_dma2 semaphore(%arg18 : memref<!tpu.dma_semaphore, #tpu.memory_space<semaphore_mem>>) src(%dma_wait3A_23 : memref<8192xi32, #tpu.memory_space<hbm>>) dst(%arg9 : memref<8192xi32, #tpu.memory_space<vmem>>)
    %dma_wait3A_24 = tpu.memref_slice %arg3[%mul3A_16] : memref<262144xi32, #tpu.memory_space<hbm>> -> memref<8192xi32, #tpu.memory_space<hbm>>
    %dma_wait3A_25 = tpu.memref_slice %arg3[%mul3A_16] : memref<262144xi32, #tpu.memory_space<hbm>> -> memref<8192xi32, #tpu.memory_space<hbm>>
    tpu.wait_dma2 semaphore(%arg18 : memref<!tpu.dma_semaphore, #tpu.memory_space<semaphore_mem>>) src(%dma_wait3A_25 : memref<8192xi32, #tpu.memory_space<hbm>>) dst(%arg10 : memref<8192xi32, #tpu.memory_space<vmem>>)
    %dma_wait3A_26 = tpu.memref_slice %arg4[%mul3A_20] : memref<262144xi32, #tpu.memory_space<hbm>> -> memref<8192xi32, #tpu.memory_space<hbm>>
    %dma_wait3A_27 = tpu.memref_slice %arg4[%mul3A_20] : memref<262144xi32, #tpu.memory_space<hbm>> -> memref<8192xi32, #tpu.memory_space<hbm>>
    tpu.wait_dma2 semaphore(%arg18 : memref<!tpu.dma_semaphore, #tpu.memory_space<semaphore_mem>>) src(%dma_wait3A_27 : memref<8192xi32, #tpu.memory_space<hbm>>) dst(%arg11 : memref<8192xi32, #tpu.memory_space<vmem>>)
    %broadcast_in_dim3A_28 = arith.constant 0 : i32
    %broadcast_in_dim3A_29 = vector.broadcast %broadcast_in_dim3A_28 : i32 to vector<16xi32>
    %swap3A = arith.constant 0 : index
    %swap3A_30 = tpu.vector_load %arg12[%swap3A] {strides = array<i32>} : memref<64xi32, #tpu.memory_space<vmem>>, vector<16xi32>,
    tpu.vector_store %arg12[%swap3A], %broadcast_in_dim3A_29 {strides = array<i32>} : memref<64xi32, #tpu.memory_space<vmem>>, vector<16xi32>,
    %broadcast_in_dim3A_31 = arith.constant 0 : i32
    %broadcast_in_dim3A_32 = vector.broadcast %broadcast_in_dim3A_31 : i32 to vector<16xi32>
    %swap3A_33 = arith.constant 16 : index
    %swap3A_34 = tpu.vector_load %arg12[%swap3A_33] {strides = array<i32>} : memref<64xi32, #tpu.memory_space<vmem>>, vector<16xi32>,
    tpu.vector_store %arg12[%swap3A_33], %broadcast_in_dim3A_32 {strides = array<i32>} : memref<64xi32, #tpu.memory_space<vmem>>, vector<16xi32>,
    %broadcast_in_dim3A_35 = arith.constant 0 : i32
    %broadcast_in_dim3A_36 = vector.broadcast %broadcast_in_dim3A_35 : i32 to vector<16xi32>
    %swap3A_37 = arith.constant 32 : index
    %swap3A_38 = tpu.vector_load %arg12[%swap3A_37] {strides = array<i32>} : memref<64xi32, #tpu.memory_space<vmem>>, vector<16xi32>,
    tpu.vector_store %arg12[%swap3A_37], %broadcast_in_dim3A_36 {strides = array<i32>} : memref<64xi32, #tpu.memory_space<vmem>>, vector<16xi32>,
    %broadcast_in_dim3A_39 = arith.constant 0 : i32
    %broadcast_in_dim3A_40 = vector.broadcast %broadcast_in_dim3A_39 : i32 to vector<16xi32>
    %swap3A_41 = arith.constant 48 : index
    %swap3A_42 = tpu.vector_load %arg12[%swap3A_41] {strides = array<i32>} : memref<64xi32, #tpu.memory_space<vmem>>, vector<16xi32>,
    tpu.vector_store %arg12[%swap3A_41], %broadcast_in_dim3A_40 {strides = array<i32>} : memref<64xi32, #tpu.memory_space<vmem>>, vector<16xi32>,
    %scan3A = arith.constant 0 : i32
    %scan3A_43 = arith.constant 0 : i32
    %scan3A_44 = arith.constant 512 : i32
    %scan3A_45 = arith.addi %scan3A_43, %scan3A_44 : i32
    %scan3A_46 = arith.constant 1 : i32
    scf.for %scan3A_138 = %scan3A_43 to %scan3A_45 step %scan3A_46  : i32 {
      %mul3A_139 = arith.constant 16 : i32
      %mul3A_140 = arith.muli %scan3A_138, %mul3A_139 : i32
      %get3A_141 = arith.index_cast %mul3A_140 : i32 to index
      %get3A_142 = tpu.vector_load %arg9[%get3A_141] {strides = array<i32>} : memref<8192xi32, #tpu.memory_space<vmem>>, vector<16xi32>,
      %shift_right_logical3A = arith.constant 15 : i32
      %shift_right_logical3A_143 = vector.broadcast %shift_right_logical3A : i32 to vector<16xi32>
      %shift_right_logical3A_144 = arith.shrui %get3A_142, %shift_right_logical3A_143 : vector<16xi32>
      %broadcast_in_dim3A_145 = arith.constant true
      %broadcast_in_dim3A_146 = vector.broadcast %broadcast_in_dim3A_145 : i1 to vector<16xi1>
      %unique3A_147, %unique3A_148 = tpu.scan_count mask(%broadcast_in_dim3A_146 : vector<16xi1>) value(%shift_right_logical3A_144 : vector<16xi32>) : vector<16xi1>, vector<16xi32>
      %gather3A = tpu.vector_load_idx %arg12[%shift_right_logical3A_144] : memref<64xi32, #tpu.memory_space<vmem>>[vector<16xi32>], vector<16xi32>,
      %add3A_149 = arith.addi %gather3A, %unique3A_148 : vector<16xi32>
      %sub3A_150 = vector.broadcast %reduce_min3A_11 : i32 to vector<16xi32>
      %sub3A_151 = arith.subi %add3A_149, %sub3A_150 : vector<16xi32>
      %mul3A_152 = arith.constant 16 : i32
      %mul3A_153 = arith.muli %scan3A_138, %mul3A_152 : i32
      %swap3A_154 = arith.index_cast %mul3A_153 : i32 to index
      %swap3A_155 = tpu.vector_load %arg14[%swap3A_154] {strides = array<i32>} : memref<8192xi32, #tpu.memory_space<vmem>>, vector<16xi32>,
      tpu.vector_store %arg14[%swap3A_154], %sub3A_151 {strides = array<i32>} : memref<8192xi32, #tpu.memory_space<vmem>>, vector<16xi32>,
      %add3A_156 = arith.constant 1 : i32
      %add3A_157 = vector.broadcast %add3A_156 : i32 to vector<16xi32>
      %add3A_158 = arith.addi %sub3A_151, %add3A_157 : vector<16xi32>
      tpu.vector_store_idx %arg12[%shift_right_logical3A_144], %add3A_158 masked %unique3A_147 : memref<64xi32, #tpu.memory_space<vmem>>[vector<16xi32>], vector<16xi32>, vector<16xi1>
    }
    %scan3A_47 = arith.constant 512 : i32
    %dma_start3A_48 = arith.constant 0 : i32
    %dma_start3A_49 = tpu.memref_slice %arg8[%add3A, %dma_start3A_48] : memref<32x64xi32, #tpu.memory_space<hbm>> -> memref<1x64xi32, #tpu.memory_space<hbm>>
    %dma_start3A_50 = tpu.memref_squeeze %dma_start3A_49 : memref<1x64xi32, #tpu.memory_space<hbm>> -> memref<64xi32, #tpu.memory_space<hbm>>
    %dma_start3A_51 = arith.constant 0 : i32
    %dma_start3A_52 = tpu.memref_slice %arg8[%add3A, %dma_start3A_51] : memref<32x64xi32, #tpu.memory_space<hbm>> -> memref<1x64xi32, #tpu.memory_space<hbm>>
    %dma_start3A_53 = tpu.memref_squeeze %dma_start3A_52 : memref<1x64xi32, #tpu.memory_space<hbm>> -> memref<64xi32, #tpu.memory_space<hbm>>
    tpu.enqueue_dma source(%arg12 : memref<64xi32, #tpu.memory_space<vmem>>) target(%dma_start3A_53 : memref<64xi32, #tpu.memory_space<hbm>>) target_semaphore(%arg18 : memref<!tpu.dma_semaphore, #tpu.memory_space<semaphore_mem>>)
    %get3A = arith.constant 0 : index
    %get3A_54 = tpu.vector_load %arg12[%get3A] {strides = array<i32>} : memref<64xi32, #tpu.memory_space<vmem>>, vector<16xi32>,
    %broadcast_in_dim3A_55 = arith.constant true
    %broadcast_in_dim3A_56 = vector.broadcast %broadcast_in_dim3A_55 : i1 to vector<16xi1>
    %masked_cumsum3A = tpu.scan <sum>, %get3A_54 masked %broadcast_in_dim3A_56 : vector<16xi32>, vector<16xi1> -> vector<16xi32>
    %sub3A = arith.subi %masked_cumsum3A, %get3A_54 : vector<16xi32>
    %add3A_57 = arith.constant 0 : i32
    %add3A_58 = vector.broadcast %add3A_57 : i32 to vector<16xi32>
    %add3A_59 = arith.addi %sub3A, %add3A_58 : vector<16xi32>
    %swap3A_60 = arith.constant 0 : index
    %swap3A_61 = tpu.vector_load %arg13[%swap3A_60] {strides = array<i32>} : memref<64xi32, #tpu.memory_space<vmem>>, vector<16xi32>,
    tpu.vector_store %arg13[%swap3A_60], %add3A_59 {strides = array<i32>} : memref<64xi32, #tpu.memory_space<vmem>>, vector<16xi32>,
    %reduce_sum3A = arith.constant true
    %reduce_sum3A_62 = vector.broadcast %reduce_sum3A : i1 to vector<16xi1>
    %reduce_sum3A_63 = tpu.scan <sum>, %get3A_54 masked %reduce_sum3A_62 : vector<16xi32>, vector<16xi1> -> vector<16xi32>
    %reduce_sum3A_64 = vector.extract %reduce_sum3A_63[15] : i32 from vector<16xi32>
    %add3A_65 = arith.constant 0 : i32
    %add3A_66 = arith.addi %add3A_65, %reduce_sum3A_64 : i32
    %get3A_67 = arith.constant 16 : index
    %get3A_68 = tpu.vector_load %arg12[%get3A_67] {strides = array<i32>} : memref<64xi32, #tpu.memory_space<vmem>>, vector<16xi32>,
    %broadcast_in_dim3A_69 = arith.constant true
    %broadcast_in_dim3A_70 = vector.broadcast %broadcast_in_dim3A_69 : i1 to vector<16xi1>
    %masked_cumsum3A_71 = tpu.scan <sum>, %get3A_68 masked %broadcast_in_dim3A_70 : vector<16xi32>, vector<16xi1> -> vector<16xi32>
    %sub3A_72 = arith.subi %masked_cumsum3A_71, %get3A_68 : vector<16xi32>
    %add3A_73 = vector.broadcast %add3A_66 : i32 to vector<16xi32>
    %add3A_74 = arith.addi %sub3A_72, %add3A_73 : vector<16xi32>
    %swap3A_75 = arith.constant 16 : index
    %swap3A_76 = tpu.vector_load %arg13[%swap3A_75] {strides = array<i32>} : memref<64xi32, #tpu.memory_space<vmem>>, vector<16xi32>,
    tpu.vector_store %arg13[%swap3A_75], %add3A_74 {strides = array<i32>} : memref<64xi32, #tpu.memory_space<vmem>>, vector<16xi32>,
    %reduce_sum3A_77 = arith.constant true
    %reduce_sum3A_78 = vector.broadcast %reduce_sum3A_77 : i1 to vector<16xi1>
    %reduce_sum3A_79 = tpu.scan <sum>, %get3A_68 masked %reduce_sum3A_78 : vector<16xi32>, vector<16xi1> -> vector<16xi32>
    %reduce_sum3A_80 = vector.extract %reduce_sum3A_79[15] : i32 from vector<16xi32>
    %add3A_81 = arith.addi %add3A_66, %reduce_sum3A_80 : i32
    %get3A_82 = arith.constant 32 : index
    %get3A_83 = tpu.vector_load %arg12[%get3A_82] {strides = array<i32>} : memref<64xi32, #tpu.memory_space<vmem>>, vector<16xi32>,
    %broadcast_in_dim3A_84 = arith.constant true
    %broadcast_in_dim3A_85 = vector.broadcast %broadcast_in_dim3A_84 : i1 to vector<16xi1>
    %masked_cumsum3A_86 = tpu.scan <sum>, %get3A_83 masked %broadcast_in_dim3A_85 : vector<16xi32>, vector<16xi1> -> vector<16xi32>
    %sub3A_87 = arith.subi %masked_cumsum3A_86, %get3A_83 : vector<16xi32>
    %add3A_88 = vector.broadcast %add3A_81 : i32 to vector<16xi32>
    %add3A_89 = arith.addi %sub3A_87, %add3A_88 : vector<16xi32>
    %swap3A_90 = arith.constant 32 : index
    %swap3A_91 = tpu.vector_load %arg13[%swap3A_90] {strides = array<i32>} : memref<64xi32, #tpu.memory_space<vmem>>, vector<16xi32>,
    tpu.vector_store %arg13[%swap3A_90], %add3A_89 {strides = array<i32>} : memref<64xi32, #tpu.memory_space<vmem>>, vector<16xi32>,
    %reduce_sum3A_92 = arith.constant true
    %reduce_sum3A_93 = vector.broadcast %reduce_sum3A_92 : i1 to vector<16xi1>
    %reduce_sum3A_94 = tpu.scan <sum>, %get3A_83 masked %reduce_sum3A_93 : vector<16xi32>, vector<16xi1> -> vector<16xi32>
    %reduce_sum3A_95 = vector.extract %reduce_sum3A_94[15] : i32 from vector<16xi32>
    %add3A_96 = arith.addi %add3A_81, %reduce_sum3A_95 : i32
    %get3A_97 = arith.constant 48 : index
    %get3A_98 = tpu.vector_load %arg12[%get3A_97] {strides = array<i32>} : memref<64xi32, #tpu.memory_space<vmem>>, vector<16xi32>,
    %broadcast_in_dim3A_99 = arith.constant true
    %broadcast_in_dim3A_100 = vector.broadcast %broadcast_in_dim3A_99 : i1 to vector<16xi1>
    %masked_cumsum3A_101 = tpu.scan <sum>, %get3A_98 masked %broadcast_in_dim3A_100 : vector<16xi32>, vector<16xi1> -> vector<16xi32>
    %sub3A_102 = arith.subi %masked_cumsum3A_101, %get3A_98 : vector<16xi32>
    %add3A_103 = vector.broadcast %add3A_96 : i32 to vector<16xi32>
    %add3A_104 = arith.addi %sub3A_102, %add3A_103 : vector<16xi32>
    %swap3A_105 = arith.constant 48 : index
    %swap3A_106 = tpu.vector_load %arg13[%swap3A_105] {strides = array<i32>} : memref<64xi32, #tpu.memory_space<vmem>>, vector<16xi32>,
    tpu.vector_store %arg13[%swap3A_105], %add3A_104 {strides = array<i32>} : memref<64xi32, #tpu.memory_space<vmem>>, vector<16xi32>,
    %reduce_sum3A_107 = arith.constant true
    %reduce_sum3A_108 = vector.broadcast %reduce_sum3A_107 : i1 to vector<16xi1>
    %reduce_sum3A_109 = tpu.scan <sum>, %get3A_98 masked %reduce_sum3A_108 : vector<16xi32>, vector<16xi1> -> vector<16xi32>
    %reduce_sum3A_110 = vector.extract %reduce_sum3A_109[15] : i32 from vector<16xi32>
    %add3A_111 = arith.addi %add3A_96, %reduce_sum3A_110 : i32
    %parallel_loop3A = arith.constant 0 : i32
    %parallel_loop3A_112 = arith.constant 512 : i32
    %parallel_loop3A_113 = arith.constant 1 : i32
    scf.for %parallel_loop3A_138 = %parallel_loop3A to %parallel_loop3A_112 step %parallel_loop3A_113  : i32 {
      %parallel_loop3A_139 = arith.constant 16 : i32
      %parallel_loop3A_140 = arith.muli %parallel_loop3A_138, %parallel_loop3A_139 : i32
      %parallel_loop3A_141 = arith.index_cast %parallel_loop3A_140 : i32 to index
      %parallel_loop3A_142 = tpu.vector_load %arg9[%parallel_loop3A_141] {strides = array<i32>} : memref<8192xi32, #tpu.memory_space<vmem>>, vector<16xi32>,
      %parallel_loop3A_143 = arith.constant 15 : i32
      %parallel_loop3A_144 = vector.broadcast %parallel_loop3A_143 : i32 to vector<16xi32>
      %parallel_loop3A_145 = arith.shrui %parallel_loop3A_142, %parallel_loop3A_144 : vector<16xi32>
      %parallel_loop3A_146 = tpu.vector_load_idx %arg13[%parallel_loop3A_145] : memref<64xi32, #tpu.memory_space<vmem>>[vector<16xi32>], vector<16xi32>,
      %parallel_loop3A_147 = arith.constant 16 : i32
      %parallel_loop3A_148 = arith.muli %parallel_loop3A_138, %parallel_loop3A_147 : i32
      %parallel_loop3A_149 = arith.index_cast %parallel_loop3A_148 : i32 to index
      %parallel_loop3A_150 = tpu.vector_load %arg14[%parallel_loop3A_149] {strides = array<i32>} : memref<8192xi32, #tpu.memory_space<vmem>>, vector<16xi32>,
      %parallel_loop3A_151 = arith.addi %parallel_loop3A_146, %parallel_loop3A_150 : vector<16xi32>
      %parallel_loop3A_152 = arith.constant 32767 : i32
      %parallel_loop3A_153 = vector.broadcast %parallel_loop3A_152 : i32 to vector<16xi32>
      %parallel_loop3A_154 = arith.andi %parallel_loop3A_142, %parallel_loop3A_153 : vector<16xi32>
      tpu.vector_store_idx %arg15[%parallel_loop3A_151], %parallel_loop3A_154 : memref<8192xi32, #tpu.memory_space<vmem>>[vector<16xi32>], vector<16xi32>,
      %parallel_loop3A_155 = arith.constant 16 : i32
      %parallel_loop3A_156 = arith.muli %parallel_loop3A_138, %parallel_loop3A_155 : i32
      %parallel_loop3A_157 = arith.index_cast %parallel_loop3A_156 : i32 to index
      %parallel_loop3A_158 = tpu.vector_load %arg10[%parallel_loop3A_157] {strides = array<i32>} : memref<8192xi32, #tpu.memory_space<vmem>>, vector<16xi32>,
      %parallel_loop3A_159 = vector.bitcast %parallel_loop3A_158 : vector<16xi32> to vector<16xi32>
      tpu.vector_store_idx %arg16[%parallel_loop3A_151], %parallel_loop3A_159 : memref<8192xi32, #tpu.memory_space<vmem>>[vector<16xi32>], vector<16xi32>,
      %parallel_loop3A_160 = arith.constant 16 : i32
      %parallel_loop3A_161 = arith.muli %parallel_loop3A_138, %parallel_loop3A_160 : i32
      %parallel_loop3A_162 = arith.index_cast %parallel_loop3A_161 : i32 to index
      %parallel_loop3A_163 = tpu.vector_load %arg11[%parallel_loop3A_162] {strides = array<i32>} : memref<8192xi32, #tpu.memory_space<vmem>>, vector<16xi32>,
      %parallel_loop3A_164 = vector.bitcast %parallel_loop3A_163 : vector<16xi32> to vector<16xi32>
      tpu.vector_store_idx %arg17[%parallel_loop3A_151], %parallel_loop3A_164 : memref<8192xi32, #tpu.memory_space<vmem>>[vector<16xi32>], vector<16xi32>,
    } {sc.loop_unroll_factor = 4 : i64, sc.parallel_access}
    %mul3A_114 = arith.constant 8192 : i32
    %mul3A_115 = arith.muli %add3A, %mul3A_114 : i32
    %dma_start3A_116 = tpu.memref_slice %arg5[%mul3A_115] : memref<263168xi32, #tpu.memory_space<hbm>> -> memref<8192xi32, #tpu.memory_space<hbm>>
    %dma_start3A_117 = tpu.memref_slice %arg5[%mul3A_115] : memref<263168xi32, #tpu.memory_space<hbm>> -> memref<8192xi32, #tpu.memory_space<hbm>>
    tpu.enqueue_dma source(%arg15 : memref<8192xi32, #tpu.memory_space<vmem>>) target(%dma_start3A_117 : memref<8192xi32, #tpu.memory_space<hbm>>) target_semaphore(%arg18 : memref<!tpu.dma_semaphore, #tpu.memory_space<semaphore_mem>>)
    %mul3A_118 = arith.constant 8192 : i32
    %mul3A_119 = arith.muli %add3A, %mul3A_118 : i32
    %dma_start3A_120 = tpu.memref_slice %arg6[%mul3A_119] : memref<263168xi32, #tpu.memory_space<hbm>> -> memref<8192xi32, #tpu.memory_space<hbm>>
    %dma_start3A_121 = tpu.memref_slice %arg6[%mul3A_119] : memref<263168xi32, #tpu.memory_space<hbm>> -> memref<8192xi32, #tpu.memory_space<hbm>>
    tpu.enqueue_dma source(%arg16 : memref<8192xi32, #tpu.memory_space<vmem>>) target(%dma_start3A_121 : memref<8192xi32, #tpu.memory_space<hbm>>) target_semaphore(%arg18 : memref<!tpu.dma_semaphore, #tpu.memory_space<semaphore_mem>>)
    %mul3A_122 = arith.constant 8192 : i32
    %mul3A_123 = arith.muli %add3A, %mul3A_122 : i32
    %dma_start3A_124 = tpu.memref_slice %arg7[%mul3A_123] : memref<263168xi32, #tpu.memory_space<hbm>> -> memref<8192xi32, #tpu.memory_space<hbm>>
    %dma_start3A_125 = tpu.memref_slice %arg7[%mul3A_123] : memref<263168xi32, #tpu.memory_space<hbm>> -> memref<8192xi32, #tpu.memory_space<hbm>>
    tpu.enqueue_dma source(%arg17 : memref<8192xi32, #tpu.memory_space<vmem>>) target(%dma_start3A_125 : memref<8192xi32, #tpu.memory_space<hbm>>) target_semaphore(%arg18 : memref<!tpu.dma_semaphore, #tpu.memory_space<semaphore_mem>>)
    %dma_wait3A_126 = arith.constant 0 : i32
    %dma_wait3A_127 = tpu.memref_slice %arg8[%add3A, %dma_wait3A_126] : memref<32x64xi32, #tpu.memory_space<hbm>> -> memref<1x64xi32, #tpu.memory_space<hbm>>
    %dma_wait3A_128 = tpu.memref_squeeze %dma_wait3A_127 : memref<1x64xi32, #tpu.memory_space<hbm>> -> memref<64xi32, #tpu.memory_space<hbm>>
    %dma_wait3A_129 = arith.constant 0 : i32
    %dma_wait3A_130 = tpu.memref_slice %arg8[%add3A, %dma_wait3A_129] : memref<32x64xi32, #tpu.memory_space<hbm>> -> memref<1x64xi32, #tpu.memory_space<hbm>>
    %dma_wait3A_131 = tpu.memref_squeeze %dma_wait3A_130 : memref<1x64xi32, #tpu.memory_space<hbm>> -> memref<64xi32, #tpu.memory_space<hbm>>
    tpu.wait_dma2 semaphore(%arg18 : memref<!tpu.dma_semaphore, #tpu.memory_space<semaphore_mem>>) src(%arg12 : memref<64xi32, #tpu.memory_space<vmem>>) dst(%dma_wait3A_131 : memref<64xi32, #tpu.memory_space<hbm>>)
    %dma_wait3A_132 = tpu.memref_slice %arg5[%mul3A_115] : memref<263168xi32, #tpu.memory_space<hbm>> -> memref<8192xi32, #tpu.memory_space<hbm>>
    %dma_wait3A_133 = tpu.memref_slice %arg5[%mul3A_115] : memref<263168xi32, #tpu.memory_space<hbm>> -> memref<8192xi32, #tpu.memory_space<hbm>>
    tpu.wait_dma2 semaphore(%arg18 : memref<!tpu.dma_semaphore, #tpu.memory_space<semaphore_mem>>) src(%arg15 : memref<8192xi32, #tpu.memory_space<vmem>>) dst(%dma_wait3A_133 : memref<8192xi32, #tpu.memory_space<hbm>>)
    %dma_wait3A_134 = tpu.memref_slice %arg6[%mul3A_119] : memref<263168xi32, #tpu.memory_space<hbm>> -> memref<8192xi32, #tpu.memory_space<hbm>>
    %dma_wait3A_135 = tpu.memref_slice %arg6[%mul3A_119] : memref<263168xi32, #tpu.memory_space<hbm>> -> memref<8192xi32, #tpu.memory_space<hbm>>
    tpu.wait_dma2 semaphore(%arg18 : memref<!tpu.dma_semaphore, #tpu.memory_space<semaphore_mem>>) src(%arg16 : memref<8192xi32, #tpu.memory_space<vmem>>) dst(%dma_wait3A_135 : memref<8192xi32, #tpu.memory_space<hbm>>)
    %dma_wait3A_136 = tpu.memref_slice %arg7[%mul3A_123] : memref<263168xi32, #tpu.memory_space<hbm>> -> memref<8192xi32, #tpu.memory_space<hbm>>
    %dma_wait3A_137 = tpu.memref_slice %arg7[%mul3A_123] : memref<263168xi32, #tpu.memory_space<hbm>> -> memref<8192xi32, #tpu.memory_space<hbm>>
    tpu.wait_dma2 semaphore(%arg18 : memref<!tpu.dma_semaphore, #tpu.memory_space<semaphore_mem>>) src(%arg17 : memref<8192xi32, #tpu.memory_space<vmem>>) dst(%dma_wait3A_137 : memref<8192xi32, #tpu.memory_space<hbm>>)
    return
  }
}

module attributes {stable_mosaic.version = 14 : i64} {
  func.func @_sigma_body(%arg0: i32, %arg1: memref<3x256x128xi32, #tpu.memory_space<vmem>>, %arg2: memref<4x256xf32, #tpu.memory_space<vmem>>, %arg3: memref<256x16xf32, #tpu.memory_space<vmem>>, %arg4: memref<3x16xf32, #tpu.memory_space<vmem>>, %arg5: memref<1x16xf32, #tpu.memory_space<vmem>>, %arg6: memref<16x1xf32, #tpu.memory_space<vmem>>, %arg7: memref<1x1xf32, #tpu.memory_space<vmem>>, %arg8: memref<256x128xi32, #tpu.memory_space<vmem>>, %arg9: memref<256x128xi32, #tpu.memory_space<vmem>>, %arg10: memref<256x128xi32, #tpu.memory_space<vmem>>) attributes {dimension_semantics = [#tpu.dimension_semantics<arbitrary>], iteration_bounds = array<i64: 8>, scalar_prefetch = 0 : i64, scratch_operands = 0 : i64, tpu.core_type = #tpu.core_type<tc>, window_params = [{transform_indices = @transform_0, window_bounds = array<i64: 3, 256, 128>}, {pipeline_mode = #tpu.pipeline_mode<synchronous>, transform_indices = @transform_1, window_bounds = array<i64: 4, 256>}, {pipeline_mode = #tpu.pipeline_mode<synchronous>, transform_indices = @transform_2, window_bounds = array<i64: 256, 16>}, {pipeline_mode = #tpu.pipeline_mode<synchronous>, transform_indices = @transform_3, window_bounds = array<i64: 3, 16>}, {pipeline_mode = #tpu.pipeline_mode<synchronous>, transform_indices = @transform_4, window_bounds = array<i64: 1, 16>}, {pipeline_mode = #tpu.pipeline_mode<synchronous>, transform_indices = @transform_5, window_bounds = array<i64: 16, 1>}, {pipeline_mode = #tpu.pipeline_mode<synchronous>, transform_indices = @transform_6, window_bounds = array<i64: 1, 1>}, {transform_indices = @transform_7, window_bounds = array<i64: 256, 128>}, {transform_indices = @transform_8, window_bounds = array<i64: 256, 128>}, {transform_indices = @transform_9, window_bounds = array<i64: 256, 128>}]} {
    %get3A = arith.constant 0 : index
    %get3A_0 = arith.constant 0 : index
    %get3A_1 = arith.constant 0 : index
    %get3A_2 = vector.load %arg1[%get3A, %get3A_0, %get3A_1] : memref<3x256x128xi32, #tpu.memory_space<vmem>>, vector<1x256x128xi32>
    %get3A_3 = vector.shape_cast %get3A_2 : vector<1x256x128xi32> to vector<256x128xi32>
    %get3A_4 = arith.constant 1 : index
    %get3A_5 = arith.constant 0 : index
    %get3A_6 = arith.constant 0 : index
    %get3A_7 = vector.load %arg1[%get3A_4, %get3A_5, %get3A_6] : memref<3x256x128xi32, #tpu.memory_space<vmem>>, vector<1x256x128xi32>
    %get3A_8 = vector.shape_cast %get3A_7 : vector<1x256x128xi32> to vector<256x128xi32>
    %get3A_9 = arith.constant 2 : index
    %get3A_10 = arith.constant 0 : index
    %get3A_11 = arith.constant 0 : index
    %get3A_12 = vector.load %arg1[%get3A_9, %get3A_10, %get3A_11] : memref<3x256x128xi32, #tpu.memory_space<vmem>>, vector<1x256x128xi32>
    %get3A_13 = vector.shape_cast %get3A_12 : vector<1x256x128xi32> to vector<256x128xi32>
    %and3A = arith.constant 1023 : i32
    %and3A_14 = vector.broadcast %and3A : i32 to vector<256x128xi32>
    %and3A_15 = arith.andi %get3A_3, %and3A_14 : vector<256x128xi32>
    %shift_left3A = arith.constant 16 : i32
    %shift_left3A_16 = vector.broadcast %shift_left3A : i32 to vector<256x128xi32>
    %shift_left3A_17 = arith.shli %and3A_15, %shift_left3A_16 : vector<256x128xi32>
    %or3A = arith.ori %and3A_15, %shift_left3A_17 : vector<256x128xi32>
    %and3A_18 = arith.constant 50331903 : i32
    %and3A_19 = vector.broadcast %and3A_18 : i32 to vector<256x128xi32>
    %and3A_20 = arith.andi %or3A, %and3A_19 : vector<256x128xi32>
    %shift_left3A_21 = arith.constant 8 : i32
    %shift_left3A_22 = vector.broadcast %shift_left3A_21 : i32 to vector<256x128xi32>
    %shift_left3A_23 = arith.shli %and3A_20, %shift_left3A_22 : vector<256x128xi32>
    %or3A_24 = arith.ori %and3A_20, %shift_left3A_23 : vector<256x128xi32>
    %and3A_25 = arith.constant 50393103 : i32
    %and3A_26 = vector.broadcast %and3A_25 : i32 to vector<256x128xi32>
    %and3A_27 = arith.andi %or3A_24, %and3A_26 : vector<256x128xi32>
    %shift_left3A_28 = arith.constant 4 : i32
    %shift_left3A_29 = vector.broadcast %shift_left3A_28 : i32 to vector<256x128xi32>
    %shift_left3A_30 = arith.shli %and3A_27, %shift_left3A_29 : vector<256x128xi32>
    %or3A_31 = arith.ori %and3A_27, %shift_left3A_30 : vector<256x128xi32>
    %and3A_32 = arith.constant 51130563 : i32
    %and3A_33 = vector.broadcast %and3A_32 : i32 to vector<256x128xi32>
    %and3A_34 = arith.andi %or3A_31, %and3A_33 : vector<256x128xi32>
    %shift_left3A_35 = arith.constant 2 : i32
    %shift_left3A_36 = vector.broadcast %shift_left3A_35 : i32 to vector<256x128xi32>
    %shift_left3A_37 = arith.shli %and3A_34, %shift_left3A_36 : vector<256x128xi32>
    %or3A_38 = arith.ori %and3A_34, %shift_left3A_37 : vector<256x128xi32>
    %and3A_39 = arith.constant 153391689 : i32
    %and3A_40 = vector.broadcast %and3A_39 : i32 to vector<256x128xi32>
    %and3A_41 = arith.andi %or3A_38, %and3A_40 : vector<256x128xi32>
    %and3A_42 = arith.constant 1023 : i32
    %and3A_43 = vector.broadcast %and3A_42 : i32 to vector<256x128xi32>
    %and3A_44 = arith.andi %get3A_8, %and3A_43 : vector<256x128xi32>
    %shift_left3A_45 = arith.constant 16 : i32
    %shift_left3A_46 = vector.broadcast %shift_left3A_45 : i32 to vector<256x128xi32>
    %shift_left3A_47 = arith.shli %and3A_44, %shift_left3A_46 : vector<256x128xi32>
    %or3A_48 = arith.ori %and3A_44, %shift_left3A_47 : vector<256x128xi32>
    %and3A_49 = arith.constant 50331903 : i32
    %and3A_50 = vector.broadcast %and3A_49 : i32 to vector<256x128xi32>
    %and3A_51 = arith.andi %or3A_48, %and3A_50 : vector<256x128xi32>
    %shift_left3A_52 = arith.constant 8 : i32
    %shift_left3A_53 = vector.broadcast %shift_left3A_52 : i32 to vector<256x128xi32>
    %shift_left3A_54 = arith.shli %and3A_51, %shift_left3A_53 : vector<256x128xi32>
    %or3A_55 = arith.ori %and3A_51, %shift_left3A_54 : vector<256x128xi32>
    %and3A_56 = arith.constant 50393103 : i32
    %and3A_57 = vector.broadcast %and3A_56 : i32 to vector<256x128xi32>
    %and3A_58 = arith.andi %or3A_55, %and3A_57 : vector<256x128xi32>
    %shift_left3A_59 = arith.constant 4 : i32
    %shift_left3A_60 = vector.broadcast %shift_left3A_59 : i32 to vector<256x128xi32>
    %shift_left3A_61 = arith.shli %and3A_58, %shift_left3A_60 : vector<256x128xi32>
    %or3A_62 = arith.ori %and3A_58, %shift_left3A_61 : vector<256x128xi32>
    %and3A_63 = arith.constant 51130563 : i32
    %and3A_64 = vector.broadcast %and3A_63 : i32 to vector<256x128xi32>
    %and3A_65 = arith.andi %or3A_62, %and3A_64 : vector<256x128xi32>
    %shift_left3A_66 = arith.constant 2 : i32
    %shift_left3A_67 = vector.broadcast %shift_left3A_66 : i32 to vector<256x128xi32>
    %shift_left3A_68 = arith.shli %and3A_65, %shift_left3A_67 : vector<256x128xi32>
    %or3A_69 = arith.ori %and3A_65, %shift_left3A_68 : vector<256x128xi32>
    %and3A_70 = arith.constant 153391689 : i32
    %and3A_71 = vector.broadcast %and3A_70 : i32 to vector<256x128xi32>
    %and3A_72 = arith.andi %or3A_69, %and3A_71 : vector<256x128xi32>
    %and3A_73 = arith.constant 1023 : i32
    %and3A_74 = vector.broadcast %and3A_73 : i32 to vector<256x128xi32>
    %and3A_75 = arith.andi %get3A_13, %and3A_74 : vector<256x128xi32>
    %shift_left3A_76 = arith.constant 16 : i32
    %shift_left3A_77 = vector.broadcast %shift_left3A_76 : i32 to vector<256x128xi32>
    %shift_left3A_78 = arith.shli %and3A_75, %shift_left3A_77 : vector<256x128xi32>
    %or3A_79 = arith.ori %and3A_75, %shift_left3A_78 : vector<256x128xi32>
    %and3A_80 = arith.constant 50331903 : i32
    %and3A_81 = vector.broadcast %and3A_80 : i32 to vector<256x128xi32>
    %and3A_82 = arith.andi %or3A_79, %and3A_81 : vector<256x128xi32>
    %shift_left3A_83 = arith.constant 8 : i32
    %shift_left3A_84 = vector.broadcast %shift_left3A_83 : i32 to vector<256x128xi32>
    %shift_left3A_85 = arith.shli %and3A_82, %shift_left3A_84 : vector<256x128xi32>
    %or3A_86 = arith.ori %and3A_82, %shift_left3A_85 : vector<256x128xi32>
    %and3A_87 = arith.constant 50393103 : i32
    %and3A_88 = vector.broadcast %and3A_87 : i32 to vector<256x128xi32>
    %and3A_89 = arith.andi %or3A_86, %and3A_88 : vector<256x128xi32>
    %shift_left3A_90 = arith.constant 4 : i32
    %shift_left3A_91 = vector.broadcast %shift_left3A_90 : i32 to vector<256x128xi32>
    %shift_left3A_92 = arith.shli %and3A_89, %shift_left3A_91 : vector<256x128xi32>
    %or3A_93 = arith.ori %and3A_89, %shift_left3A_92 : vector<256x128xi32>
    %and3A_94 = arith.constant 51130563 : i32
    %and3A_95 = vector.broadcast %and3A_94 : i32 to vector<256x128xi32>
    %and3A_96 = arith.andi %or3A_93, %and3A_95 : vector<256x128xi32>
    %shift_left3A_97 = arith.constant 2 : i32
    %shift_left3A_98 = vector.broadcast %shift_left3A_97 : i32 to vector<256x128xi32>
    %shift_left3A_99 = arith.shli %and3A_96, %shift_left3A_98 : vector<256x128xi32>
    %or3A_100 = arith.ori %and3A_96, %shift_left3A_99 : vector<256x128xi32>
    %and3A_101 = arith.constant 153391689 : i32
    %and3A_102 = vector.broadcast %and3A_101 : i32 to vector<256x128xi32>
    %and3A_103 = arith.andi %or3A_100, %and3A_102 : vector<256x128xi32>
    %shift_left3A_104 = arith.constant 1 : i32
    %shift_left3A_105 = vector.broadcast %shift_left3A_104 : i32 to vector<256x128xi32>
    %shift_left3A_106 = arith.shli %and3A_72, %shift_left3A_105 : vector<256x128xi32>
    %or3A_107 = arith.ori %and3A_41, %shift_left3A_106 : vector<256x128xi32>
    %shift_left3A_108 = arith.constant 2 : i32
    %shift_left3A_109 = vector.broadcast %shift_left3A_108 : i32 to vector<256x128xi32>
    %shift_left3A_110 = arith.shli %and3A_103, %shift_left3A_109 : vector<256x128xi32>
    %or3A_111 = arith.ori %or3A_107, %shift_left3A_110 : vector<256x128xi32>
    %swap3A = arith.constant 0 : index
    %swap3A_112 = arith.constant 0 : index
    %swap3A_113 = vector.load %arg8[%swap3A, %swap3A_112] : memref<256x128xi32, #tpu.memory_space<vmem>>, vector<256x128xi32>
    tpu.vector_store %arg8[%swap3A, %swap3A_112], %or3A_111 {strides = array<i32>} : memref<256x128xi32, #tpu.memory_space<vmem>>, vector<256x128xi32>,
    %convert_element_type3A = arith.sitofp %get3A_3 : vector<256x128xi32> to vector<256x128xf32>
    %sub3A = arith.constant 6.350000e+01 : f32
    %sub3A_114 = vector.broadcast %sub3A : f32 to vector<256x128xf32>
    %sub3A_115 = arith.subf %convert_element_type3A, %sub3A_114 : vector<256x128xf32>
    %mul3A = arith.constant 1.562500e-02 : f32
    %mul3A_116 = vector.broadcast %mul3A : f32 to vector<256x128xf32>
    %mul3A_117 = arith.mulf %sub3A_115, %mul3A_116 : vector<256x128xf32>
    %convert_element_type3A_118 = arith.sitofp %get3A_8 : vector<256x128xi32> to vector<256x128xf32>
    %sub3A_119 = arith.constant 6.350000e+01 : f32
    %sub3A_120 = vector.broadcast %sub3A_119 : f32 to vector<256x128xf32>
    %sub3A_121 = arith.subf %convert_element_type3A_118, %sub3A_120 : vector<256x128xf32>
    %mul3A_122 = arith.constant 1.562500e-02 : f32
    %mul3A_123 = vector.broadcast %mul3A_122 : f32 to vector<256x128xf32>
    %mul3A_124 = arith.mulf %sub3A_121, %mul3A_123 : vector<256x128xf32>
    %convert_element_type3A_125 = arith.sitofp %get3A_13 : vector<256x128xi32> to vector<256x128xf32>
    %sub3A_126 = arith.constant 6.350000e+01 : f32
    %sub3A_127 = vector.broadcast %sub3A_126 : f32 to vector<256x128xf32>
    %sub3A_128 = arith.subf %convert_element_type3A_125, %sub3A_127 : vector<256x128xf32>
    %mul3A_129 = arith.constant 1.562500e-02 : f32
    %mul3A_130 = vector.broadcast %mul3A_129 : f32 to vector<256x128xf32>
    %mul3A_131 = arith.mulf %sub3A_128, %mul3A_130 : vector<256x128xf32>
    %get3A_132 = arith.constant 0 : index
    %get3A_133 = arith.constant 0 : index
    %get3A_134 = vector.load %arg2[%get3A_132, %get3A_133] : memref<4x256xf32, #tpu.memory_space<vmem>>, vector<4x256xf32>
    %get3A_135 = arith.constant 0 : index
    %get3A_136 = arith.constant 0 : index
    %get3A_137 = vector.load %arg3[%get3A_135, %get3A_136] : memref<256x16xf32, #tpu.memory_space<vmem>>, vector<256x16xf32>
    %dot_general3A = arith.constant dense<0.000000e+00> : vector<4x16xf32>
    %dot_general3A_138 = tpu.matmul %get3A_134, %get3A_137, %dot_general3A {dimension_numbers = #tpu.dot_dimension_numbers<[1], [0], [0], [1], [0, 0, 1, 1], [], []>, transpose_lhs_hint = false} : vector<4x256xf32>, vector<256x16xf32>, vector<4x16xf32> -> vector<4x16xf32>
    %get3A_139 = arith.constant 0 : index
    %get3A_140 = arith.constant 0 : index
    %get3A_141 = vector.load %arg5[%get3A_139, %get3A_140] : memref<1x16xf32, #tpu.memory_space<vmem>>, vector<1x16xf32>
    %add3A = vector.broadcast %get3A_141 : vector<1x16xf32> to vector<4x16xf32>
    %add3A_142 = arith.addf %dot_general3A_138, %add3A : vector<4x16xf32>
    %get3A_143 = arith.constant 0 : index
    %get3A_144 = arith.constant 0 : index
    %get3A_145 = vector.load %arg4[%get3A_143, %get3A_144] : memref<3x16xf32, #tpu.memory_space<vmem>>, vector<3x16xf32>
    %get3A_146 = arith.constant 0 : index
    %get3A_147 = arith.constant 0 : index
    %get3A_148 = vector.load %arg6[%get3A_146, %get3A_147] : memref<16x1xf32, #tpu.memory_space<vmem>>, vector<16x1xf32>
    %broadcast_in_dim3A = arith.constant 0.000000e+00 : f32
    %broadcast_in_dim3A_149 = vector.broadcast %broadcast_in_dim3A : f32 to vector<256x128xf32>
    %broadcast_in_dim3A_150 = arith.constant 0.000000e+00 : f32
    %broadcast_in_dim3A_151 = vector.broadcast %broadcast_in_dim3A_150 : f32 to vector<256x128xf32>
    %broadcast_in_dim3A_152 = arith.constant 0.000000e+00 : f32
    %broadcast_in_dim3A_153 = vector.broadcast %broadcast_in_dim3A_152 : f32 to vector<256x128xf32>
    %broadcast_in_dim3A_154 = arith.constant 0.000000e+00 : f32
    %broadcast_in_dim3A_155 = vector.broadcast %broadcast_in_dim3A_154 : f32 to vector<256x128xf32>
    %slice3A = vector.extract_strided_slice %get3A_145 {offsets = [0, 0], sizes = [1, 1], strides = [1, 1]} : vector<3x16xf32> to vector<1x1xf32>
    %squeeze3A = vector.extract %slice3A[0, 0] : f32 from vector<1x1xf32>
    %mul3A_156 = vector.broadcast %squeeze3A : f32 to vector<256x128xf32>
    %mul3A_157 = arith.mulf %mul3A_117, %mul3A_156 : vector<256x128xf32>
    %slice3A_158 = vector.extract_strided_slice %get3A_145 {offsets = [1, 0], sizes = [1, 1], strides = [1, 1]} : vector<3x16xf32> to vector<1x1xf32>
    %squeeze3A_159 = vector.extract %slice3A_158[0, 0] : f32 from vector<1x1xf32>
    %mul3A_160 = vector.broadcast %squeeze3A_159 : f32 to vector<256x128xf32>
    %mul3A_161 = arith.mulf %mul3A_124, %mul3A_160 : vector<256x128xf32>
    %add3A_162 = arith.addf %mul3A_157, %mul3A_161 : vector<256x128xf32>
    %slice3A_163 = vector.extract_strided_slice %get3A_145 {offsets = [2, 0], sizes = [1, 1], strides = [1, 1]} : vector<3x16xf32> to vector<1x1xf32>
    %squeeze3A_164 = vector.extract %slice3A_163[0, 0] : f32 from vector<1x1xf32>
    %mul3A_165 = vector.broadcast %squeeze3A_164 : f32 to vector<256x128xf32>
    %mul3A_166 = arith.mulf %mul3A_131, %mul3A_165 : vector<256x128xf32>
    %add3A_167 = arith.addf %add3A_162, %mul3A_166 : vector<256x128xf32>
    %slice3A_168 = vector.extract_strided_slice %add3A_142 {offsets = [0, 0], sizes = [1, 1], strides = [1, 1]} : vector<4x16xf32> to vector<1x1xf32>
    %squeeze3A_169 = vector.extract %slice3A_168[0, 0] : f32 from vector<1x1xf32>
    %add3A_170 = vector.broadcast %squeeze3A_169 : f32 to vector<256x128xf32>
    %add3A_171 = arith.addf %add3A_167, %add3A_170 : vector<256x128xf32>
    %max3A = arith.constant 0.000000e+00 : f32
    %max3A_172 = vector.broadcast %max3A : f32 to vector<256x128xf32>
    %max3A_173 = arith.maximumf %add3A_171, %max3A_172 : vector<256x128xf32>
    %slice3A_174 = vector.extract_strided_slice %get3A_148 {offsets = [0, 0], sizes = [1, 1], strides = [1, 1]} : vector<16x1xf32> to vector<1x1xf32>
    %squeeze3A_175 = vector.extract %slice3A_174[0, 0] : f32 from vector<1x1xf32>
    %mul3A_176 = vector.broadcast %squeeze3A_175 : f32 to vector<256x128xf32>
    %mul3A_177 = arith.mulf %max3A_173, %mul3A_176 : vector<256x128xf32>
    %add3A_178 = arith.addf %broadcast_in_dim3A_149, %mul3A_177 : vector<256x128xf32>
    %slice3A_179 = vector.extract_strided_slice %add3A_142 {offsets = [1, 0], sizes = [1, 1], strides = [1, 1]} : vector<4x16xf32> to vector<1x1xf32>
    %squeeze3A_180 = vector.extract %slice3A_179[0, 0] : f32 from vector<1x1xf32>
    %add3A_181 = vector.broadcast %squeeze3A_180 : f32 to vector<256x128xf32>
    %add3A_182 = arith.addf %add3A_167, %add3A_181 : vector<256x128xf32>
    %max3A_183 = arith.constant 0.000000e+00 : f32
    %max3A_184 = vector.broadcast %max3A_183 : f32 to vector<256x128xf32>
    %max3A_185 = arith.maximumf %add3A_182, %max3A_184 : vector<256x128xf32>
    %slice3A_186 = vector.extract_strided_slice %get3A_148 {offsets = [0, 0], sizes = [1, 1], strides = [1, 1]} : vector<16x1xf32> to vector<1x1xf32>
    %squeeze3A_187 = vector.extract %slice3A_186[0, 0] : f32 from vector<1x1xf32>
    %mul3A_188 = vector.broadcast %squeeze3A_187 : f32 to vector<256x128xf32>
    %mul3A_189 = arith.mulf %max3A_185, %mul3A_188 : vector<256x128xf32>
    %add3A_190 = arith.addf %broadcast_in_dim3A_151, %mul3A_189 : vector<256x128xf32>
    %slice3A_191 = vector.extract_strided_slice %add3A_142 {offsets = [2, 0], sizes = [1, 1], strides = [1, 1]} : vector<4x16xf32> to vector<1x1xf32>
    %squeeze3A_192 = vector.extract %slice3A_191[0, 0] : f32 from vector<1x1xf32>
    %add3A_193 = vector.broadcast %squeeze3A_192 : f32 to vector<256x128xf32>
    %add3A_194 = arith.addf %add3A_167, %add3A_193 : vector<256x128xf32>
    %max3A_195 = arith.constant 0.000000e+00 : f32
    %max3A_196 = vector.broadcast %max3A_195 : f32 to vector<256x128xf32>
    %max3A_197 = arith.maximumf %add3A_194, %max3A_196 : vector<256x128xf32>
    %slice3A_198 = vector.extract_strided_slice %get3A_148 {offsets = [0, 0], sizes = [1, 1], strides = [1, 1]} : vector<16x1xf32> to vector<1x1xf32>
    %squeeze3A_199 = vector.extract %slice3A_198[0, 0] : f32 from vector<1x1xf32>
    %mul3A_200 = vector.broadcast %squeeze3A_199 : f32 to vector<256x128xf32>
    %mul3A_201 = arith.mulf %max3A_197, %mul3A_200 : vector<256x128xf32>
    %add3A_202 = arith.addf %broadcast_in_dim3A_153, %mul3A_201 : vector<256x128xf32>
    %slice3A_203 = vector.extract_strided_slice %add3A_142 {offsets = [3, 0], sizes = [1, 1], strides = [1, 1]} : vector<4x16xf32> to vector<1x1xf32>
    %squeeze3A_204 = vector.extract %slice3A_203[0, 0] : f32 from vector<1x1xf32>
    %add3A_205 = vector.broadcast %squeeze3A_204 : f32 to vector<256x128xf32>
    %add3A_206 = arith.addf %add3A_167, %add3A_205 : vector<256x128xf32>
    %max3A_207 = arith.constant 0.000000e+00 : f32
    %max3A_208 = vector.broadcast %max3A_207 : f32 to vector<256x128xf32>
    %max3A_209 = arith.maximumf %add3A_206, %max3A_208 : vector<256x128xf32>
    %slice3A_210 = vector.extract_strided_slice %get3A_148 {offsets = [0, 0], sizes = [1, 1], strides = [1, 1]} : vector<16x1xf32> to vector<1x1xf32>
    %squeeze3A_211 = vector.extract %slice3A_210[0, 0] : f32 from vector<1x1xf32>
    %mul3A_212 = vector.broadcast %squeeze3A_211 : f32 to vector<256x128xf32>
    %mul3A_213 = arith.mulf %max3A_209, %mul3A_212 : vector<256x128xf32>
    %add3A_214 = arith.addf %broadcast_in_dim3A_155, %mul3A_213 : vector<256x128xf32>
    %slice3A_215 = vector.extract_strided_slice %get3A_145 {offsets = [0, 1], sizes = [1, 1], strides = [1, 1]} : vector<3x16xf32> to vector<1x1xf32>
    %squeeze3A_216 = vector.extract %slice3A_215[0, 0] : f32 from vector<1x1xf32>
    %mul3A_217 = vector.broadcast %squeeze3A_216 : f32 to vector<256x128xf32>
    %mul3A_218 = arith.mulf %mul3A_117, %mul3A_217 : vector<256x128xf32>
    %slice3A_219 = vector.extract_strided_slice %get3A_145 {offsets = [1, 1], sizes = [1, 1], strides = [1, 1]} : vector<3x16xf32> to vector<1x1xf32>
    %squeeze3A_220 = vector.extract %slice3A_219[0, 0] : f32 from vector<1x1xf32>
    %mul3A_221 = vector.broadcast %squeeze3A_220 : f32 to vector<256x128xf32>
    %mul3A_222 = arith.mulf %mul3A_124, %mul3A_221 : vector<256x128xf32>
    %add3A_223 = arith.addf %mul3A_218, %mul3A_222 : vector<256x128xf32>
    %slice3A_224 = vector.extract_strided_slice %get3A_145 {offsets = [2, 1], sizes = [1, 1], strides = [1, 1]} : vector<3x16xf32> to vector<1x1xf32>
    %squeeze3A_225 = vector.extract %slice3A_224[0, 0] : f32 from vector<1x1xf32>
    %mul3A_226 = vector.broadcast %squeeze3A_225 : f32 to vector<256x128xf32>
    %mul3A_227 = arith.mulf %mul3A_131, %mul3A_226 : vector<256x128xf32>
    %add3A_228 = arith.addf %add3A_223, %mul3A_227 : vector<256x128xf32>
    %slice3A_229 = vector.extract_strided_slice %add3A_142 {offsets = [0, 1], sizes = [1, 1], strides = [1, 1]} : vector<4x16xf32> to vector<1x1xf32>
    %squeeze3A_230 = vector.extract %slice3A_229[0, 0] : f32 from vector<1x1xf32>
    %add3A_231 = vector.broadcast %squeeze3A_230 : f32 to vector<256x128xf32>
    %add3A_232 = arith.addf %add3A_228, %add3A_231 : vector<256x128xf32>
    %max3A_233 = arith.constant 0.000000e+00 : f32
    %max3A_234 = vector.broadcast %max3A_233 : f32 to vector<256x128xf32>
    %max3A_235 = arith.maximumf %add3A_232, %max3A_234 : vector<256x128xf32>
    %slice3A_236 = vector.extract_strided_slice %get3A_148 {offsets = [1, 0], sizes = [1, 1], strides = [1, 1]} : vector<16x1xf32> to vector<1x1xf32>
    %squeeze3A_237 = vector.extract %slice3A_236[0, 0] : f32 from vector<1x1xf32>
    %mul3A_238 = vector.broadcast %squeeze3A_237 : f32 to vector<256x128xf32>
    %mul3A_239 = arith.mulf %max3A_235, %mul3A_238 : vector<256x128xf32>
    %add3A_240 = arith.addf %add3A_178, %mul3A_239 : vector<256x128xf32>
    %slice3A_241 = vector.extract_strided_slice %add3A_142 {offsets = [1, 1], sizes = [1, 1], strides = [1, 1]} : vector<4x16xf32> to vector<1x1xf32>
    %squeeze3A_242 = vector.extract %slice3A_241[0, 0] : f32 from vector<1x1xf32>
    %add3A_243 = vector.broadcast %squeeze3A_242 : f32 to vector<256x128xf32>
    %add3A_244 = arith.addf %add3A_228, %add3A_243 : vector<256x128xf32>
    %max3A_245 = arith.constant 0.000000e+00 : f32
    %max3A_246 = vector.broadcast %max3A_245 : f32 to vector<256x128xf32>
    %max3A_247 = arith.maximumf %add3A_244, %max3A_246 : vector<256x128xf32>
    %slice3A_248 = vector.extract_strided_slice %get3A_148 {offsets = [1, 0], sizes = [1, 1], strides = [1, 1]} : vector<16x1xf32> to vector<1x1xf32>
    %squeeze3A_249 = vector.extract %slice3A_248[0, 0] : f32 from vector<1x1xf32>
    %mul3A_250 = vector.broadcast %squeeze3A_249 : f32 to vector<256x128xf32>
    %mul3A_251 = arith.mulf %max3A_247, %mul3A_250 : vector<256x128xf32>
    %add3A_252 = arith.addf %add3A_190, %mul3A_251 : vector<256x128xf32>
    %slice3A_253 = vector.extract_strided_slice %add3A_142 {offsets = [2, 1], sizes = [1, 1], strides = [1, 1]} : vector<4x16xf32> to vector<1x1xf32>
    %squeeze3A_254 = vector.extract %slice3A_253[0, 0] : f32 from vector<1x1xf32>
    %add3A_255 = vector.broadcast %squeeze3A_254 : f32 to vector<256x128xf32>
    %add3A_256 = arith.addf %add3A_228, %add3A_255 : vector<256x128xf32>
    %max3A_257 = arith.constant 0.000000e+00 : f32
    %max3A_258 = vector.broadcast %max3A_257 : f32 to vector<256x128xf32>
    %max3A_259 = arith.maximumf %add3A_256, %max3A_258 : vector<256x128xf32>
    %slice3A_260 = vector.extract_strided_slice %get3A_148 {offsets = [1, 0], sizes = [1, 1], strides = [1, 1]} : vector<16x1xf32> to vector<1x1xf32>
    %squeeze3A_261 = vector.extract %slice3A_260[0, 0] : f32 from vector<1x1xf32>
    %mul3A_262 = vector.broadcast %squeeze3A_261 : f32 to vector<256x128xf32>
    %mul3A_263 = arith.mulf %max3A_259, %mul3A_262 : vector<256x128xf32>
    %add3A_264 = arith.addf %add3A_202, %mul3A_263 : vector<256x128xf32>
    %slice3A_265 = vector.extract_strided_slice %add3A_142 {offsets = [3, 1], sizes = [1, 1], strides = [1, 1]} : vector<4x16xf32> to vector<1x1xf32>
    %squeeze3A_266 = vector.extract %slice3A_265[0, 0] : f32 from vector<1x1xf32>
    %add3A_267 = vector.broadcast %squeeze3A_266 : f32 to vector<256x128xf32>
    %add3A_268 = arith.addf %add3A_228, %add3A_267 : vector<256x128xf32>
    %max3A_269 = arith.constant 0.000000e+00 : f32
    %max3A_270 = vector.broadcast %max3A_269 : f32 to vector<256x128xf32>
    %max3A_271 = arith.maximumf %add3A_268, %max3A_270 : vector<256x128xf32>
    %slice3A_272 = vector.extract_strided_slice %get3A_148 {offsets = [1, 0], sizes = [1, 1], strides = [1, 1]} : vector<16x1xf32> to vector<1x1xf32>
    %squeeze3A_273 = vector.extract %slice3A_272[0, 0] : f32 from vector<1x1xf32>
    %mul3A_274 = vector.broadcast %squeeze3A_273 : f32 to vector<256x128xf32>
    %mul3A_275 = arith.mulf %max3A_271, %mul3A_274 : vector<256x128xf32>
    %add3A_276 = arith.addf %add3A_214, %mul3A_275 : vector<256x128xf32>
    %slice3A_277 = vector.extract_strided_slice %get3A_145 {offsets = [0, 2], sizes = [1, 1], strides = [1, 1]} : vector<3x16xf32> to vector<1x1xf32>
    %squeeze3A_278 = vector.extract %slice3A_277[0, 0] : f32 from vector<1x1xf32>
    %mul3A_279 = vector.broadcast %squeeze3A_278 : f32 to vector<256x128xf32>
    %mul3A_280 = arith.mulf %mul3A_117, %mul3A_279 : vector<256x128xf32>
    %slice3A_281 = vector.extract_strided_slice %get3A_145 {offsets = [1, 2], sizes = [1, 1], strides = [1, 1]} : vector<3x16xf32> to vector<1x1xf32>
    %squeeze3A_282 = vector.extract %slice3A_281[0, 0] : f32 from vector<1x1xf32>
    %mul3A_283 = vector.broadcast %squeeze3A_282 : f32 to vector<256x128xf32>
    %mul3A_284 = arith.mulf %mul3A_124, %mul3A_283 : vector<256x128xf32>
    %add3A_285 = arith.addf %mul3A_280, %mul3A_284 : vector<256x128xf32>
    %slice3A_286 = vector.extract_strided_slice %get3A_145 {offsets = [2, 2], sizes = [1, 1], strides = [1, 1]} : vector<3x16xf32> to vector<1x1xf32>
    %squeeze3A_287 = vector.extract %slice3A_286[0, 0] : f32 from vector<1x1xf32>
    %mul3A_288 = vector.broadcast %squeeze3A_287 : f32 to vector<256x128xf32>
    %mul3A_289 = arith.mulf %mul3A_131, %mul3A_288 : vector<256x128xf32>
    %add3A_290 = arith.addf %add3A_285, %mul3A_289 : vector<256x128xf32>
    %slice3A_291 = vector.extract_strided_slice %add3A_142 {offsets = [0, 2], sizes = [1, 1], strides = [1, 1]} : vector<4x16xf32> to vector<1x1xf32>
    %squeeze3A_292 = vector.extract %slice3A_291[0, 0] : f32 from vector<1x1xf32>
    %add3A_293 = vector.broadcast %squeeze3A_292 : f32 to vector<256x128xf32>
    %add3A_294 = arith.addf %add3A_290, %add3A_293 : vector<256x128xf32>
    %max3A_295 = arith.constant 0.000000e+00 : f32
    %max3A_296 = vector.broadcast %max3A_295 : f32 to vector<256x128xf32>
    %max3A_297 = arith.maximumf %add3A_294, %max3A_296 : vector<256x128xf32>
    %slice3A_298 = vector.extract_strided_slice %get3A_148 {offsets = [2, 0], sizes = [1, 1], strides = [1, 1]} : vector<16x1xf32> to vector<1x1xf32>
    %squeeze3A_299 = vector.extract %slice3A_298[0, 0] : f32 from vector<1x1xf32>
    %mul3A_300 = vector.broadcast %squeeze3A_299 : f32 to vector<256x128xf32>
    %mul3A_301 = arith.mulf %max3A_297, %mul3A_300 : vector<256x128xf32>
    %add3A_302 = arith.addf %add3A_240, %mul3A_301 : vector<256x128xf32>
    %slice3A_303 = vector.extract_strided_slice %add3A_142 {offsets = [1, 2], sizes = [1, 1], strides = [1, 1]} : vector<4x16xf32> to vector<1x1xf32>
    %squeeze3A_304 = vector.extract %slice3A_303[0, 0] : f32 from vector<1x1xf32>
    %add3A_305 = vector.broadcast %squeeze3A_304 : f32 to vector<256x128xf32>
    %add3A_306 = arith.addf %add3A_290, %add3A_305 : vector<256x128xf32>
    %max3A_307 = arith.constant 0.000000e+00 : f32
    %max3A_308 = vector.broadcast %max3A_307 : f32 to vector<256x128xf32>
    %max3A_309 = arith.maximumf %add3A_306, %max3A_308 : vector<256x128xf32>
    %slice3A_310 = vector.extract_strided_slice %get3A_148 {offsets = [2, 0], sizes = [1, 1], strides = [1, 1]} : vector<16x1xf32> to vector<1x1xf32>
    %squeeze3A_311 = vector.extract %slice3A_310[0, 0] : f32 from vector<1x1xf32>
    %mul3A_312 = vector.broadcast %squeeze3A_311 : f32 to vector<256x128xf32>
    %mul3A_313 = arith.mulf %max3A_309, %mul3A_312 : vector<256x128xf32>
    %add3A_314 = arith.addf %add3A_252, %mul3A_313 : vector<256x128xf32>
    %slice3A_315 = vector.extract_strided_slice %add3A_142 {offsets = [2, 2], sizes = [1, 1], strides = [1, 1]} : vector<4x16xf32> to vector<1x1xf32>
    %squeeze3A_316 = vector.extract %slice3A_315[0, 0] : f32 from vector<1x1xf32>
    %add3A_317 = vector.broadcast %squeeze3A_316 : f32 to vector<256x128xf32>
    %add3A_318 = arith.addf %add3A_290, %add3A_317 : vector<256x128xf32>
    %max3A_319 = arith.constant 0.000000e+00 : f32
    %max3A_320 = vector.broadcast %max3A_319 : f32 to vector<256x128xf32>
    %max3A_321 = arith.maximumf %add3A_318, %max3A_320 : vector<256x128xf32>
    %slice3A_322 = vector.extract_strided_slice %get3A_148 {offsets = [2, 0], sizes = [1, 1], strides = [1, 1]} : vector<16x1xf32> to vector<1x1xf32>
    %squeeze3A_323 = vector.extract %slice3A_322[0, 0] : f32 from vector<1x1xf32>
    %mul3A_324 = vector.broadcast %squeeze3A_323 : f32 to vector<256x128xf32>
    %mul3A_325 = arith.mulf %max3A_321, %mul3A_324 : vector<256x128xf32>
    %add3A_326 = arith.addf %add3A_264, %mul3A_325 : vector<256x128xf32>
    %slice3A_327 = vector.extract_strided_slice %add3A_142 {offsets = [3, 2], sizes = [1, 1], strides = [1, 1]} : vector<4x16xf32> to vector<1x1xf32>
    %squeeze3A_328 = vector.extract %slice3A_327[0, 0] : f32 from vector<1x1xf32>
    %add3A_329 = vector.broadcast %squeeze3A_328 : f32 to vector<256x128xf32>
    %add3A_330 = arith.addf %add3A_290, %add3A_329 : vector<256x128xf32>
    %max3A_331 = arith.constant 0.000000e+00 : f32
    %max3A_332 = vector.broadcast %max3A_331 : f32 to vector<256x128xf32>
    %max3A_333 = arith.maximumf %add3A_330, %max3A_332 : vector<256x128xf32>
    %slice3A_334 = vector.extract_strided_slice %get3A_148 {offsets = [2, 0], sizes = [1, 1], strides = [1, 1]} : vector<16x1xf32> to vector<1x1xf32>
    %squeeze3A_335 = vector.extract %slice3A_334[0, 0] : f32 from vector<1x1xf32>
    %mul3A_336 = vector.broadcast %squeeze3A_335 : f32 to vector<256x128xf32>
    %mul3A_337 = arith.mulf %max3A_333, %mul3A_336 : vector<256x128xf32>
    %add3A_338 = arith.addf %add3A_276, %mul3A_337 : vector<256x128xf32>
    %slice3A_339 = vector.extract_strided_slice %get3A_145 {offsets = [0, 3], sizes = [1, 1], strides = [1, 1]} : vector<3x16xf32> to vector<1x1xf32>
    %squeeze3A_340 = vector.extract %slice3A_339[0, 0] : f32 from vector<1x1xf32>
    %mul3A_341 = vector.broadcast %squeeze3A_340 : f32 to vector<256x128xf32>
    %mul3A_342 = arith.mulf %mul3A_117, %mul3A_341 : vector<256x128xf32>
    %slice3A_343 = vector.extract_strided_slice %get3A_145 {offsets = [1, 3], sizes = [1, 1], strides = [1, 1]} : vector<3x16xf32> to vector<1x1xf32>
    %squeeze3A_344 = vector.extract %slice3A_343[0, 0] : f32 from vector<1x1xf32>
    %mul3A_345 = vector.broadcast %squeeze3A_344 : f32 to vector<256x128xf32>
    %mul3A_346 = arith.mulf %mul3A_124, %mul3A_345 : vector<256x128xf32>
    %add3A_347 = arith.addf %mul3A_342, %mul3A_346 : vector<256x128xf32>
    %slice3A_348 = vector.extract_strided_slice %get3A_145 {offsets = [2, 3], sizes = [1, 1], strides = [1, 1]} : vector<3x16xf32> to vector<1x1xf32>
    %squeeze3A_349 = vector.extract %slice3A_348[0, 0] : f32 from vector<1x1xf32>
    %mul3A_350 = vector.broadcast %squeeze3A_349 : f32 to vector<256x128xf32>
    %mul3A_351 = arith.mulf %mul3A_131, %mul3A_350 : vector<256x128xf32>
    %add3A_352 = arith.addf %add3A_347, %mul3A_351 : vector<256x128xf32>
    %slice3A_353 = vector.extract_strided_slice %add3A_142 {offsets = [0, 3], sizes = [1, 1], strides = [1, 1]} : vector<4x16xf32> to vector<1x1xf32>
    %squeeze3A_354 = vector.extract %slice3A_353[0, 0] : f32 from vector<1x1xf32>
    %add3A_355 = vector.broadcast %squeeze3A_354 : f32 to vector<256x128xf32>
    %add3A_356 = arith.addf %add3A_352, %add3A_355 : vector<256x128xf32>
    %max3A_357 = arith.constant 0.000000e+00 : f32
    %max3A_358 = vector.broadcast %max3A_357 : f32 to vector<256x128xf32>
    %max3A_359 = arith.maximumf %add3A_356, %max3A_358 : vector<256x128xf32>
    %slice3A_360 = vector.extract_strided_slice %get3A_148 {offsets = [3, 0], sizes = [1, 1], strides = [1, 1]} : vector<16x1xf32> to vector<1x1xf32>
    %squeeze3A_361 = vector.extract %slice3A_360[0, 0] : f32 from vector<1x1xf32>
    %mul3A_362 = vector.broadcast %squeeze3A_361 : f32 to vector<256x128xf32>
    %mul3A_363 = arith.mulf %max3A_359, %mul3A_362 : vector<256x128xf32>
    %add3A_364 = arith.addf %add3A_302, %mul3A_363 : vector<256x128xf32>
    %slice3A_365 = vector.extract_strided_slice %add3A_142 {offsets = [1, 3], sizes = [1, 1], strides = [1, 1]} : vector<4x16xf32> to vector<1x1xf32>
    %squeeze3A_366 = vector.extract %slice3A_365[0, 0] : f32 from vector<1x1xf32>
    %add3A_367 = vector.broadcast %squeeze3A_366 : f32 to vector<256x128xf32>
    %add3A_368 = arith.addf %add3A_352, %add3A_367 : vector<256x128xf32>
    %max3A_369 = arith.constant 0.000000e+00 : f32
    %max3A_370 = vector.broadcast %max3A_369 : f32 to vector<256x128xf32>
    %max3A_371 = arith.maximumf %add3A_368, %max3A_370 : vector<256x128xf32>
    %slice3A_372 = vector.extract_strided_slice %get3A_148 {offsets = [3, 0], sizes = [1, 1], strides = [1, 1]} : vector<16x1xf32> to vector<1x1xf32>
    %squeeze3A_373 = vector.extract %slice3A_372[0, 0] : f32 from vector<1x1xf32>
    %mul3A_374 = vector.broadcast %squeeze3A_373 : f32 to vector<256x128xf32>
    %mul3A_375 = arith.mulf %max3A_371, %mul3A_374 : vector<256x128xf32>
    %add3A_376 = arith.addf %add3A_314, %mul3A_375 : vector<256x128xf32>
    %slice3A_377 = vector.extract_strided_slice %add3A_142 {offsets = [2, 3], sizes = [1, 1], strides = [1, 1]} : vector<4x16xf32> to vector<1x1xf32>
    %squeeze3A_378 = vector.extract %slice3A_377[0, 0] : f32 from vector<1x1xf32>
    %add3A_379 = vector.broadcast %squeeze3A_378 : f32 to vector<256x128xf32>
    %add3A_380 = arith.addf %add3A_352, %add3A_379 : vector<256x128xf32>
    %max3A_381 = arith.constant 0.000000e+00 : f32
    %max3A_382 = vector.broadcast %max3A_381 : f32 to vector<256x128xf32>
    %max3A_383 = arith.maximumf %add3A_380, %max3A_382 : vector<256x128xf32>
    %slice3A_384 = vector.extract_strided_slice %get3A_148 {offsets = [3, 0], sizes = [1, 1], strides = [1, 1]} : vector<16x1xf32> to vector<1x1xf32>
    %squeeze3A_385 = vector.extract %slice3A_384[0, 0] : f32 from vector<1x1xf32>
    %mul3A_386 = vector.broadcast %squeeze3A_385 : f32 to vector<256x128xf32>
    %mul3A_387 = arith.mulf %max3A_383, %mul3A_386 : vector<256x128xf32>
    %add3A_388 = arith.addf %add3A_326, %mul3A_387 : vector<256x128xf32>
    %slice3A_389 = vector.extract_strided_slice %add3A_142 {offsets = [3, 3], sizes = [1, 1], strides = [1, 1]} : vector<4x16xf32> to vector<1x1xf32>
    %squeeze3A_390 = vector.extract %slice3A_389[0, 0] : f32 from vector<1x1xf32>
    %add3A_391 = vector.broadcast %squeeze3A_390 : f32 to vector<256x128xf32>
    %add3A_392 = arith.addf %add3A_352, %add3A_391 : vector<256x128xf32>
    %max3A_393 = arith.constant 0.000000e+00 : f32
    %max3A_394 = vector.broadcast %max3A_393 : f32 to vector<256x128xf32>
    %max3A_395 = arith.maximumf %add3A_392, %max3A_394 : vector<256x128xf32>
    %slice3A_396 = vector.extract_strided_slice %get3A_148 {offsets = [3, 0], sizes = [1, 1], strides = [1, 1]} : vector<16x1xf32> to vector<1x1xf32>
    %squeeze3A_397 = vector.extract %slice3A_396[0, 0] : f32 from vector<1x1xf32>
    %mul3A_398 = vector.broadcast %squeeze3A_397 : f32 to vector<256x128xf32>
    %mul3A_399 = arith.mulf %max3A_395, %mul3A_398 : vector<256x128xf32>
    %add3A_400 = arith.addf %add3A_338, %mul3A_399 : vector<256x128xf32>
    %slice3A_401 = vector.extract_strided_slice %get3A_145 {offsets = [0, 4], sizes = [1, 1], strides = [1, 1]} : vector<3x16xf32> to vector<1x1xf32>
    %squeeze3A_402 = vector.extract %slice3A_401[0, 0] : f32 from vector<1x1xf32>
    %mul3A_403 = vector.broadcast %squeeze3A_402 : f32 to vector<256x128xf32>
    %mul3A_404 = arith.mulf %mul3A_117, %mul3A_403 : vector<256x128xf32>
    %slice3A_405 = vector.extract_strided_slice %get3A_145 {offsets = [1, 4], sizes = [1, 1], strides = [1, 1]} : vector<3x16xf32> to vector<1x1xf32>
    %squeeze3A_406 = vector.extract %slice3A_405[0, 0] : f32 from vector<1x1xf32>
    %mul3A_407 = vector.broadcast %squeeze3A_406 : f32 to vector<256x128xf32>
    %mul3A_408 = arith.mulf %mul3A_124, %mul3A_407 : vector<256x128xf32>
    %add3A_409 = arith.addf %mul3A_404, %mul3A_408 : vector<256x128xf32>
    %slice3A_410 = vector.extract_strided_slice %get3A_145 {offsets = [2, 4], sizes = [1, 1], strides = [1, 1]} : vector<3x16xf32> to vector<1x1xf32>
    %squeeze3A_411 = vector.extract %slice3A_410[0, 0] : f32 from vector<1x1xf32>
    %mul3A_412 = vector.broadcast %squeeze3A_411 : f32 to vector<256x128xf32>
    %mul3A_413 = arith.mulf %mul3A_131, %mul3A_412 : vector<256x128xf32>
    %add3A_414 = arith.addf %add3A_409, %mul3A_413 : vector<256x128xf32>
    %slice3A_415 = vector.extract_strided_slice %add3A_142 {offsets = [0, 4], sizes = [1, 1], strides = [1, 1]} : vector<4x16xf32> to vector<1x1xf32>
    %squeeze3A_416 = vector.extract %slice3A_415[0, 0] : f32 from vector<1x1xf32>
    %add3A_417 = vector.broadcast %squeeze3A_416 : f32 to vector<256x128xf32>
    %add3A_418 = arith.addf %add3A_414, %add3A_417 : vector<256x128xf32>
    %max3A_419 = arith.constant 0.000000e+00 : f32
    %max3A_420 = vector.broadcast %max3A_419 : f32 to vector<256x128xf32>
    %max3A_421 = arith.maximumf %add3A_418, %max3A_420 : vector<256x128xf32>
    %slice3A_422 = vector.extract_strided_slice %get3A_148 {offsets = [4, 0], sizes = [1, 1], strides = [1, 1]} : vector<16x1xf32> to vector<1x1xf32>
    %squeeze3A_423 = vector.extract %slice3A_422[0, 0] : f32 from vector<1x1xf32>
    %mul3A_424 = vector.broadcast %squeeze3A_423 : f32 to vector<256x128xf32>
    %mul3A_425 = arith.mulf %max3A_421, %mul3A_424 : vector<256x128xf32>
    %add3A_426 = arith.addf %add3A_364, %mul3A_425 : vector<256x128xf32>
    %slice3A_427 = vector.extract_strided_slice %add3A_142 {offsets = [1, 4], sizes = [1, 1], strides = [1, 1]} : vector<4x16xf32> to vector<1x1xf32>
    %squeeze3A_428 = vector.extract %slice3A_427[0, 0] : f32 from vector<1x1xf32>
    %add3A_429 = vector.broadcast %squeeze3A_428 : f32 to vector<256x128xf32>
    %add3A_430 = arith.addf %add3A_414, %add3A_429 : vector<256x128xf32>
    %max3A_431 = arith.constant 0.000000e+00 : f32
    %max3A_432 = vector.broadcast %max3A_431 : f32 to vector<256x128xf32>
    %max3A_433 = arith.maximumf %add3A_430, %max3A_432 : vector<256x128xf32>
    %slice3A_434 = vector.extract_strided_slice %get3A_148 {offsets = [4, 0], sizes = [1, 1], strides = [1, 1]} : vector<16x1xf32> to vector<1x1xf32>
    %squeeze3A_435 = vector.extract %slice3A_434[0, 0] : f32 from vector<1x1xf32>
    %mul3A_436 = vector.broadcast %squeeze3A_435 : f32 to vector<256x128xf32>
    %mul3A_437 = arith.mulf %max3A_433, %mul3A_436 : vector<256x128xf32>
    %add3A_438 = arith.addf %add3A_376, %mul3A_437 : vector<256x128xf32>
    %slice3A_439 = vector.extract_strided_slice %add3A_142 {offsets = [2, 4], sizes = [1, 1], strides = [1, 1]} : vector<4x16xf32> to vector<1x1xf32>
    %squeeze3A_440 = vector.extract %slice3A_439[0, 0] : f32 from vector<1x1xf32>
    %add3A_441 = vector.broadcast %squeeze3A_440 : f32 to vector<256x128xf32>
    %add3A_442 = arith.addf %add3A_414, %add3A_441 : vector<256x128xf32>
    %max3A_443 = arith.constant 0.000000e+00 : f32
    %max3A_444 = vector.broadcast %max3A_443 : f32 to vector<256x128xf32>
    %max3A_445 = arith.maximumf %add3A_442, %max3A_444 : vector<256x128xf32>
    %slice3A_446 = vector.extract_strided_slice %get3A_148 {offsets = [4, 0], sizes = [1, 1], strides = [1, 1]} : vector<16x1xf32> to vector<1x1xf32>
    %squeeze3A_447 = vector.extract %slice3A_446[0, 0] : f32 from vector<1x1xf32>
    %mul3A_448 = vector.broadcast %squeeze3A_447 : f32 to vector<256x128xf32>
    %mul3A_449 = arith.mulf %max3A_445, %mul3A_448 : vector<256x128xf32>
    %add3A_450 = arith.addf %add3A_388, %mul3A_449 : vector<256x128xf32>
    %slice3A_451 = vector.extract_strided_slice %add3A_142 {offsets = [3, 4], sizes = [1, 1], strides = [1, 1]} : vector<4x16xf32> to vector<1x1xf32>
    %squeeze3A_452 = vector.extract %slice3A_451[0, 0] : f32 from vector<1x1xf32>
    %add3A_453 = vector.broadcast %squeeze3A_452 : f32 to vector<256x128xf32>
    %add3A_454 = arith.addf %add3A_414, %add3A_453 : vector<256x128xf32>
    %max3A_455 = arith.constant 0.000000e+00 : f32
    %max3A_456 = vector.broadcast %max3A_455 : f32 to vector<256x128xf32>
    %max3A_457 = arith.maximumf %add3A_454, %max3A_456 : vector<256x128xf32>
    %slice3A_458 = vector.extract_strided_slice %get3A_148 {offsets = [4, 0], sizes = [1, 1], strides = [1, 1]} : vector<16x1xf32> to vector<1x1xf32>
    %squeeze3A_459 = vector.extract %slice3A_458[0, 0] : f32 from vector<1x1xf32>
    %mul3A_460 = vector.broadcast %squeeze3A_459 : f32 to vector<256x128xf32>
    %mul3A_461 = arith.mulf %max3A_457, %mul3A_460 : vector<256x128xf32>
    %add3A_462 = arith.addf %add3A_400, %mul3A_461 : vector<256x128xf32>
    %slice3A_463 = vector.extract_strided_slice %get3A_145 {offsets = [0, 5], sizes = [1, 1], strides = [1, 1]} : vector<3x16xf32> to vector<1x1xf32>
    %squeeze3A_464 = vector.extract %slice3A_463[0, 0] : f32 from vector<1x1xf32>
    %mul3A_465 = vector.broadcast %squeeze3A_464 : f32 to vector<256x128xf32>
    %mul3A_466 = arith.mulf %mul3A_117, %mul3A_465 : vector<256x128xf32>
    %slice3A_467 = vector.extract_strided_slice %get3A_145 {offsets = [1, 5], sizes = [1, 1], strides = [1, 1]} : vector<3x16xf32> to vector<1x1xf32>
    %squeeze3A_468 = vector.extract %slice3A_467[0, 0] : f32 from vector<1x1xf32>
    %mul3A_469 = vector.broadcast %squeeze3A_468 : f32 to vector<256x128xf32>
    %mul3A_470 = arith.mulf %mul3A_124, %mul3A_469 : vector<256x128xf32>
    %add3A_471 = arith.addf %mul3A_466, %mul3A_470 : vector<256x128xf32>
    %slice3A_472 = vector.extract_strided_slice %get3A_145 {offsets = [2, 5], sizes = [1, 1], strides = [1, 1]} : vector<3x16xf32> to vector<1x1xf32>
    %squeeze3A_473 = vector.extract %slice3A_472[0, 0] : f32 from vector<1x1xf32>
    %mul3A_474 = vector.broadcast %squeeze3A_473 : f32 to vector<256x128xf32>
    %mul3A_475 = arith.mulf %mul3A_131, %mul3A_474 : vector<256x128xf32>
    %add3A_476 = arith.addf %add3A_471, %mul3A_475 : vector<256x128xf32>
    %slice3A_477 = vector.extract_strided_slice %add3A_142 {offsets = [0, 5], sizes = [1, 1], strides = [1, 1]} : vector<4x16xf32> to vector<1x1xf32>
    %squeeze3A_478 = vector.extract %slice3A_477[0, 0] : f32 from vector<1x1xf32>
    %add3A_479 = vector.broadcast %squeeze3A_478 : f32 to vector<256x128xf32>
    %add3A_480 = arith.addf %add3A_476, %add3A_479 : vector<256x128xf32>
    %max3A_481 = arith.constant 0.000000e+00 : f32
    %max3A_482 = vector.broadcast %max3A_481 : f32 to vector<256x128xf32>
    %max3A_483 = arith.maximumf %add3A_480, %max3A_482 : vector<256x128xf32>
    %slice3A_484 = vector.extract_strided_slice %get3A_148 {offsets = [5, 0], sizes = [1, 1], strides = [1, 1]} : vector<16x1xf32> to vector<1x1xf32>
    %squeeze3A_485 = vector.extract %slice3A_484[0, 0] : f32 from vector<1x1xf32>
    %mul3A_486 = vector.broadcast %squeeze3A_485 : f32 to vector<256x128xf32>
    %mul3A_487 = arith.mulf %max3A_483, %mul3A_486 : vector<256x128xf32>
    %add3A_488 = arith.addf %add3A_426, %mul3A_487 : vector<256x128xf32>
    %slice3A_489 = vector.extract_strided_slice %add3A_142 {offsets = [1, 5], sizes = [1, 1], strides = [1, 1]} : vector<4x16xf32> to vector<1x1xf32>
    %squeeze3A_490 = vector.extract %slice3A_489[0, 0] : f32 from vector<1x1xf32>
    %add3A_491 = vector.broadcast %squeeze3A_490 : f32 to vector<256x128xf32>
    %add3A_492 = arith.addf %add3A_476, %add3A_491 : vector<256x128xf32>
    %max3A_493 = arith.constant 0.000000e+00 : f32
    %max3A_494 = vector.broadcast %max3A_493 : f32 to vector<256x128xf32>
    %max3A_495 = arith.maximumf %add3A_492, %max3A_494 : vector<256x128xf32>
    %slice3A_496 = vector.extract_strided_slice %get3A_148 {offsets = [5, 0], sizes = [1, 1], strides = [1, 1]} : vector<16x1xf32> to vector<1x1xf32>
    %squeeze3A_497 = vector.extract %slice3A_496[0, 0] : f32 from vector<1x1xf32>
    %mul3A_498 = vector.broadcast %squeeze3A_497 : f32 to vector<256x128xf32>
    %mul3A_499 = arith.mulf %max3A_495, %mul3A_498 : vector<256x128xf32>
    %add3A_500 = arith.addf %add3A_438, %mul3A_499 : vector<256x128xf32>
    %slice3A_501 = vector.extract_strided_slice %add3A_142 {offsets = [2, 5], sizes = [1, 1], strides = [1, 1]} : vector<4x16xf32> to vector<1x1xf32>
    %squeeze3A_502 = vector.extract %slice3A_501[0, 0] : f32 from vector<1x1xf32>
    %add3A_503 = vector.broadcast %squeeze3A_502 : f32 to vector<256x128xf32>
    %add3A_504 = arith.addf %add3A_476, %add3A_503 : vector<256x128xf32>
    %max3A_505 = arith.constant 0.000000e+00 : f32
    %max3A_506 = vector.broadcast %max3A_505 : f32 to vector<256x128xf32>
    %max3A_507 = arith.maximumf %add3A_504, %max3A_506 : vector<256x128xf32>
    %slice3A_508 = vector.extract_strided_slice %get3A_148 {offsets = [5, 0], sizes = [1, 1], strides = [1, 1]} : vector<16x1xf32> to vector<1x1xf32>
    %squeeze3A_509 = vector.extract %slice3A_508[0, 0] : f32 from vector<1x1xf32>
    %mul3A_510 = vector.broadcast %squeeze3A_509 : f32 to vector<256x128xf32>
    %mul3A_511 = arith.mulf %max3A_507, %mul3A_510 : vector<256x128xf32>
    %add3A_512 = arith.addf %add3A_450, %mul3A_511 : vector<256x128xf32>
    %slice3A_513 = vector.extract_strided_slice %add3A_142 {offsets = [3, 5], sizes = [1, 1], strides = [1, 1]} : vector<4x16xf32> to vector<1x1xf32>
    %squeeze3A_514 = vector.extract %slice3A_513[0, 0] : f32 from vector<1x1xf32>
    %add3A_515 = vector.broadcast %squeeze3A_514 : f32 to vector<256x128xf32>
    %add3A_516 = arith.addf %add3A_476, %add3A_515 : vector<256x128xf32>
    %max3A_517 = arith.constant 0.000000e+00 : f32
    %max3A_518 = vector.broadcast %max3A_517 : f32 to vector<256x128xf32>
    %max3A_519 = arith.maximumf %add3A_516, %max3A_518 : vector<256x128xf32>
    %slice3A_520 = vector.extract_strided_slice %get3A_148 {offsets = [5, 0], sizes = [1, 1], strides = [1, 1]} : vector<16x1xf32> to vector<1x1xf32>
    %squeeze3A_521 = vector.extract %slice3A_520[0, 0] : f32 from vector<1x1xf32>
    %mul3A_522 = vector.broadcast %squeeze3A_521 : f32 to vector<256x128xf32>
    %mul3A_523 = arith.mulf %max3A_519, %mul3A_522 : vector<256x128xf32>
    %add3A_524 = arith.addf %add3A_462, %mul3A_523 : vector<256x128xf32>
    %slice3A_525 = vector.extract_strided_slice %get3A_145 {offsets = [0, 6], sizes = [1, 1], strides = [1, 1]} : vector<3x16xf32> to vector<1x1xf32>
    %squeeze3A_526 = vector.extract %slice3A_525[0, 0] : f32 from vector<1x1xf32>
    %mul3A_527 = vector.broadcast %squeeze3A_526 : f32 to vector<256x128xf32>
    %mul3A_528 = arith.mulf %mul3A_117, %mul3A_527 : vector<256x128xf32>
    %slice3A_529 = vector.extract_strided_slice %get3A_145 {offsets = [1, 6], sizes = [1, 1], strides = [1, 1]} : vector<3x16xf32> to vector<1x1xf32>
    %squeeze3A_530 = vector.extract %slice3A_529[0, 0] : f32 from vector<1x1xf32>
    %mul3A_531 = vector.broadcast %squeeze3A_530 : f32 to vector<256x128xf32>
    %mul3A_532 = arith.mulf %mul3A_124, %mul3A_531 : vector<256x128xf32>
    %add3A_533 = arith.addf %mul3A_528, %mul3A_532 : vector<256x128xf32>
    %slice3A_534 = vector.extract_strided_slice %get3A_145 {offsets = [2, 6], sizes = [1, 1], strides = [1, 1]} : vector<3x16xf32> to vector<1x1xf32>
    %squeeze3A_535 = vector.extract %slice3A_534[0, 0] : f32 from vector<1x1xf32>
    %mul3A_536 = vector.broadcast %squeeze3A_535 : f32 to vector<256x128xf32>
    %mul3A_537 = arith.mulf %mul3A_131, %mul3A_536 : vector<256x128xf32>
    %add3A_538 = arith.addf %add3A_533, %mul3A_537 : vector<256x128xf32>
    %slice3A_539 = vector.extract_strided_slice %add3A_142 {offsets = [0, 6], sizes = [1, 1], strides = [1, 1]} : vector<4x16xf32> to vector<1x1xf32>
    %squeeze3A_540 = vector.extract %slice3A_539[0, 0] : f32 from vector<1x1xf32>
    %add3A_541 = vector.broadcast %squeeze3A_540 : f32 to vector<256x128xf32>
    %add3A_542 = arith.addf %add3A_538, %add3A_541 : vector<256x128xf32>
    %max3A_543 = arith.constant 0.000000e+00 : f32
    %max3A_544 = vector.broadcast %max3A_543 : f32 to vector<256x128xf32>
    %max3A_545 = arith.maximumf %add3A_542, %max3A_544 : vector<256x128xf32>
    %slice3A_546 = vector.extract_strided_slice %get3A_148 {offsets = [6, 0], sizes = [1, 1], strides = [1, 1]} : vector<16x1xf32> to vector<1x1xf32>
    %squeeze3A_547 = vector.extract %slice3A_546[0, 0] : f32 from vector<1x1xf32>
    %mul3A_548 = vector.broadcast %squeeze3A_547 : f32 to vector<256x128xf32>
    %mul3A_549 = arith.mulf %max3A_545, %mul3A_548 : vector<256x128xf32>
    %add3A_550 = arith.addf %add3A_488, %mul3A_549 : vector<256x128xf32>
    %slice3A_551 = vector.extract_strided_slice %add3A_142 {offsets = [1, 6], sizes = [1, 1], strides = [1, 1]} : vector<4x16xf32> to vector<1x1xf32>
    %squeeze3A_552 = vector.extract %slice3A_551[0, 0] : f32 from vector<1x1xf32>
    %add3A_553 = vector.broadcast %squeeze3A_552 : f32 to vector<256x128xf32>
    %add3A_554 = arith.addf %add3A_538, %add3A_553 : vector<256x128xf32>
    %max3A_555 = arith.constant 0.000000e+00 : f32
    %max3A_556 = vector.broadcast %max3A_555 : f32 to vector<256x128xf32>
    %max3A_557 = arith.maximumf %add3A_554, %max3A_556 : vector<256x128xf32>
    %slice3A_558 = vector.extract_strided_slice %get3A_148 {offsets = [6, 0], sizes = [1, 1], strides = [1, 1]} : vector<16x1xf32> to vector<1x1xf32>
    %squeeze3A_559 = vector.extract %slice3A_558[0, 0] : f32 from vector<1x1xf32>
    %mul3A_560 = vector.broadcast %squeeze3A_559 : f32 to vector<256x128xf32>
    %mul3A_561 = arith.mulf %max3A_557, %mul3A_560 : vector<256x128xf32>
    %add3A_562 = arith.addf %add3A_500, %mul3A_561 : vector<256x128xf32>
    %slice3A_563 = vector.extract_strided_slice %add3A_142 {offsets = [2, 6], sizes = [1, 1], strides = [1, 1]} : vector<4x16xf32> to vector<1x1xf32>
    %squeeze3A_564 = vector.extract %slice3A_563[0, 0] : f32 from vector<1x1xf32>
    %add3A_565 = vector.broadcast %squeeze3A_564 : f32 to vector<256x128xf32>
    %add3A_566 = arith.addf %add3A_538, %add3A_565 : vector<256x128xf32>
    %max3A_567 = arith.constant 0.000000e+00 : f32
    %max3A_568 = vector.broadcast %max3A_567 : f32 to vector<256x128xf32>
    %max3A_569 = arith.maximumf %add3A_566, %max3A_568 : vector<256x128xf32>
    %slice3A_570 = vector.extract_strided_slice %get3A_148 {offsets = [6, 0], sizes = [1, 1], strides = [1, 1]} : vector<16x1xf32> to vector<1x1xf32>
    %squeeze3A_571 = vector.extract %slice3A_570[0, 0] : f32 from vector<1x1xf32>
    %mul3A_572 = vector.broadcast %squeeze3A_571 : f32 to vector<256x128xf32>
    %mul3A_573 = arith.mulf %max3A_569, %mul3A_572 : vector<256x128xf32>
    %add3A_574 = arith.addf %add3A_512, %mul3A_573 : vector<256x128xf32>
    %slice3A_575 = vector.extract_strided_slice %add3A_142 {offsets = [3, 6], sizes = [1, 1], strides = [1, 1]} : vector<4x16xf32> to vector<1x1xf32>
    %squeeze3A_576 = vector.extract %slice3A_575[0, 0] : f32 from vector<1x1xf32>
    %add3A_577 = vector.broadcast %squeeze3A_576 : f32 to vector<256x128xf32>
    %add3A_578 = arith.addf %add3A_538, %add3A_577 : vector<256x128xf32>
    %max3A_579 = arith.constant 0.000000e+00 : f32
    %max3A_580 = vector.broadcast %max3A_579 : f32 to vector<256x128xf32>
    %max3A_581 = arith.maximumf %add3A_578, %max3A_580 : vector<256x128xf32>
    %slice3A_582 = vector.extract_strided_slice %get3A_148 {offsets = [6, 0], sizes = [1, 1], strides = [1, 1]} : vector<16x1xf32> to vector<1x1xf32>
    %squeeze3A_583 = vector.extract %slice3A_582[0, 0] : f32 from vector<1x1xf32>
    %mul3A_584 = vector.broadcast %squeeze3A_583 : f32 to vector<256x128xf32>
    %mul3A_585 = arith.mulf %max3A_581, %mul3A_584 : vector<256x128xf32>
    %add3A_586 = arith.addf %add3A_524, %mul3A_585 : vector<256x128xf32>
    %slice3A_587 = vector.extract_strided_slice %get3A_145 {offsets = [0, 7], sizes = [1, 1], strides = [1, 1]} : vector<3x16xf32> to vector<1x1xf32>
    %squeeze3A_588 = vector.extract %slice3A_587[0, 0] : f32 from vector<1x1xf32>
    %mul3A_589 = vector.broadcast %squeeze3A_588 : f32 to vector<256x128xf32>
    %mul3A_590 = arith.mulf %mul3A_117, %mul3A_589 : vector<256x128xf32>
    %slice3A_591 = vector.extract_strided_slice %get3A_145 {offsets = [1, 7], sizes = [1, 1], strides = [1, 1]} : vector<3x16xf32> to vector<1x1xf32>
    %squeeze3A_592 = vector.extract %slice3A_591[0, 0] : f32 from vector<1x1xf32>
    %mul3A_593 = vector.broadcast %squeeze3A_592 : f32 to vector<256x128xf32>
    %mul3A_594 = arith.mulf %mul3A_124, %mul3A_593 : vector<256x128xf32>
    %add3A_595 = arith.addf %mul3A_590, %mul3A_594 : vector<256x128xf32>
    %slice3A_596 = vector.extract_strided_slice %get3A_145 {offsets = [2, 7], sizes = [1, 1], strides = [1, 1]} : vector<3x16xf32> to vector<1x1xf32>
    %squeeze3A_597 = vector.extract %slice3A_596[0, 0] : f32 from vector<1x1xf32>
    %mul3A_598 = vector.broadcast %squeeze3A_597 : f32 to vector<256x128xf32>
    %mul3A_599 = arith.mulf %mul3A_131, %mul3A_598 : vector<256x128xf32>
    %add3A_600 = arith.addf %add3A_595, %mul3A_599 : vector<256x128xf32>
    %slice3A_601 = vector.extract_strided_slice %add3A_142 {offsets = [0, 7], sizes = [1, 1], strides = [1, 1]} : vector<4x16xf32> to vector<1x1xf32>
    %squeeze3A_602 = vector.extract %slice3A_601[0, 0] : f32 from vector<1x1xf32>
    %add3A_603 = vector.broadcast %squeeze3A_602 : f32 to vector<256x128xf32>
    %add3A_604 = arith.addf %add3A_600, %add3A_603 : vector<256x128xf32>
    %max3A_605 = arith.constant 0.000000e+00 : f32
    %max3A_606 = vector.broadcast %max3A_605 : f32 to vector<256x128xf32>
    %max3A_607 = arith.maximumf %add3A_604, %max3A_606 : vector<256x128xf32>
    %slice3A_608 = vector.extract_strided_slice %get3A_148 {offsets = [7, 0], sizes = [1, 1], strides = [1, 1]} : vector<16x1xf32> to vector<1x1xf32>
    %squeeze3A_609 = vector.extract %slice3A_608[0, 0] : f32 from vector<1x1xf32>
    %mul3A_610 = vector.broadcast %squeeze3A_609 : f32 to vector<256x128xf32>
    %mul3A_611 = arith.mulf %max3A_607, %mul3A_610 : vector<256x128xf32>
    %add3A_612 = arith.addf %add3A_550, %mul3A_611 : vector<256x128xf32>
    %slice3A_613 = vector.extract_strided_slice %add3A_142 {offsets = [1, 7], sizes = [1, 1], strides = [1, 1]} : vector<4x16xf32> to vector<1x1xf32>
    %squeeze3A_614 = vector.extract %slice3A_613[0, 0] : f32 from vector<1x1xf32>
    %add3A_615 = vector.broadcast %squeeze3A_614 : f32 to vector<256x128xf32>
    %add3A_616 = arith.addf %add3A_600, %add3A_615 : vector<256x128xf32>
    %max3A_617 = arith.constant 0.000000e+00 : f32
    %max3A_618 = vector.broadcast %max3A_617 : f32 to vector<256x128xf32>
    %max3A_619 = arith.maximumf %add3A_616, %max3A_618 : vector<256x128xf32>
    %slice3A_620 = vector.extract_strided_slice %get3A_148 {offsets = [7, 0], sizes = [1, 1], strides = [1, 1]} : vector<16x1xf32> to vector<1x1xf32>
    %squeeze3A_621 = vector.extract %slice3A_620[0, 0] : f32 from vector<1x1xf32>
    %mul3A_622 = vector.broadcast %squeeze3A_621 : f32 to vector<256x128xf32>
    %mul3A_623 = arith.mulf %max3A_619, %mul3A_622 : vector<256x128xf32>
    %add3A_624 = arith.addf %add3A_562, %mul3A_623 : vector<256x128xf32>
    %slice3A_625 = vector.extract_strided_slice %add3A_142 {offsets = [2, 7], sizes = [1, 1], strides = [1, 1]} : vector<4x16xf32> to vector<1x1xf32>
    %squeeze3A_626 = vector.extract %slice3A_625[0, 0] : f32 from vector<1x1xf32>
    %add3A_627 = vector.broadcast %squeeze3A_626 : f32 to vector<256x128xf32>
    %add3A_628 = arith.addf %add3A_600, %add3A_627 : vector<256x128xf32>
    %max3A_629 = arith.constant 0.000000e+00 : f32
    %max3A_630 = vector.broadcast %max3A_629 : f32 to vector<256x128xf32>
    %max3A_631 = arith.maximumf %add3A_628, %max3A_630 : vector<256x128xf32>
    %slice3A_632 = vector.extract_strided_slice %get3A_148 {offsets = [7, 0], sizes = [1, 1], strides = [1, 1]} : vector<16x1xf32> to vector<1x1xf32>
    %squeeze3A_633 = vector.extract %slice3A_632[0, 0] : f32 from vector<1x1xf32>
    %mul3A_634 = vector.broadcast %squeeze3A_633 : f32 to vector<256x128xf32>
    %mul3A_635 = arith.mulf %max3A_631, %mul3A_634 : vector<256x128xf32>
    %add3A_636 = arith.addf %add3A_574, %mul3A_635 : vector<256x128xf32>
    %slice3A_637 = vector.extract_strided_slice %add3A_142 {offsets = [3, 7], sizes = [1, 1], strides = [1, 1]} : vector<4x16xf32> to vector<1x1xf32>
    %squeeze3A_638 = vector.extract %slice3A_637[0, 0] : f32 from vector<1x1xf32>
    %add3A_639 = vector.broadcast %squeeze3A_638 : f32 to vector<256x128xf32>
    %add3A_640 = arith.addf %add3A_600, %add3A_639 : vector<256x128xf32>
    %max3A_641 = arith.constant 0.000000e+00 : f32
    %max3A_642 = vector.broadcast %max3A_641 : f32 to vector<256x128xf32>
    %max3A_643 = arith.maximumf %add3A_640, %max3A_642 : vector<256x128xf32>
    %slice3A_644 = vector.extract_strided_slice %get3A_148 {offsets = [7, 0], sizes = [1, 1], strides = [1, 1]} : vector<16x1xf32> to vector<1x1xf32>
    %squeeze3A_645 = vector.extract %slice3A_644[0, 0] : f32 from vector<1x1xf32>
    %mul3A_646 = vector.broadcast %squeeze3A_645 : f32 to vector<256x128xf32>
    %mul3A_647 = arith.mulf %max3A_643, %mul3A_646 : vector<256x128xf32>
    %add3A_648 = arith.addf %add3A_586, %mul3A_647 : vector<256x128xf32>
    %slice3A_649 = vector.extract_strided_slice %get3A_145 {offsets = [0, 8], sizes = [1, 1], strides = [1, 1]} : vector<3x16xf32> to vector<1x1xf32>
    %squeeze3A_650 = vector.extract %slice3A_649[0, 0] : f32 from vector<1x1xf32>
    %mul3A_651 = vector.broadcast %squeeze3A_650 : f32 to vector<256x128xf32>
    %mul3A_652 = arith.mulf %mul3A_117, %mul3A_651 : vector<256x128xf32>
    %slice3A_653 = vector.extract_strided_slice %get3A_145 {offsets = [1, 8], sizes = [1, 1], strides = [1, 1]} : vector<3x16xf32> to vector<1x1xf32>
    %squeeze3A_654 = vector.extract %slice3A_653[0, 0] : f32 from vector<1x1xf32>
    %mul3A_655 = vector.broadcast %squeeze3A_654 : f32 to vector<256x128xf32>
    %mul3A_656 = arith.mulf %mul3A_124, %mul3A_655 : vector<256x128xf32>
    %add3A_657 = arith.addf %mul3A_652, %mul3A_656 : vector<256x128xf32>
    %slice3A_658 = vector.extract_strided_slice %get3A_145 {offsets = [2, 8], sizes = [1, 1], strides = [1, 1]} : vector<3x16xf32> to vector<1x1xf32>
    %squeeze3A_659 = vector.extract %slice3A_658[0, 0] : f32 from vector<1x1xf32>
    %mul3A_660 = vector.broadcast %squeeze3A_659 : f32 to vector<256x128xf32>
    %mul3A_661 = arith.mulf %mul3A_131, %mul3A_660 : vector<256x128xf32>
    %add3A_662 = arith.addf %add3A_657, %mul3A_661 : vector<256x128xf32>
    %slice3A_663 = vector.extract_strided_slice %add3A_142 {offsets = [0, 8], sizes = [1, 1], strides = [1, 1]} : vector<4x16xf32> to vector<1x1xf32>
    %squeeze3A_664 = vector.extract %slice3A_663[0, 0] : f32 from vector<1x1xf32>
    %add3A_665 = vector.broadcast %squeeze3A_664 : f32 to vector<256x128xf32>
    %add3A_666 = arith.addf %add3A_662, %add3A_665 : vector<256x128xf32>
    %max3A_667 = arith.constant 0.000000e+00 : f32
    %max3A_668 = vector.broadcast %max3A_667 : f32 to vector<256x128xf32>
    %max3A_669 = arith.maximumf %add3A_666, %max3A_668 : vector<256x128xf32>
    %slice3A_670 = vector.extract_strided_slice %get3A_148 {offsets = [8, 0], sizes = [1, 1], strides = [1, 1]} : vector<16x1xf32> to vector<1x1xf32>
    %squeeze3A_671 = vector.extract %slice3A_670[0, 0] : f32 from vector<1x1xf32>
    %mul3A_672 = vector.broadcast %squeeze3A_671 : f32 to vector<256x128xf32>
    %mul3A_673 = arith.mulf %max3A_669, %mul3A_672 : vector<256x128xf32>
    %add3A_674 = arith.addf %add3A_612, %mul3A_673 : vector<256x128xf32>
    %slice3A_675 = vector.extract_strided_slice %add3A_142 {offsets = [1, 8], sizes = [1, 1], strides = [1, 1]} : vector<4x16xf32> to vector<1x1xf32>
    %squeeze3A_676 = vector.extract %slice3A_675[0, 0] : f32 from vector<1x1xf32>
    %add3A_677 = vector.broadcast %squeeze3A_676 : f32 to vector<256x128xf32>
    %add3A_678 = arith.addf %add3A_662, %add3A_677 : vector<256x128xf32>
    %max3A_679 = arith.constant 0.000000e+00 : f32
    %max3A_680 = vector.broadcast %max3A_679 : f32 to vector<256x128xf32>
    %max3A_681 = arith.maximumf %add3A_678, %max3A_680 : vector<256x128xf32>
    %slice3A_682 = vector.extract_strided_slice %get3A_148 {offsets = [8, 0], sizes = [1, 1], strides = [1, 1]} : vector<16x1xf32> to vector<1x1xf32>
    %squeeze3A_683 = vector.extract %slice3A_682[0, 0] : f32 from vector<1x1xf32>
    %mul3A_684 = vector.broadcast %squeeze3A_683 : f32 to vector<256x128xf32>
    %mul3A_685 = arith.mulf %max3A_681, %mul3A_684 : vector<256x128xf32>
    %add3A_686 = arith.addf %add3A_624, %mul3A_685 : vector<256x128xf32>
    %slice3A_687 = vector.extract_strided_slice %add3A_142 {offsets = [2, 8], sizes = [1, 1], strides = [1, 1]} : vector<4x16xf32> to vector<1x1xf32>
    %squeeze3A_688 = vector.extract %slice3A_687[0, 0] : f32 from vector<1x1xf32>
    %add3A_689 = vector.broadcast %squeeze3A_688 : f32 to vector<256x128xf32>
    %add3A_690 = arith.addf %add3A_662, %add3A_689 : vector<256x128xf32>
    %max3A_691 = arith.constant 0.000000e+00 : f32
    %max3A_692 = vector.broadcast %max3A_691 : f32 to vector<256x128xf32>
    %max3A_693 = arith.maximumf %add3A_690, %max3A_692 : vector<256x128xf32>
    %slice3A_694 = vector.extract_strided_slice %get3A_148 {offsets = [8, 0], sizes = [1, 1], strides = [1, 1]} : vector<16x1xf32> to vector<1x1xf32>
    %squeeze3A_695 = vector.extract %slice3A_694[0, 0] : f32 from vector<1x1xf32>
    %mul3A_696 = vector.broadcast %squeeze3A_695 : f32 to vector<256x128xf32>
    %mul3A_697 = arith.mulf %max3A_693, %mul3A_696 : vector<256x128xf32>
    %add3A_698 = arith.addf %add3A_636, %mul3A_697 : vector<256x128xf32>
    %slice3A_699 = vector.extract_strided_slice %add3A_142 {offsets = [3, 8], sizes = [1, 1], strides = [1, 1]} : vector<4x16xf32> to vector<1x1xf32>
    %squeeze3A_700 = vector.extract %slice3A_699[0, 0] : f32 from vector<1x1xf32>
    %add3A_701 = vector.broadcast %squeeze3A_700 : f32 to vector<256x128xf32>
    %add3A_702 = arith.addf %add3A_662, %add3A_701 : vector<256x128xf32>
    %max3A_703 = arith.constant 0.000000e+00 : f32
    %max3A_704 = vector.broadcast %max3A_703 : f32 to vector<256x128xf32>
    %max3A_705 = arith.maximumf %add3A_702, %max3A_704 : vector<256x128xf32>
    %slice3A_706 = vector.extract_strided_slice %get3A_148 {offsets = [8, 0], sizes = [1, 1], strides = [1, 1]} : vector<16x1xf32> to vector<1x1xf32>
    %squeeze3A_707 = vector.extract %slice3A_706[0, 0] : f32 from vector<1x1xf32>
    %mul3A_708 = vector.broadcast %squeeze3A_707 : f32 to vector<256x128xf32>
    %mul3A_709 = arith.mulf %max3A_705, %mul3A_708 : vector<256x128xf32>
    %add3A_710 = arith.addf %add3A_648, %mul3A_709 : vector<256x128xf32>
    %slice3A_711 = vector.extract_strided_slice %get3A_145 {offsets = [0, 9], sizes = [1, 1], strides = [1, 1]} : vector<3x16xf32> to vector<1x1xf32>
    %squeeze3A_712 = vector.extract %slice3A_711[0, 0] : f32 from vector<1x1xf32>
    %mul3A_713 = vector.broadcast %squeeze3A_712 : f32 to vector<256x128xf32>
    %mul3A_714 = arith.mulf %mul3A_117, %mul3A_713 : vector<256x128xf32>
    %slice3A_715 = vector.extract_strided_slice %get3A_145 {offsets = [1, 9], sizes = [1, 1], strides = [1, 1]} : vector<3x16xf32> to vector<1x1xf32>
    %squeeze3A_716 = vector.extract %slice3A_715[0, 0] : f32 from vector<1x1xf32>
    %mul3A_717 = vector.broadcast %squeeze3A_716 : f32 to vector<256x128xf32>
    %mul3A_718 = arith.mulf %mul3A_124, %mul3A_717 : vector<256x128xf32>
    %add3A_719 = arith.addf %mul3A_714, %mul3A_718 : vector<256x128xf32>
    %slice3A_720 = vector.extract_strided_slice %get3A_145 {offsets = [2, 9], sizes = [1, 1], strides = [1, 1]} : vector<3x16xf32> to vector<1x1xf32>
    %squeeze3A_721 = vector.extract %slice3A_720[0, 0] : f32 from vector<1x1xf32>
    %mul3A_722 = vector.broadcast %squeeze3A_721 : f32 to vector<256x128xf32>
    %mul3A_723 = arith.mulf %mul3A_131, %mul3A_722 : vector<256x128xf32>
    %add3A_724 = arith.addf %add3A_719, %mul3A_723 : vector<256x128xf32>
    %slice3A_725 = vector.extract_strided_slice %add3A_142 {offsets = [0, 9], sizes = [1, 1], strides = [1, 1]} : vector<4x16xf32> to vector<1x1xf32>
    %squeeze3A_726 = vector.extract %slice3A_725[0, 0] : f32 from vector<1x1xf32>
    %add3A_727 = vector.broadcast %squeeze3A_726 : f32 to vector<256x128xf32>
    %add3A_728 = arith.addf %add3A_724, %add3A_727 : vector<256x128xf32>
    %max3A_729 = arith.constant 0.000000e+00 : f32
    %max3A_730 = vector.broadcast %max3A_729 : f32 to vector<256x128xf32>
    %max3A_731 = arith.maximumf %add3A_728, %max3A_730 : vector<256x128xf32>
    %slice3A_732 = vector.extract_strided_slice %get3A_148 {offsets = [9, 0], sizes = [1, 1], strides = [1, 1]} : vector<16x1xf32> to vector<1x1xf32>
    %squeeze3A_733 = vector.extract %slice3A_732[0, 0] : f32 from vector<1x1xf32>
    %mul3A_734 = vector.broadcast %squeeze3A_733 : f32 to vector<256x128xf32>
    %mul3A_735 = arith.mulf %max3A_731, %mul3A_734 : vector<256x128xf32>
    %add3A_736 = arith.addf %add3A_674, %mul3A_735 : vector<256x128xf32>
    %slice3A_737 = vector.extract_strided_slice %add3A_142 {offsets = [1, 9], sizes = [1, 1], strides = [1, 1]} : vector<4x16xf32> to vector<1x1xf32>
    %squeeze3A_738 = vector.extract %slice3A_737[0, 0] : f32 from vector<1x1xf32>
    %add3A_739 = vector.broadcast %squeeze3A_738 : f32 to vector<256x128xf32>
    %add3A_740 = arith.addf %add3A_724, %add3A_739 : vector<256x128xf32>
    %max3A_741 = arith.constant 0.000000e+00 : f32
    %max3A_742 = vector.broadcast %max3A_741 : f32 to vector<256x128xf32>
    %max3A_743 = arith.maximumf %add3A_740, %max3A_742 : vector<256x128xf32>
    %slice3A_744 = vector.extract_strided_slice %get3A_148 {offsets = [9, 0], sizes = [1, 1], strides = [1, 1]} : vector<16x1xf32> to vector<1x1xf32>
    %squeeze3A_745 = vector.extract %slice3A_744[0, 0] : f32 from vector<1x1xf32>
    %mul3A_746 = vector.broadcast %squeeze3A_745 : f32 to vector<256x128xf32>
    %mul3A_747 = arith.mulf %max3A_743, %mul3A_746 : vector<256x128xf32>
    %add3A_748 = arith.addf %add3A_686, %mul3A_747 : vector<256x128xf32>
    %slice3A_749 = vector.extract_strided_slice %add3A_142 {offsets = [2, 9], sizes = [1, 1], strides = [1, 1]} : vector<4x16xf32> to vector<1x1xf32>
    %squeeze3A_750 = vector.extract %slice3A_749[0, 0] : f32 from vector<1x1xf32>
    %add3A_751 = vector.broadcast %squeeze3A_750 : f32 to vector<256x128xf32>
    %add3A_752 = arith.addf %add3A_724, %add3A_751 : vector<256x128xf32>
    %max3A_753 = arith.constant 0.000000e+00 : f32
    %max3A_754 = vector.broadcast %max3A_753 : f32 to vector<256x128xf32>
    %max3A_755 = arith.maximumf %add3A_752, %max3A_754 : vector<256x128xf32>
    %slice3A_756 = vector.extract_strided_slice %get3A_148 {offsets = [9, 0], sizes = [1, 1], strides = [1, 1]} : vector<16x1xf32> to vector<1x1xf32>
    %squeeze3A_757 = vector.extract %slice3A_756[0, 0] : f32 from vector<1x1xf32>
    %mul3A_758 = vector.broadcast %squeeze3A_757 : f32 to vector<256x128xf32>
    %mul3A_759 = arith.mulf %max3A_755, %mul3A_758 : vector<256x128xf32>
    %add3A_760 = arith.addf %add3A_698, %mul3A_759 : vector<256x128xf32>
    %slice3A_761 = vector.extract_strided_slice %add3A_142 {offsets = [3, 9], sizes = [1, 1], strides = [1, 1]} : vector<4x16xf32> to vector<1x1xf32>
    %squeeze3A_762 = vector.extract %slice3A_761[0, 0] : f32 from vector<1x1xf32>
    %add3A_763 = vector.broadcast %squeeze3A_762 : f32 to vector<256x128xf32>
    %add3A_764 = arith.addf %add3A_724, %add3A_763 : vector<256x128xf32>
    %max3A_765 = arith.constant 0.000000e+00 : f32
    %max3A_766 = vector.broadcast %max3A_765 : f32 to vector<256x128xf32>
    %max3A_767 = arith.maximumf %add3A_764, %max3A_766 : vector<256x128xf32>
    %slice3A_768 = vector.extract_strided_slice %get3A_148 {offsets = [9, 0], sizes = [1, 1], strides = [1, 1]} : vector<16x1xf32> to vector<1x1xf32>
    %squeeze3A_769 = vector.extract %slice3A_768[0, 0] : f32 from vector<1x1xf32>
    %mul3A_770 = vector.broadcast %squeeze3A_769 : f32 to vector<256x128xf32>
    %mul3A_771 = arith.mulf %max3A_767, %mul3A_770 : vector<256x128xf32>
    %add3A_772 = arith.addf %add3A_710, %mul3A_771 : vector<256x128xf32>
    %slice3A_773 = vector.extract_strided_slice %get3A_145 {offsets = [0, 10], sizes = [1, 1], strides = [1, 1]} : vector<3x16xf32> to vector<1x1xf32>
    %squeeze3A_774 = vector.extract %slice3A_773[0, 0] : f32 from vector<1x1xf32>
    %mul3A_775 = vector.broadcast %squeeze3A_774 : f32 to vector<256x128xf32>
    %mul3A_776 = arith.mulf %mul3A_117, %mul3A_775 : vector<256x128xf32>
    %slice3A_777 = vector.extract_strided_slice %get3A_145 {offsets = [1, 10], sizes = [1, 1], strides = [1, 1]} : vector<3x16xf32> to vector<1x1xf32>
    %squeeze3A_778 = vector.extract %slice3A_777[0, 0] : f32 from vector<1x1xf32>
    %mul3A_779 = vector.broadcast %squeeze3A_778 : f32 to vector<256x128xf32>
    %mul3A_780 = arith.mulf %mul3A_124, %mul3A_779 : vector<256x128xf32>
    %add3A_781 = arith.addf %mul3A_776, %mul3A_780 : vector<256x128xf32>
    %slice3A_782 = vector.extract_strided_slice %get3A_145 {offsets = [2, 10], sizes = [1, 1], strides = [1, 1]} : vector<3x16xf32> to vector<1x1xf32>
    %squeeze3A_783 = vector.extract %slice3A_782[0, 0] : f32 from vector<1x1xf32>
    %mul3A_784 = vector.broadcast %squeeze3A_783 : f32 to vector<256x128xf32>
    %mul3A_785 = arith.mulf %mul3A_131, %mul3A_784 : vector<256x128xf32>
    %add3A_786 = arith.addf %add3A_781, %mul3A_785 : vector<256x128xf32>
    %slice3A_787 = vector.extract_strided_slice %add3A_142 {offsets = [0, 10], sizes = [1, 1], strides = [1, 1]} : vector<4x16xf32> to vector<1x1xf32>
    %squeeze3A_788 = vector.extract %slice3A_787[0, 0] : f32 from vector<1x1xf32>
    %add3A_789 = vector.broadcast %squeeze3A_788 : f32 to vector<256x128xf32>
    %add3A_790 = arith.addf %add3A_786, %add3A_789 : vector<256x128xf32>
    %max3A_791 = arith.constant 0.000000e+00 : f32
    %max3A_792 = vector.broadcast %max3A_791 : f32 to vector<256x128xf32>
    %max3A_793 = arith.maximumf %add3A_790, %max3A_792 : vector<256x128xf32>
    %slice3A_794 = vector.extract_strided_slice %get3A_148 {offsets = [10, 0], sizes = [1, 1], strides = [1, 1]} : vector<16x1xf32> to vector<1x1xf32>
    %squeeze3A_795 = vector.extract %slice3A_794[0, 0] : f32 from vector<1x1xf32>
    %mul3A_796 = vector.broadcast %squeeze3A_795 : f32 to vector<256x128xf32>
    %mul3A_797 = arith.mulf %max3A_793, %mul3A_796 : vector<256x128xf32>
    %add3A_798 = arith.addf %add3A_736, %mul3A_797 : vector<256x128xf32>
    %slice3A_799 = vector.extract_strided_slice %add3A_142 {offsets = [1, 10], sizes = [1, 1], strides = [1, 1]} : vector<4x16xf32> to vector<1x1xf32>
    %squeeze3A_800 = vector.extract %slice3A_799[0, 0] : f32 from vector<1x1xf32>
    %add3A_801 = vector.broadcast %squeeze3A_800 : f32 to vector<256x128xf32>
    %add3A_802 = arith.addf %add3A_786, %add3A_801 : vector<256x128xf32>
    %max3A_803 = arith.constant 0.000000e+00 : f32
    %max3A_804 = vector.broadcast %max3A_803 : f32 to vector<256x128xf32>
    %max3A_805 = arith.maximumf %add3A_802, %max3A_804 : vector<256x128xf32>
    %slice3A_806 = vector.extract_strided_slice %get3A_148 {offsets = [10, 0], sizes = [1, 1], strides = [1, 1]} : vector<16x1xf32> to vector<1x1xf32>
    %squeeze3A_807 = vector.extract %slice3A_806[0, 0] : f32 from vector<1x1xf32>
    %mul3A_808 = vector.broadcast %squeeze3A_807 : f32 to vector<256x128xf32>
    %mul3A_809 = arith.mulf %max3A_805, %mul3A_808 : vector<256x128xf32>
    %add3A_810 = arith.addf %add3A_748, %mul3A_809 : vector<256x128xf32>
    %slice3A_811 = vector.extract_strided_slice %add3A_142 {offsets = [2, 10], sizes = [1, 1], strides = [1, 1]} : vector<4x16xf32> to vector<1x1xf32>
    %squeeze3A_812 = vector.extract %slice3A_811[0, 0] : f32 from vector<1x1xf32>
    %add3A_813 = vector.broadcast %squeeze3A_812 : f32 to vector<256x128xf32>
    %add3A_814 = arith.addf %add3A_786, %add3A_813 : vector<256x128xf32>
    %max3A_815 = arith.constant 0.000000e+00 : f32
    %max3A_816 = vector.broadcast %max3A_815 : f32 to vector<256x128xf32>
    %max3A_817 = arith.maximumf %add3A_814, %max3A_816 : vector<256x128xf32>
    %slice3A_818 = vector.extract_strided_slice %get3A_148 {offsets = [10, 0], sizes = [1, 1], strides = [1, 1]} : vector<16x1xf32> to vector<1x1xf32>
    %squeeze3A_819 = vector.extract %slice3A_818[0, 0] : f32 from vector<1x1xf32>
    %mul3A_820 = vector.broadcast %squeeze3A_819 : f32 to vector<256x128xf32>
    %mul3A_821 = arith.mulf %max3A_817, %mul3A_820 : vector<256x128xf32>
    %add3A_822 = arith.addf %add3A_760, %mul3A_821 : vector<256x128xf32>
    %slice3A_823 = vector.extract_strided_slice %add3A_142 {offsets = [3, 10], sizes = [1, 1], strides = [1, 1]} : vector<4x16xf32> to vector<1x1xf32>
    %squeeze3A_824 = vector.extract %slice3A_823[0, 0] : f32 from vector<1x1xf32>
    %add3A_825 = vector.broadcast %squeeze3A_824 : f32 to vector<256x128xf32>
    %add3A_826 = arith.addf %add3A_786, %add3A_825 : vector<256x128xf32>
    %max3A_827 = arith.constant 0.000000e+00 : f32
    %max3A_828 = vector.broadcast %max3A_827 : f32 to vector<256x128xf32>
    %max3A_829 = arith.maximumf %add3A_826, %max3A_828 : vector<256x128xf32>
    %slice3A_830 = vector.extract_strided_slice %get3A_148 {offsets = [10, 0], sizes = [1, 1], strides = [1, 1]} : vector<16x1xf32> to vector<1x1xf32>
    %squeeze3A_831 = vector.extract %slice3A_830[0, 0] : f32 from vector<1x1xf32>
    %mul3A_832 = vector.broadcast %squeeze3A_831 : f32 to vector<256x128xf32>
    %mul3A_833 = arith.mulf %max3A_829, %mul3A_832 : vector<256x128xf32>
    %add3A_834 = arith.addf %add3A_772, %mul3A_833 : vector<256x128xf32>
    %slice3A_835 = vector.extract_strided_slice %get3A_145 {offsets = [0, 11], sizes = [1, 1], strides = [1, 1]} : vector<3x16xf32> to vector<1x1xf32>
    %squeeze3A_836 = vector.extract %slice3A_835[0, 0] : f32 from vector<1x1xf32>
    %mul3A_837 = vector.broadcast %squeeze3A_836 : f32 to vector<256x128xf32>
    %mul3A_838 = arith.mulf %mul3A_117, %mul3A_837 : vector<256x128xf32>
    %slice3A_839 = vector.extract_strided_slice %get3A_145 {offsets = [1, 11], sizes = [1, 1], strides = [1, 1]} : vector<3x16xf32> to vector<1x1xf32>
    %squeeze3A_840 = vector.extract %slice3A_839[0, 0] : f32 from vector<1x1xf32>
    %mul3A_841 = vector.broadcast %squeeze3A_840 : f32 to vector<256x128xf32>
    %mul3A_842 = arith.mulf %mul3A_124, %mul3A_841 : vector<256x128xf32>
    %add3A_843 = arith.addf %mul3A_838, %mul3A_842 : vector<256x128xf32>
    %slice3A_844 = vector.extract_strided_slice %get3A_145 {offsets = [2, 11], sizes = [1, 1], strides = [1, 1]} : vector<3x16xf32> to vector<1x1xf32>
    %squeeze3A_845 = vector.extract %slice3A_844[0, 0] : f32 from vector<1x1xf32>
    %mul3A_846 = vector.broadcast %squeeze3A_845 : f32 to vector<256x128xf32>
    %mul3A_847 = arith.mulf %mul3A_131, %mul3A_846 : vector<256x128xf32>
    %add3A_848 = arith.addf %add3A_843, %mul3A_847 : vector<256x128xf32>
    %slice3A_849 = vector.extract_strided_slice %add3A_142 {offsets = [0, 11], sizes = [1, 1], strides = [1, 1]} : vector<4x16xf32> to vector<1x1xf32>
    %squeeze3A_850 = vector.extract %slice3A_849[0, 0] : f32 from vector<1x1xf32>
    %add3A_851 = vector.broadcast %squeeze3A_850 : f32 to vector<256x128xf32>
    %add3A_852 = arith.addf %add3A_848, %add3A_851 : vector<256x128xf32>
    %max3A_853 = arith.constant 0.000000e+00 : f32
    %max3A_854 = vector.broadcast %max3A_853 : f32 to vector<256x128xf32>
    %max3A_855 = arith.maximumf %add3A_852, %max3A_854 : vector<256x128xf32>
    %slice3A_856 = vector.extract_strided_slice %get3A_148 {offsets = [11, 0], sizes = [1, 1], strides = [1, 1]} : vector<16x1xf32> to vector<1x1xf32>
    %squeeze3A_857 = vector.extract %slice3A_856[0, 0] : f32 from vector<1x1xf32>
    %mul3A_858 = vector.broadcast %squeeze3A_857 : f32 to vector<256x128xf32>
    %mul3A_859 = arith.mulf %max3A_855, %mul3A_858 : vector<256x128xf32>
    %add3A_860 = arith.addf %add3A_798, %mul3A_859 : vector<256x128xf32>
    %slice3A_861 = vector.extract_strided_slice %add3A_142 {offsets = [1, 11], sizes = [1, 1], strides = [1, 1]} : vector<4x16xf32> to vector<1x1xf32>
    %squeeze3A_862 = vector.extract %slice3A_861[0, 0] : f32 from vector<1x1xf32>
    %add3A_863 = vector.broadcast %squeeze3A_862 : f32 to vector<256x128xf32>
    %add3A_864 = arith.addf %add3A_848, %add3A_863 : vector<256x128xf32>
    %max3A_865 = arith.constant 0.000000e+00 : f32
    %max3A_866 = vector.broadcast %max3A_865 : f32 to vector<256x128xf32>
    %max3A_867 = arith.maximumf %add3A_864, %max3A_866 : vector<256x128xf32>
    %slice3A_868 = vector.extract_strided_slice %get3A_148 {offsets = [11, 0], sizes = [1, 1], strides = [1, 1]} : vector<16x1xf32> to vector<1x1xf32>
    %squeeze3A_869 = vector.extract %slice3A_868[0, 0] : f32 from vector<1x1xf32>
    %mul3A_870 = vector.broadcast %squeeze3A_869 : f32 to vector<256x128xf32>
    %mul3A_871 = arith.mulf %max3A_867, %mul3A_870 : vector<256x128xf32>
    %add3A_872 = arith.addf %add3A_810, %mul3A_871 : vector<256x128xf32>
    %slice3A_873 = vector.extract_strided_slice %add3A_142 {offsets = [2, 11], sizes = [1, 1], strides = [1, 1]} : vector<4x16xf32> to vector<1x1xf32>
    %squeeze3A_874 = vector.extract %slice3A_873[0, 0] : f32 from vector<1x1xf32>
    %add3A_875 = vector.broadcast %squeeze3A_874 : f32 to vector<256x128xf32>
    %add3A_876 = arith.addf %add3A_848, %add3A_875 : vector<256x128xf32>
    %max3A_877 = arith.constant 0.000000e+00 : f32
    %max3A_878 = vector.broadcast %max3A_877 : f32 to vector<256x128xf32>
    %max3A_879 = arith.maximumf %add3A_876, %max3A_878 : vector<256x128xf32>
    %slice3A_880 = vector.extract_strided_slice %get3A_148 {offsets = [11, 0], sizes = [1, 1], strides = [1, 1]} : vector<16x1xf32> to vector<1x1xf32>
    %squeeze3A_881 = vector.extract %slice3A_880[0, 0] : f32 from vector<1x1xf32>
    %mul3A_882 = vector.broadcast %squeeze3A_881 : f32 to vector<256x128xf32>
    %mul3A_883 = arith.mulf %max3A_879, %mul3A_882 : vector<256x128xf32>
    %add3A_884 = arith.addf %add3A_822, %mul3A_883 : vector<256x128xf32>
    %slice3A_885 = vector.extract_strided_slice %add3A_142 {offsets = [3, 11], sizes = [1, 1], strides = [1, 1]} : vector<4x16xf32> to vector<1x1xf32>
    %squeeze3A_886 = vector.extract %slice3A_885[0, 0] : f32 from vector<1x1xf32>
    %add3A_887 = vector.broadcast %squeeze3A_886 : f32 to vector<256x128xf32>
    %add3A_888 = arith.addf %add3A_848, %add3A_887 : vector<256x128xf32>
    %max3A_889 = arith.constant 0.000000e+00 : f32
    %max3A_890 = vector.broadcast %max3A_889 : f32 to vector<256x128xf32>
    %max3A_891 = arith.maximumf %add3A_888, %max3A_890 : vector<256x128xf32>
    %slice3A_892 = vector.extract_strided_slice %get3A_148 {offsets = [11, 0], sizes = [1, 1], strides = [1, 1]} : vector<16x1xf32> to vector<1x1xf32>
    %squeeze3A_893 = vector.extract %slice3A_892[0, 0] : f32 from vector<1x1xf32>
    %mul3A_894 = vector.broadcast %squeeze3A_893 : f32 to vector<256x128xf32>
    %mul3A_895 = arith.mulf %max3A_891, %mul3A_894 : vector<256x128xf32>
    %add3A_896 = arith.addf %add3A_834, %mul3A_895 : vector<256x128xf32>
    %slice3A_897 = vector.extract_strided_slice %get3A_145 {offsets = [0, 12], sizes = [1, 1], strides = [1, 1]} : vector<3x16xf32> to vector<1x1xf32>
    %squeeze3A_898 = vector.extract %slice3A_897[0, 0] : f32 from vector<1x1xf32>
    %mul3A_899 = vector.broadcast %squeeze3A_898 : f32 to vector<256x128xf32>
    %mul3A_900 = arith.mulf %mul3A_117, %mul3A_899 : vector<256x128xf32>
    %slice3A_901 = vector.extract_strided_slice %get3A_145 {offsets = [1, 12], sizes = [1, 1], strides = [1, 1]} : vector<3x16xf32> to vector<1x1xf32>
    %squeeze3A_902 = vector.extract %slice3A_901[0, 0] : f32 from vector<1x1xf32>
    %mul3A_903 = vector.broadcast %squeeze3A_902 : f32 to vector<256x128xf32>
    %mul3A_904 = arith.mulf %mul3A_124, %mul3A_903 : vector<256x128xf32>
    %add3A_905 = arith.addf %mul3A_900, %mul3A_904 : vector<256x128xf32>
    %slice3A_906 = vector.extract_strided_slice %get3A_145 {offsets = [2, 12], sizes = [1, 1], strides = [1, 1]} : vector<3x16xf32> to vector<1x1xf32>
    %squeeze3A_907 = vector.extract %slice3A_906[0, 0] : f32 from vector<1x1xf32>
    %mul3A_908 = vector.broadcast %squeeze3A_907 : f32 to vector<256x128xf32>
    %mul3A_909 = arith.mulf %mul3A_131, %mul3A_908 : vector<256x128xf32>
    %add3A_910 = arith.addf %add3A_905, %mul3A_909 : vector<256x128xf32>
    %slice3A_911 = vector.extract_strided_slice %add3A_142 {offsets = [0, 12], sizes = [1, 1], strides = [1, 1]} : vector<4x16xf32> to vector<1x1xf32>
    %squeeze3A_912 = vector.extract %slice3A_911[0, 0] : f32 from vector<1x1xf32>
    %add3A_913 = vector.broadcast %squeeze3A_912 : f32 to vector<256x128xf32>
    %add3A_914 = arith.addf %add3A_910, %add3A_913 : vector<256x128xf32>
    %max3A_915 = arith.constant 0.000000e+00 : f32
    %max3A_916 = vector.broadcast %max3A_915 : f32 to vector<256x128xf32>
    %max3A_917 = arith.maximumf %add3A_914, %max3A_916 : vector<256x128xf32>
    %slice3A_918 = vector.extract_strided_slice %get3A_148 {offsets = [12, 0], sizes = [1, 1], strides = [1, 1]} : vector<16x1xf32> to vector<1x1xf32>
    %squeeze3A_919 = vector.extract %slice3A_918[0, 0] : f32 from vector<1x1xf32>
    %mul3A_920 = vector.broadcast %squeeze3A_919 : f32 to vector<256x128xf32>
    %mul3A_921 = arith.mulf %max3A_917, %mul3A_920 : vector<256x128xf32>
    %add3A_922 = arith.addf %add3A_860, %mul3A_921 : vector<256x128xf32>
    %slice3A_923 = vector.extract_strided_slice %add3A_142 {offsets = [1, 12], sizes = [1, 1], strides = [1, 1]} : vector<4x16xf32> to vector<1x1xf32>
    %squeeze3A_924 = vector.extract %slice3A_923[0, 0] : f32 from vector<1x1xf32>
    %add3A_925 = vector.broadcast %squeeze3A_924 : f32 to vector<256x128xf32>
    %add3A_926 = arith.addf %add3A_910, %add3A_925 : vector<256x128xf32>
    %max3A_927 = arith.constant 0.000000e+00 : f32
    %max3A_928 = vector.broadcast %max3A_927 : f32 to vector<256x128xf32>
    %max3A_929 = arith.maximumf %add3A_926, %max3A_928 : vector<256x128xf32>
    %slice3A_930 = vector.extract_strided_slice %get3A_148 {offsets = [12, 0], sizes = [1, 1], strides = [1, 1]} : vector<16x1xf32> to vector<1x1xf32>
    %squeeze3A_931 = vector.extract %slice3A_930[0, 0] : f32 from vector<1x1xf32>
    %mul3A_932 = vector.broadcast %squeeze3A_931 : f32 to vector<256x128xf32>
    %mul3A_933 = arith.mulf %max3A_929, %mul3A_932 : vector<256x128xf32>
    %add3A_934 = arith.addf %add3A_872, %mul3A_933 : vector<256x128xf32>
    %slice3A_935 = vector.extract_strided_slice %add3A_142 {offsets = [2, 12], sizes = [1, 1], strides = [1, 1]} : vector<4x16xf32> to vector<1x1xf32>
    %squeeze3A_936 = vector.extract %slice3A_935[0, 0] : f32 from vector<1x1xf32>
    %add3A_937 = vector.broadcast %squeeze3A_936 : f32 to vector<256x128xf32>
    %add3A_938 = arith.addf %add3A_910, %add3A_937 : vector<256x128xf32>
    %max3A_939 = arith.constant 0.000000e+00 : f32
    %max3A_940 = vector.broadcast %max3A_939 : f32 to vector<256x128xf32>
    %max3A_941 = arith.maximumf %add3A_938, %max3A_940 : vector<256x128xf32>
    %slice3A_942 = vector.extract_strided_slice %get3A_148 {offsets = [12, 0], sizes = [1, 1], strides = [1, 1]} : vector<16x1xf32> to vector<1x1xf32>
    %squeeze3A_943 = vector.extract %slice3A_942[0, 0] : f32 from vector<1x1xf32>
    %mul3A_944 = vector.broadcast %squeeze3A_943 : f32 to vector<256x128xf32>
    %mul3A_945 = arith.mulf %max3A_941, %mul3A_944 : vector<256x128xf32>
    %add3A_946 = arith.addf %add3A_884, %mul3A_945 : vector<256x128xf32>
    %slice3A_947 = vector.extract_strided_slice %add3A_142 {offsets = [3, 12], sizes = [1, 1], strides = [1, 1]} : vector<4x16xf32> to vector<1x1xf32>
    %squeeze3A_948 = vector.extract %slice3A_947[0, 0] : f32 from vector<1x1xf32>
    %add3A_949 = vector.broadcast %squeeze3A_948 : f32 to vector<256x128xf32>
    %add3A_950 = arith.addf %add3A_910, %add3A_949 : vector<256x128xf32>
    %max3A_951 = arith.constant 0.000000e+00 : f32
    %max3A_952 = vector.broadcast %max3A_951 : f32 to vector<256x128xf32>
    %max3A_953 = arith.maximumf %add3A_950, %max3A_952 : vector<256x128xf32>
    %slice3A_954 = vector.extract_strided_slice %get3A_148 {offsets = [12, 0], sizes = [1, 1], strides = [1, 1]} : vector<16x1xf32> to vector<1x1xf32>
    %squeeze3A_955 = vector.extract %slice3A_954[0, 0] : f32 from vector<1x1xf32>
    %mul3A_956 = vector.broadcast %squeeze3A_955 : f32 to vector<256x128xf32>
    %mul3A_957 = arith.mulf %max3A_953, %mul3A_956 : vector<256x128xf32>
    %add3A_958 = arith.addf %add3A_896, %mul3A_957 : vector<256x128xf32>
    %slice3A_959 = vector.extract_strided_slice %get3A_145 {offsets = [0, 13], sizes = [1, 1], strides = [1, 1]} : vector<3x16xf32> to vector<1x1xf32>
    %squeeze3A_960 = vector.extract %slice3A_959[0, 0] : f32 from vector<1x1xf32>
    %mul3A_961 = vector.broadcast %squeeze3A_960 : f32 to vector<256x128xf32>
    %mul3A_962 = arith.mulf %mul3A_117, %mul3A_961 : vector<256x128xf32>
    %slice3A_963 = vector.extract_strided_slice %get3A_145 {offsets = [1, 13], sizes = [1, 1], strides = [1, 1]} : vector<3x16xf32> to vector<1x1xf32>
    %squeeze3A_964 = vector.extract %slice3A_963[0, 0] : f32 from vector<1x1xf32>
    %mul3A_965 = vector.broadcast %squeeze3A_964 : f32 to vector<256x128xf32>
    %mul3A_966 = arith.mulf %mul3A_124, %mul3A_965 : vector<256x128xf32>
    %add3A_967 = arith.addf %mul3A_962, %mul3A_966 : vector<256x128xf32>
    %slice3A_968 = vector.extract_strided_slice %get3A_145 {offsets = [2, 13], sizes = [1, 1], strides = [1, 1]} : vector<3x16xf32> to vector<1x1xf32>
    %squeeze3A_969 = vector.extract %slice3A_968[0, 0] : f32 from vector<1x1xf32>
    %mul3A_970 = vector.broadcast %squeeze3A_969 : f32 to vector<256x128xf32>
    %mul3A_971 = arith.mulf %mul3A_131, %mul3A_970 : vector<256x128xf32>
    %add3A_972 = arith.addf %add3A_967, %mul3A_971 : vector<256x128xf32>
    %slice3A_973 = vector.extract_strided_slice %add3A_142 {offsets = [0, 13], sizes = [1, 1], strides = [1, 1]} : vector<4x16xf32> to vector<1x1xf32>
    %squeeze3A_974 = vector.extract %slice3A_973[0, 0] : f32 from vector<1x1xf32>
    %add3A_975 = vector.broadcast %squeeze3A_974 : f32 to vector<256x128xf32>
    %add3A_976 = arith.addf %add3A_972, %add3A_975 : vector<256x128xf32>
    %max3A_977 = arith.constant 0.000000e+00 : f32
    %max3A_978 = vector.broadcast %max3A_977 : f32 to vector<256x128xf32>
    %max3A_979 = arith.maximumf %add3A_976, %max3A_978 : vector<256x128xf32>
    %slice3A_980 = vector.extract_strided_slice %get3A_148 {offsets = [13, 0], sizes = [1, 1], strides = [1, 1]} : vector<16x1xf32> to vector<1x1xf32>
    %squeeze3A_981 = vector.extract %slice3A_980[0, 0] : f32 from vector<1x1xf32>
    %mul3A_982 = vector.broadcast %squeeze3A_981 : f32 to vector<256x128xf32>
    %mul3A_983 = arith.mulf %max3A_979, %mul3A_982 : vector<256x128xf32>
    %add3A_984 = arith.addf %add3A_922, %mul3A_983 : vector<256x128xf32>
    %slice3A_985 = vector.extract_strided_slice %add3A_142 {offsets = [1, 13], sizes = [1, 1], strides = [1, 1]} : vector<4x16xf32> to vector<1x1xf32>
    %squeeze3A_986 = vector.extract %slice3A_985[0, 0] : f32 from vector<1x1xf32>
    %add3A_987 = vector.broadcast %squeeze3A_986 : f32 to vector<256x128xf32>
    %add3A_988 = arith.addf %add3A_972, %add3A_987 : vector<256x128xf32>
    %max3A_989 = arith.constant 0.000000e+00 : f32
    %max3A_990 = vector.broadcast %max3A_989 : f32 to vector<256x128xf32>
    %max3A_991 = arith.maximumf %add3A_988, %max3A_990 : vector<256x128xf32>
    %slice3A_992 = vector.extract_strided_slice %get3A_148 {offsets = [13, 0], sizes = [1, 1], strides = [1, 1]} : vector<16x1xf32> to vector<1x1xf32>
    %squeeze3A_993 = vector.extract %slice3A_992[0, 0] : f32 from vector<1x1xf32>
    %mul3A_994 = vector.broadcast %squeeze3A_993 : f32 to vector<256x128xf32>
    %mul3A_995 = arith.mulf %max3A_991, %mul3A_994 : vector<256x128xf32>
    %add3A_996 = arith.addf %add3A_934, %mul3A_995 : vector<256x128xf32>
    %slice3A_997 = vector.extract_strided_slice %add3A_142 {offsets = [2, 13], sizes = [1, 1], strides = [1, 1]} : vector<4x16xf32> to vector<1x1xf32>
    %squeeze3A_998 = vector.extract %slice3A_997[0, 0] : f32 from vector<1x1xf32>
    %add3A_999 = vector.broadcast %squeeze3A_998 : f32 to vector<256x128xf32>
    %add3A_1000 = arith.addf %add3A_972, %add3A_999 : vector<256x128xf32>
    %max3A_1001 = arith.constant 0.000000e+00 : f32
    %max3A_1002 = vector.broadcast %max3A_1001 : f32 to vector<256x128xf32>
    %max3A_1003 = arith.maximumf %add3A_1000, %max3A_1002 : vector<256x128xf32>
    %slice3A_1004 = vector.extract_strided_slice %get3A_148 {offsets = [13, 0], sizes = [1, 1], strides = [1, 1]} : vector<16x1xf32> to vector<1x1xf32>
    %squeeze3A_1005 = vector.extract %slice3A_1004[0, 0] : f32 from vector<1x1xf32>
    %mul3A_1006 = vector.broadcast %squeeze3A_1005 : f32 to vector<256x128xf32>
    %mul3A_1007 = arith.mulf %max3A_1003, %mul3A_1006 : vector<256x128xf32>
    %add3A_1008 = arith.addf %add3A_946, %mul3A_1007 : vector<256x128xf32>
    %slice3A_1009 = vector.extract_strided_slice %add3A_142 {offsets = [3, 13], sizes = [1, 1], strides = [1, 1]} : vector<4x16xf32> to vector<1x1xf32>
    %squeeze3A_1010 = vector.extract %slice3A_1009[0, 0] : f32 from vector<1x1xf32>
    %add3A_1011 = vector.broadcast %squeeze3A_1010 : f32 to vector<256x128xf32>
    %add3A_1012 = arith.addf %add3A_972, %add3A_1011 : vector<256x128xf32>
    %max3A_1013 = arith.constant 0.000000e+00 : f32
    %max3A_1014 = vector.broadcast %max3A_1013 : f32 to vector<256x128xf32>
    %max3A_1015 = arith.maximumf %add3A_1012, %max3A_1014 : vector<256x128xf32>
    %slice3A_1016 = vector.extract_strided_slice %get3A_148 {offsets = [13, 0], sizes = [1, 1], strides = [1, 1]} : vector<16x1xf32> to vector<1x1xf32>
    %squeeze3A_1017 = vector.extract %slice3A_1016[0, 0] : f32 from vector<1x1xf32>
    %mul3A_1018 = vector.broadcast %squeeze3A_1017 : f32 to vector<256x128xf32>
    %mul3A_1019 = arith.mulf %max3A_1015, %mul3A_1018 : vector<256x128xf32>
    %add3A_1020 = arith.addf %add3A_958, %mul3A_1019 : vector<256x128xf32>
    %slice3A_1021 = vector.extract_strided_slice %get3A_145 {offsets = [0, 14], sizes = [1, 1], strides = [1, 1]} : vector<3x16xf32> to vector<1x1xf32>
    %squeeze3A_1022 = vector.extract %slice3A_1021[0, 0] : f32 from vector<1x1xf32>
    %mul3A_1023 = vector.broadcast %squeeze3A_1022 : f32 to vector<256x128xf32>
    %mul3A_1024 = arith.mulf %mul3A_117, %mul3A_1023 : vector<256x128xf32>
    %slice3A_1025 = vector.extract_strided_slice %get3A_145 {offsets = [1, 14], sizes = [1, 1], strides = [1, 1]} : vector<3x16xf32> to vector<1x1xf32>
    %squeeze3A_1026 = vector.extract %slice3A_1025[0, 0] : f32 from vector<1x1xf32>
    %mul3A_1027 = vector.broadcast %squeeze3A_1026 : f32 to vector<256x128xf32>
    %mul3A_1028 = arith.mulf %mul3A_124, %mul3A_1027 : vector<256x128xf32>
    %add3A_1029 = arith.addf %mul3A_1024, %mul3A_1028 : vector<256x128xf32>
    %slice3A_1030 = vector.extract_strided_slice %get3A_145 {offsets = [2, 14], sizes = [1, 1], strides = [1, 1]} : vector<3x16xf32> to vector<1x1xf32>
    %squeeze3A_1031 = vector.extract %slice3A_1030[0, 0] : f32 from vector<1x1xf32>
    %mul3A_1032 = vector.broadcast %squeeze3A_1031 : f32 to vector<256x128xf32>
    %mul3A_1033 = arith.mulf %mul3A_131, %mul3A_1032 : vector<256x128xf32>
    %add3A_1034 = arith.addf %add3A_1029, %mul3A_1033 : vector<256x128xf32>
    %slice3A_1035 = vector.extract_strided_slice %add3A_142 {offsets = [0, 14], sizes = [1, 1], strides = [1, 1]} : vector<4x16xf32> to vector<1x1xf32>
    %squeeze3A_1036 = vector.extract %slice3A_1035[0, 0] : f32 from vector<1x1xf32>
    %add3A_1037 = vector.broadcast %squeeze3A_1036 : f32 to vector<256x128xf32>
    %add3A_1038 = arith.addf %add3A_1034, %add3A_1037 : vector<256x128xf32>
    %max3A_1039 = arith.constant 0.000000e+00 : f32
    %max3A_1040 = vector.broadcast %max3A_1039 : f32 to vector<256x128xf32>
    %max3A_1041 = arith.maximumf %add3A_1038, %max3A_1040 : vector<256x128xf32>
    %slice3A_1042 = vector.extract_strided_slice %get3A_148 {offsets = [14, 0], sizes = [1, 1], strides = [1, 1]} : vector<16x1xf32> to vector<1x1xf32>
    %squeeze3A_1043 = vector.extract %slice3A_1042[0, 0] : f32 from vector<1x1xf32>
    %mul3A_1044 = vector.broadcast %squeeze3A_1043 : f32 to vector<256x128xf32>
    %mul3A_1045 = arith.mulf %max3A_1041, %mul3A_1044 : vector<256x128xf32>
    %add3A_1046 = arith.addf %add3A_984, %mul3A_1045 : vector<256x128xf32>
    %slice3A_1047 = vector.extract_strided_slice %add3A_142 {offsets = [1, 14], sizes = [1, 1], strides = [1, 1]} : vector<4x16xf32> to vector<1x1xf32>
    %squeeze3A_1048 = vector.extract %slice3A_1047[0, 0] : f32 from vector<1x1xf32>
    %add3A_1049 = vector.broadcast %squeeze3A_1048 : f32 to vector<256x128xf32>
    %add3A_1050 = arith.addf %add3A_1034, %add3A_1049 : vector<256x128xf32>
    %max3A_1051 = arith.constant 0.000000e+00 : f32
    %max3A_1052 = vector.broadcast %max3A_1051 : f32 to vector<256x128xf32>
    %max3A_1053 = arith.maximumf %add3A_1050, %max3A_1052 : vector<256x128xf32>
    %slice3A_1054 = vector.extract_strided_slice %get3A_148 {offsets = [14, 0], sizes = [1, 1], strides = [1, 1]} : vector<16x1xf32> to vector<1x1xf32>
    %squeeze3A_1055 = vector.extract %slice3A_1054[0, 0] : f32 from vector<1x1xf32>
    %mul3A_1056 = vector.broadcast %squeeze3A_1055 : f32 to vector<256x128xf32>
    %mul3A_1057 = arith.mulf %max3A_1053, %mul3A_1056 : vector<256x128xf32>
    %add3A_1058 = arith.addf %add3A_996, %mul3A_1057 : vector<256x128xf32>
    %slice3A_1059 = vector.extract_strided_slice %add3A_142 {offsets = [2, 14], sizes = [1, 1], strides = [1, 1]} : vector<4x16xf32> to vector<1x1xf32>
    %squeeze3A_1060 = vector.extract %slice3A_1059[0, 0] : f32 from vector<1x1xf32>
    %add3A_1061 = vector.broadcast %squeeze3A_1060 : f32 to vector<256x128xf32>
    %add3A_1062 = arith.addf %add3A_1034, %add3A_1061 : vector<256x128xf32>
    %max3A_1063 = arith.constant 0.000000e+00 : f32
    %max3A_1064 = vector.broadcast %max3A_1063 : f32 to vector<256x128xf32>
    %max3A_1065 = arith.maximumf %add3A_1062, %max3A_1064 : vector<256x128xf32>
    %slice3A_1066 = vector.extract_strided_slice %get3A_148 {offsets = [14, 0], sizes = [1, 1], strides = [1, 1]} : vector<16x1xf32> to vector<1x1xf32>
    %squeeze3A_1067 = vector.extract %slice3A_1066[0, 0] : f32 from vector<1x1xf32>
    %mul3A_1068 = vector.broadcast %squeeze3A_1067 : f32 to vector<256x128xf32>
    %mul3A_1069 = arith.mulf %max3A_1065, %mul3A_1068 : vector<256x128xf32>
    %add3A_1070 = arith.addf %add3A_1008, %mul3A_1069 : vector<256x128xf32>
    %slice3A_1071 = vector.extract_strided_slice %add3A_142 {offsets = [3, 14], sizes = [1, 1], strides = [1, 1]} : vector<4x16xf32> to vector<1x1xf32>
    %squeeze3A_1072 = vector.extract %slice3A_1071[0, 0] : f32 from vector<1x1xf32>
    %add3A_1073 = vector.broadcast %squeeze3A_1072 : f32 to vector<256x128xf32>
    %add3A_1074 = arith.addf %add3A_1034, %add3A_1073 : vector<256x128xf32>
    %max3A_1075 = arith.constant 0.000000e+00 : f32
    %max3A_1076 = vector.broadcast %max3A_1075 : f32 to vector<256x128xf32>
    %max3A_1077 = arith.maximumf %add3A_1074, %max3A_1076 : vector<256x128xf32>
    %slice3A_1078 = vector.extract_strided_slice %get3A_148 {offsets = [14, 0], sizes = [1, 1], strides = [1, 1]} : vector<16x1xf32> to vector<1x1xf32>
    %squeeze3A_1079 = vector.extract %slice3A_1078[0, 0] : f32 from vector<1x1xf32>
    %mul3A_1080 = vector.broadcast %squeeze3A_1079 : f32 to vector<256x128xf32>
    %mul3A_1081 = arith.mulf %max3A_1077, %mul3A_1080 : vector<256x128xf32>
    %add3A_1082 = arith.addf %add3A_1020, %mul3A_1081 : vector<256x128xf32>
    %slice3A_1083 = vector.extract_strided_slice %get3A_145 {offsets = [0, 15], sizes = [1, 1], strides = [1, 1]} : vector<3x16xf32> to vector<1x1xf32>
    %squeeze3A_1084 = vector.extract %slice3A_1083[0, 0] : f32 from vector<1x1xf32>
    %mul3A_1085 = vector.broadcast %squeeze3A_1084 : f32 to vector<256x128xf32>
    %mul3A_1086 = arith.mulf %mul3A_117, %mul3A_1085 : vector<256x128xf32>
    %slice3A_1087 = vector.extract_strided_slice %get3A_145 {offsets = [1, 15], sizes = [1, 1], strides = [1, 1]} : vector<3x16xf32> to vector<1x1xf32>
    %squeeze3A_1088 = vector.extract %slice3A_1087[0, 0] : f32 from vector<1x1xf32>
    %mul3A_1089 = vector.broadcast %squeeze3A_1088 : f32 to vector<256x128xf32>
    %mul3A_1090 = arith.mulf %mul3A_124, %mul3A_1089 : vector<256x128xf32>
    %add3A_1091 = arith.addf %mul3A_1086, %mul3A_1090 : vector<256x128xf32>
    %slice3A_1092 = vector.extract_strided_slice %get3A_145 {offsets = [2, 15], sizes = [1, 1], strides = [1, 1]} : vector<3x16xf32> to vector<1x1xf32>
    %squeeze3A_1093 = vector.extract %slice3A_1092[0, 0] : f32 from vector<1x1xf32>
    %mul3A_1094 = vector.broadcast %squeeze3A_1093 : f32 to vector<256x128xf32>
    %mul3A_1095 = arith.mulf %mul3A_131, %mul3A_1094 : vector<256x128xf32>
    %add3A_1096 = arith.addf %add3A_1091, %mul3A_1095 : vector<256x128xf32>
    %slice3A_1097 = vector.extract_strided_slice %add3A_142 {offsets = [0, 15], sizes = [1, 1], strides = [1, 1]} : vector<4x16xf32> to vector<1x1xf32>
    %squeeze3A_1098 = vector.extract %slice3A_1097[0, 0] : f32 from vector<1x1xf32>
    %add3A_1099 = vector.broadcast %squeeze3A_1098 : f32 to vector<256x128xf32>
    %add3A_1100 = arith.addf %add3A_1096, %add3A_1099 : vector<256x128xf32>
    %max3A_1101 = arith.constant 0.000000e+00 : f32
    %max3A_1102 = vector.broadcast %max3A_1101 : f32 to vector<256x128xf32>
    %max3A_1103 = arith.maximumf %add3A_1100, %max3A_1102 : vector<256x128xf32>
    %slice3A_1104 = vector.extract_strided_slice %get3A_148 {offsets = [15, 0], sizes = [1, 1], strides = [1, 1]} : vector<16x1xf32> to vector<1x1xf32>
    %squeeze3A_1105 = vector.extract %slice3A_1104[0, 0] : f32 from vector<1x1xf32>
    %mul3A_1106 = vector.broadcast %squeeze3A_1105 : f32 to vector<256x128xf32>
    %mul3A_1107 = arith.mulf %max3A_1103, %mul3A_1106 : vector<256x128xf32>
    %add3A_1108 = arith.addf %add3A_1046, %mul3A_1107 : vector<256x128xf32>
    %slice3A_1109 = vector.extract_strided_slice %add3A_142 {offsets = [1, 15], sizes = [1, 1], strides = [1, 1]} : vector<4x16xf32> to vector<1x1xf32>
    %squeeze3A_1110 = vector.extract %slice3A_1109[0, 0] : f32 from vector<1x1xf32>
    %add3A_1111 = vector.broadcast %squeeze3A_1110 : f32 to vector<256x128xf32>
    %add3A_1112 = arith.addf %add3A_1096, %add3A_1111 : vector<256x128xf32>
    %max3A_1113 = arith.constant 0.000000e+00 : f32
    %max3A_1114 = vector.broadcast %max3A_1113 : f32 to vector<256x128xf32>
    %max3A_1115 = arith.maximumf %add3A_1112, %max3A_1114 : vector<256x128xf32>
    %slice3A_1116 = vector.extract_strided_slice %get3A_148 {offsets = [15, 0], sizes = [1, 1], strides = [1, 1]} : vector<16x1xf32> to vector<1x1xf32>
    %squeeze3A_1117 = vector.extract %slice3A_1116[0, 0] : f32 from vector<1x1xf32>
    %mul3A_1118 = vector.broadcast %squeeze3A_1117 : f32 to vector<256x128xf32>
    %mul3A_1119 = arith.mulf %max3A_1115, %mul3A_1118 : vector<256x128xf32>
    %add3A_1120 = arith.addf %add3A_1058, %mul3A_1119 : vector<256x128xf32>
    %slice3A_1121 = vector.extract_strided_slice %add3A_142 {offsets = [2, 15], sizes = [1, 1], strides = [1, 1]} : vector<4x16xf32> to vector<1x1xf32>
    %squeeze3A_1122 = vector.extract %slice3A_1121[0, 0] : f32 from vector<1x1xf32>
    %add3A_1123 = vector.broadcast %squeeze3A_1122 : f32 to vector<256x128xf32>
    %add3A_1124 = arith.addf %add3A_1096, %add3A_1123 : vector<256x128xf32>
    %max3A_1125 = arith.constant 0.000000e+00 : f32
    %max3A_1126 = vector.broadcast %max3A_1125 : f32 to vector<256x128xf32>
    %max3A_1127 = arith.maximumf %add3A_1124, %max3A_1126 : vector<256x128xf32>
    %slice3A_1128 = vector.extract_strided_slice %get3A_148 {offsets = [15, 0], sizes = [1, 1], strides = [1, 1]} : vector<16x1xf32> to vector<1x1xf32>
    %squeeze3A_1129 = vector.extract %slice3A_1128[0, 0] : f32 from vector<1x1xf32>
    %mul3A_1130 = vector.broadcast %squeeze3A_1129 : f32 to vector<256x128xf32>
    %mul3A_1131 = arith.mulf %max3A_1127, %mul3A_1130 : vector<256x128xf32>
    %add3A_1132 = arith.addf %add3A_1070, %mul3A_1131 : vector<256x128xf32>
    %slice3A_1133 = vector.extract_strided_slice %add3A_142 {offsets = [3, 15], sizes = [1, 1], strides = [1, 1]} : vector<4x16xf32> to vector<1x1xf32>
    %squeeze3A_1134 = vector.extract %slice3A_1133[0, 0] : f32 from vector<1x1xf32>
    %add3A_1135 = vector.broadcast %squeeze3A_1134 : f32 to vector<256x128xf32>
    %add3A_1136 = arith.addf %add3A_1096, %add3A_1135 : vector<256x128xf32>
    %max3A_1137 = arith.constant 0.000000e+00 : f32
    %max3A_1138 = vector.broadcast %max3A_1137 : f32 to vector<256x128xf32>
    %max3A_1139 = arith.maximumf %add3A_1136, %max3A_1138 : vector<256x128xf32>
    %slice3A_1140 = vector.extract_strided_slice %get3A_148 {offsets = [15, 0], sizes = [1, 1], strides = [1, 1]} : vector<16x1xf32> to vector<1x1xf32>
    %squeeze3A_1141 = vector.extract %slice3A_1140[0, 0] : f32 from vector<1x1xf32>
    %mul3A_1142 = vector.broadcast %squeeze3A_1141 : f32 to vector<256x128xf32>
    %mul3A_1143 = arith.mulf %max3A_1139, %mul3A_1142 : vector<256x128xf32>
    %add3A_1144 = arith.addf %add3A_1082, %mul3A_1143 : vector<256x128xf32>
    %get3A_1145 = arith.constant 0 : index
    %get3A_1146 = arith.constant 0 : index
    %get3A_1147 = vector.load %arg7[%get3A_1145, %get3A_1146] : memref<1x1xf32, #tpu.memory_space<vmem>>, vector<1x1xf32>
    %get3A_1148 = vector.extract %get3A_1147[0, 0] : f32 from vector<1x1xf32>
    %add3A_1149 = vector.broadcast %get3A_1148 : f32 to vector<256x128xf32>
    %add3A_1150 = arith.addf %add3A_1108, %add3A_1149 : vector<256x128xf32>
    %custom_jvp_call3A = arith.constant 0.000000e+00 : f32
    %max3A_1151 = vector.broadcast %custom_jvp_call3A : f32 to vector<256x128xf32>
    %max3A_1152 = arith.maximumf %add3A_1150, %max3A_1151 : vector<256x128xf32>
    %sub3A_1153 = vector.broadcast %custom_jvp_call3A : f32 to vector<256x128xf32>
    %sub3A_1154 = arith.subf %add3A_1150, %sub3A_1153 : vector<256x128xf32>
    %ne3A = arith.cmpf one, %sub3A_1154, %sub3A_1154 : vector<256x128xf32>
    %add3A_1155 = vector.broadcast %custom_jvp_call3A : f32 to vector<256x128xf32>
    %add3A_1156 = arith.addf %add3A_1150, %add3A_1155 : vector<256x128xf32>
    %abs3A = math.absf %sub3A_1154 : vector<256x128xf32>
    %neg3A = arith.constant 0.000000e+00 : f32
    %neg3A_1157 = vector.broadcast %neg3A : f32 to vector<256x128xf32>
    %neg3A_1158 = arith.subf %neg3A_1157, %abs3A : vector<256x128xf32>
    %exp3A = math.exp %neg3A_1158 : vector<256x128xf32>
    %log1p3A = math.log1p %exp3A : vector<256x128xf32>
    %add3A_1159 = arith.addf %max3A_1152, %log1p3A : vector<256x128xf32>
    %select_n3A = arith.select %ne3A, %add3A_1156, %add3A_1159 : vector<256x128xi1>, vector<256x128xf32>
    %add3A_1160 = vector.broadcast %get3A_1148 : f32 to vector<256x128xf32>
    %add3A_1161 = arith.addf %add3A_1120, %add3A_1160 : vector<256x128xf32>
    %custom_jvp_call3A_1162 = arith.constant 0.000000e+00 : f32
    %max3A_1163 = vector.broadcast %custom_jvp_call3A_1162 : f32 to vector<256x128xf32>
    %max3A_1164 = arith.maximumf %add3A_1161, %max3A_1163 : vector<256x128xf32>
    %sub3A_1165 = vector.broadcast %custom_jvp_call3A_1162 : f32 to vector<256x128xf32>
    %sub3A_1166 = arith.subf %add3A_1161, %sub3A_1165 : vector<256x128xf32>
    %ne3A_1167 = arith.cmpf one, %sub3A_1166, %sub3A_1166 : vector<256x128xf32>
    %add3A_1168 = vector.broadcast %custom_jvp_call3A_1162 : f32 to vector<256x128xf32>
    %add3A_1169 = arith.addf %add3A_1161, %add3A_1168 : vector<256x128xf32>
    %abs3A_1170 = math.absf %sub3A_1166 : vector<256x128xf32>
    %neg3A_1171 = arith.constant 0.000000e+00 : f32
    %neg3A_1172 = vector.broadcast %neg3A_1171 : f32 to vector<256x128xf32>
    %neg3A_1173 = arith.subf %neg3A_1172, %abs3A_1170 : vector<256x128xf32>
    %exp3A_1174 = math.exp %neg3A_1173 : vector<256x128xf32>
    %log1p3A_1175 = math.log1p %exp3A_1174 : vector<256x128xf32>
    %add3A_1176 = arith.addf %max3A_1164, %log1p3A_1175 : vector<256x128xf32>
    %select_n3A_1177 = arith.select %ne3A_1167, %add3A_1169, %add3A_1176 : vector<256x128xi1>, vector<256x128xf32>
    %add3A_1178 = vector.broadcast %get3A_1148 : f32 to vector<256x128xf32>
    %add3A_1179 = arith.addf %add3A_1132, %add3A_1178 : vector<256x128xf32>
    %custom_jvp_call3A_1180 = arith.constant 0.000000e+00 : f32
    %max3A_1181 = vector.broadcast %custom_jvp_call3A_1180 : f32 to vector<256x128xf32>
    %max3A_1182 = arith.maximumf %add3A_1179, %max3A_1181 : vector<256x128xf32>
    %sub3A_1183 = vector.broadcast %custom_jvp_call3A_1180 : f32 to vector<256x128xf32>
    %sub3A_1184 = arith.subf %add3A_1179, %sub3A_1183 : vector<256x128xf32>
    %ne3A_1185 = arith.cmpf one, %sub3A_1184, %sub3A_1184 : vector<256x128xf32>
    %add3A_1186 = vector.broadcast %custom_jvp_call3A_1180 : f32 to vector<256x128xf32>
    %add3A_1187 = arith.addf %add3A_1179, %add3A_1186 : vector<256x128xf32>
    %abs3A_1188 = math.absf %sub3A_1184 : vector<256x128xf32>
    %neg3A_1189 = arith.constant 0.000000e+00 : f32
    %neg3A_1190 = vector.broadcast %neg3A_1189 : f32 to vector<256x128xf32>
    %neg3A_1191 = arith.subf %neg3A_1190, %abs3A_1188 : vector<256x128xf32>
    %exp3A_1192 = math.exp %neg3A_1191 : vector<256x128xf32>
    %log1p3A_1193 = math.log1p %exp3A_1192 : vector<256x128xf32>
    %add3A_1194 = arith.addf %max3A_1182, %log1p3A_1193 : vector<256x128xf32>
    %select_n3A_1195 = arith.select %ne3A_1185, %add3A_1187, %add3A_1194 : vector<256x128xi1>, vector<256x128xf32>
    %add3A_1196 = vector.broadcast %get3A_1148 : f32 to vector<256x128xf32>
    %add3A_1197 = arith.addf %add3A_1144, %add3A_1196 : vector<256x128xf32>
    %custom_jvp_call3A_1198 = arith.constant 0.000000e+00 : f32
    %max3A_1199 = vector.broadcast %custom_jvp_call3A_1198 : f32 to vector<256x128xf32>
    %max3A_1200 = arith.maximumf %add3A_1197, %max3A_1199 : vector<256x128xf32>
    %sub3A_1201 = vector.broadcast %custom_jvp_call3A_1198 : f32 to vector<256x128xf32>
    %sub3A_1202 = arith.subf %add3A_1197, %sub3A_1201 : vector<256x128xf32>
    %ne3A_1203 = arith.cmpf one, %sub3A_1202, %sub3A_1202 : vector<256x128xf32>
    %add3A_1204 = vector.broadcast %custom_jvp_call3A_1198 : f32 to vector<256x128xf32>
    %add3A_1205 = arith.addf %add3A_1197, %add3A_1204 : vector<256x128xf32>
    %abs3A_1206 = math.absf %sub3A_1202 : vector<256x128xf32>
    %neg3A_1207 = arith.constant 0.000000e+00 : f32
    %neg3A_1208 = vector.broadcast %neg3A_1207 : f32 to vector<256x128xf32>
    %neg3A_1209 = arith.subf %neg3A_1208, %abs3A_1206 : vector<256x128xf32>
    %exp3A_1210 = math.exp %neg3A_1209 : vector<256x128xf32>
    %log1p3A_1211 = math.log1p %exp3A_1210 : vector<256x128xf32>
    %add3A_1212 = arith.addf %max3A_1200, %log1p3A_1211 : vector<256x128xf32>
    %select_n3A_1213 = arith.select %ne3A_1203, %add3A_1205, %add3A_1212 : vector<256x128xi1>, vector<256x128xf32>
    %convert_element_type3A_1214 = arith.truncf %select_n3A : vector<256x128xf32> to vector<256x128xbf16>
    %bitcast_convert_type3A = tpu.bitcast %convert_element_type3A_1214 : vector<256x128xbf16> -> vector<256x128xi16>
    %convert_element_type3A_1215 = arith.extui %bitcast_convert_type3A : vector<256x128xi16> to vector<256x128xi32>
    %convert_element_type3A_1216 = arith.truncf %select_n3A_1177 : vector<256x128xf32> to vector<256x128xbf16>
    %bitcast_convert_type3A_1217 = tpu.bitcast %convert_element_type3A_1216 : vector<256x128xbf16> -> vector<256x128xi16>
    %convert_element_type3A_1218 = arith.extui %bitcast_convert_type3A_1217 : vector<256x128xi16> to vector<256x128xi32>
    %convert_element_type3A_1219 = arith.truncf %select_n3A_1195 : vector<256x128xf32> to vector<256x128xbf16>
    %bitcast_convert_type3A_1220 = tpu.bitcast %convert_element_type3A_1219 : vector<256x128xbf16> -> vector<256x128xi16>
    %convert_element_type3A_1221 = arith.extui %bitcast_convert_type3A_1220 : vector<256x128xi16> to vector<256x128xi32>
    %convert_element_type3A_1222 = arith.truncf %select_n3A_1213 : vector<256x128xf32> to vector<256x128xbf16>
    %bitcast_convert_type3A_1223 = tpu.bitcast %convert_element_type3A_1222 : vector<256x128xbf16> -> vector<256x128xi16>
    %convert_element_type3A_1224 = arith.extui %bitcast_convert_type3A_1223 : vector<256x128xi16> to vector<256x128xi32>
    %shift_left3A_1225 = arith.constant 16 : i32
    %shift_left3A_1226 = vector.broadcast %shift_left3A_1225 : i32 to vector<256x128xi32>
    %shift_left3A_1227 = arith.shli %convert_element_type3A_1218, %shift_left3A_1226 : vector<256x128xi32>
    %or3A_1228 = arith.ori %convert_element_type3A_1215, %shift_left3A_1227 : vector<256x128xi32>
    %swap3A_1229 = arith.constant 0 : index
    %swap3A_1230 = arith.constant 0 : index
    %swap3A_1231 = vector.load %arg9[%swap3A_1229, %swap3A_1230] : memref<256x128xi32, #tpu.memory_space<vmem>>, vector<256x128xi32>
    tpu.vector_store %arg9[%swap3A_1229, %swap3A_1230], %or3A_1228 {strides = array<i32>} : memref<256x128xi32, #tpu.memory_space<vmem>>, vector<256x128xi32>,
    %shift_left3A_1232 = arith.constant 16 : i32
    %shift_left3A_1233 = vector.broadcast %shift_left3A_1232 : i32 to vector<256x128xi32>
    %shift_left3A_1234 = arith.shli %convert_element_type3A_1224, %shift_left3A_1233 : vector<256x128xi32>
    %or3A_1235 = arith.ori %convert_element_type3A_1221, %shift_left3A_1234 : vector<256x128xi32>
    %swap3A_1236 = arith.constant 0 : index
    %swap3A_1237 = arith.constant 0 : index
    %swap3A_1238 = vector.load %arg10[%swap3A_1236, %swap3A_1237] : memref<256x128xi32, #tpu.memory_space<vmem>>, vector<256x128xi32>
    tpu.vector_store %arg10[%swap3A_1236, %swap3A_1237], %or3A_1235 {strides = array<i32>} : memref<256x128xi32, #tpu.memory_space<vmem>>, vector<256x128xi32>,
    return
  }
  func.func @transform_0(%arg0: i32) -> (i32, i32, i32) {
    %c0_i32 = arith.constant 0 : i32
    %c0_i32_0 = arith.constant 0 : i32
    %c0_i32_1 = arith.constant 0 : i32
    return %c0_i32, %arg0, %c0_i32_0 : i32, i32, i32
  }
  func.func @transform_1(%arg0: i32) -> (i32, i32) {
    %c0_i32 = arith.constant 0 : i32
    %c0_i32_0 = arith.constant 0 : i32
    %c0_i32_1 = arith.constant 0 : i32
    return %c0_i32, %c0_i32_0 : i32, i32
  }
  func.func @transform_2(%arg0: i32) -> (i32, i32) {
    %c0_i32 = arith.constant 0 : i32
    %c0_i32_0 = arith.constant 0 : i32
    %c0_i32_1 = arith.constant 0 : i32
    return %c0_i32, %c0_i32_0 : i32, i32
  }
  func.func @transform_3(%arg0: i32) -> (i32, i32) {
    %c0_i32 = arith.constant 0 : i32
    %c0_i32_0 = arith.constant 0 : i32
    %c0_i32_1 = arith.constant 0 : i32
    return %c0_i32, %c0_i32_0 : i32, i32
  }
  func.func @transform_4(%arg0: i32) -> (i32, i32) {
    %c0_i32 = arith.constant 0 : i32
    %c0_i32_0 = arith.constant 0 : i32
    %c0_i32_1 = arith.constant 0 : i32
    return %c0_i32, %c0_i32_0 : i32, i32
  }
  func.func @transform_5(%arg0: i32) -> (i32, i32) {
    %c0_i32 = arith.constant 0 : i32
    %c0_i32_0 = arith.constant 0 : i32
    %c0_i32_1 = arith.constant 0 : i32
    return %c0_i32, %c0_i32_0 : i32, i32
  }
  func.func @transform_6(%arg0: i32) -> (i32, i32) {
    %c0_i32 = arith.constant 0 : i32
    %c0_i32_0 = arith.constant 0 : i32
    %c0_i32_1 = arith.constant 0 : i32
    return %c0_i32, %c0_i32_0 : i32, i32
  }
  func.func @transform_7(%arg0: i32) -> (i32, i32) {
    %c0_i32 = arith.constant 0 : i32
    %c0_i32_0 = arith.constant 0 : i32
    return %arg0, %c0_i32 : i32, i32
  }
  func.func @transform_8(%arg0: i32) -> (i32, i32) {
    %c0_i32 = arith.constant 0 : i32
    %c0_i32_0 = arith.constant 0 : i32
    return %arg0, %c0_i32 : i32, i32
  }
  func.func @transform_9(%arg0: i32) -> (i32, i32) {
    %c0_i32 = arith.constant 0 : i32
    %c0_i32_0 = arith.constant 0 : i32
    return %arg0, %c0_i32 : i32, i32
  }
}

</mosaic_0001>

<sc_bundles>
// kernel: kernel.5.cloned.1.call-start
scs
__scs_entry_jumppad:
0x0: {  	(pc) =	sbr.rel $0x88, $3  }
0x1: {  	(tag) =	ssettag $0x0;
	lr =	simm.s32 $0x1  }
0x2: {  	[smem:$0x3F99] =	sst lr;
	_ =	strace $0xD0000000  }
0x3: {  	_ = 	snop  }
0x4: {  	_ = 	snop  }
0x5: {  	_ = 	snop  }
0x6: {  	_ = 	snop  }
0x7: {  	_ = 	snop  }
__scs_overlays_trampoline_lowered:
0x8: {  	[smem:$0x3FA8] =	sst s0  }
0x9: {  	[smem:$0x3FA9] =	sst s1  }
0xa: {  	[smem:$0x3FAA] =	sst s2  }
0xb: {  	[smem:$0x3FAB] =	sst s3  }
0xc: {  	[smem:$0x3FAC] =	sst s4  }
0xd: {  	[smem:$0x3FAD] =	sst s5  }
0xe: {  	[smem:$0x3FAE] =	sst s6  }
0xf: {  	[smem:$0x3FAF] =	sst s7  }
0x10: {  	[smem:$0x3FB0] =	sst s8  }
0x11: {  	[smem:$0x3FB1] =	sst s9;
	s0 =	simm.s32 @!p0 $0x0  }
0x12: {  	s1 =	sld [smem:$0x3F97];
	s0 =	simm.s32 @p0 $0x1  }
0x13: {  	[smem:$0x3FB2] =	sst s0;
	s0 =	simm.s32 @!p1 $0x0  }
0x14: {  	s2 =	sld [smem:$0x3F96];
	s0 =	simm.s32 @p1 $0x1  }
0x15: {  	[smem:$0x3FB3] =	sst s0;
	s0 =	simm.s32 @!p2 $0x0  }
0x16: {  	s3 =	sld [smem:$0x3FDB];
	s0 =	simm.s32 @p2 $0x1  }
0x17: {  	s4 =	simm.s32 $0x1BF5;
	[smem:$0x3FB5] =	sst s0  }
0x18: {  	s0 =	sld [smem:$0x3F98];
	_ =	swait.ge [sflag:s4], $0x0  }
0x19: {  	s7 =	sld [smem:$0x3F99]  }
0x1a: {  	s8 =	sadd.s32 $0xFFFFE003, lr  }
0x1b: {  	s9 =	sadd.s32 $0xFFFFFEF7, lr;
	s5 =	simm.s32 $0xFFFFFFFF;
	p2 =	slt.u32 s8, $0xFFFFF086  }
0x1c: {  	p1 =	slt.u32 s9, $0xF7A;
	s5 =	simm.s32 @!p2 $0x0  }
0x1d: {  	s5 =	simm.s32 @p1 $0x1;
	p0 =	seq.s32 s7, s2  }
0x1e: {  	s7 =	smul.u32 @!p0 $0xF7A, s2;
	p2 =	seq.s32 @!p0 s5, $0x0  }
0x1f: {  	s9 =	smul.u32 $0xF7A, s1;
	s8 =	simm.s32 @!p0 $0x1BF5;
	p2 =	por !p2, p0  }
0x20: {  	[sflag:s8] =	ssyncset.s32 @!p0 $0xFFFFF086;
	s6 =	sadd.s32 @!p0 s3, s7;
	s7 =	simm.s32 @!p0 $0x108  }
0x21: {  	s3 =	sadd.s32 s3, s9;
	s6 =	sadd.s32 @!p0 $0x88, s6;
	s7 =	simm.s32 @p2 $0x1082  }
0x22: {  	[simem:s7], [sflag:s8] =	dma.local @!p0 [hbm:s6], $0xF7A  }
0x23: {  	s9 =	sor.u32 $0xD0000000, s2;
	s6 =	simm.s32 $0x108;
	_ =	swait.ge @!p0 [sflag:s8], $0x0  }
0x24: {  	s3 =	sadd.s32 $0x88, s3;
	s6 =	simm.s32 @!p1 $0x1082;
	[sflag:s4] =	ssyncset.s32 $0xFFFFF086  }
0x25: {  	[simem:s6], [sflag:s4] =	dma.local [hbm:s3], $0xF7A  }
0x26: {  	[smem:$0x3F99] =	sst s1;
	(tag) =	ssettag s2;
	_ =	strace s9  }
0x27: {  	s1 =	sld [smem:$0x3FA9]  }
0x28: {  	s2 =	sld [smem:$0x3FAA]  }
0x29: {  	s4 =	sld [smem:$0x3FAC]  }
0x2a: {  	p0 =	seq.s32 s5, $0x0;
	s5 =	sld [smem:$0x3FAD]  }
0x2b: {  	s6 =	sld [smem:$0x3FAE]  }
0x2c: {  	s7 =	sld [smem:$0x3FAF]  }
0x2d: {  	s3 =	simm.s32 $0x108;
	s8 =	sld [smem:$0x3FB0]  }
0x2e: {  	s3 =	simm.s32 @!p0 $0x1082;
	s9 =	sld [smem:$0x3FB1]  }
0x2f: {  	lr =	sadd.s32 s0, s3;
	s0 =	sld [smem:$0x3FA8]  }
0x30: {  	s3 =	sld [smem:$0x3FAB]  }
0x31: {  	[smem:$0x3FB4] =	sst s10  }
0x32: {  	s10 =	sld [smem:$0x3FB2];
	_ =	sdelay $0x3  }
0x33: {  	p0 =	seq.s32 s10, $0x1;
	s10 =	sld [smem:$0x3FB4];
	_ =	sdelay $0x3  }
0x34: {  	[smem:$0x3FB4] =	sst s10  }
0x35: {  	s10 =	sld [smem:$0x3FB3];
	_ =	sdelay $0x3  }
0x36: {  	p1 =	seq.s32 s10, $0x1;
	s10 =	sld [smem:$0x3FB4];
	_ =	sdelay $0x3  }
0x37: {  	[smem:$0x3FB4] =	sst s10  }
0x38: {  	s10 =	sld [smem:$0x3FB5]  }
0x39: {  	_ = 	snop;
	(pc) =	sbr.ind lr, $3  }
0x3a: {  	_ = 	snop  }
0x3b: {  	_ = 	snop  }
0x3c: {  	p2 =	seq.s32 s10, $0x1;
	s10 =	sld [smem:$0x3FB4]  }
0x3d: {  	_ =	shalt  }
0x3e: {  	_ =	shalt  }
0x3f: {  	_ =	shalt  }
0x40: {  	_ =	shalt  }
0x41: {  	_ =	shalt  }
0x42: {  	_ =	shalt  }
0x43: {  	_ =	shalt  }
0x44: {  	_ =	shalt  }
0x45: {  	_ =	shalt  }
0x46: {  	_ =	shalt  }
0x47: {  	_ =	shalt  }
0x48: {  	_ =	shalt  }
0x49: {  	_ =	shalt  }
0x4a: {  	_ =	shalt  }
0x4b: {  	_ =	shalt  }
0x4c: {  	_ =	shalt  }
0x4d: {  	_ =	shalt  }
0x4e: {  	_ =	shalt  }
0x4f: {  	_ =	shalt  }
0x50: {  	_ =	shalt  }
0x51: {  	_ =	shalt  }
0x52: {  	_ =	shalt  }
0x53: {  	_ =	shalt  }
0x54: {  	_ =	shalt  }
0x55: {  	_ =	shalt  }
0x56: {  	_ =	shalt  }
0x57: {  	_ =	shalt  }
0x58: {  	_ =	shalt  }
0x59: {  	_ =	shalt  }
0x5a: {  	_ =	shalt  }
0x5b: {  	_ =	shalt  }
0x5c: {  	_ =	shalt  }
0x5d: {  	_ =	shalt  }
0x5e: {  	_ =	shalt  }
0x5f: {  	_ =	shalt  }
0x60: {  	_ =	shalt  }
0x61: {  	_ =	shalt  }
0x62: {  	_ =	shalt  }
0x63: {  	_ =	shalt  }
0x64: {  	_ =	shalt  }
0x65: {  	_ =	shalt  }
0x66: {  	_ =	shalt  }
0x67: {  	_ =	shalt  }
0x68: {  	_ =	shalt  }
0x69: {  	_ =	shalt  }
0x6a: {  	_ =	shalt  }
0x6b: {  	_ =	shalt  }
0x6c: {  	_ =	shalt  }
0x6d: {  	_ =	shalt  }
0x6e: {  	_ =	shalt  }
0x6f: {  	_ =	shalt  }
0x70: {  	_ =	shalt  }
0x71: {  	_ =	shalt  }
0x72: {  	_ =	shalt  }
0x73: {  	_ =	shalt  }
0x74: {  	_ =	shalt  }
0x75: {  	_ =	shalt  }
0x76: {  	_ =	shalt  }
0x77: {  	_ =	shalt  }
0x78: {  	_ =	shalt  }
0x79: {  	_ =	shalt  }
0x7a: {  	_ =	shalt  }
0x7b: {  	_ =	shalt  }
0x7c: {  	_ =	shalt  }
0x7d: {  	_ =	shalt  }
0x7e: {  	_ =	shalt  }
0x7f: {  	_ =	shalt  }
0x80: {  	_ =	shalt  }
0x81: {  	_ =	shalt  }
0x82: {  	_ =	shalt  }
0x83: {  	_ =	shalt  }
0x84: {  	_ =	shalt  }
0x85: {  	_ =	shalt  }
0x86: {  	_ =	shalt  }
0x87: {  	_ =	shalt  }
.Lfunc_end0:
.L_simem_size_0:
called_computation_lowered:
.L_overlay_start_0:
0x88: {  	s2 =	sld [smem:$0x3FD9]  }
0x89: {  	s3 =	sld [smem:$0x3FFE];
	_ =	sdelay $0x1  }
0x8a: {  	s1 =	srdreg.scid  }
0x8b: {  	s0 =	sand.u32 $0x1, s1  }
0x8c: {  	s14 =	sshll.u32 s0, $0xA;
	s2 =	sadd.s32 s3, s2  }
0x8d: {  	s2 =	sadd.s32 s2, s14  }
0x8e: {  	[smem:$0x3FC0] =	sst s2  }
0x8f: {  	_ = 	snop  }
0x90: {  	s2 =	sld [smem:$0x3FD0];
	_ =	sdelay $0x2  }
0x91: {  	s15 =	simm.s32 $0xA;
	s4 =	simm.s32 $0x10  }
0x92: {  	[smem:s4], [sflag:s15] =	dma.local [hbm:s2], $0x1  }
0x93: {  	_ =	swait.eq [sflag:s15], $0x1  }
0x94: {  	[sflag:s15] =	ssyncset.done $0x0  }
0x95: {  	[sflag:s15] =	ssyncadd.s32 $0xFFFFFFFF  }
0x96: {  	s16 =	sld [smem:$0x10];
	(tm) =	ssettm $0x1  }
0x97: {  	s17 =	sld [smem:$0x3FFB];
	_ =	sdelay $0x3  }
0x98: {  	_ =	strace s17  }
0x99: {  	s3 =	sld [smem:$0x3FFC];
	_ =	sdelay $0x3  }
0x9a: {  	_ =	strace s3  }
0x9b: {  	s3 =	sld [smem:$0x3FFD];
	_ =	sdelay $0x3  }
0x9c: {  	_ =	strace s3  }
0x9d: {  	_ =	strace $0x8FFFFFFF  }
0x9e: {  	s18 =	sld [smem:$0x3FDB];
	_ =	sdelay $0x1  }
0x9f: {  	s19 =	simm.s32 $_scs_section_size  }
0xa0: {  	s5 =	simm.s32 $_size__tile_overlayer_lowered;
	s6 =	simm.s32 $_tile_overlayer_lowered  }
0xa1: {  	s22 =	simm.s32 $0x1BFF;
	s21 =	sshll.u32 s6, $0x1;
	s3 =	sadd.s32 s19, s18  }
0xa2: {  	s7 =	simm.s32 $0x0;
	s20 =	sshll.u32 s5, $0x1;
	s5 =	sadd.s32 s21, s3  }
0xa3: {  	[timem:s7], [sflag:s22] =	dma.local [hbm:s5], s20  }
0xa4: {  	_ =	swait.ge [sflag:s22], s20  }
0xa5: {  	s4 =	ssub.s32 $0x0, s20;
	[sflag:s22] =	ssyncset.done $0x0  }
0xa6: {  	[sflag:s22] =	ssyncadd.s32 s4;
	_ =	sdelay $0x1  }
0xa7: {  	s23 =	simm.s32 $0x1B8B  }
0xa8: {  	_ =	swait.ge [sflag:s23], $0x1  }
0xa9: {  	[sflag:s23] =	ssyncset.done $0x0  }
0xaa: {  	s25 =	simm.s32 $0x1B8E;
	s24 =	sld [smem:$0x3FFE];
	[sflag:s23] =	ssyncadd.s32 $0xFFFFFFFF  }
0xab: {  	s26 =	simm.s32 $execute0_lowered;
	[smem:$0x3FD2] =	sst s25  }
0xac: {  	s5 =	sshll.u32 s26, $0x1;
	_ =	strace $0x80000046;
	[dreg:$0x1] =	wrdreg $0xFFFFFFFF  }
0xad: {  	s28 =	simm.s32 $_size_execute0_lowered;
	s3 =	sadd.s32 s3, s5;
	[dreg:$0x0] =	wrdreg $0x0  }
0xae: {  	s5 =	sshll.u32 s28, $0x1;
	[dreg:$0x2] =	wrdreg s3  }
0xaf: {  	[dreg:$0x3] =	wrdreg s5  }
0xb0: {  	[dreg:$0x4] =	wrdreg $0xC0  }
0xb1: {  	_ =	task [dreg:s7], $0x5FFFF  }
0xb2: {  	[dreg:$0x1] =	wrdreg $0xFFFFFFFF  }
0xb3: {  	[dreg:$0x0] =	wrdreg $0x60  }
0xb4: {  	[dreg:$0x2] =	wrdreg s16  }
0xb5: {  	[dreg:$0x3] =	wrdreg s24  }
0xb6: {  	[dreg:$0x4] =	wrdreg $0x9  }
0xb7: {  	_ =	task.clear_ibuf [dreg:s7], $0x5FFFF;
	_ =	strace $0x90000046  }
0xb8: {  	s29 =	simm.s32 $0x9;
	_ =	strace $0x80000048  }
0xb9: {  	_ =	swait.ge [sflag:s29], $0x1  }
0xba: {  	[sflag:s29] =	ssyncadd.s32 $0xFFFFFFFF  }
0xbb: {  	_ =	strace $0x90000048  }
0xbc: {  	_ =	sfence  }
0xbd: {  	s30 =	sld [smem:$0x0];
	_ =	sdelay $0x2  }
0xbe: {  	s31 =	sshll.u32 s1, $0xD;
	s1 =	sshrl.u32 s1, $0x2  }
0xbf: {  	s3 =	sand.u32 $0x4000, s31;
	s1 =	sadd.s32 s1, s30  }
0xc0: {  	s0 =	sor.u32 s3, s0;
	s1 =	sshll.u32 s1, $0x11  }
0xc1: {  	s0 =	sor.u32 s1, s0  }
0xc2: {  	s0 =	sadd.s32 $0x8F2B, s0  }
0xc3: {  	[sflag:s0] =	ssyncadd.remote.s32 $0x1  }
0xc4: {  	_ =	sfence.sel $0xFFFF  }
0xc5: {  	[dreg:$0x0] =	wrdreg $0xFFFFFFFF;
	(pc) =	sbr.abs _section_cstart, $3  }
0xc6: {  	[dreg:$0x1] =	wrdreg $0xFFFFFFFF  }
0xc7: {  	_ =	task.clear_ibuf [dreg:s7], $0x2FFFF;
	_ =	strace $0x9FFFFFFF  }
0xc8: {  	(tm) =	ssettm $0x7FFFFFFF  }
0xc9: {  	_ =	shalt  }
tec
execute0_lowered:
.L_overlay_start_1:
0x0: {  	(tag) =	ssettag $0x1  }
0x1: {  	s3 =	rddreg [dreg:$0x0]  }
0x2: {  	s4 =	rddreg [dreg:$0x1];
	s1 =	simm.s32 $0x0  }
0x3: {  	[smem:$0x7FF] =	sst s1  }
0x4: {  	s0 =	rddreg [dreg:$0x2];
	v0 =	vimm.s32 $0x0;
	_ =	strace $0x80000047  }
0x5: {  	(xrf1) =	vunique.msk.u32 $0xffff, v0;
	_ =	sdelay $0xd  }
0x6: {  	_, v1, _ =	vpop (xrf1)  }
0x7: {  	v1 =	vxor.u32 $0x80000000, v1  }
0x8: {  	(xrf0) =	vmin.scan.msk.u32 $0xffff, v1;
	_ =	sdelay $0x5  }
0x9: {  	v1, _, _ =	vpop (xrf0)  }
0xa: {  	(v2sf) =	vpush v1, $0xF;
	_ =	sdelay $0x7  }
0xb: {  	s5 =	srdreg.scid;
	s2 =	stileid.u32  }
0xc: {  	s12 =	simm.s32 $0x4000;
	s13 =	simm.s32 $0x1;
	s14 =	simm.s32 $0x6000  }
0xd: {  	s15 =	simm.s32 $0x6080;
	s5 =	sand.u32 $0x1, s5;
	s6 =	sshll.u32 s2, $0x1  }
0xe: {  	s16 =	simm.s32 $0x8100;
	s18 =	simm.s32 $0xC100;
	s6 =	sor.u32 s5, s6  }
0xf: {  	s19 =	simm.s32 $0x0;
	s5 =	ssub.s32 $0x2, s5;
	s7 =	sshll.u32 s6, $0xA  }
0x10: {  	s6 =	sshll.u32 s6, $0x4;
	s8 =	sshrl.u32 s5, $0x1;
	s9 =	sadd.s32 s7, s4  }
0x11: {  	s6 =	sadd.s32 s6, s4;
	s11 =	ssub.s32 s5, s8;
	s3 =	sadd.s32 s3, s7  }
0x12: {  	s4 =	sadd.s32 $0x1A00, s9;
	s5 =	sadd.s32 $0x9A00, s9;
	s10 =	spop (v2sf)  }
0x13: {  	s6 =	sadd.s32 $0x2A000, s6;
	s7 =	sadd.s32 $0x11A00, s9;
	s31 =	sxor.u32 $0x7FFFFFFF, s10  }
0x14: {  	s8 =	sadd.s32 $0x19C00, s9;
	s9 =	sadd.s32 $0x21E00, s9;
	s17 =	sadd.s32 $0x1, s31  }
0x15: {  	s10 =	smax.u32 s11, $0x1;
	s11 =	simm.s32 $0x2000;
	v1 =	vmov s17;
	s17 =	simm.s32 $0xA100  }
.LBB2_1:
0x16: {  	[tilespmem:s1], [sflag:$0x1] =	stream.linear.gather [hbm4b:s3+s1], $0x2000, $0x38;
	[tilespmem:$0xE100] =	vst v63  }
0x17: {  	_ = 	snop  }
0x18: {  	[tilespmem:s11], [sflag:$0x1] =	stream.linear.gather [hbm4b:s4+s1], $0x2000, $0x38;
	[tilespmem:$0xE100] =	vst v63  }
0x19: {  	_ = 	snop  }
0x1a: {  	[tilespmem:s12], [sflag:$0x1] =	stream.linear.gather [hbm4b:s5+s1], $0x2000, $0x38;
	[tilespmem:$0xE100] =	vst v63  }
0x1b: {  	_ =	swait.ge [sflag:s13], $0x2000  }
0x1c: {  	[sflag:s13] =	ssyncset.done $0x0  }
0x1d: {  	[sflag:s13] =	ssyncadd.s32 $0xFFFFE000  }
0x1e: {  	_ =	swait.ge [sflag:s13], $0x2000  }
0x1f: {  	[sflag:s13] =	ssyncset.done $0x0  }
0x20: {  	[sflag:s13] =	ssyncadd.s32 $0xFFFFE000  }
0x21: {  	_ =	swait.ge [sflag:s13], $0x2000  }
0x22: {  	[sflag:s13] =	ssyncset.done $0x0  }
0x23: {  	[sflag:s13] =	ssyncadd.s32 $0xFFFFE000  }
0x24: {  	[tilespmem:$0x6000] =	vst v0  }
0x25: {  	[tilespmem:$0x6010] =	vst v0  }
0x26: {  	[tilespmem:$0x6020] =	vst v0  }
0x27: {  	s20 =	simm.s32 $0x0;
	s21 =	simm.s32 $0x40;
	[tilespmem:$0x6030] =	vst v0  }
.LBB2_2:
0x28: {  	p0 =	sne.s32 s21, $0x7FC0;
	v2 =	vld [tilespmem:s20+$0x0];
	_ =	sdelay $0x4  }
0x29: {  	v2 =	vshrl.u32 v2, $0xF  }
0x2a: {  	(xrf1) =	vunique.msk.u32 $0xffff, v2;
	_ =	sdelay $0xa  }
0x2b: {  	v3 =	vld.idx.msk [tilespmem:v2+s14+$0x0], $0xffff;
	_ =	sdelay $0x2  }
0x2c: {  	_, v4, vm0 =	vpop (xrf1);
	_ =	sdelay $0x1  }
.Ltmp0:
0x2d: {  	(pc) =	sbr.rel @p0 .LBB2_2-.Ltmp0, $4  }
0x2e: {  	v3 =	vadd.s32 v1, v3  }
0x2f: {  	v3 =	vadd.s32 v4, v3  }
0x30: {  	[tilespmem:s20+$0x6100] =	vst v3;
	v3 =	vadd.s32 $0x1, v3  }
0x31: {  	s20 =	sshra.s32 s21, $0x2;
	s21 =	sadd.s32 $0x40, s21;
	[tilespmem:v2+s14+$0x0] =	vst.idx.msk vm0, v3  }
0x32: {  	v2 =	vld [tilespmem:s20+$0x0];
	_ =	sdelay $0x4  }
0x33: {  	v2 =	vshrl.u32 v2, $0xF  }
0x34: {  	(xrf1) =	vunique.msk.u32 $0xffff, v2;
	_ =	sdelay $0xb  }
0x35: {  	v3 =	vld.idx.msk [tilespmem:v2+s14+$0x0], $0xffff;
	_ =	sdelay $0x1  }
0x36: {  	_, v4, vm0 =	vpop (xrf1);
	_ =	sdelay $0x2  }
0x37: {  	v3 =	vadd.s32 v1, v3  }
0x38: {  	v3 =	vadd.s32 v4, v3  }
0x39: {  	[tilespmem:s20+$0x6100] =	vst v3;
	v3 =	vadd.s32 $0x1, v3  }
0x3a: {  	[tilespmem:v2+s14+$0x0] =	vst.idx.msk vm0, v3  }
0x3b: {  	[hbm4b:s6+s1] =	stream.linear.scatter [tilespmem:s14], [sflag:$0x1], $0x80, $0x38;
	[tilespmem:$0xE100] =	vst v63  }
0x3c: {  	v2 =	vld [tilespmem:$0x6000]  }
0x3d: {  	v3 =	vld [tilespmem:$0x6010]  }
0x3e: {  	v4 =	vld [tilespmem:$0x6020];
	_ =	sdelay $0x2  }
0x3f: {  	(xrf0) =	vadd.scan.msk.s32 $0xffff, v2  }
0x40: {  	(xrf0) =	vadd.scan.msk.s32 $0xffff, v3  }
0x41: {  	(xrf0) =	vadd.scan.msk.s32 $0xffff, v4;
	_ =	sdelay $0x3  }
0x42: {  	v5, _, _ =	vpop (xrf0)  }
0x43: {  	v6, _, _ =	vpop (xrf0);
	(v2sf) =	vpush v5, $0xF  }
0x44: {  	(v2sf) =	vpush v6, $0xF;
	v7, _, _ =	vpop (xrf0)  }
0x45: {  	(v2sf) =	vpush v7, $0xF;
	_ =	sdelay $0x3  }
0x46: {  	v8 =	vld [tilespmem:$0x6030];
	_ =	sdelay $0x4  }
0x47: {  	(xrf0) =	vadd.scan.msk.s32 $0xffff, v8;
	_ =	sdelay $0x2  }
0x48: {  	v9 =	vbroadcast v5, $0xF  }
0x49: {  	s26 =	spop (v2sf)  }
0x4a: {  	v2 =	vsub.s32 v5, v2;
	v3 =	vsub.s32 v9, v3;
	s21 =	spop (v2sf)  }
0x4b: {  	[tilespmem:$0x6080] =	vst v2;
	v2 =	vadd.s32 v6, v3;
	v3 =	vsub.s32 v7, v4;
	v4, _, _ =	vpop (xrf0);
	s20 =	sadd.s32 s26, s21;
	s28 =	spop (v2sf)  }
0x4c: {  	[tilespmem:$0x6090] =	vst v2;
	v2 =	vadd.s32 s20, v3;
	s20 =	sadd.s32 s20, s28;
	v3 =	vsub.s32 v4, v8  }
0x4d: {  	[tilespmem:$0x60A0] =	vst v2;
	v2 =	vadd.s32 s20, v3  }
0x4e: {  	s29 =	simm.s32 $0x20;
	[tilespmem:$0x60B0] =	vst v2  }
0x4f: {  	v2 =	vld [tilespmem:s29+$0x10];
	_ =	sdelay $0x1  }
0x50: {  	v6 =	vld [tilespmem:s29+$0xFFFFFFF0]  }
0x51: {  	v7 =	vld [tilespmem:s29+$0xFFFFFFE0];
	_ =	sdelay $0x1  }
0x52: {  	v8 =	vld [tilespmem:s29+$0x0];
	v3 =	vshrl.u32 v2, $0xF;
	_ =	sdelay $0x1  }
0x53: {  	s30 =	simm.s32 $0x6120;
	v4 =	vshrl.u32 v6, $0xF  }
0x54: {  	v9 =	vld [tilespmem:s30+$0x10];
	v5 =	vshrl.u32 v7, $0xF  }
0x55: {  	v12 =	vld [tilespmem:s30+$0xFFFFFFE0]  }
0x56: {  	v10 =	vshrl.u32 v8, $0xF;
	v3 =	vld.idx.msk [tilespmem:v3+s15+$0x0], $0xffff  }
0x57: {  	v13 =	vld [tilespmem:s30+$0xFFFFFFF0]  }
0x58: {  	v11 =	vld.idx.msk [tilespmem:v4+s15+$0x0], $0xffff  }
0x59: {  	s31 =	simm.s32 $0x60;
	v4 =	vld.idx.msk [tilespmem:v5+s15+$0x0], $0xffff  }
0x5a: {  	v5 =	vld [tilespmem:s31+$0x10]  }
0x5b: {  	v9 =	vadd.s32 v3, v9;
	v3 =	vld.idx.msk [tilespmem:v10+s15+$0x0], $0xffff  }
0x5c: {  	v10 =	vld [tilespmem:s30+$0x0];
	_ =	sdelay $0x1  }
0x5d: {  	v18 =	vld [tilespmem:s31+$0xFFFFFFF0];
	v4 =	vadd.s32 v4, v12  }
0x5e: {  	v19 =	vld [tilespmem:s31+$0xFFFFFFE0];
	v12 =	vand.u32 $0x7FFF, v2;
	v2 =	vadd.s32 v11, v13  }
0x5f: {  	s20 =	simm.s32 $0x2020;
	[tilespmem:v9+s16+$0x0] =	vst.idx.msk $0xffff, v12;
	v12 =	vld [tilespmem:s31+$0x0]  }
0x60: {  	s22 =	simm.s32 $0x6160;
	v3 =	vadd.s32 v3, v10;
	v10 =	vshrl.u32 v5, $0xF;
	v11 =	vld [tilespmem:s20+$0x10]  }
0x61: {  	v22 =	vld [tilespmem:s22+$0x10];
	v7 =	vand.u32 $0x7FFF, v7  }
0x62: {  	v17 =	vld [tilespmem:s22+$0xFFFFFFE0];
	v6 =	vand.u32 $0x7FFF, v6;
	[tilespmem:v4+s16+$0x0] =	vst.idx.msk $0xffff, v7  }
0x63: {  	[tilespmem:v2+s16+$0x0] =	vst.idx.msk $0xffff, v6;
	v6 =	vand.u32 $0x7FFF, v8;
	v8 =	vshrl.u32 v18, $0xF;
	v7 =	vld [tilespmem:s20+$0xFFFFFFE0]  }
0x64: {  	v13 =	vld [tilespmem:s20+$0xFFFFFFF0];
	v14 =	vshrl.u32 v12, $0xF  }
0x65: {  	s21 =	simm.s32 $0x4020;
	v15 =	vshrl.u32 v19, $0xF;
	v21 =	vld.idx.msk [tilespmem:v10+s15+$0x0], $0xffff;
	[tilespmem:v9+s17+$0x0] =	vst.idx.msk $0xffff, v11  }
0x66: {  	[tilespmem:v3+s16+$0x0] =	vst.idx.msk $0xffff, v6;
	v6 =	vld [tilespmem:s21+$0x10]  }
0x67: {  	v20 =	vld [tilespmem:s20+$0x0]  }
0x68: {  	v11 =	vld.idx.msk [tilespmem:v8+s15+$0x0], $0xffff  }
0x69: {  	v10 =	vld.idx.msk [tilespmem:v14+s15+$0x0], $0xffff  }
0x6a: {  	v14 =	vld.idx.msk [tilespmem:v15+s15+$0x0], $0xffff  }
0x6b: {  	v15 =	vld [tilespmem:s22+$0xFFFFFFF0];
	[tilespmem:v9+s18+$0x0] =	vst.idx.msk $0xffff, v6;
	v6 =	vadd.s32 v21, v22  }
0x6c: {  	v16 =	vld [tilespmem:s22+$0x0];
	[tilespmem:v4+s17+$0x0] =	vst.idx.msk $0xffff, v7  }
0x6d: {  	[tilespmem:v2+s17+$0x0] =	vst.idx.msk $0xffff, v13;
	v13 =	vld [tilespmem:s21+$0xFFFFFFE0]  }
0x6e: {  	s23 =	simm.s32 $0x4;
	s24 =	simm.s32 $0xA0;
	v7 =	vand.u32 $0x7FFF, v18;
	v8 =	vand.u32 $0x7FFF, v12;
	v12 =	vld [tilespmem:s21+$0xFFFFFFF0];
	[tilespmem:v3+s17+$0x0] =	vst.idx.msk $0xffff, v20;
	v9 =	vand.u32 $0x7FFF, v19  }
.LBB2_4:
0x6f: {  	s23 =	sadd.s32 $0x4, s23;
	v14 =	vadd.s32 v14, v17;
	v17 =	vand.u32 $0x7FFF, v5;
	v5 =	vld [tilespmem:s24+$0x10]  }
0x70: {  	s20 =	sadd.s32 $0x40, s20;
	v18 =	vld [tilespmem:s24+$0xFFFFFFF0];
	p0 =	slt.u32 s23, $0x1FC;
	v11 =	vadd.s32 v11, v15;
	[tilespmem:v6+s16+$0x0] =	vst.idx.msk $0xffff, v17  }
0x71: {  	v15 =	vadd.s32 v10, v16;
	v10 =	vld [tilespmem:s20+$0x10]  }
0x72: {  	v16 =	vld [tilespmem:s24+$0x0];
	[tilespmem:v4+s18+$0x0] =	vst.idx.msk $0xffff, v13;
	v4 =	vmov v14  }
0x73: {  	v13 =	vld [tilespmem:s24+$0xFFFFFFE0];
	[tilespmem:v2+s18+$0x0] =	vst.idx.msk $0xffff, v12;
	v2 =	vmov v11  }
0x74: {  	v12 =	vshrl.u32 v5, $0xF;
	[tilespmem:v14+s16+$0x0] =	vst.idx.msk $0xffff, v9;
	v14 =	vld [tilespmem:s21+$0x0]  }
0x75: {  	v17 =	vshrl.u32 v18, $0xF;
	v19 =	vld [tilespmem:s20+$0xFFFFFFE0];
	[tilespmem:v11+s16+$0x0] =	vst.idx.msk $0xffff, v7;
	v7 =	vand.u32 $0x7FFF, v18  }
0x76: {  	s21 =	sadd.s32 $0x40, s21;
	v18 =	vld [tilespmem:s20+$0xFFFFFFF0];
	[tilespmem:v6+s17+$0x0] =	vst.idx.msk $0xffff, v10  }
0x77: {  	v10 =	vshrl.u32 v16, $0xF;
	[tilespmem:v15+s16+$0x0] =	vst.idx.msk $0xffff, v8;
	v8 =	vand.u32 $0x7FFF, v16;
	v16 =	vld [tilespmem:s21+$0x10]  }
0x78: {  	v20 =	vshrl.u32 v13, $0xF;
	v9 =	vand.u32 $0x7FFF, v13;
	v13 =	vld [tilespmem:s20+$0x0]  }
0x79: {  	s22 =	sadd.s32 $0x40, s22;
	v12 =	vld.idx.msk [tilespmem:v12+s15+$0x0], $0xffff;
	[tilespmem:v3+s18+$0x0] =	vst.idx.msk $0xffff, v14;
	v3 =	vmov v15  }
0x7a: {  	v21 =	vld [tilespmem:s22+$0x10];
	[tilespmem:v4+s17+$0x0] =	vst.idx.msk $0xffff, v19  }
0x7b: {  	v11 =	vld.idx.msk [tilespmem:v17+s15+$0x0], $0xffff;
	[tilespmem:v2+s17+$0x0] =	vst.idx.msk $0xffff, v18  }
0x7c: {  	v10 =	vld.idx.msk [tilespmem:v10+s15+$0x0], $0xffff;
	[tilespmem:v6+s18+$0x0] =	vst.idx.msk $0xffff, v16  }
0x7d: {  	v14 =	vld.idx.msk [tilespmem:v20+s15+$0x0], $0xffff;
	[tilespmem:v15+s17+$0x0] =	vst.idx.msk $0xffff, v13  }
.Ltmp1:
0x7e: {  	v17 =	vld [tilespmem:s22+$0xFFFFFFE0];
	(pc) =	sbr.rel @p0 .LBB2_4-.Ltmp1, $4  }
0x7f: {  	v15 =	vld [tilespmem:s22+$0xFFFFFFF0];
	v6 =	vadd.s32 v12, v21  }
0x80: {  	v16 =	vld [tilespmem:s22+$0x0]  }
0x81: {  	v13 =	vld [tilespmem:s21+$0xFFFFFFE0]  }
0x82: {  	s24 =	sadd.s32 $0x40, s24;
	v12 =	vld [tilespmem:s21+$0xFFFFFFF0]  }
0x83: {  	v14 =	vadd.s32 v14, v17  }
0x84: {  	v11 =	vadd.s32 v11, v15  }
0x85: {  	v10 =	vadd.s32 v10, v16  }
0x86: {  	v5 =	vand.u32 $0x7FFF, v5  }
0x87: {  	s20 =	sadd.s32 $0x40, s20;
	[tilespmem:v6+s16+$0x0] =	vst.idx.msk $0xffff, v5  }
0x88: {  	v5 =	vld [tilespmem:s20+$0x10];
	[tilespmem:v14+s16+$0x0] =	vst.idx.msk $0xffff, v9  }
0x89: {  	v9 =	vld [tilespmem:s20+$0xFFFFFFE0];
	[tilespmem:v11+s16+$0x0] =	vst.idx.msk $0xffff, v7  }
0x8a: {  	v7 =	vld [tilespmem:s20+$0xFFFFFFF0];
	[tilespmem:v10+s16+$0x0] =	vst.idx.msk $0xffff, v8  }
0x8b: {  	v8 =	vld [tilespmem:s20+$0x0]  }
0x8c: {  	[tilespmem:v4+s18+$0x0] =	vst.idx.msk $0xffff, v13  }
0x8d: {  	v61 =	vld [tilespmem:s21+$0x0];
	s31 =	sadd.s32 $0x40, s21;
	[tilespmem:v6+s17+$0x0] =	vst.idx.msk $0xffff, v5  }
0x8e: {  	v5 =	vld [tilespmem:s31+$0x10];
	[tilespmem:v14+s17+$0x0] =	vst.idx.msk $0xffff, v9  }
0x8f: {  	[tilespmem:v11+s17+$0x0] =	vst.idx.msk $0xffff, v7;
	v62 =	vld [tilespmem:s31+$0xFFFFFFE0]  }
0x90: {  	[tilespmem:v10+s17+$0x0] =	vst.idx.msk $0xffff, v8;
	v63 =	vld [tilespmem:s31+$0xFFFFFFF0]  }
0x91: {  	[tilespmem:v2+s18+$0x0] =	vst.idx.msk $0xffff, v12;
	v2 =	vld [tilespmem:s31+$0x0]  }
0x92: {  	[tilespmem:v3+s18+$0x0] =	vst.idx.msk $0xffff, v61  }
0x93: {  	[tilespmem:v6+s18+$0x0] =	vst.idx.msk $0xffff, v5  }
0x94: {  	[tilespmem:v14+s18+$0x0] =	vst.idx.msk $0xffff, v62  }
0x95: {  	[tilespmem:v11+s18+$0x0] =	vst.idx.msk $0xffff, v63  }
0x96: {  	[tilespmem:v10+s18+$0x0] =	vst.idx.msk $0xffff, v2  }
0x97: {  	[hbm4b:s7+s1] =	stream.linear.scatter [tilespmem:s16], [sflag:$0x1], $0x2000, $0x38;
	[tilespmem:$0xE100] =	vst v63  }
0x98: {  	_ = 	snop  }
0x99: {  	[hbm4b:s8+s1] =	stream.linear.scatter [tilespmem:s17], [sflag:$0x1], $0x2000, $0x38;
	[tilespmem:$0xE100] =	vst v63  }
0x9a: {  	_ = 	snop  }
0x9b: {  	[hbm4b:s9+s1] =	stream.linear.scatter [tilespmem:s18], [sflag:$0x1], $0x2000, $0x38;
	[tilespmem:$0xE100] =	vst v63  }
0x9c: {  	_ =	swait.ge [sflag:s13], $0x80  }
0x9d: {  	[sflag:s13] =	ssyncset.done $0x0  }
0x9e: {  	[sflag:s13] =	ssyncadd.s32 $0xFFFFFF80  }
0x9f: {  	_ =	swait.ge [sflag:s13], $0x2000  }
0xa0: {  	[sflag:s13] =	ssyncset.done $0x0  }
0xa1: {  	s19 =	sadd.s32 $0x1, s19;
	[sflag:s13] =	ssyncadd.s32 $0xFFFFE000  }
0xa2: {  	p0 =	sne.s32 s19, s10;
	_ =	swait.ge [sflag:s13], $0x2000  }
.Ltmp2:
0xa3: {  	[sflag:s13] =	ssyncset.done $0x0;
	(pc) =	sbr.rel @p0 .LBB2_1-.Ltmp2, $4  }
0xa4: {  	[sflag:s13] =	ssyncadd.s32 $0xFFFFE000  }
0xa5: {  	_ =	swait.ge [sflag:s13], $0x2000  }
0xa6: {  	[sflag:s13] =	ssyncset.done $0x0  }
0xa7: {  	[sflag:s13] =	ssyncadd.s32 $0xFFFFE000  }
0xa8: {  	_ =	sfence.sel $0x180000  }
0xa9: {  	[bflag:$0x0] =	sbarrier.arrive $0xFFFF  }
0xaa: {  	p0 =	sne.s32 s2, $0x0;
	_ =	strace $0x90000047  }
0xab: {  	s0 =	sadd.s32 @!p0 $0x100000, s0;
	[bflag:$0x2] =	sbarrier.arrive $0xFFFF  }
0xac: {  	[sflag:s0] =	ssyncadd.tile.s32 @!p0 $0x1;
	_ =	shalt  }
.Lfunc_end2:
_tile_overlayer_lowered:
.L_overlay_start_2:
0xad: {  	(tag) =	ssettag $0x2  }
0xae: {  	s0 =	rddreg [dreg:$0x0];
	s2 =	stileid.u32  }
0xaf: {  	s1 =	rddreg [dreg:$0x1];
	p0 =	sne.s32 s2, $0x0  }
0xb0: {  	s3 =	rddreg [dreg:$0x2];
	[bflag:$0x3] =	sbarrier.arrive $0xFFFF;
	s2 =	simm.s32 @!p0 $0x1C02  }
0xb1: {  	[timem:s3], [sflag:s2] =	dma.local @!p0 [hbm:s0], s1  }
0xb2: {  	s0 =	simm.s32 @!p0 $0x2  }
0xb3: {  	_ =	swait.ge @!p0 [sflag:s0], s1  }
0xb4: {  	s1 =	ssub.s32 @!p0 $0x0, s1;
	[sflag:s0] =	ssyncset.done @!p0 $0x0  }
0xb5: {  	[sflag:s0] =	ssyncadd.s32 @!p0 s1  }
0xb6: {  	[bflag:$0x3] =	sbarrier.arrive $0xFFFF  }
0xb7: {  	_ =	shalt  }

// kernel: kernel.8.cloned.1.call-start
scs
__scs_entry_jumppad:
0x0: {  	(pc) =	sbr.rel $0x88, $3  }
0x1: {  	(tag) =	ssettag $0x0;
	lr =	simm.s32 $0x1  }
0x2: {  	[smem:$0x3F99] =	sst lr;
	_ =	strace $0xD0000000  }
0x3: {  	_ = 	snop  }
0x4: {  	_ = 	snop  }
0x5: {  	_ = 	snop  }
0x6: {  	_ = 	snop  }
0x7: {  	_ = 	snop  }
__scs_overlays_trampoline_lowered:
0x8: {  	[smem:$0x3FA8] =	sst s0  }
0x9: {  	[smem:$0x3FA9] =	sst s1  }
0xa: {  	[smem:$0x3FAA] =	sst s2  }
0xb: {  	[smem:$0x3FAB] =	sst s3  }
0xc: {  	[smem:$0x3FAC] =	sst s4  }
0xd: {  	[smem:$0x3FAD] =	sst s5  }
0xe: {  	[smem:$0x3FAE] =	sst s6  }
0xf: {  	[smem:$0x3FAF] =	sst s7  }
0x10: {  	[smem:$0x3FB0] =	sst s8  }
0x11: {  	[smem:$0x3FB1] =	sst s9;
	s0 =	simm.s32 @!p0 $0x0  }
0x12: {  	s1 =	sld [smem:$0x3F97];
	s0 =	simm.s32 @p0 $0x1  }
0x13: {  	[smem:$0x3FB2] =	sst s0;
	s0 =	simm.s32 @!p1 $0x0  }
0x14: {  	s2 =	sld [smem:$0x3F96];
	s0 =	simm.s32 @p1 $0x1  }
0x15: {  	[smem:$0x3FB3] =	sst s0;
	s0 =	simm.s32 @!p2 $0x0  }
0x16: {  	s3 =	sld [smem:$0x3FDB];
	s0 =	simm.s32 @p2 $0x1  }
0x17: {  	s4 =	simm.s32 $0x1BF5;
	[smem:$0x3FB5] =	sst s0  }
0x18: {  	s0 =	sld [smem:$0x3F98];
	_ =	swait.ge [sflag:s4], $0x0  }
0x19: {  	s7 =	sld [smem:$0x3F99]  }
0x1a: {  	s8 =	sadd.s32 $0xFFFFE003, lr  }
0x1b: {  	s9 =	sadd.s32 $0xFFFFFEF7, lr;
	s5 =	simm.s32 $0xFFFFFFFF;
	p2 =	slt.u32 s8, $0xFFFFF086  }
0x1c: {  	p1 =	slt.u32 s9, $0xF7A;
	s5 =	simm.s32 @!p2 $0x0  }
0x1d: {  	s5 =	simm.s32 @p1 $0x1;
	p0 =	seq.s32 s7, s2  }
0x1e: {  	s7 =	smul.u32 @!p0 $0xF7A, s2;
	p2 =	seq.s32 @!p0 s5, $0x0  }
0x1f: {  	s9 =	smul.u32 $0xF7A, s1;
	s8 =	simm.s32 @!p0 $0x1BF5;
	p2 =	por !p2, p0  }
0x20: {  	[sflag:s8] =	ssyncset.s32 @!p0 $0xFFFFF086;
	s6 =	sadd.s32 @!p0 s3, s7;
	s7 =	simm.s32 @!p0 $0x108  }
0x21: {  	s3 =	sadd.s32 s3, s9;
	s6 =	sadd.s32 @!p0 $0x88, s6;
	s7 =	simm.s32 @p2 $0x1082  }
0x22: {  	[simem:s7], [sflag:s8] =	dma.local @!p0 [hbm:s6], $0xF7A  }
0x23: {  	s9 =	sor.u32 $0xD0000000, s2;
	s6 =	simm.s32 $0x108;
	_ =	swait.ge @!p0 [sflag:s8], $0x0  }
0x24: {  	s3 =	sadd.s32 $0x88, s3;
	s6 =	simm.s32 @!p1 $0x1082;
	[sflag:s4] =	ssyncset.s32 $0xFFFFF086  }
0x25: {  	[simem:s6], [sflag:s4] =	dma.local [hbm:s3], $0xF7A  }
0x26: {  	[smem:$0x3F99] =	sst s1;
	(tag) =	ssettag s2;
	_ =	strace s9  }
0x27: {  	s1 =	sld [smem:$0x3FA9]  }
0x28: {  	s2 =	sld [smem:$0x3FAA]  }
0x29: {  	s4 =	sld [smem:$0x3FAC]  }
0x2a: {  	p0 =	seq.s32 s5, $0x0;
	s5 =	sld [smem:$0x3FAD]  }
0x2b: {  	s6 =	sld [smem:$0x3FAE]  }
0x2c: {  	s7 =	sld [smem:$0x3FAF]  }
0x2d: {  	s3 =	simm.s32 $0x108;
	s8 =	sld [smem:$0x3FB0]  }
0x2e: {  	s3 =	simm.s32 @!p0 $0x1082;
	s9 =	sld [smem:$0x3FB1]  }
0x2f: {  	lr =	sadd.s32 s0, s3;
	s0 =	sld [smem:$0x3FA8]  }
0x30: {  	s3 =	sld [smem:$0x3FAB]  }
0x31: {  	[smem:$0x3FB4] =	sst s10  }
0x32: {  	s10 =	sld [smem:$0x3FB2];
	_ =	sdelay $0x3  }
0x33: {  	p0 =	seq.s32 s10, $0x1;
	s10 =	sld [smem:$0x3FB4];
	_ =	sdelay $0x3  }
0x34: {  	[smem:$0x3FB4] =	sst s10  }
0x35: {  	s10 =	sld [smem:$0x3FB3];
	_ =	sdelay $0x3  }
0x36: {  	p1 =	seq.s32 s10, $0x1;
	s10 =	sld [smem:$0x3FB4];
	_ =	sdelay $0x3  }
0x37: {  	[smem:$0x3FB4] =	sst s10  }
0x38: {  	s10 =	sld [smem:$0x3FB5]  }
0x39: {  	_ = 	snop;
	(pc) =	sbr.ind lr, $3  }
0x3a: {  	_ = 	snop  }
0x3b: {  	_ = 	snop  }
0x3c: {  	p2 =	seq.s32 s10, $0x1;
	s10 =	sld [smem:$0x3FB4]  }
0x3d: {  	_ =	shalt  }
0x3e: {  	_ =	shalt  }
0x3f: {  	_ =	shalt  }
0x40: {  	_ =	shalt  }
0x41: {  	_ =	shalt  }
0x42: {  	_ =	shalt  }
0x43: {  	_ =	shalt  }
0x44: {  	_ =	shalt  }
0x45: {  	_ =	shalt  }
0x46: {  	_ =	shalt  }
0x47: {  	_ =	shalt  }
0x48: {  	_ =	shalt  }
0x49: {  	_ =	shalt  }
0x4a: {  	_ =	shalt  }
0x4b: {  	_ =	shalt  }
0x4c: {  	_ =	shalt  }
0x4d: {  	_ =	shalt  }
0x4e: {  	_ =	shalt  }
0x4f: {  	_ =	shalt  }
0x50: {  	_ =	shalt  }
0x51: {  	_ =	shalt  }
0x52: {  	_ =	shalt  }
0x53: {  	_ =	shalt  }
0x54: {  	_ =	shalt  }
0x55: {  	_ =	shalt  }
0x56: {  	_ =	shalt  }
0x57: {  	_ =	shalt  }
0x58: {  	_ =	shalt  }
0x59: {  	_ =	shalt  }
0x5a: {  	_ =	shalt  }
0x5b: {  	_ =	shalt  }
0x5c: {  	_ =	shalt  }
0x5d: {  	_ =	shalt  }
0x5e: {  	_ =	shalt  }
0x5f: {  	_ =	shalt  }
0x60: {  	_ =	shalt  }
0x61: {  	_ =	shalt  }
0x62: {  	_ =	shalt  }
0x63: {  	_ =	shalt  }
0x64: {  	_ =	shalt  }
0x65: {  	_ =	shalt  }
0x66: {  	_ =	shalt  }
0x67: {  	_ =	shalt  }
0x68: {  	_ =	shalt  }
0x69: {  	_ =	shalt  }
0x6a: {  	_ =	shalt  }
0x6b: {  	_ =	shalt  }
0x6c: {  	_ =	shalt  }
0x6d: {  	_ =	shalt  }
0x6e: {  	_ =	shalt  }
0x6f: {  	_ =	shalt  }
0x70: {  	_ =	shalt  }
0x71: {  	_ =	shalt  }
0x72: {  	_ =	shalt  }
0x73: {  	_ =	shalt  }
0x74: {  	_ =	shalt  }
0x75: {  	_ =	shalt  }
0x76: {  	_ =	shalt  }
0x77: {  	_ =	shalt  }
0x78: {  	_ =	shalt  }
0x79: {  	_ =	shalt  }
0x7a: {  	_ =	shalt  }
0x7b: {  	_ =	shalt  }
0x7c: {  	_ =	shalt  }
0x7d: {  	_ =	shalt  }
0x7e: {  	_ =	shalt  }
0x7f: {  	_ =	shalt  }
0x80: {  	_ =	shalt  }
0x81: {  	_ =	shalt  }
0x82: {  	_ =	shalt  }
0x83: {  	_ =	shalt  }
0x84: {  	_ =	shalt  }
0x85: {  	_ =	shalt  }
0x86: {  	_ =	shalt  }
0x87: {  	_ =	shalt  }
.Lfunc_end0:
.L_simem_size_0:
called_computation.1_lowered:
.L_overlay_start_0:
0x88: {  	s2 =	sld [smem:$0x3FD9]  }
0x89: {  	s3 =	sld [smem:$0x3FFE];
	_ =	sdelay $0x1  }
0x8a: {  	s1 =	srdreg.scid  }
0x8b: {  	s0 =	sand.u32 $0x1, s1  }
0x8c: {  	s14 =	sshll.u32 s0, $0xA;
	s2 =	sadd.s32 s3, s2  }
0x8d: {  	s2 =	sadd.s32 s2, s14  }
0x8e: {  	[smem:$0x3FC0] =	sst s2  }
0x8f: {  	_ = 	snop  }
0x90: {  	s2 =	sld [smem:$0x3FD0];
	_ =	sdelay $0x2  }
0x91: {  	s4 =	simm.s32 $0xA;
	s5 =	simm.s32 $0x10;
	s15 =	sld [smem:$0x3FC9]  }
0x92: {  	[smem:s5], [sflag:s4] =	dma.local [hbm:s2], $0x1  }
0x93: {  	_ =	swait.eq [sflag:s4], $0x1  }
0x94: {  	[sflag:s4] =	ssyncset.done $0x0  }
0x95: {  	[sflag:s4] =	ssyncadd.s32 $0xFFFFFFFF  }
0x96: {  	s16 =	sld [smem:$0x10];
	(tm) =	ssettm $0x1  }
0x97: {  	s17 =	sld [smem:$0x3FFB];
	_ =	sdelay $0x3  }
0x98: {  	_ =	strace s17  }
0x99: {  	s4 =	sld [smem:$0x3FFC];
	_ =	sdelay $0x3  }
0x9a: {  	_ =	strace s4  }
0x9b: {  	s4 =	sld [smem:$0x3FFD];
	_ =	sdelay $0x3  }
0x9c: {  	_ =	strace s4  }
0x9d: {  	_ =	strace $0x8FFFFFFF  }
0x9e: {  	s18 =	sld [smem:$0x3FDB];
	_ =	sdelay $0x1  }
0x9f: {  	s19 =	simm.s32 $_scs_section_size  }
0xa0: {  	s6 =	simm.s32 $_size__tile_overlayer_lowered;
	s7 =	simm.s32 $_tile_overlayer_lowered  }
0xa1: {  	s22 =	simm.s32 $0x1BFF;
	s21 =	sshll.u32 s7, $0x1;
	s4 =	sadd.s32 s19, s18  }
0xa2: {  	s8 =	simm.s32 $0x0;
	s20 =	sshll.u32 s6, $0x1;
	s6 =	sadd.s32 s21, s4  }
0xa3: {  	[timem:s8], [sflag:s22] =	dma.local [hbm:s6], s20  }
0xa4: {  	_ =	swait.ge [sflag:s22], s20  }
0xa5: {  	s5 =	ssub.s32 $0x0, s20;
	[sflag:s22] =	ssyncset.done $0x0  }
0xa6: {  	[sflag:s22] =	ssyncadd.s32 s5;
	_ =	sdelay $0x1  }
0xa7: {  	s23 =	simm.s32 $0x1B8B  }
0xa8: {  	_ =	swait.ge [sflag:s23], $0x1  }
0xa9: {  	[sflag:s23] =	ssyncset.done $0x0  }
0xaa: {  	s25 =	simm.s32 $0x1B8E;
	s24 =	sld [smem:$0x3FFE];
	[sflag:s23] =	ssyncadd.s32 $0xFFFFFFFF  }
0xab: {  	s26 =	simm.s32 $execute0_lowered;
	[smem:$0x3FD2] =	sst s25  }
0xac: {  	s6 =	sshll.u32 s26, $0x1;
	_ =	strace $0x80000049;
	[dreg:$0x1] =	wrdreg $0xFFFFFFFF  }
0xad: {  	s28 =	simm.s32 $_size_execute0_lowered;
	s4 =	sadd.s32 s4, s6;
	[dreg:$0x0] =	wrdreg $0x0  }
0xae: {  	s6 =	sshll.u32 s28, $0x1;
	[dreg:$0x2] =	wrdreg s4  }
0xaf: {  	[dreg:$0x3] =	wrdreg s6  }
0xb0: {  	[dreg:$0x4] =	wrdreg $0xC0  }
0xb1: {  	_ =	task [dreg:s8], $0x5FFFF  }
0xb2: {  	[dreg:$0x1] =	wrdreg $0xFFFFFFFF  }
0xb3: {  	[dreg:$0x0] =	wrdreg $0x60  }
0xb4: {  	[dreg:$0x2] =	wrdreg s15  }
0xb5: {  	[dreg:$0x3] =	wrdreg s24  }
0xb6: {  	[dreg:$0x4] =	wrdreg s16  }
0xb7: {  	[dreg:$0x5] =	wrdreg $0x9  }
0xb8: {  	_ =	task.clear_ibuf [dreg:s8], $0x6FFFF;
	_ =	strace $0x90000049  }
0xb9: {  	s29 =	simm.s32 $0x9;
	_ =	strace $0x8000004B  }
0xba: {  	_ =	swait.ge [sflag:s29], $0x1  }
0xbb: {  	[sflag:s29] =	ssyncadd.s32 $0xFFFFFFFF  }
0xbc: {  	_ =	strace $0x9000004B  }
0xbd: {  	_ =	sfence  }
0xbe: {  	s30 =	sld [smem:$0x0];
	_ =	sdelay $0x2  }
0xbf: {  	s31 =	sshll.u32 s1, $0xD;
	s1 =	sshrl.u32 s1, $0x2  }
0xc0: {  	s3 =	sand.u32 $0x4000, s31;
	s1 =	sadd.s32 s1, s30  }
0xc1: {  	s0 =	sor.u32 s3, s0;
	s1 =	sshll.u32 s1, $0x11  }
0xc2: {  	s0 =	sor.u32 s1, s0  }
0xc3: {  	s0 =	sadd.s32 $0x8F2B, s0  }
0xc4: {  	[sflag:s0] =	ssyncadd.remote.s32 $0x1  }
0xc5: {  	_ =	sfence.sel $0xFFFF  }
0xc6: {  	[dreg:$0x0] =	wrdreg $0xFFFFFFFF;
	(pc) =	sbr.abs _section_cstart, $3  }
0xc7: {  	[dreg:$0x1] =	wrdreg $0xFFFFFFFF  }
0xc8: {  	_ =	task.clear_ibuf [dreg:s8], $0x2FFFF;
	_ =	strace $0x9FFFFFFF  }
0xc9: {  	(tm) =	ssettm $0x7FFFFFFF  }
tec
execute0_lowered:
.L_overlay_start_1:
0x0: {  	(tag) =	ssettag $0x1  }
0x1: {  	s0 =	rddreg [dreg:$0x0]  }
0x2: {  	s1 =	rddreg [dreg:$0x1]  }
0x3: {  	s4 =	rddreg [dreg:$0x2];
	s2 =	simm.s32 $0x0  }
0x4: {  	s3 =	srdreg.scid;
	s6 =	stileid.u32;
	s28 =	simm.s32 $0x200  }
0x5: {  	s29 =	simm.s32 $0x8000;
	s30 =	simm.s32 $0x1;
	s31 =	simm.s32 $0x10000  }
0x6: {  	[smem:$0x7FF] =	sst s2;
	s5 =	sand.u32 $0x1, s3;
	s21 =	sshll.u32 s6, $0x1  }
0x7: {  	s3 =	sadd.s32 $0x11A00, s1;
	_ =	strace $0x8000004A;
	s6 =	sor.u32 s5, s21  }
0x8: {  	s5 =	ssub.s32 $0x2, s5;
	s7 =	sshll.u32 s6, $0xF;
	s8 =	sshll.u32 s6, $0x4  }
0x9: {  	s9 =	sshrl.u32 s5, $0x1;
	s13 =	sshllo.u32 s6, $0x1;
	s22 =	sadd.s32 s0, s7  }
0xa: {  	s10 =	sor.u32 $0x10, s7;
	s24 =	sadd.s32 s4, s7;
	[dreg:$0x4] =	wrdreg s22  }
0xb: {  	s5 =	ssub.s32 s5, s9;
	s23 =	sadd.s32 s0, s10;
	[dreg:$0x6] =	wrdreg s24  }
0xc: {  	s26 =	sor.u32 $0x20, s7;
	s25 =	sadd.s32 s4, s10;
	[dreg:$0x5] =	wrdreg s23  }
0xd: {  	s7 =	sor.u32 $0x30, s7;
	s12 =	sadd.s32 s0, s26;
	[dreg:$0x7] =	wrdreg s25  }
0xe: {  	s19 =	sshll.u32 s13, $0xE;
	s11 =	sadd.s32 s0, s7;
	[dreg:$0x8] =	wrdreg s12  }
0xf: {  	s9 =	sadd.s32 s4, s26;
	s7 =	sadd.s32 s4, s7;
	[dreg:$0x9] =	wrdreg s11  }
0x10: {  	s20 =	sadd.s32 s0, s19;
	s21 =	sor.u32 $0x10, s19;
	[dreg:$0xa] =	wrdreg s9  }
0x11: {  	s14 =	sadd.s32 s4, s19;
	s24 =	sor.u32 $0x30, s19;
	[dreg:$0xb] =	wrdreg s7  }
0x12: {  	s26 =	sshll.u32 s6, $0x1;
	[dreg:$0xc] =	wrdreg s20;
	s22 =	sadd.s32 s0, s21  }
0x13: {  	s23 =	sor.u32 $0x20, s19;
	s15 =	sadd.s32 s4, s21;
	s17 =	sadd.s32 s0, s24  }
0x14: {  	s19 =	sadd.s32 s4, s24;
	s20 =	sadd.s32 $0x19C00, s1;
	s25 =	sadd.s32 s8, s1  }
0x15: {  	v0 =	vlaneseq.u32;
	s21 =	sadd.s32 $0x21E00, s1;
	v6 =	vmov s26;
	s24 =	smax.u32 s5, $0x1;
	s26 =	simm.s32 $0x80  }
0x16: {  	v2 =	vimm.s32 $0x0;
	v3 =	vor.u32 $0x30, v0;
	v4 =	vor.u32 $0x20, v0;
	[dreg:$0xd] =	wrdreg s22;
	s16 =	sadd.s32 s0, s23;
	s18 =	sadd.s32 s4, s23  }
0x17: {  	v5 =	vor.u32 $0x10, v0;
	v1 =	vmov s13;
	s22 =	sadd.s32 $0x2A000, s1;
	s23 =	sadd.s32 $0x1A00, s25;
	vm0 =	veq.s32 v6, v3;
	s0 =	simm.s32 $0x2  }
0x18: {  	s1 =	simm.s32 $0x3;
	vm1 =	veq.s32 v6, v4;
	vm2 =	veq.s32 v6, v5;
	vm3 =	veq.s32 v6, v0;
	s25 =	simm.s32 $0x4;
	s4 =	simm.s32 $0x0  }
.LBB2_1:
0x19: {  	s5 =	simm.s32 $0x1E000  }
0x1a: {  	[tilespmem:s5], [sflag:$0x1] =	stream.linear.gather [hbm4b:s22+s2], $0x1000, $0x38;
	[tilespmem:$0x1F080] =	vst v63  }
0x1b: {  	s11 =	rddreg [dreg:$0x4]  }
0x1c: {  	[tilespmem:s2], [sflag:$0x2] =	stream.strided.gather [hbm4b:s11+s26], $0x8000, s28, s26, $0x38;
	[tilespmem:$0x1F080] =	vst v63  }
0x1d: {  	s12 =	rddreg [dreg:$0x5]  }
0x1e: {  	[tilespmem:s29], [sflag:$0x2] =	stream.strided.gather [hbm4b:s12+s26], $0x8000, s28, s26, $0x38;
	[tilespmem:$0x1F080] =	vst v63  }
0x1f: {  	_ =	swait.ge [sflag:s30], $0x1000  }
0x20: {  	[sflag:s30] =	ssyncset.done $0x0  }
0x21: {  	s7 =	simm.s32 $0x0;
	[sflag:s30] =	ssyncadd.s32 $0xFFFFF000  }
0x22: {  	v6 =	vld [tilespmem:s7+$0x1E000];
	_ =	sdelay $0x3  }
0x23: {  	v7 =	vld [tilespmem:s7+$0x1E010]  }
0x24: {  	(xrf0) =	vadd.scan.msk.s32 $0xffff, v6;
	_ =	sdelay $0x3  }
0x25: {  	(xrf0) =	vadd.scan.msk.s32 $0xffff, v7;
	_ =	sdelay $0x1  }
0x26: {  	v8, _, _ =	vpop (xrf0)  }
0x27: {  	v10 =	vsub.s32 v8, v6;
	_ =	sdelay $0x1  }
0x28: {  	v9 =	vbroadcast v8, $0xF  }
0x29: {  	(v2sf) =	vpush v8, $0xF;
	v8 =	vshll.u32 v10, $0xD;
	v10, _, _ =	vpop (xrf0)  }
0x2a: {  	v9 =	vsub.s32 v9, v7;
	v6 =	vor.u32 v6, v8;
	(v2sf) =	vpush v10, $0xF  }
0x2b: {  	s5 =	simm.s32 $0x80;
	[tilespmem:s7+$0x1E000] =	vst v6;
	v8 =	vadd.s32 v10, v9  }
0x2c: {  	v6 =	vshll.u32 v8, $0xD;
	v8 =	vld [tilespmem:s5+$0x1E000]  }
0x2d: {  	v6 =	vor.u32 v7, v6  }
0x2e: {  	[tilespmem:s7+$0x1E010] =	vst v6;
	v6 =	vld [tilespmem:s7+$0x1E020]  }
0x2f: {  	v7 =	vld [tilespmem:s5+$0x1E010];
	_ =	sdelay $0x1  }
0x30: {  	(xrf0) =	vadd.scan.msk.s32 $0xffff, v8;
	_ =	sdelay $0x1  }
0x31: {  	(xrf0) =	vadd.scan.msk.s32 $0xffff, v6  }
0x32: {  	(xrf0) =	vadd.scan.msk.s32 $0xffff, v7;
	_ =	sdelay $0x2  }
0x33: {  	v9, _, _ =	vpop (xrf0)  }
0x34: {  	s6 =	spop (v2sf);
	v10 =	vsub.s32 v9, v8;
	v11 =	vbroadcast v9, $0xF  }
0x35: {  	(v2sf) =	vpush v9, $0xF;
	v9, _, _ =	vpop (xrf0);
	v10 =	vshll.u32 v10, $0xD;
	s8 =	spop (v2sf)  }
0x36: {  	v12 =	vsub.s32 v9, v6;
	(v2sf) =	vpush v9, $0xF;
	v9, _, _ =	vpop (xrf0);
	v11 =	vsub.s32 v11, v7;
	s11 =	sadd.s32 s6, s8  }
0x37: {  	v8 =	vor.u32 v8, v10;
	(v2sf) =	vpush v9, $0xF;
	v12 =	vadd.s32 s11, v12  }
0x38: {  	v9 =	vadd.s32 v9, v11;
	s6 =	simm.s32 $0x100;
	[tilespmem:s5+$0x1E000] =	vst v8;
	v10 =	vshll.u32 v12, $0xD  }
0x39: {  	v8 =	vshll.u32 v9, $0xD;
	v9 =	vld [tilespmem:s6+$0x1E000];
	v6 =	vor.u32 v6, v10  }
0x3a: {  	[tilespmem:s7+$0x1E020] =	vst v6  }
0x3b: {  	v7 =	vor.u32 v7, v8;
	v8 =	vld [tilespmem:s5+$0x1E020]  }
0x3c: {  	[tilespmem:s5+$0x1E010] =	vst v7  }
0x3d: {  	v7 =	vld [tilespmem:s6+$0x1E010]  }
0x3e: {  	v6 =	vld [tilespmem:s7+$0x1E030];
	(xrf0) =	vadd.scan.msk.s32 $0xffff, v9;
	_ =	sdelay $0x1  }
0x3f: {  	(xrf0) =	vadd.scan.msk.s32 $0xffff, v8;
	_ =	sdelay $0x1  }
0x40: {  	(xrf0) =	vadd.scan.msk.s32 $0xffff, v7  }
0x41: {  	(xrf0) =	vadd.scan.msk.s32 $0xffff, v6  }
0x42: {  	s13 =	spop (v2sf);
	v10, _, _ =	vpop (xrf0)  }
0x43: {  	v12 =	vbroadcast v10, $0xF;
	s12 =	spop (v2sf)  }
0x44: {  	v11 =	vsub.s32 v10, v9;
	(v2sf) =	vpush v10, $0xF;
	s9 =	spop (v2sf);
	v10, _, _ =	vpop (xrf0)  }
0x45: {  	v11 =	vshll.u32 v11, $0xD;
	v12 =	vsub.s32 v12, v7;
	s8 =	sadd.s32 s13, s9;
	v14 =	vsub.s32 v10, v8  }
0x46: {  	v13, _, _ =	vpop (xrf0);
	(v2sf) =	vpush v10, $0xF;
	v10 =	vor.u32 v9, v11;
	v14 =	vadd.s32 s8, v14  }
0x47: {  	s10 =	simm.s32 $0x600;
	s11 =	sadd.s32 s11, s12;
	s9 =	simm.s32 $0x800;
	(v2sf) =	vpush v13, $0xF;
	v11 =	vadd.s32 v13, v12;
	v9, _, _ =	vpop (xrf0);
	v12 =	vshll.u32 v14, $0xD  }
.LBB2_2:
0x48: {  	p0 =	sne.s32 s9, $0x3E00  }
0x49: {  	s12 =	sshra.s32 s10, $0x2;
	[tilespmem:s6+$0x1E000] =	vst v10;
	v10 =	vshll.u32 v11, $0xD;
	v8 =	vor.u32 v8, v12;
	v9 =	vsub.s32 v9, v6;
	s10 =	smov.u32 s9;
	s9 =	sadd.s32 $0x200, s9  }
0x4a: {  	v11 =	vld [tilespmem:s12+$0x1E000];
	v7 =	vor.u32 v7, v10;
	[tilespmem:s5+$0x1E020] =	vst v8;
	v9 =	vadd.s32 s11, v9  }
0x4b: {  	[tilespmem:s6+$0x1E010] =	vst v7;
	v8 =	vld [tilespmem:s6+$0x1E020];
	v9 =	vshll.u32 v9, $0xD  }
0x4c: {  	v7 =	vld [tilespmem:s12+$0x1E010];
	v6 =	vor.u32 v6, v9  }
0x4d: {  	[tilespmem:s7+$0x1E030] =	vst v6;
	s7 =	smov.u32 s5;
	s5 =	smov.u32 s6;
	s6 =	smov.u32 s12  }
0x4e: {  	v6 =	vld [tilespmem:s7+$0x1E030]  }
0x4f: {  	(xrf0) =	vadd.scan.msk.s32 $0xffff, v11  }
0x50: {  	(xrf0) =	vadd.scan.msk.s32 $0xffff, v8  }
0x51: {  	(xrf0) =	vadd.scan.msk.s32 $0xffff, v7;
	_ =	sdelay $0x1  }
0x52: {  	(xrf0) =	vadd.scan.msk.s32 $0xffff, v6  }
0x53: {  	s12 =	spop (v2sf)  }
.Ltmp0:
0x54: {  	v9, _, _ =	vpop (xrf0);
	s11 =	spop (v2sf);
	(pc) =	sbr.rel @p0 .LBB2_2-.Ltmp0, $4  }
0x55: {  	v10 =	vsub.s32 v9, v11;
	v12 =	vbroadcast v9, $0xF;
	(v2sf) =	vpush v9, $0xF;
	s13 =	spop (v2sf);
	v9, _, _ =	vpop (xrf0);
	s11 =	sadd.s32 s8, s11  }
0x56: {  	v10 =	vshll.u32 v10, $0xD;
	v13, _, _ =	vpop (xrf0);
	s8 =	sadd.s32 s12, s13;
	v14 =	vsub.s32 v9, v8;
	(v2sf) =	vpush v9, $0xF  }
0x57: {  	v15 =	vsub.s32 v12, v7;
	(v2sf) =	vpush v13, $0xF;
	v12 =	vadd.s32 s8, v14  }
0x58: {  	v10 =	vor.u32 v11, v10;
	v11 =	vadd.s32 v13, v15;
	v12 =	vshll.u32 v12, $0xD;
	v9, _, _ =	vpop (xrf0)  }
0x59: {  	s9 =	sshra.s32 s10, $0x2;
	[tilespmem:s6+$0x1E000] =	vst v10;
	v9 =	vsub.s32 v9, v6  }
0x5a: {  	v47 =	vshll.u32 v11, $0xD;
	v8 =	vor.u32 v8, v12;
	v48 =	vld [tilespmem:s9+$0x1E000];
	v49 =	vadd.s32 s11, v9  }
0x5b: {  	v7 =	vor.u32 v7, v47;
	[tilespmem:s5+$0x1E020] =	vst v8;
	v8 =	vshll.u32 v49, $0xD  }
0x5c: {  	[tilespmem:s6+$0x1E010] =	vst v7;
	v7 =	vld [tilespmem:s6+$0x1E020];
	v6 =	vor.u32 v6, v8  }
0x5d: {  	v50 =	vld [tilespmem:s9+$0x1E010];
	[tilespmem:s7+$0x1E030] =	vst v6  }
0x5e: {  	v6 =	vld [tilespmem:s5+$0x1E030]  }
0x5f: {  	(xrf0) =	vadd.scan.msk.s32 $0xffff, v48;
	_ =	sdelay $0x1  }
0x60: {  	(xrf0) =	vadd.scan.msk.s32 $0xffff, v7  }
0x61: {  	(xrf0) =	vadd.scan.msk.s32 $0xffff, v50  }
0x62: {  	(xrf0) =	vadd.scan.msk.s32 $0xffff, v6;
	_ =	sdelay $0x1  }
0x63: {  	s11 =	spop (v2sf);
	v51, _, _ =	vpop (xrf0)  }
0x64: {  	s12 =	spop (v2sf);
	v52 =	vsub.s32 v51, v48;
	v53 =	vbroadcast v51, $0xF  }
0x65: {  	(v2sf) =	vpush v51, $0xF;
	s13 =	spop (v2sf);
	v54, _, _ =	vpop (xrf0);
	v10 =	vshll.u32 v52, $0xD  }
0x66: {  	v13, _, _ =	vpop (xrf0);
	s7 =	sadd.s32 s11, s13;
	v14 =	vsub.s32 v54, v7;
	(v2sf) =	vpush v54, $0xF;
	v55 =	vsub.s32 v53, v50  }
0x67: {  	(v2sf) =	vpush v13, $0xF;
	v56 =	vadd.s32 s7, v14;
	v10 =	vor.u32 v48, v10;
	v57, _, _ =	vpop (xrf0)  }
0x68: {  	s8 =	sadd.s32 s8, s12;
	v8 =	vadd.s32 v13, v55;
	v12 =	vshll.u32 v56, $0xD;
	v11 =	vsub.s32 v57, v6  }
0x69: {  	[tilespmem:s9+$0x1E000] =	vst v10;
	v8 =	vshll.u32 v8, $0xD;
	v7 =	vor.u32 v7, v12;
	v58 =	vadd.s32 s8, v11  }
0x6a: {  	v8 =	vor.u32 v50, v8;
	[tilespmem:s6+$0x1E020] =	vst v7;
	v7 =	vshll.u32 v58, $0xD  }
0x6b: {  	[tilespmem:s9+$0x1E010] =	vst v8;
	v6 =	vor.u32 v6, v7  }
0x6c: {  	v59 =	vld [tilespmem:s9+$0x1E020];
	[tilespmem:s5+$0x1E030] =	vst v6  }
0x6d: {  	v6 =	vld [tilespmem:s6+$0x1E030];
	_ =	sdelay $0x3  }
0x6e: {  	(xrf0) =	vadd.scan.msk.s32 $0xffff, v59  }
0x6f: {  	(xrf0) =	vadd.scan.msk.s32 $0xffff, v6;
	_ =	sdelay $0x2  }
0x70: {  	s10 =	spop (v2sf)  }
0x71: {  	s11 =	spop (v2sf)  }
0x72: {  	s12 =	spop (v2sf);
	v7, _, _ =	vpop (xrf0)  }
0x73: {  	s5 =	sadd.s32 s10, s12;
	v60 =	vsub.s32 v7, v59;
	v61, _, _ =	vpop (xrf0)  }
0x74: {  	s7 =	sadd.s32 s7, s11;
	v9 =	vadd.s32 s5, v60;
	v10 =	vsub.s32 v61, v6  }
0x75: {  	(v2sf) =	vpush v7, $0xF;
	v7 =	vshll.u32 v9, $0xD;
	v62 =	vadd.s32 s7, v10  }
0x76: {  	v7 =	vor.u32 v59, v7;
	v63 =	vshll.u32 v62, $0xD  }
0x77: {  	[tilespmem:s9+$0x1E020] =	vst v7;
	v6 =	vor.u32 v6, v63  }
0x78: {  	[tilespmem:s6+$0x1E030] =	vst v6  }
0x79: {  	v6 =	vld [tilespmem:s9+$0x1E030];
	_ =	sdelay $0x4  }
0x7a: {  	(xrf0) =	vadd.scan.msk.s32 $0xffff, v6;
	_ =	sdelay $0x5  }
0x7b: {  	p0 =	por $0x1, $0x1;
	s13 =	spop (v2sf);
	v7, _, _ =	vpop (xrf0)  }
.Ltmp1:
0x7c: {  	s5 =	sadd.s32 s5, s13;
	v7 =	vsub.s32 v7, v6;
	(pc) =	sbr.rel @!p0 .LBB2_5-.Ltmp1, $4  }
0x7d: {  	v7 =	vadd.s32 s5, v7  }
0x7e: {  	v7 =	vshll.u32 v7, $0xD  }
0x7f: {  	v6 =	vor.u32 v6, v7  }
0x80: {  	s6 =	simm.s32 $0x200;
	s5 =	simm.s32 $0x0;
	[tilespmem:s9+$0x1E030] =	vst v6  }
.LBB2_4:
0x81: {  	p0 =	sne.s32 s6, $0x1FE00;
	[tilespmem:s5+$0x10070] =	vst v2  }
0x82: {  	[tilespmem:s5+$0x10000] =	vst v2  }
0x83: {  	[tilespmem:s5+$0x10010] =	vst v2  }
.Ltmp2:
0x84: {  	[tilespmem:s5+$0x10020] =	vst v2;
	(pc) =	sbr.rel @p0 .LBB2_4-.Ltmp2, $4  }
0x85: {  	[tilespmem:s5+$0x10030] =	vst v2  }
0x86: {  	[tilespmem:s5+$0x10040] =	vst v2  }
0x87: {  	[tilespmem:s5+$0x10050] =	vst v2  }
0x88: {  	[tilespmem:s5+$0x10060] =	vst v2;
	s5 =	sshra.s32 s6, $0x2;
	s6 =	sadd.s32 $0x200, s6  }
.LBB2_5:
0x89: {  	[tilespmem:s5+$0x10070] =	vst v2  }
0x8a: {  	[tilespmem:s5+$0x10000] =	vst v2  }
0x8b: {  	[tilespmem:s5+$0x10010] =	vst v2  }
0x8c: {  	[tilespmem:s5+$0x10020] =	vst v2  }
0x8d: {  	[tilespmem:s5+$0x10030] =	vst v2  }
0x8e: {  	[tilespmem:s5+$0x10040] =	vst v2  }
0x8f: {  	[tilespmem:s5+$0x10050] =	vst v2  }
0x90: {  	[tilespmem:s5+$0x10060] =	vst v2;
	s9 =	simm.s32 $0x1E020  }
0x91: {  	v6 =	vld [tilespmem:s9+$0xFFFFFFE0]  }
0x92: {  	v7 =	vld [tilespmem:s9+$0xFFFFFFF0]  }
0x93: {  	v8 =	vld [tilespmem:s9+$0x0]  }
0x94: {  	v9 =	vld [tilespmem:s9+$0x10];
	_ =	sdelay $0x1  }
0x95: {  	v6 =	vnsel vm3, $0x0, v6  }
0x96: {  	v7 =	vnsel vm2, $0x0, v7;
	(xrf0) =	vadd.scan.msk.s32 $0xffff, v6  }
0x97: {  	v6 =	vnsel vm1, $0x0, v8;
	(xrf0) =	vadd.scan.msk.s32 $0xffff, v7  }
0x98: {  	v7 =	vnsel vm0, $0x0, v9;
	(xrf0) =	vadd.scan.msk.s32 $0xffff, v6  }
0x99: {  	(xrf0) =	vadd.scan.msk.s32 $0xffff, v7;
	_ =	sdelay $0x2  }
0x9a: {  	v6, _, _ =	vpop (xrf0)  }
0x9b: {  	(v2sf) =	vpush v6, $0xF;
	v6, _, _ =	vpop (xrf0)  }
0x9c: {  	(v2sf) =	vpush v6, $0xF;
	v6, _, _ =	vpop (xrf0)  }
0x9d: {  	(v2sf) =	vpush v6, $0xF;
	v6, _, _ =	vpop (xrf0)  }
0x9e: {  	(v2sf) =	vpush v6, $0xF;
	_ =	sdelay $0xb  }
0x9f: {  	s10 =	spop (v2sf)  }
0xa0: {  	s6 =	spop (v2sf)  }
0xa1: {  	s5 =	sadd.s32 s10, s6;
	s11 =	spop (v2sf)  }
0xa2: {  	s5 =	sadd.s32 s11, s5;
	s12 =	spop (v2sf)  }
0xa3: {  	s5 =	sadd.s32 s12, s5  }
0xa4: {  	s6 =	sshra.s32 s5, $0xD  }
0xa5: {  	s13 =	simm.s32 $0x18000;
	p0 =	por $0x1, $0x1;
	s7 =	sadd.s32 $0x80, s6  }
0xa6: {  	s9 =	simm.s32 $0x1;
	s5 =	sand.u32 $0x1FFF, s5;
	s8 =	sadd.s32 $0xFFFFFF80, s7  }
0xa7: {  	s12 =	simm.s32 $0x1C000;
	[smem:$0x0] =	sst s5;
	s8 =	sshrl.u32 s8, $0x3  }
0xa8: {  	s5 =	simm.s32 $0x400;
	s6 =	sand.u32 $0x7, s6;
	s10 =	sadd.s32 s3, s8  }
0xa9: {  	[tilespmem:s13], [sflag:$0x1] =	stream.linear.gather [hbm4b:s10+s2], $0x80, $0x38;
	[tilespmem:$0x1F080] =	vst v63  }
0xaa: {  	[smem:s9] =	sst s6;
	s11 =	sadd.s32 s20, s8;
	s10 =	simm.s32 $0x1A000  }
0xab: {  	[tilespmem:s10], [sflag:$0x1] =	stream.linear.gather [hbm4b:s11+s2], $0x80, $0x38;
	[tilespmem:$0x1F080] =	vst v63  }
0xac: {  	s6 =	simm.s32 $0x1E0A0;
	s9 =	simm.s32 $0x1C080;
	s13 =	sadd.s32 s21, s8  }
0xad: {  	[tilespmem:s12], [sflag:$0x1] =	stream.linear.gather [hbm4b:s13+s2], $0x80, $0x38;
	[tilespmem:$0x1F080] =	vst v63  }
.Ltmp3:
0xae: {  	s8 =	simm.s32 $0x18080;
	s10 =	sshrl.u32 s7, $0x3;
	(pc) =	sbr.rel @!p0 .LBB2_7-.Ltmp3, $4  }
0xaf: {  	s7 =	simm.s32 $0x3;
	s11 =	sadd.s32 s3, s10;
	s12 =	simm.s32 $0x1A080  }
0xb0: {  	[tilespmem:s8], [sflag:$0x1] =	stream.linear.gather [hbm4b:s11+s2], $0x80, $0x38;
	[tilespmem:$0x1F080] =	vst v63  }
0xb1: {  	s13 =	sadd.s32 s20, s10;
	s10 =	sadd.s32 s21, s10;
	s8 =	simm.s32 $0x2080  }
0xb2: {  	[tilespmem:s12], [sflag:$0x1] =	stream.linear.gather [hbm4b:s13+s2], $0x80, $0x38;
	[tilespmem:$0x1F080] =	vst v63  }
.LBB2_6:
0xb3: {  	[tilespmem:s9], [sflag:$0x1] =	stream.linear.gather [hbm4b:s10+s2], $0x80, $0x38;
	[tilespmem:$0x1F080] =	vst v63  }
0xb4: {  	p0 =	sne.s32 s5, $0x7C00;
	s9 =	smov.u32 s5;
	s5 =	sadd.s32 $0x400, s5;
	v6 =	vld [tilespmem:s6+$0xFFFFFFE0]  }
0xb5: {  	v7 =	vld [tilespmem:s6+$0xFFFFFFF0]  }
0xb6: {  	v8 =	vld [tilespmem:s6+$0x0]  }
0xb7: {  	v9 =	vld [tilespmem:s6+$0x10];
	_ =	sdelay $0x1  }
0xb8: {  	v6 =	vnsel vm3, $0x0, v6  }
0xb9: {  	v7 =	vnsel vm2, $0x0, v7;
	(xrf0) =	vadd.scan.msk.s32 $0xffff, v6  }
0xba: {  	v6 =	vnsel vm1, $0x0, v8;
	(xrf0) =	vadd.scan.msk.s32 $0xffff, v7  }
0xbb: {  	v7 =	vnsel vm0, $0x0, v9;
	(xrf0) =	vadd.scan.msk.s32 $0xffff, v6  }
0xbc: {  	(xrf0) =	vadd.scan.msk.s32 $0xffff, v7;
	_ =	sdelay $0x2  }
0xbd: {  	v6, _, _ =	vpop (xrf0)  }
0xbe: {  	(v2sf) =	vpush v6, $0xF;
	v6, _, _ =	vpop (xrf0)  }
0xbf: {  	(v2sf) =	vpush v6, $0xF;
	v6, _, _ =	vpop (xrf0)  }
0xc0: {  	(v2sf) =	vpush v6, $0xF;
	v6, _, _ =	vpop (xrf0)  }
0xc1: {  	(v2sf) =	vpush v6, $0xF;
	_ =	sdelay $0xb  }
0xc2: {  	s10 =	spop (v2sf)  }
0xc3: {  	s11 =	spop (v2sf)  }
0xc4: {  	s10 =	sadd.s32 s10, s11;
	s11 =	spop (v2sf)  }
0xc5: {  	s10 =	sadd.s32 s11, s10;
	s11 =	spop (v2sf)  }
0xc6: {  	s10 =	sadd.s32 s11, s10  }
0xc7: {  	s11 =	sand.u32 $0x1FFF, s10;
	s10 =	sshra.s32 s10, $0xD  }
0xc8: {  	s12 =	sadd.s32 s10, s8;
	[smem:s7+$0xFFFFFFFF] =	sst s11;
	s10 =	sand.u32 $0x7, s10  }
0xc9: {  	s11 =	sadd.s32 $0xFFFFFF80, s12;
	[smem:s7] =	sst s10;
	s10 =	sshrl.u32 s12, $0x3  }
0xca: {  	s9 =	sshra.s32 s9, $0x2;
	s11 =	sshrl.u32 s11, $0x3  }
0xcb: {  	s12 =	sadd.s32 $0x18000, s9;
	s13 =	sadd.s32 s3, s11  }
0xcc: {  	[tilespmem:s12], [sflag:$0x1] =	stream.linear.gather [hbm4b:s13+s2], $0x80, $0x38;
	[tilespmem:$0x1F080] =	vst v63  }
0xcd: {  	s12 =	sadd.s32 $0x1A000, s9;
	s13 =	sadd.s32 s20, s11  }
0xce: {  	[tilespmem:s12], [sflag:$0x1] =	stream.linear.gather [hbm4b:s13+s2], $0x80, $0x38;
	[tilespmem:$0x1F080] =	vst v63  }
0xcf: {  	s6 =	sadd.s32 $0x80, s6;
	s11 =	sadd.s32 s21, s11;
	s12 =	sadd.s32 $0x1C000, s9  }
0xd0: {  	[tilespmem:s12], [sflag:$0x1] =	stream.linear.gather [hbm4b:s11+s2], $0x80, $0x38;
	[tilespmem:$0x1F080] =	vst v63  }
.Ltmp4:
0xd1: {  	s11 =	sadd.s32 $0x18080, s9;
	s12 =	sadd.s32 s3, s10;
	(pc) =	sbr.rel @p0 .LBB2_6-.Ltmp4, $4  }
0xd2: {  	[tilespmem:s11], [sflag:$0x1] =	stream.linear.gather [hbm4b:s12+s2], $0x80, $0x38;
	[tilespmem:$0x1F080] =	vst v63  }
0xd3: {  	s7 =	sadd.s32 $0x2, s7;
	s11 =	sadd.s32 $0x1A080, s9;
	s12 =	sadd.s32 s20, s10  }
0xd4: {  	[tilespmem:s11], [sflag:$0x1] =	stream.linear.gather [hbm4b:s12+s2], $0x80, $0x38;
	[tilespmem:$0x1F080] =	vst v63  }
0xd5: {  	s8 =	sadd.s32 $0x2000, s8;
	s9 =	sadd.s32 $0x1C080, s9;
	s10 =	sadd.s32 s21, s10  }
.LBB2_7:
0xd6: {  	[tilespmem:s9], [sflag:$0x1] =	stream.linear.gather [hbm4b:s10+s2], $0x80, $0x38;
	[tilespmem:$0x1F080] =	vst v63  }
0xd7: {  	s5 =	simm.s32 $0xC0  }
.LBB2_8:
0xd8: {  	p0 =	sne.s32 s5, $0x1  }
.Ltmp5:
0xd9: {  	_ = 	snop;
	(pc) =	sbr.rel @p0 .LBB2_8-.Ltmp5, $4  }
0xda: {  	_ = 	snop  }
0xdb: {  	_ =	swait.ge [sflag:s30], $0x80  }
0xdc: {  	[sflag:s30] =	ssyncset.done $0x0  }
0xdd: {  	s5 =	sadd.s32 $0xFFFFFFFF, s5;
	[sflag:s30] =	ssyncadd.s32 $0xFFFFFF80  }
.Ltmp6:
0xde: {  	(pc) =	sbr.rel .LBB2_10-.Ltmp6, $2  }
0xdf: {  	_ =	sdelay $0x2  }
0xe0: {  	s5 =	simm.s32 $0x0;
	s6 =	simm.s32 $0x0  }
.LBB2_12:
0xe1: {  	_ = 	snop  }
.LBB2_15:
0xe2: {  	_ =	sdelay $0x3  }
0xe3: {  	s8 =	sand.u32 $0xFFFFFF80, s9;
	s13 =	sand.u32 $0x70, s7  }
0xe4: {  	[tilespmem:v9+s31+$0x0] =	vst.idx.msk @p0 vm4, v8;
	s8 =	sor.u32 s13, s8  }
0xe5: {  	v8 =	vld [tilespmem:s8+$0x18000];
	_ =	sdelay $0x1  }
0xe6: {  	v63 =	vor.u32 s7, v0  }
0xe7: {  	vm4 =	vge.s32 v63, v6;
	vm5 =	vlt.s32 v63, v7  }
0xe8: {  	vm4 =	vmand vm4, vm5  }
0xe9: {  	v6 =	vld [tilespmem:s8+$0x1A000];
	v7 =	vand.u32 $0x7FFF, v8;
	_ =	sdelay $0x4  }
0xea: {  	[tilespmem:v7+s31+$0x0] =	vst.idx.msk vm4, v6  }
.LBB2_16:
0xeb: {  	s6 =	sadd.s32 $0x1, s6  }
0xec: {  	p0 =	sne.s32 s6, $0x20  }
.Ltmp7:
0xed: {  	_ = 	snop;
	(pc) =	sbr.rel @!p0 .LBB2_17-.Ltmp7, $2  }
0xee: {  	_ =	sdelay $0x2  }
0xef: {  	s5 =	sadd.s32 $0x100, s5  }
.LBB2_10:
0xf0: {  	s7 =	sshll.u32 s6, $0x1  }
0xf1: {  	s7 =	sand.u32 $0x3FFFFFFE, s7  }
0xf2: {  	s8 =	sor.u32 $0x1, s7;
	s7 =	sld [smem:s7+$0x0]  }
0xf3: {  	s8 =	sld [smem:s8+$0x0];
	_ =	sdelay $0x2  }
0xf4: {  	s9 =	sadd.s32 s8, s7  }
0xf5: {  	s7 =	sadd.s32 $0xF, s9  }
0xf6: {  	s10 =	sand.u32 $0xF, s7  }
0xf7: {  	s13 =	sshra.s32 s7, $0x1F;
	p1 =	slt.s32 s7, $0x1;
	p0 =	sne.s32 s10, $0x0  }
0xf8: {  	s10 =	sshrl.u32 s13, $0x1C;
	p0 =	por !p1, !p0  }
0xf9: {  	s7 =	sadd.s32 s10, s7;
	s10 =	simm.s32 $0x1;
	p0 =	por !p0, !p0  }
0xfa: {  	s7 =	sshra.s32 s7, $0x4;
	s10 =	simm.s32 @!p0 $0x0  }
0xfb: {  	s10 =	ssub.s32 s7, s10  }
0xfc: {  	p0 =	slt.s32 s10, $0x1  }
.Ltmp8:
0xfd: {  	_ = 	snop;
	(pc) =	sbr.rel @p0 .LBB2_16-.Ltmp8, $1  }
0xfe: {  	_ =	sdelay $0x3  }
0xff: {  	p1 =	sne.s32 s10, $0x1  }
.Ltmp9:
0x100: {  	_ = 	snop;
	(pc) =	sbr.rel @!p1 .LBB2_12-.Ltmp9, $3  }
0x101: {  	_ =	sdelay $0x1  }
0x102: {  	s7 =	simm.s32 $0x0  }
0x103: {  	v6 =	vmov s8;
	v7 =	vmov s9;
	s9 =	sadd.s32 $0x0, s5;
	s8 =	sadd.s32 $0xFFFFFFFF, s10;
	p0 =	por $0x0, $0x0  }
0x104: {  	s9 =	sand.u32 $0xFFFFFF80, s9;
	s10 =	sand.u32 $0x70, s7  }
0x105: {  	s9 =	sor.u32 s10, s9  }
0x106: {  	v9 =	vld [tilespmem:s9+$0x18000];
	_ =	sdelay $0x1  }
0x107: {  	v8 =	vor.u32 s7, v0  }
0x108: {  	p1 =	sne.s32 s8, $0x1;
	vm4 =	vge.s32 v8, v6;
	vm5 =	vlt.s32 v8, v7  }
.Ltmp10:
0x109: {  	vm4 =	vmand vm4, vm5;
	(pc) =	sbr.rel @!p1 .LBB2_15-.Ltmp10, $3  }
0x10a: {  	v8 =	vld [tilespmem:s9+$0x1A000];
	v9 =	vand.u32 $0x7FFF, v9;
	_ =	sdelay $0x1  }
0x10b: {  	s7 =	simm.s32 $0x10  }
0x10c: {  	s8 =	sadd.s32 $0xFFFFFFFF, s8;
	p0 =	por $0x1, $0x1;
	s9 =	sadd.s32 $0x10, s5  }
.LBB2_14:
0x10d: {  	p1 =	sne.s32 s8, $0x1;
	s9 =	sand.u32 $0xFFFFFF80, s9;
	s10 =	sand.u32 $0x70, s7  }
0x10e: {  	s9 =	sor.u32 s10, s9;
	[tilespmem:v9+s31+$0x0] =	vst.idx.msk vm4, v8  }
0x10f: {  	v9 =	vld [tilespmem:s9+$0x18000];
	_ =	sdelay $0x1  }
0x110: {  	v8 =	vor.u32 s7, v0  }
0x111: {  	vm4 =	vge.s32 v8, v6;
	vm5 =	vlt.s32 v8, v7  }
.Ltmp11:
0x112: {  	vm4 =	vmand vm4, vm5;
	(pc) =	sbr.rel @p1 .LBB2_14-.Ltmp11, $3  }
0x113: {  	v8 =	vld [tilespmem:s9+$0x1A000];
	v9 =	vand.u32 $0x7FFF, v9;
	_ =	sdelay $0x1  }
0x114: {  	s7 =	sadd.s32 $0x10, s7  }
0x115: {  	s8 =	sadd.s32 $0xFFFFFFFF, s8;
	s9 =	sadd.s32 s7, s5  }
.Ltmp12:
0x116: {  	_ = 	snop;
	(pc) =	sbr.rel .LBB2_15-.Ltmp12, $1  }
0x117: {  	_ =	sdelay $0x3  }
.LBB2_17:
0x118: {  	_ =	swait.ge [sflag:s0], $0x8000  }
0x119: {  	[sflag:s0] =	ssyncset.done $0x0  }
0x11a: {  	[sflag:s0] =	ssyncadd.s32 $0xFFFF8000  }
0x11b: {  	_ =	swait.ge [sflag:s0], $0x8000  }
0x11c: {  	[sflag:s0] =	ssyncset.done $0x0  }
0x11d: {  	s5 =	simm.s32 $0x0;
	[sflag:s0] =	ssyncadd.s32 $0xFFFF8000  }
0x11e: {  	v6 =	vld [tilespmem:s5+$0x0]  }
0x11f: {  	v7 =	vld [tilespmem:s5+$0x10000]  }
0x120: {  	v8 =	vld [tilespmem:s5+$0x8000]  }
0x121: {  	v10 =	vld [tilespmem:s5+$0x10];
	_ =	sdelay $0x1  }
0x122: {  	v9 =	vld [tilespmem:s5+$0x10010];
	v11 =	vmul.f32 $8.999999760e-01, v6  }
0x123: {  	v13 =	vld [tilespmem:s5+$0x8010];
	v12 =	vshll.u32 v7, $0x10  }
0x124: {  	vm4 =	veq.s32 v12, $0x0;
	v11 =	vmax.f32 v11, v12;
	v12 =	vmul.f32 $8.999999760e-01, v8  }
0x125: {  	v7 =	vand.u32 $0xFFFF0000, v7;
	v15 =	vmul.f32 $8.999999760e-01, v10;
	v6 =	vsel vm4, v6, v11;
	v11 =	vld [tilespmem:s5+$0x20]  }
0x126: {  	v14 =	vld [tilespmem:s5+$0x10020];
	vm4 =	veq.s32 v7, $0x0;
	v7 =	vmax.f32 v12, v7;
	v12 =	vimm.f32 $0.0e+00  }
0x127: {  	v16 =	vshll.u32 v9, $0x10;
	[tilespmem:s5+$0x0] =	vst v6;
	v7 =	vsel vm4, v8, v7;
	v8 =	vld [tilespmem:s5+$0x8020];
	v6 =	vadd.f32 v6, v12  }
0x128: {  	vm4 =	veq.s32 v16, $0x0;
	v12 =	vmax.f32 v15, v16;
	v15 =	vmul.f32 $8.999999760e-01, v13  }
0x129: {  	v9 =	vand.u32 $0xFFFF0000, v9;
	v10 =	vsel vm4, v10, v12;
	v12 =	vld [tilespmem:s5+$0x30];
	v6 =	vadd.f32 v7, v6  }
0x12a: {  	v16 =	vld [tilespmem:s5+$0x10030];
	[tilespmem:s5+$0x8000] =	vst v7;
	vm4 =	veq.s32 v9, $0x0;
	v7 =	vmax.f32 v15, v9;
	v9 =	vmul.f32 $8.999999760e-01, v11  }
0x12b: {  	v15 =	vshll.u32 v14, $0x10;
	v7 =	vsel vm4, v13, v7;
	v13 =	vld [tilespmem:s5+$0x8030];
	v6 =	vadd.f32 v10, v6  }
0x12c: {  	[tilespmem:s5+$0x10] =	vst v10;
	vm4 =	veq.s32 v15, $0x0;
	v9 =	vmax.f32 v9, v15;
	v10 =	vmul.f32 $8.999999760e-01, v8  }
0x12d: {  	v14 =	vand.u32 $0xFFFF0000, v14;
	v9 =	vsel vm4, v11, v9;
	v11 =	vld [tilespmem:s5+$0x40];
	v6 =	vadd.f32 v7, v6  }
0x12e: {  	[tilespmem:s5+$0x8010] =	vst v7;
	v15 =	vld [tilespmem:s5+$0x10040];
	vm4 =	veq.s32 v14, $0x0;
	v7 =	vmax.f32 v10, v14;
	v10 =	vmul.f32 $8.999999760e-01, v12  }
0x12f: {  	v14 =	vshll.u32 v16, $0x10;
	v7 =	vsel vm4, v8, v7;
	v8 =	vld [tilespmem:s5+$0x8040];
	v6 =	vadd.f32 v9, v6  }
0x130: {  	[tilespmem:s5+$0x20] =	vst v9;
	v9 =	vmax.f32 v10, v14;
	v10 =	vmul.f32 $8.999999760e-01, v13  }
0x131: {  	v16 =	vand.u32 $0xFFFF0000, v16;
	vm4 =	veq.s32 v14, $0x0;
	v14 =	vld [tilespmem:s5+$0x10050];
	v6 =	vadd.f32 v7, v6  }
0x132: {  	[tilespmem:s5+$0x8020] =	vst v7;
	v9 =	vsel vm4, v12, v9;
	v12 =	vld [tilespmem:s5+$0x50];
	v7 =	vmax.f32 v10, v16;
	v10 =	vmul.f32 $8.999999760e-01, v11  }
0x133: {  	vm4 =	veq.s32 v16, $0x0;
	[tilespmem:s5+$0x30] =	vst v9;
	v16 =	vshll.u32 v15, $0x10;
	v9 =	vadd.f32 v9, v6  }
0x134: {  	v7 =	vsel vm4, v13, v7;
	v13 =	vld [tilespmem:s5+$0x8050];
	v6 =	vmax.f32 v10, v16;
	v10 =	vmul.f32 $8.999999760e-01, v8  }
0x135: {  	v15 =	vand.u32 $0xFFFF0000, v15;
	vm4 =	veq.s32 v16, $0x0;
	v16 =	vld [tilespmem:s5+$0x10060];
	v9 =	vadd.f32 v7, v9  }
0x136: {  	[tilespmem:s5+$0x8030] =	vst v7;
	v11 =	vsel vm4, v11, v6;
	v6 =	vld [tilespmem:s5+$0x60];
	vm4 =	veq.s32 v15, $0x0;
	v7 =	vmax.f32 v10, v15  }
0x137: {  	v10 =	vmul.f32 $8.999999760e-01, v12;
	v15 =	vshll.u32 v14, $0x10;
	v9 =	vadd.f32 v11, v9  }
0x138: {  	[tilespmem:s5+$0x40] =	vst v11;
	v8 =	vsel vm4, v8, v7;
	v7 =	vld [tilespmem:s5+$0x8060];
	v11 =	vand.u32 $0xFFFF0000, v14;
	vm4 =	veq.s32 v15, $0x0  }
0x139: {  	v14 =	vmax.f32 v10, v15;
	v10 =	vld [tilespmem:s5+$0x10070];
	v15 =	vmul.f32 $8.999999760e-01, v13;
	v9 =	vadd.f32 v8, v9  }
0x13a: {  	[tilespmem:s5+$0x8040] =	vst v8;
	v12 =	vsel vm4, v12, v14;
	v8 =	vld [tilespmem:s5+$0x70];
	vm4 =	veq.s32 v11, $0x0;
	v14 =	vshll.u32 v16, $0x10  }
0x13b: {  	[tilespmem:s5+$0x50] =	vst v12;
	v11 =	vmax.f32 v15, v11;
	v15 =	vmul.f32 $8.999999760e-01, v6;
	v12 =	vadd.f32 v12, v9  }
0x13c: {  	s6 =	simm.s32 $0x80;
	v9 =	vld [tilespmem:s5+$0x8070];
	v17 =	vsel vm4, v13, v11;
	v13 =	vand.u32 $0xFFFF0000, v16;
	vm4 =	veq.s32 v14, $0x0  }
0x13d: {  	s7 =	simm.s32 $0x400;
	v11 =	vld [tilespmem:s6+$0x10000];
	[tilespmem:s5+$0x8050] =	vst v17;
	v15 =	vmax.f32 v15, v14;
	v14 =	vmul.f32 $8.999999760e-01, v7;
	v12 =	vadd.f32 v17, v12  }
.LBB2_18:
0x13e: {  	p0 =	sne.s32 s7, $0x1FE00;
	v16 =	vld [tilespmem:s6+$0x0];
	v6 =	vsel vm4, v6, v15;
	vm4 =	veq.s32 v13, $0x0;
	v15 =	vshll.u32 v10, $0x10  }
0x13f: {  	v13 =	vmax.f32 v14, v13;
	[tilespmem:s5+$0x60] =	vst v6;
	v6 =	vadd.f32 v6, v12;
	v12 =	vmul.f32 $8.999999760e-01, v8  }
0x140: {  	v10 =	vand.u32 $0xFFFF0000, v10;
	v14 =	vld [tilespmem:s6+$0x8000];
	v7 =	vsel vm4, v7, v13;
	vm4 =	veq.s32 v15, $0x0  }
0x141: {  	v13 =	vld [tilespmem:s6+$0x10010];
	[tilespmem:s5+$0x8060] =	vst v7;
	v6 =	vadd.f32 v7, v6;
	v7 =	vmax.f32 v12, v15;
	v12 =	vmul.f32 $8.999999760e-01, v9  }
0x142: {  	v15 =	vshll.u32 v11, $0x10;
	v17 =	vld [tilespmem:s6+$0x10];
	v7 =	vsel vm4, v8, v7;
	vm4 =	veq.s32 v10, $0x0  }
0x143: {  	v8 =	vmul.f32 $8.999999760e-01, v16;
	v10 =	vmax.f32 v12, v10;
	[tilespmem:s5+$0x70] =	vst v7;
	v6 =	vadd.f32 v7, v6  }
0x144: {  	v7 =	vand.u32 $0xFFFF0000, v11;
	vm5 =	veq.s32 v15, $0x0;
	v11 =	vld [tilespmem:s6+$0x8010];
	v9 =	vsel vm4, v9, v10  }
0x145: {  	v8 =	vmax.f32 v8, v15;
	v10 =	vmul.f32 $8.999999760e-01, v14;
	v12 =	vld [tilespmem:s6+$0x10020];
	[tilespmem:s5+$0x8070] =	vst v9;
	v6 =	vadd.f32 v9, v6;
	s5 =	smov.u32 s6  }
0x146: {  	vm4 =	veq.s32 v7, $0x0;
	v8 =	vsel vm5, v16, v8;
	v9 =	vshll.u32 v13, $0x10;
	v15 =	vld [tilespmem:s5+$0x20]  }
0x147: {  	v7 =	vmax.f32 v10, v7;
	[tilespmem:s5+$0x0] =	vst v8;
	v6 =	vadd.f32 v8, v6;
	v8 =	vmul.f32 $8.999999760e-01, v17  }
0x148: {  	v10 =	vand.u32 $0xFFFF0000, v13;
	v7 =	vsel vm4, v14, v7;
	vm4 =	veq.s32 v9, $0x0;
	v13 =	vld [tilespmem:s5+$0x8020]  }
0x149: {  	[tilespmem:s5+$0x8000] =	vst v7;
	v6 =	vadd.f32 v7, v6;
	v7 =	vmax.f32 v8, v9;
	v8 =	vmul.f32 $8.999999760e-01, v11;
	v9 =	vld [tilespmem:s5+$0x10030]  }
0x14a: {  	v7 =	vsel vm4, v17, v7;
	vm4 =	veq.s32 v10, $0x0;
	v14 =	vshll.u32 v12, $0x10;
	v16 =	vld [tilespmem:s5+$0x30]  }
0x14b: {  	v8 =	vmax.f32 v8, v10;
	[tilespmem:s5+$0x10] =	vst v7;
	v6 =	vadd.f32 v7, v6;
	v7 =	vmul.f32 $8.999999760e-01, v15  }
0x14c: {  	v10 =	vand.u32 $0xFFFF0000, v12;
	v8 =	vsel vm4, v11, v8;
	vm4 =	veq.s32 v14, $0x0;
	v11 =	vld [tilespmem:s5+$0x8030]  }
0x14d: {  	[tilespmem:s5+$0x8010] =	vst v8;
	v6 =	vadd.f32 v8, v6;
	v7 =	vmax.f32 v7, v14;
	v8 =	vmul.f32 $8.999999760e-01, v13;
	v12 =	vld [tilespmem:s5+$0x10040]  }
0x14e: {  	v7 =	vsel vm4, v15, v7;
	vm4 =	veq.s32 v10, $0x0;
	v14 =	vshll.u32 v9, $0x10;
	v15 =	vld [tilespmem:s5+$0x40]  }
0x14f: {  	v8 =	vmax.f32 v8, v10;
	[tilespmem:s5+$0x20] =	vst v7;
	v6 =	vadd.f32 v7, v6;
	v7 =	vmul.f32 $8.999999760e-01, v16  }
0x150: {  	v9 =	vand.u32 $0xFFFF0000, v9;
	v8 =	vsel vm4, v13, v8;
	vm4 =	veq.s32 v14, $0x0;
	v10 =	vld [tilespmem:s5+$0x8040]  }
0x151: {  	[tilespmem:s5+$0x8020] =	vst v8;
	v6 =	vadd.f32 v8, v6;
	v7 =	vmax.f32 v7, v14;
	v8 =	vmul.f32 $8.999999760e-01, v11;
	v13 =	vld [tilespmem:s5+$0x10050]  }
0x152: {  	v7 =	vsel vm4, v16, v7;
	vm4 =	veq.s32 v9, $0x0;
	v14 =	vshll.u32 v12, $0x10;
	v16 =	vld [tilespmem:s5+$0x50]  }
0x153: {  	v8 =	vmax.f32 v8, v9;
	[tilespmem:s5+$0x30] =	vst v7;
	v6 =	vadd.f32 v7, v6;
	v7 =	vmul.f32 $8.999999760e-01, v15  }
0x154: {  	v9 =	vand.u32 $0xFFFF0000, v12;
	v8 =	vsel vm4, v11, v8;
	vm4 =	veq.s32 v14, $0x0;
	v11 =	vld [tilespmem:s5+$0x8050]  }
0x155: {  	[tilespmem:s5+$0x8030] =	vst v8;
	v8 =	vadd.f32 v8, v6;
	v6 =	vmax.f32 v7, v14;
	v7 =	vmul.f32 $8.999999760e-01, v10;
	v12 =	vld [tilespmem:s5+$0x10060]  }
0x156: {  	v14 =	vsel vm4, v15, v6;
	vm4 =	veq.s32 v9, $0x0;
	v15 =	vshll.u32 v13, $0x10;
	v6 =	vld [tilespmem:s5+$0x60]  }
0x157: {  	v7 =	vmax.f32 v7, v9;
	[tilespmem:s5+$0x40] =	vst v14;
	v8 =	vadd.f32 v14, v8;
	v9 =	vmul.f32 $8.999999760e-01, v16  }
0x158: {  	v13 =	vand.u32 $0xFFFF0000, v13;
	v10 =	vsel vm4, v10, v7;
	vm4 =	veq.s32 v15, $0x0;
	v7 =	vld [tilespmem:s5+$0x8060]  }
.Ltmp13:
0x159: {  	[tilespmem:s5+$0x8040] =	vst v10;
	v14 =	vadd.f32 v10, v8;
	v8 =	vmax.f32 v9, v15;
	v9 =	vmul.f32 $8.999999760e-01, v11;
	v10 =	vld [tilespmem:s5+$0x10070];
	(pc) =	sbr.rel @p0 .LBB2_18-.Ltmp13, $4  }
0x15a: {  	v15 =	vsel vm4, v16, v8;
	vm4 =	veq.s32 v13, $0x0;
	v16 =	vshll.u32 v12, $0x10;
	v8 =	vld [tilespmem:s5+$0x70]  }
0x15b: {  	v9 =	vmax.f32 v9, v13;
	[tilespmem:s5+$0x50] =	vst v15;
	v14 =	vadd.f32 v15, v14;
	v15 =	vmul.f32 $8.999999760e-01, v6  }
0x15c: {  	s6 =	sshra.s32 s7, $0x2;
	v13 =	vand.u32 $0xFFFF0000, v12;
	v17 =	vsel vm4, v11, v9;
	vm4 =	veq.s32 v16, $0x0;
	v9 =	vld [tilespmem:s5+$0x8070]  }
0x15d: {  	s7 =	sadd.s32 $0x200, s7;
	v11 =	vld [tilespmem:s6+$0x10000];
	[tilespmem:s5+$0x8050] =	vst v17;
	v12 =	vadd.f32 v17, v14;
	v15 =	vmax.f32 v15, v16;
	v14 =	vmul.f32 $8.999999760e-01, v7  }
0x15e: {  	v6 =	vsel vm4, v6, v15  }
0x15f: {  	vm4 =	veq.s32 v13, $0x0;
	v57 =	vmax.f32 v14, v13;
	v58 =	vmul.f32 $8.999999760e-01, v8  }
0x160: {  	v16 =	vld [tilespmem:s6+$0x0];
	v17 =	vshll.u32 v10, $0x10;
	[tilespmem:s5+$0x60] =	vst v6;
	v7 =	vsel vm4, v7, v57  }
0x161: {  	v59 =	vld [tilespmem:s6+$0x8000];
	vm4 =	veq.s32 v17, $0x0;
	v14 =	vmax.f32 v58, v17;
	v61 =	vmul.f32 $8.999999760e-01, v9  }
0x162: {  	v62 =	vand.u32 $0xFFFF0000, v10;
	v60 =	vld [tilespmem:s6+$0x10010];
	[tilespmem:s5+$0x8060] =	vst v7;
	v8 =	vsel vm4, v8, v14  }
0x163: {  	v18 =	vld [tilespmem:s6+$0x10];
	vm4 =	veq.s32 v62, $0x0;
	[tilespmem:s5+$0x70] =	vst v8;
	v10 =	vmax.f32 v61, v62  }
0x164: {  	v21 =	vld [tilespmem:s6+$0x8010];
	v22 =	vsel vm4, v9, v10  }
0x165: {  	v23 =	vld [tilespmem:s6+$0x10020];
	[tilespmem:s5+$0x8070] =	vst v22  }
0x166: {  	v26 =	vld [tilespmem:s6+$0x20]  }
0x167: {  	v28 =	vld [tilespmem:s6+$0x8020]  }
0x168: {  	v30 =	vld [tilespmem:s6+$0x10030]  }
0x169: {  	v6 =	vadd.f32 v6, v12;
	v31 =	vld [tilespmem:s6+$0x30]  }
0x16a: {  	v33 =	vld [tilespmem:s6+$0x8030]  }
0x16b: {  	v6 =	vadd.f32 v7, v6;
	v36 =	vld [tilespmem:s6+$0x10040]  }
0x16c: {  	v63 =	vmul.f32 $8.999999760e-01, v16;
	v37 =	vld [tilespmem:s6+$0x40]  }
0x16d: {  	v19 =	vshll.u32 v11, $0x10;
	v6 =	vadd.f32 v8, v6;
	v39 =	vld [tilespmem:s6+$0x8040]  }
0x16e: {  	v25 =	vand.u32 $0xFFFF0000, v11;
	vm4 =	veq.s32 v19, $0x0;
	v14 =	vmax.f32 v63, v19;
	v42 =	vld [tilespmem:s6+$0x10050]  }
0x16f: {  	v24 =	vmul.f32 $8.999999760e-01, v59;
	v7 =	vshll.u32 v60, $0x10;
	v6 =	vadd.f32 v22, v6;
	v43 =	vld [tilespmem:s6+$0x50]  }
0x170: {  	v13 =	vand.u32 $0xFFFF0000, v60;
	v14 =	vsel vm4, v16, v14;
	v45 =	vld [tilespmem:s6+$0x8050];
	v27 =	vmul.f32 $8.999999760e-01, v18  }
0x171: {  	vm4 =	veq.s32 v25, $0x0;
	v47 =	vld [tilespmem:s6+$0x10060];
	v11 =	vmax.f32 v24, v25;
	v6 =	vadd.f32 v14, v6  }
0x172: {  	v48 =	vld [tilespmem:s6+$0x60];
	v11 =	vsel vm4, v59, v11;
	vm4 =	veq.s32 v7, $0x0;
	v7 =	vmax.f32 v27, v7  }
0x173: {  	v51 =	vld [tilespmem:s6+$0x8060];
	v29 =	vmul.f32 $8.999999760e-01, v21;
	v34 =	vshll.u32 v23, $0x10;
	v10 =	vand.u32 $0xFFFF0000, v23  }
0x174: {  	v53 =	vld [tilespmem:s6+$0x10070];
	v6 =	vadd.f32 v11, v6;
	v7 =	vsel vm4, v18, v7;
	vm4 =	veq.s32 v13, $0x0  }
0x175: {  	v54 =	vld [tilespmem:s6+$0x70];
	v8 =	vmax.f32 v29, v13;
	v32 =	vmul.f32 $8.999999760e-01, v26;
	v35 =	vmul.f32 $8.999999760e-01, v28  }
0x176: {  	v57 =	vld [tilespmem:s6+$0x8070];
	v38 =	vmul.f32 $8.999999760e-01, v31;
	v40 =	vshll.u32 v30, $0x10;
	v41 =	vmul.f32 $8.999999760e-01, v33  }
0x177: {  	v19 =	vand.u32 $0xFFFF0000, v30;
	v6 =	vadd.f32 v7, v6;
	v44 =	vmul.f32 $8.999999760e-01, v37  }
0x178: {  	v46 =	vmul.f32 $8.999999760e-01, v39;
	v17 =	vand.u32 $0xFFFF0000, v36;
	v50 =	vmul.f32 $8.999999760e-01, v43  }
0x179: {  	v52 =	vshll.u32 v42, $0x10;
	v55 =	vmul.f32 $8.999999760e-01, v45;
	v56 =	vmul.f32 $8.999999760e-01, v48  }
0x17a: {  	v58 =	vshll.u32 v47, $0x10;
	v59 =	vmul.f32 $8.999999760e-01, v51;
	v60 =	vand.u32 $0xFFFF0000, v47  }
0x17b: {  	v61 =	vmul.f32 $8.999999760e-01, v54;
	v62 =	vshll.u32 v53, $0x10;
	v63 =	vmul.f32 $8.999999760e-01, v57  }
0x17c: {  	[tilespmem:s6+$0x8000] =	vst v11;
	v12 =	vand.u32 $0xFFFF0000, v53;
	v8 =	vsel vm4, v21, v8;
	vm4 =	veq.s32 v34, $0x0  }
0x17d: {  	[tilespmem:s6+$0x10] =	vst v7;
	vm5 =	veq.s32 v58, $0x0;
	v9 =	vmax.f32 v32, v34;
	v11 =	vmax.f32 v38, v40  }
0x17e: {  	[tilespmem:s6+$0x8010] =	vst v8;
	v7 =	vmax.f32 v41, v19;
	v6 =	vadd.f32 v8, v6;
	v8 =	vshll.u32 v36, $0x10  }
0x17f: {  	v49 =	vmax.f32 v46, v17;
	v15 =	vmax.f32 v56, v58;
	v9 =	vsel vm4, v26, v9  }
0x180: {  	[tilespmem:s6+$0x0] =	vst v14;
	vm4 =	veq.s32 v10, $0x0;
	v10 =	vmax.f32 v35, v10;
	v6 =	vadd.f32 v9, v6  }
0x181: {  	v15 =	vsel vm5, v48, v15;
	[tilespmem:s6+$0x20] =	vst v9;
	v10 =	vsel vm4, v28, v10;
	vm4 =	veq.s32 v40, $0x0  }
0x182: {  	[tilespmem:s6+$0x60] =	vst v15;
	v11 =	vsel vm4, v31, v11;
	vm4 =	veq.s32 v19, $0x0;
	v6 =	vadd.f32 v10, v6  }
0x183: {  	[tilespmem:s6+$0x8020] =	vst v10;
	v7 =	vsel vm4, v33, v7;
	vm4 =	veq.s32 v8, $0x0;
	v8 =	vmax.f32 v44, v8  }
0x184: {  	[tilespmem:s6+$0x30] =	vst v11;
	v8 =	vsel vm4, v37, v8;
	vm4 =	veq.s32 v17, $0x0;
	v6 =	vadd.f32 v11, v6  }
0x185: {  	v13 =	vmax.f32 v59, v60;
	v10 =	vmax.f32 v50, v52;
	[tilespmem:s6+$0x8030] =	vst v7;
	v9 =	vsel vm4, v39, v49  }
0x186: {  	[tilespmem:s6+$0x40] =	vst v8;
	vm4 =	veq.s32 v52, $0x0;
	v6 =	vadd.f32 v7, v6;
	v7 =	vand.u32 $0xFFFF0000, v42  }
0x187: {  	[tilespmem:s6+$0x8040] =	vst v9;
	v10 =	vsel vm4, v43, v10;
	vm4 =	veq.s32 v7, $0x0;
	v7 =	vmax.f32 v55, v7  }
0x188: {  	v16 =	vmax.f32 v61, v62;
	[tilespmem:s6+$0x50] =	vst v10;
	v7 =	vsel vm4, v45, v7;
	vm4 =	veq.s32 v60, $0x0  }
0x189: {  	v6 =	vadd.f32 v8, v6;
	[tilespmem:s6+$0x8050] =	vst v7;
	v13 =	vsel vm4, v51, v13;
	vm4 =	veq.s32 v62, $0x0  }
0x18a: {  	[tilespmem:s6+$0x8060] =	vst v13;
	v11 =	vsel vm4, v54, v16;
	vm4 =	veq.s32 v12, $0x0;
	v12 =	vmax.f32 v63, v12  }
0x18b: {  	[tilespmem:s6+$0x70] =	vst v11;
	v12 =	vsel vm4, v57, v12  }
0x18c: {  	s10 =	rddreg [dreg:$0x6];
	s5 =	simm.s32 $0x0;
	v6 =	vadd.f32 v9, v6;
	[tilespmem:s6+$0x8070] =	vst v12  }
0x18d: {  	[hbm4b:s10+s26] =	stream.strided.scatter [tilespmem:s5], [sflag:$0x3], $0x8000, s28, s26, $0x38;
	[tilespmem:$0x1F080] =	vst v63  }
0x18e: {  	s11 =	rddreg [dreg:$0x7];
	v6 =	vadd.f32 v10, v6  }
0x18f: {  	[hbm4b:s11+s26] =	stream.strided.scatter [tilespmem:s29], [sflag:$0x4], $0x8000, s28, s26, $0x38;
	[tilespmem:$0x1F080] =	vst v63  }
0x190: {  	v6 =	vadd.f32 v7, v6;
	_ =	swait.ge [sflag:s1], $0x8000  }
0x191: {  	[sflag:s1] =	ssyncset.done $0x0  }
0x192: {  	v6 =	vadd.f32 v15, v6;
	[sflag:s1] =	ssyncadd.s32 $0xFFFF8000  }
0x193: {  	_ =	swait.ge [sflag:s25], $0x8000  }
.Ltmp14:
0x194: {  	v6 =	vadd.f32 v13, v6;
	[sflag:s25] =	ssyncset.done $0x0;
	(pc) =	sbr.rel .LBB2_20-.Ltmp14, $4  }
0x195: {  	s12 =	rddreg [dreg:$0x8];
	[sflag:s25] =	ssyncadd.s32 $0xFFFF8000  }
0x196: {  	v6 =	vadd.f32 v11, v6;
	[tilespmem:s5], [sflag:$0x2] =	stream.strided.gather [hbm4b:s12+s26], $0x8000, s28, s26, $0x38;
	[tilespmem:$0x1F080] =	vst v63  }
0x197: {  	s6 =	simm.s32 $0x0;
	s13 =	rddreg [dreg:$0x9]  }
0x198: {  	v6 =	vadd.f32 v12, v6;
	[tilespmem:s29], [sflag:$0x2] =	stream.strided.gather [hbm4b:s13+s26], $0x8000, s28, s26, $0x38;
	[tilespmem:$0x1F080] =	vst v63  }
.LBB2_22:
0x199: {  	_ = 	snop  }
.LBB2_25:
0x19a: {  	_ =	sdelay $0x3  }
0x19b: {  	s8 =	sand.u32 $0xFFFFFF80, s9;
	s13 =	sand.u32 $0x70, s7  }
0x19c: {  	[tilespmem:v10+s31+$0x0] =	vst.idx.msk @p0 vm4, v9;
	s8 =	sor.u32 s13, s8  }
0x19d: {  	v9 =	vld [tilespmem:s8+$0x18000];
	_ =	sdelay $0x1  }
0x19e: {  	v63 =	vor.u32 s7, v0  }
0x19f: {  	vm4 =	vge.s32 v63, v7;
	vm5 =	vlt.s32 v63, v8  }
0x1a0: {  	vm4 =	vmand vm4, vm5  }
0x1a1: {  	v7 =	vld [tilespmem:s8+$0x1C000];
	v8 =	vand.u32 $0x7FFF, v9;
	_ =	sdelay $0x4  }
0x1a2: {  	[tilespmem:v8+s31+$0x0] =	vst.idx.msk vm4, v7  }
.LBB2_26:
0x1a3: {  	s6 =	sadd.s32 $0x1, s6  }
0x1a4: {  	p0 =	sne.s32 s6, $0x20  }
.Ltmp15:
0x1a5: {  	_ = 	snop;
	(pc) =	sbr.rel @!p0 .LBB2_27-.Ltmp15, $2  }
0x1a6: {  	_ =	sdelay $0x2  }
0x1a7: {  	s5 =	sadd.s32 $0x100, s5  }
.LBB2_20:
0x1a8: {  	s7 =	sshll.u32 s6, $0x1  }
0x1a9: {  	s7 =	sand.u32 $0x3FFFFFFE, s7  }
0x1aa: {  	s8 =	sor.u32 $0x1, s7;
	s7 =	sld [smem:s7+$0x0]  }
0x1ab: {  	s8 =	sld [smem:s8+$0x0];
	_ =	sdelay $0x2  }
0x1ac: {  	s9 =	sadd.s32 s8, s7  }
0x1ad: {  	s7 =	sadd.s32 $0xF, s9  }
0x1ae: {  	s10 =	sand.u32 $0xF, s7  }
0x1af: {  	s13 =	sshra.s32 s7, $0x1F;
	p1 =	slt.s32 s7, $0x1;
	p0 =	sne.s32 s10, $0x0  }
0x1b0: {  	s10 =	sshrl.u32 s13, $0x1C;
	p0 =	por !p1, !p0  }
0x1b1: {  	s7 =	sadd.s32 s10, s7;
	s10 =	simm.s32 $0x1;
	p0 =	por !p0, !p0  }
0x1b2: {  	s7 =	sshra.s32 s7, $0x4;
	s10 =	simm.s32 @!p0 $0x0  }
0x1b3: {  	s10 =	ssub.s32 s7, s10  }
0x1b4: {  	p0 =	slt.s32 s10, $0x1  }
.Ltmp16:
0x1b5: {  	_ = 	snop;
	(pc) =	sbr.rel @p0 .LBB2_26-.Ltmp16, $1  }
0x1b6: {  	_ =	sdelay $0x3  }
0x1b7: {  	p1 =	sne.s32 s10, $0x1  }
.Ltmp17:
0x1b8: {  	_ = 	snop;
	(pc) =	sbr.rel @!p1 .LBB2_22-.Ltmp17, $3  }
0x1b9: {  	_ =	sdelay $0x1  }
0x1ba: {  	s7 =	simm.s32 $0x0  }
0x1bb: {  	v7 =	vmov s8;
	v8 =	vmov s9;
	s9 =	sadd.s32 $0x0, s5;
	s8 =	sadd.s32 $0xFFFFFFFF, s10;
	p0 =	por $0x0, $0x0  }
0x1bc: {  	s9 =	sand.u32 $0xFFFFFF80, s9;
	s10 =	sand.u32 $0x70, s7  }
0x1bd: {  	s9 =	sor.u32 s10, s9  }
0x1be: {  	v10 =	vld [tilespmem:s9+$0x18000];
	_ =	sdelay $0x1  }
0x1bf: {  	v9 =	vor.u32 s7, v0  }
0x1c0: {  	p1 =	sne.s32 s8, $0x1;
	vm4 =	vge.s32 v9, v7;
	vm5 =	vlt.s32 v9, v8  }
.Ltmp18:
0x1c1: {  	vm4 =	vmand vm4, vm5;
	(pc) =	sbr.rel @!p1 .LBB2_25-.Ltmp18, $3  }
0x1c2: {  	v9 =	vld [tilespmem:s9+$0x1C000];
	v10 =	vand.u32 $0x7FFF, v10;
	_ =	sdelay $0x1  }
0x1c3: {  	s7 =	simm.s32 $0x10  }
0x1c4: {  	s8 =	sadd.s32 $0xFFFFFFFF, s8;
	p0 =	por $0x1, $0x1;
	s9 =	sadd.s32 $0x10, s5  }
.LBB2_24:
0x1c5: {  	p1 =	sne.s32 s8, $0x1;
	s9 =	sand.u32 $0xFFFFFF80, s9;
	s10 =	sand.u32 $0x70, s7  }
0x1c6: {  	s9 =	sor.u32 s10, s9;
	[tilespmem:v10+s31+$0x0] =	vst.idx.msk vm4, v9  }
0x1c7: {  	v10 =	vld [tilespmem:s9+$0x18000];
	_ =	sdelay $0x1  }
0x1c8: {  	v9 =	vor.u32 s7, v0  }
0x1c9: {  	vm4 =	vge.s32 v9, v7;
	vm5 =	vlt.s32 v9, v8  }
.Ltmp19:
0x1ca: {  	vm4 =	vmand vm4, vm5;
	(pc) =	sbr.rel @p1 .LBB2_24-.Ltmp19, $3  }
0x1cb: {  	v9 =	vld [tilespmem:s9+$0x1C000];
	v10 =	vand.u32 $0x7FFF, v10;
	_ =	sdelay $0x1  }
0x1cc: {  	s7 =	sadd.s32 $0x10, s7  }
0x1cd: {  	s8 =	sadd.s32 $0xFFFFFFFF, s8;
	s9 =	sadd.s32 s7, s5  }
.Ltmp20:
0x1ce: {  	_ = 	snop;
	(pc) =	sbr.rel .LBB2_25-.Ltmp20, $1  }
0x1cf: {  	_ =	sdelay $0x3  }
.LBB2_27:
0x1d0: {  	_ =	swait.ge [sflag:s0], $0x8000  }
0x1d1: {  	[sflag:s0] =	ssyncset.done $0x0  }
0x1d2: {  	[sflag:s0] =	ssyncadd.s32 $0xFFFF8000  }
0x1d3: {  	_ =	swait.ge [sflag:s0], $0x8000  }
0x1d4: {  	[sflag:s0] =	ssyncset.done $0x0  }
0x1d5: {  	s5 =	simm.s32 $0x0;
	[sflag:s0] =	ssyncadd.s32 $0xFFFF8000  }
0x1d6: {  	v7 =	vld [tilespmem:s5+$0x0]  }
0x1d7: {  	v8 =	vld [tilespmem:s5+$0x10000]  }
0x1d8: {  	v9 =	vld [tilespmem:s5+$0x8000];
	_ =	sdelay $0x1  }
0x1d9: {  	v11 =	vld [tilespmem:s5+$0x10]  }
0x1da: {  	v10 =	vld [tilespmem:s5+$0x10010];
	v12 =	vmul.f32 $8.999999760e-01, v7  }
0x1db: {  	v14 =	vld [tilespmem:s5+$0x8010];
	v13 =	vshll.u32 v8, $0x10  }
0x1dc: {  	vm4 =	veq.s32 v13, $0x0;
	v12 =	vmax.f32 v12, v13;
	v13 =	vmul.f32 $8.999999760e-01, v9  }
0x1dd: {  	v8 =	vand.u32 $0xFFFF0000, v8;
	v7 =	vsel vm4, v7, v12;
	v12 =	vld [tilespmem:s5+$0x20]  }
0x1de: {  	v15 =	vld [tilespmem:s5+$0x10020];
	vm4 =	veq.s32 v8, $0x0;
	v8 =	vmax.f32 v13, v8;
	v13 =	vmul.f32 $8.999999760e-01, v11  }
0x1df: {  	v16 =	vshll.u32 v10, $0x10;
	v6 =	vadd.f32 v7, v6;
	v8 =	vsel vm4, v9, v8;
	v9 =	vld [tilespmem:s5+$0x8020]  }
0x1e0: {  	[tilespmem:s5+$0x0] =	vst v7;
	vm4 =	veq.s32 v16, $0x0;
	v7 =	vmax.f32 v13, v16;
	v13 =	vmul.f32 $8.999999760e-01, v14  }
0x1e1: {  	v10 =	vand.u32 $0xFFFF0000, v10;
	v6 =	vadd.f32 v8, v6;
	v7 =	vsel vm4, v11, v7;
	v11 =	vld [tilespmem:s5+$0x30]  }
0x1e2: {  	[tilespmem:s5+$0x8000] =	vst v8;
	v16 =	vld [tilespmem:s5+$0x10030];
	vm4 =	veq.s32 v10, $0x0;
	v8 =	vmax.f32 v13, v10;
	v10 =	vmul.f32 $8.999999760e-01, v12  }
0x1e3: {  	v13 =	vld [tilespmem:s5+$0x8030];
	v6 =	vadd.f32 v7, v6;
	v8 =	vsel vm4, v14, v8;
	v14 =	vshll.u32 v15, $0x10  }
0x1e4: {  	[tilespmem:s5+$0x10] =	vst v7;
	vm4 =	veq.s32 v14, $0x0;
	v7 =	vmax.f32 v10, v14;
	v10 =	vmul.f32 $8.999999760e-01, v9  }
0x1e5: {  	v15 =	vand.u32 $0xFFFF0000, v15;
	v6 =	vadd.f32 v8, v6;
	v7 =	vsel vm4, v12, v7;
	v12 =	vld [tilespmem:s5+$0x40]  }
0x1e6: {  	[tilespmem:s5+$0x8010] =	vst v8;
	v14 =	vld [tilespmem:s5+$0x10040];
	vm4 =	veq.s32 v15, $0x0;
	v8 =	vmax.f32 v10, v15;
	v10 =	vmul.f32 $8.999999760e-01, v11  }
0x1e7: {  	v15 =	vshll.u32 v16, $0x10;
	v6 =	vadd.f32 v7, v6;
	v8 =	vsel vm4, v9, v8;
	v9 =	vld [tilespmem:s5+$0x8040]  }
0x1e8: {  	[tilespmem:s5+$0x20] =	vst v7;
	vm4 =	veq.s32 v15, $0x0;
	v7 =	vmax.f32 v10, v15;
	v10 =	vmul.f32 $8.999999760e-01, v13  }
0x1e9: {  	v16 =	vand.u32 $0xFFFF0000, v16;
	v6 =	vadd.f32 v8, v6;
	v7 =	vsel vm4, v11, v7;
	v11 =	vld [tilespmem:s5+$0x50]  }
0x1ea: {  	[tilespmem:s5+$0x8020] =	vst v8;
	v15 =	vld [tilespmem:s5+$0x10050];
	vm4 =	veq.s32 v16, $0x0;
	v8 =	vmax.f32 v10, v16;
	v10 =	vmul.f32 $8.999999760e-01, v12  }
0x1eb: {  	[tilespmem:s5+$0x30] =	vst v7;
	v16 =	vshll.u32 v14, $0x10;
	v7 =	vadd.f32 v7, v6;
	v8 =	vsel vm4, v13, v8  }
0x1ec: {  	v13 =	vld [tilespmem:s5+$0x8050];
	vm4 =	veq.s32 v16, $0x0;
	v6 =	vmax.f32 v10, v16;
	v10 =	vmul.f32 $8.999999760e-01, v9  }
0x1ed: {  	v14 =	vand.u32 $0xFFFF0000, v14;
	[tilespmem:s5+$0x8030] =	vst v8;
	v16 =	vld [tilespmem:s5+$0x10060];
	v8 =	vadd.f32 v8, v7;
	v12 =	vsel vm4, v12, v6  }
0x1ee: {  	v6 =	vld [tilespmem:s5+$0x60];
	vm4 =	veq.s32 v14, $0x0;
	v7 =	vmax.f32 v10, v14;
	v10 =	vmul.f32 $8.999999760e-01, v11  }
0x1ef: {  	v8 =	vadd.f32 v12, v8;
	v14 =	vsel vm4, v9, v7;
	v9 =	vshll.u32 v15, $0x10  }
0x1f0: {  	[tilespmem:s5+$0x40] =	vst v12;
	v12 =	vand.u32 $0xFFFF0000, v15;
	v7 =	vld [tilespmem:s5+$0x8060];
	vm4 =	veq.s32 v9, $0x0  }
0x1f1: {  	[tilespmem:s5+$0x8040] =	vst v14;
	v10 =	vmax.f32 v10, v9;
	v9 =	vld [tilespmem:s5+$0x10070];
	v8 =	vadd.f32 v14, v8;
	v14 =	vmul.f32 $8.999999760e-01, v13  }
0x1f2: {  	v11 =	vsel vm4, v11, v10;
	v10 =	vld [tilespmem:s5+$0x70];
	vm4 =	veq.s32 v12, $0x0;
	v15 =	vshll.u32 v16, $0x10  }
0x1f3: {  	v12 =	vmax.f32 v14, v12;
	v14 =	vadd.f32 v11, v8;
	v17 =	vmul.f32 $8.999999760e-01, v6  }
0x1f4: {  	s6 =	simm.s32 $0x80;
	[tilespmem:s5+$0x50] =	vst v11;
	v8 =	vld [tilespmem:s5+$0x8070];
	v12 =	vsel vm4, v13, v12;
	v13 =	vand.u32 $0xFFFF0000, v16;
	vm4 =	veq.s32 v15, $0x0  }
0x1f5: {  	s7 =	simm.s32 $0x400;
	v11 =	vld [tilespmem:s6+$0x10000];
	[tilespmem:s5+$0x8050] =	vst v12;
	v12 =	vadd.f32 v12, v14;
	v15 =	vmax.f32 v17, v15;
	v14 =	vmul.f32 $8.999999760e-01, v7  }
.LBB2_28:
0x1f6: {  	p0 =	sne.s32 s7, $0x1FE00;
	v16 =	vld [tilespmem:s6+$0x0];
	v6 =	vsel vm4, v6, v15;
	vm4 =	veq.s32 v13, $0x0;
	v15 =	vshll.u32 v9, $0x10  }
0x1f7: {  	v13 =	vmax.f32 v14, v13;
	[tilespmem:s5+$0x60] =	vst v6;
	v6 =	vadd.f32 v6, v12;
	v12 =	vmul.f32 $8.999999760e-01, v10  }
0x1f8: {  	v9 =	vand.u32 $0xFFFF0000, v9;
	v14 =	vld [tilespmem:s6+$0x8000];
	v7 =	vsel vm4, v7, v13;
	vm4 =	veq.s32 v15, $0x0  }
0x1f9: {  	v13 =	vld [tilespmem:s6+$0x10010];
	[tilespmem:s5+$0x8060] =	vst v7;
	v6 =	vadd.f32 v7, v6;
	v7 =	vmax.f32 v12, v15;
	v12 =	vmul.f32 $8.999999760e-01, v8  }
0x1fa: {  	v15 =	vshll.u32 v11, $0x10;
	v17 =	vld [tilespmem:s6+$0x10];
	v7 =	vsel vm4, v10, v7;
	vm4 =	veq.s32 v9, $0x0  }
0x1fb: {  	v10 =	vmul.f32 $8.999999760e-01, v16;
	v9 =	vmax.f32 v12, v9;
	[tilespmem:s5+$0x70] =	vst v7;
	v6 =	vadd.f32 v7, v6  }
0x1fc: {  	v7 =	vand.u32 $0xFFFF0000, v11;
	vm5 =	veq.s32 v15, $0x0;
	v11 =	vld [tilespmem:s6+$0x8010];
	v8 =	vsel vm4, v8, v9  }
0x1fd: {  	v9 =	vmax.f32 v10, v15;
	v10 =	vmul.f32 $8.999999760e-01, v14;
	v12 =	vld [tilespmem:s6+$0x10020];
	[tilespmem:s5+$0x8070] =	vst v8;
	v6 =	vadd.f32 v8, v6;
	s5 =	smov.u32 s6  }
0x1fe: {  	vm4 =	veq.s32 v7, $0x0;
	v8 =	vsel vm5, v16, v9;
	v9 =	vshll.u32 v13, $0x10;
	v15 =	vld [tilespmem:s5+$0x20]  }
0x1ff: {  	v7 =	vmax.f32 v10, v7;
	[tilespmem:s5+$0x0] =	vst v8;
	v6 =	vadd.f32 v8, v6;
	v8 =	vmul.f32 $8.999999760e-01, v17  }
0x200: {  	v10 =	vand.u32 $0xFFFF0000, v13;
	v7 =	vsel vm4, v14, v7;
	vm4 =	veq.s32 v9, $0x0;
	v13 =	vld [tilespmem:s5+$0x8020]  }
0x201: {  	[tilespmem:s5+$0x8000] =	vst v7;
	v6 =	vadd.f32 v7, v6;
	v7 =	vmax.f32 v8, v9;
	v8 =	vmul.f32 $8.999999760e-01, v11;
	v9 =	vld [tilespmem:s5+$0x10030]  }
0x202: {  	v7 =	vsel vm4, v17, v7;
	vm4 =	veq.s32 v10, $0x0;
	v14 =	vshll.u32 v12, $0x10;
	v16 =	vld [tilespmem:s5+$0x30]  }
0x203: {  	v8 =	vmax.f32 v8, v10;
	[tilespmem:s5+$0x10] =	vst v7;
	v6 =	vadd.f32 v7, v6;
	v7 =	vmul.f32 $8.999999760e-01, v15  }
0x204: {  	v10 =	vand.u32 $0xFFFF0000, v12;
	v8 =	vsel vm4, v11, v8;
	vm4 =	veq.s32 v14, $0x0;
	v11 =	vld [tilespmem:s5+$0x8030]  }
0x205: {  	[tilespmem:s5+$0x8010] =	vst v8;
	v6 =	vadd.f32 v8, v6;
	v7 =	vmax.f32 v7, v14;
	v8 =	vmul.f32 $8.999999760e-01, v13;
	v12 =	vld [tilespmem:s5+$0x10040]  }
0x206: {  	v7 =	vsel vm4, v15, v7;
	vm4 =	veq.s32 v10, $0x0;
	v14 =	vshll.u32 v9, $0x10;
	v15 =	vld [tilespmem:s5+$0x40]  }
0x207: {  	v8 =	vmax.f32 v8, v10;
	[tilespmem:s5+$0x20] =	vst v7;
	v6 =	vadd.f32 v7, v6;
	v7 =	vmul.f32 $8.999999760e-01, v16  }
0x208: {  	v9 =	vand.u32 $0xFFFF0000, v9;
	v8 =	vsel vm4, v13, v8;
	vm4 =	veq.s32 v14, $0x0;
	v10 =	vld [tilespmem:s5+$0x8040]  }
0x209: {  	[tilespmem:s5+$0x8020] =	vst v8;
	v6 =	vadd.f32 v8, v6;
	v7 =	vmax.f32 v7, v14;
	v8 =	vmul.f32 $8.999999760e-01, v11;
	v13 =	vld [tilespmem:s5+$0x10050]  }
0x20a: {  	v7 =	vsel vm4, v16, v7;
	vm4 =	veq.s32 v9, $0x0;
	v14 =	vshll.u32 v12, $0x10;
	v16 =	vld [tilespmem:s5+$0x50]  }
0x20b: {  	v8 =	vmax.f32 v8, v9;
	[tilespmem:s5+$0x30] =	vst v7;
	v6 =	vadd.f32 v7, v6;
	v7 =	vmul.f32 $8.999999760e-01, v15  }
0x20c: {  	v9 =	vand.u32 $0xFFFF0000, v12;
	v8 =	vsel vm4, v11, v8;
	vm4 =	veq.s32 v14, $0x0;
	v11 =	vld [tilespmem:s5+$0x8050]  }
0x20d: {  	[tilespmem:s5+$0x8030] =	vst v8;
	v8 =	vadd.f32 v8, v6;
	v6 =	vmax.f32 v7, v14;
	v7 =	vmul.f32 $8.999999760e-01, v10;
	v12 =	vld [tilespmem:s5+$0x10060]  }
0x20e: {  	v14 =	vsel vm4, v15, v6;
	vm4 =	veq.s32 v9, $0x0;
	v15 =	vshll.u32 v13, $0x10;
	v6 =	vld [tilespmem:s5+$0x60]  }
0x20f: {  	v7 =	vmax.f32 v7, v9;
	[tilespmem:s5+$0x40] =	vst v14;
	v8 =	vadd.f32 v14, v8;
	v9 =	vmul.f32 $8.999999760e-01, v16  }
0x210: {  	v13 =	vand.u32 $0xFFFF0000, v13;
	v10 =	vsel vm4, v10, v7;
	vm4 =	veq.s32 v15, $0x0;
	v7 =	vld [tilespmem:s5+$0x8060]  }
.Ltmp21:
0x211: {  	[tilespmem:s5+$0x8040] =	vst v10;
	v8 =	vadd.f32 v10, v8;
	v10 =	vmax.f32 v9, v15;
	v14 =	vmul.f32 $8.999999760e-01, v11;
	v9 =	vld [tilespmem:s5+$0x10070];
	(pc) =	sbr.rel @p0 .LBB2_28-.Ltmp21, $4  }
0x212: {  	v15 =	vsel vm4, v16, v10;
	vm4 =	veq.s32 v13, $0x0;
	v16 =	vshll.u32 v12, $0x10;
	v10 =	vld [tilespmem:s5+$0x70]  }
0x213: {  	v13 =	vmax.f32 v14, v13;
	[tilespmem:s5+$0x50] =	vst v15;
	v14 =	vadd.f32 v15, v8;
	v15 =	vmul.f32 $8.999999760e-01, v6  }
0x214: {  	s6 =	sshra.s32 s7, $0x2;
	v17 =	vsel vm4, v11, v13;
	v13 =	vand.u32 $0xFFFF0000, v12;
	vm4 =	veq.s32 v16, $0x0;
	v8 =	vld [tilespmem:s5+$0x8070]  }
0x215: {  	s7 =	sadd.s32 $0x200, s7;
	v11 =	vld [tilespmem:s6+$0x10000];
	[tilespmem:s5+$0x8050] =	vst v17;
	v12 =	vadd.f32 v17, v14;
	v15 =	vmax.f32 v15, v16;
	v14 =	vmul.f32 $8.999999760e-01, v7  }
0x216: {  	v6 =	vsel vm4, v6, v15  }
0x217: {  	vm4 =	veq.s32 v13, $0x0;
	v59 =	vmax.f32 v14, v13;
	v60 =	vmul.f32 $8.999999760e-01, v10  }
0x218: {  	v16 =	vld [tilespmem:s6+$0x0];
	v17 =	vshll.u32 v9, $0x10;
	[tilespmem:s5+$0x60] =	vst v6;
	v7 =	vsel vm4, v7, v59  }
0x219: {  	v61 =	vld [tilespmem:s6+$0x8000];
	vm4 =	veq.s32 v17, $0x0;
	v14 =	vmax.f32 v60, v17;
	v63 =	vmul.f32 $8.999999760e-01, v8  }
0x21a: {  	v22 =	vand.u32 $0xFFFF0000, v9;
	v62 =	vld [tilespmem:s6+$0x10010];
	[tilespmem:s5+$0x8060] =	vst v7;
	v20 =	vsel vm4, v10, v14  }
0x21b: {  	v6 =	vadd.f32 v6, v12;
	v21 =	vld [tilespmem:s6+$0x10];
	vm4 =	veq.s32 v22, $0x0;
	[tilespmem:s5+$0x70] =	vst v20;
	v9 =	vmax.f32 v63, v22  }
0x21c: {  	v24 =	vld [tilespmem:s6+$0x8010];
	v8 =	vsel vm4, v8, v9  }
0x21d: {  	v6 =	vadd.f32 v7, v6;
	v25 =	vld [tilespmem:s6+$0x10020];
	[tilespmem:s5+$0x8070] =	vst v8  }
0x21e: {  	v23 =	vmul.f32 $8.999999760e-01, v16;
	v28 =	vld [tilespmem:s6+$0x20]  }
0x21f: {  	v7 =	vshll.u32 v11, $0x10;
	v27 =	vand.u32 $0xFFFF0000, v11;
	v6 =	vadd.f32 v20, v6;
	v31 =	vld [tilespmem:s6+$0x8020]  }
0x220: {  	vm4 =	veq.s32 v7, $0x0;
	v7 =	vmax.f32 v23, v7;
	v26 =	vmul.f32 $8.999999760e-01, v61;
	v33 =	vld [tilespmem:s6+$0x10030]  }
0x221: {  	v6 =	vadd.f32 v8, v6;
	v8 =	vshll.u32 v62, $0x10;
	v7 =	vsel vm4, v16, v7;
	v34 =	vld [tilespmem:s6+$0x30]  }
0x222: {  	vm4 =	veq.s32 v27, $0x0;
	v36 =	vld [tilespmem:s6+$0x8030];
	v29 =	vmax.f32 v26, v27;
	v30 =	vmul.f32 $8.999999760e-01, v21  }
0x223: {  	v13 =	vand.u32 $0xFFFF0000, v62;
	v40 =	vld [tilespmem:s6+$0x40];
	v6 =	vadd.f32 v7, v6;
	v10 =	vsel vm4, v61, v29  }
0x224: {  	v42 =	vld [tilespmem:s6+$0x8040];
	vm4 =	veq.s32 v8, $0x0;
	v8 =	vmax.f32 v30, v8;
	v32 =	vmul.f32 $8.999999760e-01, v24  }
0x225: {  	v44 =	vld [tilespmem:s6+$0x10050];
	v6 =	vadd.f32 v10, v6;
	v37 =	vshll.u32 v25, $0x10;
	v9 =	vand.u32 $0xFFFF0000, v25  }
0x226: {  	v45 =	vld [tilespmem:s6+$0x50];
	[tilespmem:s6+$0x0] =	vst v7;
	v8 =	vsel vm4, v21, v8;
	vm4 =	veq.s32 v13, $0x0;
	v7 =	vmax.f32 v32, v13  }
0x227: {  	v35 =	vmul.f32 $8.999999760e-01, v28;
	v38 =	vmul.f32 $8.999999760e-01, v31;
	v6 =	vadd.f32 v8, v6  }
0x228: {  	v47 =	vld [tilespmem:s6+$0x8050];
	v41 =	vmul.f32 $8.999999760e-01, v34;
	v43 =	vmul.f32 $8.999999760e-01, v36;
	v15 =	vand.u32 $0xFFFF0000, v33  }
0x229: {  	v46 =	vmul.f32 $8.999999760e-01, v40;
	v48 =	vmul.f32 $8.999999760e-01, v42;
	v7 =	vsel vm4, v24, v7  }
0x22a: {  	v50 =	vld [tilespmem:s6+$0x60];
	[tilespmem:s6+$0x8000] =	vst v10;
	vm4 =	veq.s32 v37, $0x0;
	v10 =	vmax.f32 v35, v37;
	v6 =	vadd.f32 v7, v6  }
0x22b: {  	v39 =	vld [tilespmem:s6+$0x10040];
	v51 =	vmul.f32 $8.999999760e-01, v45;
	v53 =	vshll.u32 v44, $0x10;
	v10 =	vsel vm4, v28, v10  }
0x22c: {  	v49 =	vld [tilespmem:s6+$0x10060];
	[tilespmem:s6+$0x10] =	vst v8;
	v8 =	vmax.f32 v38, v9;
	vm4 =	veq.s32 v9, $0x0;
	v6 =	vadd.f32 v10, v6  }
0x22d: {  	v55 =	vmul.f32 $8.999999760e-01, v47;
	[tilespmem:s6+$0x8010] =	vst v7;
	v7 =	vshll.u32 v33, $0x10;
	v8 =	vsel vm4, v31, v8  }
0x22e: {  	v52 =	vld [tilespmem:s6+$0x8060];
	vm4 =	veq.s32 v7, $0x0;
	v7 =	vmax.f32 v41, v7;
	v6 =	vadd.f32 v8, v6  }
0x22f: {  	v12 =	vand.u32 $0xFFFF0000, v44;
	v57 =	vmul.f32 $8.999999760e-01, v50;
	v7 =	vsel vm4, v34, v7  }
0x230: {  	v56 =	vld [tilespmem:s6+$0x70];
	v9 =	vmax.f32 v43, v15;
	vm4 =	veq.s32 v15, $0x0;
	v6 =	vadd.f32 v7, v6  }
0x231: {  	v59 =	vshll.u32 v49, $0x10;
	[tilespmem:s6+$0x8020] =	vst v8;
	v9 =	vsel vm4, v36, v9;
	v8 =	vshll.u32 v39, $0x10  }
0x232: {  	v58 =	vld [tilespmem:s6+$0x8070];
	vm4 =	veq.s32 v8, $0x0;
	v8 =	vmax.f32 v46, v8;
	v6 =	vadd.f32 v9, v6  }
0x233: {  	v60 =	vmul.f32 $8.999999760e-01, v52;
	[tilespmem:s6+$0x30] =	vst v7;
	v7 =	vand.u32 $0xFFFF0000, v39;
	v8 =	vsel vm4, v40, v8  }
0x234: {  	vm4 =	veq.s32 v7, $0x0;
	v7 =	vmax.f32 v48, v7;
	v6 =	vadd.f32 v8, v6  }
0x235: {  	v61 =	vand.u32 $0xFFFF0000, v49;
	v62 =	vmul.f32 $8.999999760e-01, v56;
	v7 =	vsel vm4, v42, v7  }
0x236: {  	v54 =	vld [tilespmem:s6+$0x10070];
	[tilespmem:s6+$0x40] =	vst v8;
	vm4 =	veq.s32 v53, $0x0;
	v8 =	vmax.f32 v51, v53;
	v6 =	vadd.f32 v7, v6  }
0x237: {  	v63 =	vmul.f32 $8.999999760e-01, v58;
	v11 =	vmax.f32 v60, v61;
	[tilespmem:s6+$0x20] =	vst v10;
	v8 =	vsel vm4, v45, v8  }
0x238: {  	[tilespmem:s6+$0x8040] =	vst v7;
	vm4 =	veq.s32 v12, $0x0;
	v7 =	vmax.f32 v55, v12;
	v6 =	vadd.f32 v8, v6  }
0x239: {  	[tilespmem:s6+$0x50] =	vst v8;
	v7 =	vsel vm4, v47, v7;
	vm4 =	veq.s32 v59, $0x0;
	v8 =	vmax.f32 v57, v59  }
0x23a: {  	[tilespmem:s6+$0x8030] =	vst v9;
	v8 =	vsel vm4, v50, v8;
	vm4 =	veq.s32 v61, $0x0;
	v6 =	vadd.f32 v7, v6  }
0x23b: {  	v9 =	vand.u32 $0xFFFF0000, v54;
	[tilespmem:s6+$0x8050] =	vst v7;
	v7 =	vshll.u32 v54, $0x10;
	v10 =	vsel vm4, v52, v11  }
0x23c: {  	[tilespmem:s6+$0x60] =	vst v8;
	vm4 =	veq.s32 v7, $0x0;
	v7 =	vmax.f32 v62, v7;
	v6 =	vadd.f32 v8, v6  }
0x23d: {  	[tilespmem:s6+$0x8060] =	vst v10;
	v7 =	vsel vm4, v56, v7;
	vm4 =	veq.s32 v9, $0x0;
	v9 =	vmax.f32 v63, v9  }
.Ltmp22:
0x23e: {  	[tilespmem:s6+$0x70] =	vst v7;
	v8 =	vsel vm4, v58, v9;
	v6 =	vadd.f32 v10, v6;
	(pc) =	sbr.rel .LBB2_30-.Ltmp22, $4  }
0x23f: {  	s12 =	rddreg [dreg:$0xa];
	s5 =	simm.s32 $0x0;
	[tilespmem:s6+$0x8070] =	vst v8  }
0x240: {  	[hbm4b:s12+s26] =	stream.strided.scatter [tilespmem:s5], [sflag:$0x3], $0x8000, s28, s26, $0x38;
	v6 =	vadd.f32 v7, v6;
	[tilespmem:$0x1F080] =	vst v63  }
0x241: {  	s13 =	rddreg [dreg:$0xb];
	s6 =	simm.s32 $0x0  }
0x242: {  	[hbm4b:s13+s26] =	stream.strided.scatter [tilespmem:s29], [sflag:$0x4], $0x8000, s28, s26, $0x38;
	v6 =	vadd.f32 v8, v6;
	[tilespmem:$0x1F080] =	vst v63  }
.LBB2_32:
0x243: {  	_ = 	snop  }
.LBB2_35:
0x244: {  	_ =	sdelay $0x3  }
0x245: {  	s8 =	sand.u32 $0xFFFFFF80, s9;
	s13 =	sand.u32 $0x70, s7  }
0x246: {  	[tilespmem:v9+s31+$0x0] =	vst.idx.msk @p0 vm4, v2;
	s8 =	sor.u32 s13, s8  }
0x247: {  	v9 =	vld [tilespmem:s8+$0x18000];
	_ =	sdelay $0x1  }
0x248: {  	v10 =	vor.u32 s7, v0  }
0x249: {  	vm4 =	vge.s32 v10, v7;
	vm5 =	vlt.s32 v10, v8  }
0x24a: {  	vm4 =	vmand vm4, vm5  }
0x24b: {  	v7 =	vand.u32 $0x7FFF, v9;
	_ =	sdelay $0x4  }
0x24c: {  	[tilespmem:v7+s31+$0x0] =	vst.idx.msk vm4, v2  }
.LBB2_36:
0x24d: {  	s6 =	sadd.s32 $0x1, s6  }
0x24e: {  	p0 =	sne.s32 s6, $0x20  }
.Ltmp23:
0x24f: {  	_ = 	snop;
	(pc) =	sbr.rel @!p0 .LBB2_37-.Ltmp23, $2  }
0x250: {  	_ =	sdelay $0x2  }
0x251: {  	s5 =	sadd.s32 $0x100, s5  }
.LBB2_30:
0x252: {  	s7 =	sshll.u32 s6, $0x1  }
0x253: {  	s7 =	sand.u32 $0x3FFFFFFE, s7  }
0x254: {  	s8 =	sor.u32 $0x1, s7;
	s7 =	sld [smem:s7+$0x0]  }
0x255: {  	s8 =	sld [smem:s8+$0x0];
	_ =	sdelay $0x2  }
0x256: {  	s9 =	sadd.s32 s8, s7  }
0x257: {  	s7 =	sadd.s32 $0xF, s9  }
0x258: {  	s10 =	sand.u32 $0xF, s7  }
0x259: {  	s13 =	sshra.s32 s7, $0x1F;
	p1 =	slt.s32 s7, $0x1;
	p0 =	sne.s32 s10, $0x0  }
0x25a: {  	s10 =	sshrl.u32 s13, $0x1C;
	p0 =	por !p1, !p0  }
0x25b: {  	s7 =	sadd.s32 s10, s7;
	s10 =	simm.s32 $0x1;
	p0 =	por !p0, !p0  }
0x25c: {  	s7 =	sshra.s32 s7, $0x4;
	s10 =	simm.s32 @!p0 $0x0  }
0x25d: {  	s10 =	ssub.s32 s7, s10  }
0x25e: {  	p0 =	slt.s32 s10, $0x1  }
.Ltmp24:
0x25f: {  	_ = 	snop;
	(pc) =	sbr.rel @p0 .LBB2_36-.Ltmp24, $1  }
0x260: {  	_ =	sdelay $0x3  }
0x261: {  	p1 =	sne.s32 s10, $0x1  }
.Ltmp25:
0x262: {  	_ = 	snop;
	(pc) =	sbr.rel @!p1 .LBB2_32-.Ltmp25, $3  }
0x263: {  	_ =	sdelay $0x1  }
0x264: {  	s7 =	simm.s32 $0x0  }
0x265: {  	v7 =	vmov s8;
	v8 =	vmov s9;
	s9 =	sadd.s32 $0x0, s5;
	s8 =	sadd.s32 $0xFFFFFFFF, s10;
	p0 =	por $0x0, $0x0  }
0x266: {  	s9 =	sand.u32 $0xFFFFFF80, s9;
	s10 =	sand.u32 $0x70, s7  }
0x267: {  	s9 =	sor.u32 s10, s9  }
0x268: {  	v9 =	vld [tilespmem:s9+$0x18000];
	_ =	sdelay $0x1  }
0x269: {  	v10 =	vor.u32 s7, v0  }
0x26a: {  	p1 =	sne.s32 s8, $0x1;
	vm4 =	vge.s32 v10, v7;
	vm5 =	vlt.s32 v10, v8  }
.Ltmp26:
0x26b: {  	vm4 =	vmand vm4, vm5;
	(pc) =	sbr.rel @!p1 .LBB2_35-.Ltmp26, $3  }
0x26c: {  	v9 =	vand.u32 $0x7FFF, v9;
	_ =	sdelay $0x1  }
0x26d: {  	s7 =	simm.s32 $0x10  }
0x26e: {  	s8 =	sadd.s32 $0xFFFFFFFF, s8;
	p0 =	por $0x1, $0x1;
	s9 =	sadd.s32 $0x10, s5  }
.LBB2_34:
0x26f: {  	p1 =	sne.s32 s8, $0x1;
	s9 =	sand.u32 $0xFFFFFF80, s9;
	s10 =	sand.u32 $0x70, s7  }
0x270: {  	s9 =	sor.u32 s10, s9;
	[tilespmem:v9+s31+$0x0] =	vst.idx.msk vm4, v2  }
0x271: {  	v9 =	vld [tilespmem:s9+$0x18000];
	_ =	sdelay $0x1  }
0x272: {  	v10 =	vor.u32 s7, v0  }
0x273: {  	vm4 =	vge.s32 v10, v7;
	vm5 =	vlt.s32 v10, v8  }
.Ltmp27:
0x274: {  	vm4 =	vmand vm4, vm5;
	(pc) =	sbr.rel @p1 .LBB2_34-.Ltmp27, $3  }
0x275: {  	v9 =	vand.u32 $0x7FFF, v9;
	_ =	sdelay $0x1  }
0x276: {  	s7 =	sadd.s32 $0x10, s7  }
0x277: {  	s8 =	sadd.s32 $0xFFFFFFFF, s8;
	s9 =	sadd.s32 s7, s5  }
.Ltmp28:
0x278: {  	_ = 	snop;
	(pc) =	sbr.rel .LBB2_35-.Ltmp28, $1  }
0x279: {  	_ =	sdelay $0x3  }
.LBB2_37:
0x27a: {  	s5 =	simm.s32 $0x1E020  }
0x27b: {  	v7 =	vld [tilespmem:s5+$0xFFFFFFF0]  }
0x27c: {  	v8 =	vld [tilespmem:s5+$0xFFFFFFE0]  }
0x27d: {  	v9 =	vld [tilespmem:s5+$0x0]  }
0x27e: {  	v10 =	vld [tilespmem:s5+$0x10]  }
0x27f: {  	vm4 =	veq.s32 v1, v5  }
0x280: {  	vm5 =	veq.s32 v1, v0;
	v7 =	vnsel vm4, $0x0, v7  }
0x281: {  	vm6 =	veq.s32 v1, v4;
	v8 =	vnsel vm5, $0x0, v8;
	(xrf0) =	vadd.scan.msk.s32 $0xffff, v7  }
0x282: {  	vm7 =	veq.s32 v1, v3;
	v7 =	vnsel vm6, $0x0, v9;
	(xrf0) =	vadd.scan.msk.s32 $0xffff, v8  }
0x283: {  	v8 =	vnsel vm7, $0x0, v10;
	(xrf0) =	vadd.scan.msk.s32 $0xffff, v7  }
0x284: {  	(xrf0) =	vadd.scan.msk.s32 $0xffff, v8;
	_ =	sdelay $0x2  }
0x285: {  	v7, _, _ =	vpop (xrf0)  }
0x286: {  	v8, _, _ =	vpop (xrf0);
	(v2sf) =	vpush v7, $0xF  }
0x287: {  	(v2sf) =	vpush v8, $0xF;
	v7, _, _ =	vpop (xrf0)  }
0x288: {  	(v2sf) =	vpush v7, $0xF;
	v7, _, _ =	vpop (xrf0)  }
0x289: {  	(v2sf) =	vpush v7, $0xF;
	_ =	sdelay $0xb  }
0x28a: {  	s7 =	spop (v2sf)  }
0x28b: {  	s6 =	spop (v2sf)  }
0x28c: {  	s5 =	sadd.s32 s6, s7;
	s8 =	spop (v2sf)  }
0x28d: {  	s5 =	sadd.s32 s8, s5;
	s9 =	spop (v2sf)  }
0x28e: {  	s5 =	sadd.s32 s9, s5  }
0x28f: {  	s6 =	sshra.s32 s5, $0xD  }
0x290: {  	s7 =	sadd.s32 $0x80, s6  }
0x291: {  	s10 =	simm.s32 $0x18000;
	s11 =	simm.s32 $0x1A000;
	s8 =	sadd.s32 $0xFFFFFF80, s7  }
0x292: {  	s12 =	simm.s32 $0x1C000;
	s5 =	sand.u32 $0x1FFF, s5;
	s8 =	sshrl.u32 s8, $0x3  }
0x293: {  	[smem:$0x0] =	sst s5;
	s5 =	simm.s32 $0x400;
	s9 =	sadd.s32 s3, s8  }
0x294: {  	[tilespmem:s10], [sflag:$0x1] =	stream.linear.gather [hbm4b:s9+s2], $0x80, $0x38;
	[tilespmem:$0x1F080] =	vst v63  }
0x295: {  	s6 =	sand.u32 $0x7, s6;
	s13 =	sadd.s32 s21, s8;
	s9 =	simm.s32 $0x1  }
0x296: {  	s10 =	sadd.s32 s20, s8;
	s8 =	simm.s32 $0x18080;
	[smem:s9] =	sst s6  }
0x297: {  	[tilespmem:s11], [sflag:$0x1] =	stream.linear.gather [hbm4b:s10+s2], $0x80, $0x38;
	[tilespmem:$0x1F080] =	vst v63  }
0x298: {  	s6 =	simm.s32 $0x1E0A0;
	s9 =	simm.s32 $0x1C080;
	s10 =	sshrl.u32 s7, $0x3  }
0x299: {  	[tilespmem:s12], [sflag:$0x1] =	stream.linear.gather [hbm4b:s13+s2], $0x80, $0x38;
	[tilespmem:$0x1F080] =	vst v63  }
0x29a: {  	s7 =	simm.s32 $0x3;
	s11 =	sadd.s32 s3, s10;
	s12 =	simm.s32 $0x1A080  }
0x29b: {  	[tilespmem:s8], [sflag:$0x1] =	stream.linear.gather [hbm4b:s11+s2], $0x80, $0x38;
	[tilespmem:$0x1F080] =	vst v63  }
0x29c: {  	s13 =	sadd.s32 s20, s10;
	s10 =	sadd.s32 s21, s10;
	s8 =	simm.s32 $0x2080  }
0x29d: {  	[tilespmem:s12], [sflag:$0x1] =	stream.linear.gather [hbm4b:s13+s2], $0x80, $0x38;
	[tilespmem:$0x1F080] =	vst v63  }
.LBB2_38:
0x29e: {  	[tilespmem:s9], [sflag:$0x1] =	stream.linear.gather [hbm4b:s10+s2], $0x80, $0x38;
	[tilespmem:$0x1F080] =	vst v63  }
0x29f: {  	p0 =	sne.s32 s5, $0x7C00;
	s9 =	smov.u32 s5;
	s5 =	sadd.s32 $0x400, s5;
	v7 =	vld [tilespmem:s6+$0xFFFFFFF0]  }
0x2a0: {  	v8 =	vld [tilespmem:s6+$0xFFFFFFE0]  }
0x2a1: {  	v9 =	vld [tilespmem:s6+$0x0]  }
0x2a2: {  	v10 =	vld [tilespmem:s6+$0x10];
	_ =	sdelay $0x1  }
0x2a3: {  	v7 =	vnsel vm4, $0x0, v7  }
0x2a4: {  	v8 =	vnsel vm5, $0x0, v8;
	(xrf0) =	vadd.scan.msk.s32 $0xffff, v7  }
0x2a5: {  	v7 =	vnsel vm6, $0x0, v9;
	(xrf0) =	vadd.scan.msk.s32 $0xffff, v8  }
0x2a6: {  	v8 =	vnsel vm7, $0x0, v10;
	(xrf0) =	vadd.scan.msk.s32 $0xffff, v7  }
0x2a7: {  	(xrf0) =	vadd.scan.msk.s32 $0xffff, v8;
	_ =	sdelay $0x2  }
0x2a8: {  	v7, _, _ =	vpop (xrf0)  }
0x2a9: {  	v8, _, _ =	vpop (xrf0);
	(v2sf) =	vpush v7, $0xF  }
0x2aa: {  	(v2sf) =	vpush v8, $0xF;
	v7, _, _ =	vpop (xrf0)  }
0x2ab: {  	(v2sf) =	vpush v7, $0xF;
	v7, _, _ =	vpop (xrf0)  }
0x2ac: {  	(v2sf) =	vpush v7, $0xF;
	_ =	sdelay $0xb  }
0x2ad: {  	s10 =	spop (v2sf)  }
0x2ae: {  	s11 =	spop (v2sf)  }
0x2af: {  	s10 =	sadd.s32 s11, s10;
	s11 =	spop (v2sf)  }
0x2b0: {  	s10 =	sadd.s32 s11, s10;
	s11 =	spop (v2sf)  }
0x2b1: {  	s10 =	sadd.s32 s11, s10  }
0x2b2: {  	s11 =	sand.u32 $0x1FFF, s10;
	s10 =	sshra.s32 s10, $0xD  }
0x2b3: {  	s12 =	sadd.s32 s10, s8;
	[smem:s7+$0xFFFFFFFF] =	sst s11;
	s10 =	sand.u32 $0x7, s10  }
0x2b4: {  	s11 =	sadd.s32 $0xFFFFFF80, s12;
	[smem:s7] =	sst s10;
	s10 =	sshrl.u32 s12, $0x3  }
0x2b5: {  	s9 =	sshra.s32 s9, $0x2;
	s11 =	sshrl.u32 s11, $0x3  }
0x2b6: {  	s12 =	sadd.s32 $0x18000, s9;
	s13 =	sadd.s32 s3, s11  }
0x2b7: {  	[tilespmem:s12], [sflag:$0x1] =	stream.linear.gather [hbm4b:s13+s2], $0x80, $0x38;
	[tilespmem:$0x1F080] =	vst v63  }
0x2b8: {  	s12 =	sadd.s32 $0x1A000, s9;
	s13 =	sadd.s32 s20, s11  }
0x2b9: {  	[tilespmem:s12], [sflag:$0x1] =	stream.linear.gather [hbm4b:s13+s2], $0x80, $0x38;
	[tilespmem:$0x1F080] =	vst v63  }
0x2ba: {  	s6 =	sadd.s32 $0x80, s6;
	s11 =	sadd.s32 s21, s11;
	s12 =	sadd.s32 $0x1C000, s9  }
0x2bb: {  	[tilespmem:s12], [sflag:$0x1] =	stream.linear.gather [hbm4b:s11+s2], $0x80, $0x38;
	[tilespmem:$0x1F080] =	vst v63  }
.Ltmp29:
0x2bc: {  	s11 =	sadd.s32 $0x18080, s9;
	s12 =	sadd.s32 s3, s10;
	(pc) =	sbr.rel @p0 .LBB2_38-.Ltmp29, $4  }
0x2bd: {  	[tilespmem:s11], [sflag:$0x1] =	stream.linear.gather [hbm4b:s12+s2], $0x80, $0x38;
	[tilespmem:$0x1F080] =	vst v63  }
0x2be: {  	s7 =	sadd.s32 $0x2, s7;
	s11 =	sadd.s32 $0x1A080, s9;
	s12 =	sadd.s32 s20, s10  }
0x2bf: {  	[tilespmem:s11], [sflag:$0x1] =	stream.linear.gather [hbm4b:s12+s2], $0x80, $0x38;
	[tilespmem:$0x1F080] =	vst v63  }
0x2c0: {  	s8 =	sadd.s32 $0x2000, s8;
	s9 =	sadd.s32 $0x1C080, s9;
	s10 =	sadd.s32 s21, s10  }
0x2c1: {  	[tilespmem:s9], [sflag:$0x1] =	stream.linear.gather [hbm4b:s10+s2], $0x80, $0x38;
	[tilespmem:$0x1F080] =	vst v63  }
0x2c2: {  	_ =	swait.ge [sflag:s30], $0x80  }
0x2c3: {  	s5 =	simm.s32 $0xBF;
	[sflag:s30] =	ssyncset.done $0x0  }
.LBB2_40:
0x2c4: {  	p0 =	sne.s32 s5, $0x1;
	s5 =	sadd.s32 $0xFFFFFFFF, s5;
	[sflag:s30] =	ssyncadd.s32 $0xFFFFFF80  }
.Ltmp30:
0x2c5: {  	(pc) =	sbr.rel @p0 .LBB2_40-.Ltmp30, $3  }
0x2c6: {  	_ =	sdelay $0x1  }
0x2c7: {  	_ =	swait.ge [sflag:s30], $0x80  }
0x2c8: {  	[sflag:s30] =	ssyncset.done $0x0  }
0x2c9: {  	[sflag:s30] =	ssyncadd.s32 $0xFFFFFF80  }
0x2ca: {  	_ =	swait.ge [sflag:s1], $0x8000  }
0x2cb: {  	[sflag:s1] =	ssyncset.done $0x0  }
0x2cc: {  	[sflag:s1] =	ssyncadd.s32 $0xFFFF8000  }
0x2cd: {  	_ =	swait.ge [sflag:s25], $0x8000  }
.Ltmp31:
0x2ce: {  	[sflag:s25] =	ssyncset.done $0x0;
	(pc) =	sbr.rel .LBB2_42-.Ltmp31, $4  }
0x2cf: {  	s5 =	simm.s32 $0x0;
	s6 =	rddreg [dreg:$0xc];
	[sflag:s25] =	ssyncadd.s32 $0xFFFF8000  }
0x2d0: {  	[tilespmem:s5], [sflag:$0x2] =	stream.strided.gather [hbm4b:s6+s26], $0x8000, s28, s26, $0x38;
	[tilespmem:$0x1F080] =	vst v63  }
0x2d1: {  	s13 =	rddreg [dreg:$0xd];
	s6 =	simm.s32 $0x0  }
0x2d2: {  	[tilespmem:s29], [sflag:$0x2] =	stream.strided.gather [hbm4b:s13+s26], $0x8000, s28, s26, $0x38;
	[tilespmem:$0x1F080] =	vst v63  }
.LBB2_44:
0x2d3: {  	_ = 	snop  }
.LBB2_47:
0x2d4: {  	_ =	sdelay $0x3  }
0x2d5: {  	s8 =	sand.u32 $0xFFFFFF80, s9;
	s13 =	sand.u32 $0x70, s7  }
0x2d6: {  	[tilespmem:v10+s31+$0x0] =	vst.idx.msk @p0 vm4, v9;
	s8 =	sor.u32 s13, s8  }
0x2d7: {  	v9 =	vld [tilespmem:s8+$0x18000];
	_ =	sdelay $0x1  }
0x2d8: {  	v63 =	vor.u32 s7, v0  }
0x2d9: {  	vm4 =	vge.s32 v63, v7;
	vm5 =	vlt.s32 v63, v8  }
0x2da: {  	vm4 =	vmand vm4, vm5  }
0x2db: {  	v7 =	vld [tilespmem:s8+$0x1A000];
	v8 =	vand.u32 $0x7FFF, v9;
	_ =	sdelay $0x4  }
0x2dc: {  	[tilespmem:v8+s31+$0x0] =	vst.idx.msk vm4, v7  }
.LBB2_48:
0x2dd: {  	s6 =	sadd.s32 $0x1, s6  }
0x2de: {  	p0 =	sne.s32 s6, $0x20  }
.Ltmp32:
0x2df: {  	_ = 	snop;
	(pc) =	sbr.rel @!p0 .LBB2_49-.Ltmp32, $2  }
0x2e0: {  	_ =	sdelay $0x2  }
0x2e1: {  	s5 =	sadd.s32 $0x100, s5  }
.LBB2_42:
0x2e2: {  	s7 =	sshll.u32 s6, $0x1  }
0x2e3: {  	s7 =	sand.u32 $0x3FFFFFFE, s7  }
0x2e4: {  	s8 =	sor.u32 $0x1, s7;
	s7 =	sld [smem:s7+$0x0]  }
0x2e5: {  	s8 =	sld [smem:s8+$0x0];
	_ =	sdelay $0x2  }
0x2e6: {  	s9 =	sadd.s32 s8, s7  }
0x2e7: {  	s7 =	sadd.s32 $0xF, s9  }
0x2e8: {  	s10 =	sand.u32 $0xF, s7  }
0x2e9: {  	s13 =	sshra.s32 s7, $0x1F;
	p1 =	slt.s32 s7, $0x1;
	p0 =	sne.s32 s10, $0x0  }
0x2ea: {  	s10 =	sshrl.u32 s13, $0x1C;
	p0 =	por !p1, !p0  }
0x2eb: {  	s7 =	sadd.s32 s10, s7;
	s10 =	simm.s32 $0x1;
	p0 =	por !p0, !p0  }
0x2ec: {  	s7 =	sshra.s32 s7, $0x4;
	s10 =	simm.s32 @!p0 $0x0  }
0x2ed: {  	s10 =	ssub.s32 s7, s10  }
0x2ee: {  	p0 =	slt.s32 s10, $0x1  }
.Ltmp33:
0x2ef: {  	_ = 	snop;
	(pc) =	sbr.rel @p0 .LBB2_48-.Ltmp33, $1  }
0x2f0: {  	_ =	sdelay $0x3  }
0x2f1: {  	p1 =	sne.s32 s10, $0x1  }
.Ltmp34:
0x2f2: {  	_ = 	snop;
	(pc) =	sbr.rel @!p1 .LBB2_44-.Ltmp34, $3  }
0x2f3: {  	_ =	sdelay $0x1  }
0x2f4: {  	s7 =	simm.s32 $0x0  }
0x2f5: {  	v7 =	vmov s8;
	v8 =	vmov s9;
	s9 =	sadd.s32 $0x0, s5;
	s8 =	sadd.s32 $0xFFFFFFFF, s10;
	p0 =	por $0x0, $0x0  }
0x2f6: {  	s9 =	sand.u32 $0xFFFFFF80, s9;
	s10 =	sand.u32 $0x70, s7  }
0x2f7: {  	s9 =	sor.u32 s10, s9  }
0x2f8: {  	v10 =	vld [tilespmem:s9+$0x18000];
	_ =	sdelay $0x1  }
0x2f9: {  	v9 =	vor.u32 s7, v0  }
0x2fa: {  	p1 =	sne.s32 s8, $0x1;
	vm4 =	vge.s32 v9, v7;
	vm5 =	vlt.s32 v9, v8  }
.Ltmp35:
0x2fb: {  	vm4 =	vmand vm4, vm5;
	(pc) =	sbr.rel @!p1 .LBB2_47-.Ltmp35, $3  }
0x2fc: {  	v9 =	vld [tilespmem:s9+$0x1A000];
	v10 =	vand.u32 $0x7FFF, v10;
	_ =	sdelay $0x1  }
0x2fd: {  	s7 =	simm.s32 $0x10  }
0x2fe: {  	s8 =	sadd.s32 $0xFFFFFFFF, s8;
	p0 =	por $0x1, $0x1;
	s9 =	sadd.s32 $0x10, s5  }
.LBB2_46:
0x2ff: {  	p1 =	sne.s32 s8, $0x1;
	s9 =	sand.u32 $0xFFFFFF80, s9;
	s10 =	sand.u32 $0x70, s7  }
0x300: {  	s9 =	sor.u32 s10, s9;
	[tilespmem:v10+s31+$0x0] =	vst.idx.msk vm4, v9  }
0x301: {  	v10 =	vld [tilespmem:s9+$0x18000];
	_ =	sdelay $0x1  }
0x302: {  	v9 =	vor.u32 s7, v0  }
0x303: {  	vm4 =	vge.s32 v9, v7;
	vm5 =	vlt.s32 v9, v8  }
.Ltmp36:
0x304: {  	vm4 =	vmand vm4, vm5;
	(pc) =	sbr.rel @p1 .LBB2_46-.Ltmp36, $3  }
0x305: {  	v9 =	vld [tilespmem:s9+$0x1A000];
	v10 =	vand.u32 $0x7FFF, v10;
	_ =	sdelay $0x1  }
0x306: {  	s7 =	sadd.s32 $0x10, s7  }
0x307: {  	s8 =	sadd.s32 $0xFFFFFFFF, s8;
	s9 =	sadd.s32 s7, s5  }
.Ltmp37:
0x308: {  	_ = 	snop;
	(pc) =	sbr.rel .LBB2_47-.Ltmp37, $1  }
0x309: {  	_ =	sdelay $0x3  }
.LBB2_49:
0x30a: {  	_ =	swait.ge [sflag:s0], $0x8000  }
0x30b: {  	[sflag:s0] =	ssyncset.done $0x0  }
0x30c: {  	[sflag:s0] =	ssyncadd.s32 $0xFFFF8000  }
0x30d: {  	_ =	swait.ge [sflag:s0], $0x8000  }
0x30e: {  	[sflag:s0] =	ssyncset.done $0x0  }
0x30f: {  	s5 =	simm.s32 $0x0;
	[sflag:s0] =	ssyncadd.s32 $0xFFFF8000  }
0x310: {  	v7 =	vld [tilespmem:s5+$0x0]  }
0x311: {  	v8 =	vld [tilespmem:s5+$0x10000]  }
0x312: {  	v9 =	vld [tilespmem:s5+$0x8000];
	_ =	sdelay $0x1  }
0x313: {  	v11 =	vld [tilespmem:s5+$0x10]  }
0x314: {  	v10 =	vld [tilespmem:s5+$0x10010];
	v12 =	vmul.f32 $8.999999760e-01, v7  }
0x315: {  	v14 =	vld [tilespmem:s5+$0x8010];
	v13 =	vshll.u32 v8, $0x10  }
0x316: {  	vm4 =	veq.s32 v13, $0x0;
	v12 =	vmax.f32 v12, v13;
	v13 =	vmul.f32 $8.999999760e-01, v9  }
0x317: {  	v8 =	vand.u32 $0xFFFF0000, v8;
	v7 =	vsel vm4, v7, v12;
	v12 =	vld [tilespmem:s5+$0x20]  }
0x318: {  	v15 =	vld [tilespmem:s5+$0x10020];
	vm4 =	veq.s32 v8, $0x0;
	v8 =	vmax.f32 v13, v8;
	v13 =	vmul.f32 $8.999999760e-01, v11  }
0x319: {  	v16 =	vshll.u32 v10, $0x10;
	v6 =	vadd.f32 v7, v6;
	v8 =	vsel vm4, v9, v8;
	v9 =	vld [tilespmem:s5+$0x8020]  }
0x31a: {  	[tilespmem:s5+$0x0] =	vst v7;
	vm4 =	veq.s32 v16, $0x0;
	v7 =	vmax.f32 v13, v16;
	v13 =	vmul.f32 $8.999999760e-01, v14  }
0x31b: {  	v10 =	vand.u32 $0xFFFF0000, v10;
	v6 =	vadd.f32 v8, v6;
	v7 =	vsel vm4, v11, v7;
	v11 =	vld [tilespmem:s5+$0x30]  }
0x31c: {  	[tilespmem:s5+$0x8000] =	vst v8;
	v16 =	vld [tilespmem:s5+$0x10030];
	vm4 =	veq.s32 v10, $0x0;
	v8 =	vmax.f32 v13, v10;
	v10 =	vmul.f32 $8.999999760e-01, v12  }
0x31d: {  	v13 =	vld [tilespmem:s5+$0x8030];
	v6 =	vadd.f32 v7, v6;
	v8 =	vsel vm4, v14, v8;
	v14 =	vshll.u32 v15, $0x10  }
0x31e: {  	[tilespmem:s5+$0x10] =	vst v7;
	vm4 =	veq.s32 v14, $0x0;
	v7 =	vmax.f32 v10, v14;
	v10 =	vmul.f32 $8.999999760e-01, v9  }
0x31f: {  	v15 =	vand.u32 $0xFFFF0000, v15;
	v6 =	vadd.f32 v8, v6;
	v7 =	vsel vm4, v12, v7;
	v12 =	vld [tilespmem:s5+$0x40]  }
0x320: {  	[tilespmem:s5+$0x8010] =	vst v8;
	v14 =	vld [tilespmem:s5+$0x10040];
	vm4 =	veq.s32 v15, $0x0;
	v8 =	vmax.f32 v10, v15;
	v10 =	vmul.f32 $8.999999760e-01, v11  }
0x321: {  	v15 =	vshll.u32 v16, $0x10;
	v6 =	vadd.f32 v7, v6;
	v8 =	vsel vm4, v9, v8;
	v9 =	vld [tilespmem:s5+$0x8040]  }
0x322: {  	[tilespmem:s5+$0x20] =	vst v7;
	v7 =	vmax.f32 v10, v15;
	v10 =	vmul.f32 $8.999999760e-01, v13  }
0x323: {  	v16 =	vand.u32 $0xFFFF0000, v16;
	vm4 =	veq.s32 v15, $0x0;
	v15 =	vld [tilespmem:s5+$0x10050];
	v6 =	vadd.f32 v8, v6  }
0x324: {  	[tilespmem:s5+$0x8020] =	vst v8;
	v7 =	vsel vm4, v11, v7;
	v11 =	vld [tilespmem:s5+$0x50];
	v8 =	vmax.f32 v10, v16;
	v10 =	vmul.f32 $8.999999760e-01, v12  }
0x325: {  	vm4 =	veq.s32 v16, $0x0;
	[tilespmem:s5+$0x30] =	vst v7;
	v16 =	vshll.u32 v14, $0x10;
	v7 =	vadd.f32 v7, v6  }
0x326: {  	v8 =	vsel vm4, v13, v8;
	v13 =	vld [tilespmem:s5+$0x8050];
	v6 =	vmax.f32 v10, v16;
	v10 =	vmul.f32 $8.999999760e-01, v9  }
0x327: {  	v14 =	vand.u32 $0xFFFF0000, v14;
	vm4 =	veq.s32 v16, $0x0;
	[tilespmem:s5+$0x8030] =	vst v8;
	v16 =	vld [tilespmem:s5+$0x10060];
	v8 =	vadd.f32 v8, v7  }
0x328: {  	v12 =	vsel vm4, v12, v6;
	v6 =	vld [tilespmem:s5+$0x60];
	vm4 =	veq.s32 v14, $0x0;
	v7 =	vmax.f32 v10, v14  }
0x329: {  	v10 =	vmul.f32 $8.999999760e-01, v11;
	v14 =	vshll.u32 v15, $0x10;
	v8 =	vadd.f32 v12, v8  }
0x32a: {  	[tilespmem:s5+$0x40] =	vst v12;
	v12 =	vand.u32 $0xFFFF0000, v15;
	v9 =	vsel vm4, v9, v7;
	v7 =	vld [tilespmem:s5+$0x8060];
	vm4 =	veq.s32 v14, $0x0  }
0x32b: {  	[tilespmem:s5+$0x8040] =	vst v9;
	v14 =	vmax.f32 v10, v14;
	v10 =	vld [tilespmem:s5+$0x10070];
	v9 =	vadd.f32 v9, v8;
	v15 =	vmul.f32 $8.999999760e-01, v13  }
0x32c: {  	v8 =	vld [tilespmem:s5+$0x70];
	v11 =	vsel vm4, v11, v14;
	vm4 =	veq.s32 v12, $0x0;
	v14 =	vshll.u32 v16, $0x10  }
0x32d: {  	v12 =	vmax.f32 v15, v12;
	v15 =	vadd.f32 v11, v9;
	v17 =	vmul.f32 $8.999999760e-01, v6  }
0x32e: {  	s6 =	simm.s32 $0x80;
	[tilespmem:s5+$0x50] =	vst v11;
	v9 =	vld [tilespmem:s5+$0x8070];
	v12 =	vsel vm4, v13, v12;
	v13 =	vand.u32 $0xFFFF0000, v16;
	vm4 =	veq.s32 v14, $0x0  }
0x32f: {  	s7 =	simm.s32 $0x400;
	v11 =	vld [tilespmem:s6+$0x10000];
	[tilespmem:s5+$0x8050] =	vst v12;
	v12 =	vadd.f32 v12, v15;
	v15 =	vmax.f32 v17, v14;
	v14 =	vmul.f32 $8.999999760e-01, v7  }
.LBB2_50:
0x330: {  	p0 =	sne.s32 s7, $0x1FE00;
	v16 =	vld [tilespmem:s6+$0x0];
	v6 =	vsel vm4, v6, v15;
	vm4 =	veq.s32 v13, $0x0;
	v15 =	vshll.u32 v10, $0x10  }
0x331: {  	v13 =	vmax.f32 v14, v13;
	[tilespmem:s5+$0x60] =	vst v6;
	v6 =	vadd.f32 v6, v12;
	v12 =	vmul.f32 $8.999999760e-01, v8  }
0x332: {  	v10 =	vand.u32 $0xFFFF0000, v10;
	v14 =	vld [tilespmem:s6+$0x8000];
	v7 =	vsel vm4, v7, v13;
	vm4 =	veq.s32 v15, $0x0  }
0x333: {  	v13 =	vld [tilespmem:s6+$0x10010];
	[tilespmem:s5+$0x8060] =	vst v7;
	v6 =	vadd.f32 v7, v6;
	v7 =	vmax.f32 v12, v15;
	v12 =	vmul.f32 $8.999999760e-01, v9  }
0x334: {  	v15 =	vshll.u32 v11, $0x10;
	v17 =	vld [tilespmem:s6+$0x10];
	v7 =	vsel vm4, v8, v7;
	vm4 =	veq.s32 v10, $0x0  }
0x335: {  	v8 =	vmul.f32 $8.999999760e-01, v16;
	v10 =	vmax.f32 v12, v10;
	[tilespmem:s5+$0x70] =	vst v7;
	v6 =	vadd.f32 v7, v6  }
0x336: {  	v7 =	vand.u32 $0xFFFF0000, v11;
	vm5 =	veq.s32 v15, $0x0;
	v11 =	vld [tilespmem:s6+$0x8010];
	v9 =	vsel vm4, v9, v10  }
0x337: {  	v8 =	vmax.f32 v8, v15;
	v10 =	vmul.f32 $8.999999760e-01, v14;
	v12 =	vld [tilespmem:s6+$0x10020];
	[tilespmem:s5+$0x8070] =	vst v9;
	v6 =	vadd.f32 v9, v6;
	s5 =	smov.u32 s6  }
0x338: {  	vm4 =	veq.s32 v7, $0x0;
	v8 =	vsel vm5, v16, v8;
	v9 =	vshll.u32 v13, $0x10;
	v15 =	vld [tilespmem:s5+$0x20]  }
0x339: {  	v7 =	vmax.f32 v10, v7;
	[tilespmem:s5+$0x0] =	vst v8;
	v6 =	vadd.f32 v8, v6;
	v8 =	vmul.f32 $8.999999760e-01, v17  }
0x33a: {  	v10 =	vand.u32 $0xFFFF0000, v13;
	v7 =	vsel vm4, v14, v7;
	vm4 =	veq.s32 v9, $0x0;
	v13 =	vld [tilespmem:s5+$0x8020]  }
0x33b: {  	[tilespmem:s5+$0x8000] =	vst v7;
	v6 =	vadd.f32 v7, v6;
	v7 =	vmax.f32 v8, v9;
	v8 =	vmul.f32 $8.999999760e-01, v11;
	v9 =	vld [tilespmem:s5+$0x10030]  }
0x33c: {  	v7 =	vsel vm4, v17, v7;
	vm4 =	veq.s32 v10, $0x0;
	v14 =	vshll.u32 v12, $0x10;
	v16 =	vld [tilespmem:s5+$0x30]  }
0x33d: {  	v8 =	vmax.f32 v8, v10;
	[tilespmem:s5+$0x10] =	vst v7;
	v6 =	vadd.f32 v7, v6;
	v7 =	vmul.f32 $8.999999760e-01, v15  }
0x33e: {  	v10 =	vand.u32 $0xFFFF0000, v12;
	v8 =	vsel vm4, v11, v8;
	vm4 =	veq.s32 v14, $0x0;
	v11 =	vld [tilespmem:s5+$0x8030]  }
0x33f: {  	[tilespmem:s5+$0x8010] =	vst v8;
	v6 =	vadd.f32 v8, v6;
	v7 =	vmax.f32 v7, v14;
	v8 =	vmul.f32 $8.999999760e-01, v13;
	v12 =	vld [tilespmem:s5+$0x10040]  }
0x340: {  	v7 =	vsel vm4, v15, v7;
	vm4 =	veq.s32 v10, $0x0;
	v14 =	vshll.u32 v9, $0x10;
	v15 =	vld [tilespmem:s5+$0x40]  }
0x341: {  	v8 =	vmax.f32 v8, v10;
	[tilespmem:s5+$0x20] =	vst v7;
	v6 =	vadd.f32 v7, v6;
	v7 =	vmul.f32 $8.999999760e-01, v16  }
0x342: {  	v9 =	vand.u32 $0xFFFF0000, v9;
	v8 =	vsel vm4, v13, v8;
	vm4 =	veq.s32 v14, $0x0;
	v10 =	vld [tilespmem:s5+$0x8040]  }
0x343: {  	[tilespmem:s5+$0x8020] =	vst v8;
	v6 =	vadd.f32 v8, v6;
	v7 =	vmax.f32 v7, v14;
	v8 =	vmul.f32 $8.999999760e-01, v11;
	v13 =	vld [tilespmem:s5+$0x10050]  }
0x344: {  	v7 =	vsel vm4, v16, v7;
	vm4 =	veq.s32 v9, $0x0;
	v14 =	vshll.u32 v12, $0x10;
	v16 =	vld [tilespmem:s5+$0x50]  }
0x345: {  	v8 =	vmax.f32 v8, v9;
	[tilespmem:s5+$0x30] =	vst v7;
	v6 =	vadd.f32 v7, v6;
	v7 =	vmul.f32 $8.999999760e-01, v15  }
0x346: {  	v9 =	vand.u32 $0xFFFF0000, v12;
	v8 =	vsel vm4, v11, v8;
	vm4 =	veq.s32 v14, $0x0;
	v11 =	vld [tilespmem:s5+$0x8050]  }
0x347: {  	[tilespmem:s5+$0x8030] =	vst v8;
	v8 =	vadd.f32 v8, v6;
	v6 =	vmax.f32 v7, v14;
	v7 =	vmul.f32 $8.999999760e-01, v10;
	v12 =	vld [tilespmem:s5+$0x10060]  }
0x348: {  	v14 =	vsel vm4, v15, v6;
	vm4 =	veq.s32 v9, $0x0;
	v15 =	vshll.u32 v13, $0x10;
	v6 =	vld [tilespmem:s5+$0x60]  }
0x349: {  	v7 =	vmax.f32 v7, v9;
	[tilespmem:s5+$0x40] =	vst v14;
	v8 =	vadd.f32 v14, v8;
	v9 =	vmul.f32 $8.999999760e-01, v16  }
0x34a: {  	v13 =	vand.u32 $0xFFFF0000, v13;
	v10 =	vsel vm4, v10, v7;
	vm4 =	veq.s32 v15, $0x0;
	v7 =	vld [tilespmem:s5+$0x8060]  }
.Ltmp38:
0x34b: {  	[tilespmem:s5+$0x8040] =	vst v10;
	v14 =	vadd.f32 v10, v8;
	v8 =	vmax.f32 v9, v15;
	v9 =	vmul.f32 $8.999999760e-01, v11;
	v10 =	vld [tilespmem:s5+$0x10070];
	(pc) =	sbr.rel @p0 .LBB2_50-.Ltmp38, $4  }
0x34c: {  	v15 =	vsel vm4, v16, v8;
	vm4 =	veq.s32 v13, $0x0;
	v16 =	vshll.u32 v12, $0x10;
	v8 =	vld [tilespmem:s5+$0x70]  }
0x34d: {  	v9 =	vmax.f32 v9, v13;
	[tilespmem:s5+$0x50] =	vst v15;
	v14 =	vadd.f32 v15, v14;
	v15 =	vmul.f32 $8.999999760e-01, v6  }
0x34e: {  	s6 =	sshra.s32 s7, $0x2;
	v13 =	vand.u32 $0xFFFF0000, v12;
	v17 =	vsel vm4, v11, v9;
	vm4 =	veq.s32 v16, $0x0;
	v9 =	vld [tilespmem:s5+$0x8070]  }
0x34f: {  	s7 =	sadd.s32 $0x200, s7;
	v11 =	vld [tilespmem:s6+$0x10000];
	[tilespmem:s5+$0x8050] =	vst v17;
	v12 =	vadd.f32 v17, v14;
	v15 =	vmax.f32 v15, v16;
	v14 =	vmul.f32 $8.999999760e-01, v7  }
0x350: {  	v6 =	vsel vm4, v6, v15  }
0x351: {  	vm4 =	veq.s32 v13, $0x0;
	v57 =	vmax.f32 v14, v13;
	v58 =	vmul.f32 $8.999999760e-01, v8  }
0x352: {  	v16 =	vld [tilespmem:s6+$0x0];
	v17 =	vshll.u32 v10, $0x10;
	[tilespmem:s5+$0x60] =	vst v6;
	v7 =	vsel vm4, v7, v57  }
0x353: {  	v59 =	vld [tilespmem:s6+$0x8000];
	vm4 =	veq.s32 v17, $0x0;
	v14 =	vmax.f32 v58, v17;
	v61 =	vmul.f32 $8.999999760e-01, v9  }
0x354: {  	v62 =	vand.u32 $0xFFFF0000, v10;
	v60 =	vld [tilespmem:s6+$0x10010];
	[tilespmem:s5+$0x8060] =	vst v7;
	v8 =	vsel vm4, v8, v14  }
0x355: {  	v18 =	vld [tilespmem:s6+$0x10];
	vm4 =	veq.s32 v62, $0x0;
	[tilespmem:s5+$0x70] =	vst v8;
	v10 =	vmax.f32 v61, v62  }
0x356: {  	v21 =	vld [tilespmem:s6+$0x8010];
	v22 =	vsel vm4, v9, v10  }
0x357: {  	v23 =	vld [tilespmem:s6+$0x10020];
	[tilespmem:s5+$0x8070] =	vst v22  }
0x358: {  	v26 =	vld [tilespmem:s6+$0x20]  }
0x359: {  	v28 =	vld [tilespmem:s6+$0x8020]  }
0x35a: {  	v30 =	vld [tilespmem:s6+$0x10030]  }
0x35b: {  	v6 =	vadd.f32 v6, v12;
	v31 =	vld [tilespmem:s6+$0x30]  }
0x35c: {  	v33 =	vld [tilespmem:s6+$0x8030]  }
0x35d: {  	v6 =	vadd.f32 v7, v6;
	v36 =	vld [tilespmem:s6+$0x10040]  }
0x35e: {  	v63 =	vmul.f32 $8.999999760e-01, v16;
	v37 =	vld [tilespmem:s6+$0x40]  }
0x35f: {  	v19 =	vshll.u32 v11, $0x10;
	v6 =	vadd.f32 v8, v6;
	v39 =	vld [tilespmem:s6+$0x8040]  }
0x360: {  	v25 =	vand.u32 $0xFFFF0000, v11;
	vm4 =	veq.s32 v19, $0x0;
	v14 =	vmax.f32 v63, v19;
	v42 =	vld [tilespmem:s6+$0x10050]  }
0x361: {  	v24 =	vmul.f32 $8.999999760e-01, v59;
	v7 =	vshll.u32 v60, $0x10;
	v6 =	vadd.f32 v22, v6;
	v43 =	vld [tilespmem:s6+$0x50]  }
0x362: {  	v13 =	vand.u32 $0xFFFF0000, v60;
	v14 =	vsel vm4, v16, v14;
	v45 =	vld [tilespmem:s6+$0x8050];
	v27 =	vmul.f32 $8.999999760e-01, v18  }
0x363: {  	vm4 =	veq.s32 v25, $0x0;
	v47 =	vld [tilespmem:s6+$0x10060];
	v11 =	vmax.f32 v24, v25;
	v6 =	vadd.f32 v14, v6  }
0x364: {  	v48 =	vld [tilespmem:s6+$0x60];
	v11 =	vsel vm4, v59, v11;
	vm4 =	veq.s32 v7, $0x0;
	v7 =	vmax.f32 v27, v7  }
0x365: {  	v51 =	vld [tilespmem:s6+$0x8060];
	v29 =	vmul.f32 $8.999999760e-01, v21;
	v34 =	vshll.u32 v23, $0x10;
	v10 =	vand.u32 $0xFFFF0000, v23  }
0x366: {  	v53 =	vld [tilespmem:s6+$0x10070];
	v6 =	vadd.f32 v11, v6;
	v7 =	vsel vm4, v18, v7;
	vm4 =	veq.s32 v13, $0x0  }
0x367: {  	v54 =	vld [tilespmem:s6+$0x70];
	v8 =	vmax.f32 v29, v13;
	v32 =	vmul.f32 $8.999999760e-01, v26;
	v35 =	vmul.f32 $8.999999760e-01, v28  }
0x368: {  	v57 =	vld [tilespmem:s6+$0x8070];
	v38 =	vmul.f32 $8.999999760e-01, v31;
	v40 =	vshll.u32 v30, $0x10;
	v41 =	vmul.f32 $8.999999760e-01, v33  }
0x369: {  	v19 =	vand.u32 $0xFFFF0000, v30;
	v6 =	vadd.f32 v7, v6;
	v44 =	vmul.f32 $8.999999760e-01, v37  }
0x36a: {  	v46 =	vmul.f32 $8.999999760e-01, v39;
	v17 =	vand.u32 $0xFFFF0000, v36;
	v50 =	vmul.f32 $8.999999760e-01, v43  }
0x36b: {  	v52 =	vshll.u32 v42, $0x10;
	v55 =	vmul.f32 $8.999999760e-01, v45;
	v56 =	vmul.f32 $8.999999760e-01, v48  }
0x36c: {  	v58 =	vshll.u32 v47, $0x10;
	v59 =	vmul.f32 $8.999999760e-01, v51;
	v60 =	vand.u32 $0xFFFF0000, v47  }
0x36d: {  	v61 =	vmul.f32 $8.999999760e-01, v54;
	v62 =	vshll.u32 v53, $0x10;
	v63 =	vmul.f32 $8.999999760e-01, v57  }
0x36e: {  	[tilespmem:s6+$0x8000] =	vst v11;
	v12 =	vand.u32 $0xFFFF0000, v53;
	v8 =	vsel vm4, v21, v8;
	vm4 =	veq.s32 v34, $0x0  }
0x36f: {  	[tilespmem:s6+$0x10] =	vst v7;
	vm5 =	veq.s32 v58, $0x0;
	v9 =	vmax.f32 v32, v34;
	v11 =	vmax.f32 v38, v40  }
0x370: {  	[tilespmem:s6+$0x8010] =	vst v8;
	v7 =	vmax.f32 v41, v19;
	v6 =	vadd.f32 v8, v6;
	v8 =	vshll.u32 v36, $0x10  }
0x371: {  	v49 =	vmax.f32 v46, v17;
	v15 =	vmax.f32 v56, v58;
	v9 =	vsel vm4, v26, v9  }
0x372: {  	[tilespmem:s6+$0x0] =	vst v14;
	vm4 =	veq.s32 v10, $0x0;
	v10 =	vmax.f32 v35, v10;
	v6 =	vadd.f32 v9, v6  }
0x373: {  	v15 =	vsel vm5, v48, v15;
	[tilespmem:s6+$0x20] =	vst v9;
	v10 =	vsel vm4, v28, v10;
	vm4 =	veq.s32 v40, $0x0  }
0x374: {  	[tilespmem:s6+$0x60] =	vst v15;
	v11 =	vsel vm4, v31, v11;
	vm4 =	veq.s32 v19, $0x0;
	v6 =	vadd.f32 v10, v6  }
0x375: {  	[tilespmem:s6+$0x8020] =	vst v10;
	v7 =	vsel vm4, v33, v7;
	vm4 =	veq.s32 v8, $0x0;
	v8 =	vmax.f32 v44, v8  }
0x376: {  	[tilespmem:s6+$0x30] =	vst v11;
	v8 =	vsel vm4, v37, v8;
	vm4 =	veq.s32 v17, $0x0;
	v6 =	vadd.f32 v11, v6  }
0x377: {  	v13 =	vmax.f32 v59, v60;
	v10 =	vmax.f32 v50, v52;
	[tilespmem:s6+$0x8030] =	vst v7;
	v9 =	vsel vm4, v39, v49  }
0x378: {  	[tilespmem:s6+$0x40] =	vst v8;
	vm4 =	veq.s32 v52, $0x0;
	v6 =	vadd.f32 v7, v6;
	v7 =	vand.u32 $0xFFFF0000, v42  }
0x379: {  	[tilespmem:s6+$0x8040] =	vst v9;
	v10 =	vsel vm4, v43, v10;
	vm4 =	veq.s32 v7, $0x0;
	v7 =	vmax.f32 v55, v7  }
0x37a: {  	v16 =	vmax.f32 v61, v62;
	[tilespmem:s6+$0x50] =	vst v10;
	v7 =	vsel vm4, v45, v7;
	vm4 =	veq.s32 v60, $0x0  }
0x37b: {  	v6 =	vadd.f32 v8, v6;
	[tilespmem:s6+$0x8050] =	vst v7;
	v13 =	vsel vm4, v51, v13;
	vm4 =	veq.s32 v62, $0x0  }
0x37c: {  	[tilespmem:s6+$0x8060] =	vst v13;
	v11 =	vsel vm4, v54, v16;
	vm4 =	veq.s32 v12, $0x0;
	v12 =	vmax.f32 v63, v12  }
0x37d: {  	[tilespmem:s6+$0x70] =	vst v11;
	v12 =	vsel vm4, v57, v12  }
0x37e: {  	s5 =	simm.s32 $0x0;
	v6 =	vadd.f32 v9, v6;
	[tilespmem:s6+$0x8070] =	vst v12  }
0x37f: {  	[hbm4b:s14+s26] =	stream.strided.scatter [tilespmem:s5], [sflag:$0x3], $0x8000, s28, s26, $0x38;
	[tilespmem:$0x1F080] =	vst v63  }
0x380: {  	v6 =	vadd.f32 v10, v6  }
0x381: {  	[hbm4b:s15+s26] =	stream.strided.scatter [tilespmem:s29], [sflag:$0x4], $0x8000, s28, s26, $0x38;
	[tilespmem:$0x1F080] =	vst v63  }
0x382: {  	v6 =	vadd.f32 v7, v6;
	_ =	swait.ge [sflag:s1], $0x8000  }
0x383: {  	[sflag:s1] =	ssyncset.done $0x0  }
0x384: {  	v6 =	vadd.f32 v15, v6;
	[sflag:s1] =	ssyncadd.s32 $0xFFFF8000  }
0x385: {  	_ =	swait.ge [sflag:s25], $0x8000  }
.Ltmp39:
0x386: {  	v6 =	vadd.f32 v13, v6;
	[sflag:s25] =	ssyncset.done $0x0;
	(pc) =	sbr.rel .LBB2_52-.Ltmp39, $4  }
0x387: {  	[sflag:s25] =	ssyncadd.s32 $0xFFFF8000  }
0x388: {  	v6 =	vadd.f32 v11, v6;
	[tilespmem:s5], [sflag:$0x2] =	stream.strided.gather [hbm4b:s16+s26], $0x8000, s28, s26, $0x38;
	[tilespmem:$0x1F080] =	vst v63  }
0x389: {  	s6 =	simm.s32 $0x0  }
0x38a: {  	v6 =	vadd.f32 v12, v6;
	[tilespmem:s29], [sflag:$0x2] =	stream.strided.gather [hbm4b:s17+s26], $0x8000, s28, s26, $0x38;
	[tilespmem:$0x1F080] =	vst v63  }
.LBB2_54:
0x38b: {  	_ = 	snop  }
.LBB2_57:
0x38c: {  	_ =	sdelay $0x3  }
0x38d: {  	s8 =	sand.u32 $0xFFFFFF80, s9;
	s13 =	sand.u32 $0x70, s7  }
0x38e: {  	[tilespmem:v10+s31+$0x0] =	vst.idx.msk @p0 vm4, v9;
	s8 =	sor.u32 s13, s8  }
0x38f: {  	v9 =	vld [tilespmem:s8+$0x18000];
	_ =	sdelay $0x1  }
0x390: {  	v63 =	vor.u32 s7, v0  }
0x391: {  	vm4 =	vge.s32 v63, v7;
	vm5 =	vlt.s32 v63, v8  }
0x392: {  	vm4 =	vmand vm4, vm5  }
0x393: {  	v7 =	vld [tilespmem:s8+$0x1C000];
	v8 =	vand.u32 $0x7FFF, v9;
	_ =	sdelay $0x4  }
0x394: {  	[tilespmem:v8+s31+$0x0] =	vst.idx.msk vm4, v7  }
.LBB2_58:
0x395: {  	s6 =	sadd.s32 $0x1, s6  }
0x396: {  	p0 =	sne.s32 s6, $0x20  }
.Ltmp40:
0x397: {  	_ = 	snop;
	(pc) =	sbr.rel @!p0 .LBB2_59-.Ltmp40, $2  }
0x398: {  	_ =	sdelay $0x2  }
0x399: {  	s5 =	sadd.s32 $0x100, s5  }
.LBB2_52:
0x39a: {  	s7 =	sshll.u32 s6, $0x1  }
0x39b: {  	s7 =	sand.u32 $0x3FFFFFFE, s7  }
0x39c: {  	s8 =	sor.u32 $0x1, s7;
	s7 =	sld [smem:s7+$0x0]  }
0x39d: {  	s8 =	sld [smem:s8+$0x0];
	_ =	sdelay $0x2  }
0x39e: {  	s9 =	sadd.s32 s8, s7  }
0x39f: {  	s7 =	sadd.s32 $0xF, s9  }
0x3a0: {  	s10 =	sand.u32 $0xF, s7  }
0x3a1: {  	s13 =	sshra.s32 s7, $0x1F;
	p1 =	slt.s32 s7, $0x1;
	p0 =	sne.s32 s10, $0x0  }
0x3a2: {  	s10 =	sshrl.u32 s13, $0x1C;
	p0 =	por !p1, !p0  }
0x3a3: {  	s7 =	sadd.s32 s10, s7;
	s10 =	simm.s32 $0x1;
	p0 =	por !p0, !p0  }
0x3a4: {  	s7 =	sshra.s32 s7, $0x4;
	s10 =	simm.s32 @!p0 $0x0  }
0x3a5: {  	s10 =	ssub.s32 s7, s10  }
0x3a6: {  	p0 =	slt.s32 s10, $0x1  }
.Ltmp41:
0x3a7: {  	_ = 	snop;
	(pc) =	sbr.rel @p0 .LBB2_58-.Ltmp41, $1  }
0x3a8: {  	_ =	sdelay $0x3  }
0x3a9: {  	p1 =	sne.s32 s10, $0x1  }
.Ltmp42:
0x3aa: {  	_ = 	snop;
	(pc) =	sbr.rel @!p1 .LBB2_54-.Ltmp42, $3  }
0x3ab: {  	_ =	sdelay $0x1  }
0x3ac: {  	s7 =	simm.s32 $0x0  }
0x3ad: {  	v7 =	vmov s8;
	v8 =	vmov s9;
	s9 =	sadd.s32 $0x0, s5;
	s8 =	sadd.s32 $0xFFFFFFFF, s10;
	p0 =	por $0x0, $0x0  }
0x3ae: {  	s9 =	sand.u32 $0xFFFFFF80, s9;
	s10 =	sand.u32 $0x70, s7  }
0x3af: {  	s9 =	sor.u32 s10, s9  }
0x3b0: {  	v10 =	vld [tilespmem:s9+$0x18000];
	_ =	sdelay $0x1  }
0x3b1: {  	v9 =	vor.u32 s7, v0  }
0x3b2: {  	p1 =	sne.s32 s8, $0x1;
	vm4 =	vge.s32 v9, v7;
	vm5 =	vlt.s32 v9, v8  }
.Ltmp43:
0x3b3: {  	vm4 =	vmand vm4, vm5;
	(pc) =	sbr.rel @!p1 .LBB2_57-.Ltmp43, $3  }
0x3b4: {  	v9 =	vld [tilespmem:s9+$0x1C000];
	v10 =	vand.u32 $0x7FFF, v10;
	_ =	sdelay $0x1  }
0x3b5: {  	s7 =	simm.s32 $0x10  }
0x3b6: {  	s8 =	sadd.s32 $0xFFFFFFFF, s8;
	p0 =	por $0x1, $0x1;
	s9 =	sadd.s32 $0x10, s5  }
.LBB2_56:
0x3b7: {  	p1 =	sne.s32 s8, $0x1;
	s9 =	sand.u32 $0xFFFFFF80, s9;
	s10 =	sand.u32 $0x70, s7  }
0x3b8: {  	s9 =	sor.u32 s10, s9;
	[tilespmem:v10+s31+$0x0] =	vst.idx.msk vm4, v9  }
0x3b9: {  	v10 =	vld [tilespmem:s9+$0x18000];
	_ =	sdelay $0x1  }
0x3ba: {  	v9 =	vor.u32 s7, v0  }
0x3bb: {  	vm4 =	vge.s32 v9, v7;
	vm5 =	vlt.s32 v9, v8  }
.Ltmp44:
0x3bc: {  	vm4 =	vmand vm4, vm5;
	(pc) =	sbr.rel @p1 .LBB2_56-.Ltmp44, $3  }
0x3bd: {  	v9 =	vld [tilespmem:s9+$0x1C000];
	v10 =	vand.u32 $0x7FFF, v10;
	_ =	sdelay $0x1  }
0x3be: {  	s7 =	sadd.s32 $0x10, s7  }
0x3bf: {  	s8 =	sadd.s32 $0xFFFFFFFF, s8;
	s9 =	sadd.s32 s7, s5  }
.Ltmp45:
0x3c0: {  	_ = 	snop;
	(pc) =	sbr.rel .LBB2_57-.Ltmp45, $1  }
0x3c1: {  	_ =	sdelay $0x3  }
.LBB2_59:
0x3c2: {  	_ =	swait.ge [sflag:s0], $0x8000  }
0x3c3: {  	[sflag:s0] =	ssyncset.done $0x0  }
0x3c4: {  	[sflag:s0] =	ssyncadd.s32 $0xFFFF8000  }
0x3c5: {  	_ =	swait.ge [sflag:s0], $0x8000  }
0x3c6: {  	[sflag:s0] =	ssyncset.done $0x0  }
0x3c7: {  	s5 =	simm.s32 $0x0;
	[sflag:s0] =	ssyncadd.s32 $0xFFFF8000  }
0x3c8: {  	v7 =	vld [tilespmem:s5+$0x0]  }
0x3c9: {  	v8 =	vld [tilespmem:s5+$0x10000]  }
0x3ca: {  	v9 =	vld [tilespmem:s5+$0x8000];
	_ =	sdelay $0x1  }
0x3cb: {  	v11 =	vld [tilespmem:s5+$0x10]  }
0x3cc: {  	v10 =	vld [tilespmem:s5+$0x10010];
	v12 =	vmul.f32 $8.999999760e-01, v7  }
0x3cd: {  	v14 =	vld [tilespmem:s5+$0x8010];
	v13 =	vshll.u32 v8, $0x10  }
0x3ce: {  	vm4 =	veq.s32 v13, $0x0;
	v12 =	vmax.f32 v12, v13;
	v13 =	vmul.f32 $8.999999760e-01, v9  }
0x3cf: {  	v8 =	vand.u32 $0xFFFF0000, v8;
	v7 =	vsel vm4, v7, v12;
	v12 =	vld [tilespmem:s5+$0x20]  }
0x3d0: {  	v15 =	vld [tilespmem:s5+$0x10020];
	vm4 =	veq.s32 v8, $0x0;
	v8 =	vmax.f32 v13, v8;
	v13 =	vmul.f32 $8.999999760e-01, v11  }
0x3d1: {  	v16 =	vshll.u32 v10, $0x10;
	v6 =	vadd.f32 v7, v6;
	v8 =	vsel vm4, v9, v8;
	v9 =	vld [tilespmem:s5+$0x8020]  }
0x3d2: {  	[tilespmem:s5+$0x0] =	vst v7;
	vm4 =	veq.s32 v16, $0x0;
	v7 =	vmax.f32 v13, v16;
	v13 =	vmul.f32 $8.999999760e-01, v14  }
0x3d3: {  	v10 =	vand.u32 $0xFFFF0000, v10;
	v6 =	vadd.f32 v8, v6;
	v7 =	vsel vm4, v11, v7;
	v11 =	vld [tilespmem:s5+$0x30]  }
0x3d4: {  	[tilespmem:s5+$0x8000] =	vst v8;
	v16 =	vld [tilespmem:s5+$0x10030];
	vm4 =	veq.s32 v10, $0x0;
	v8 =	vmax.f32 v13, v10;
	v10 =	vmul.f32 $8.999999760e-01, v12  }
0x3d5: {  	v13 =	vld [tilespmem:s5+$0x8030];
	v6 =	vadd.f32 v7, v6;
	v8 =	vsel vm4, v14, v8;
	v14 =	vshll.u32 v15, $0x10  }
0x3d6: {  	[tilespmem:s5+$0x10] =	vst v7;
	vm4 =	veq.s32 v14, $0x0;
	v7 =	vmax.f32 v10, v14;
	v10 =	vmul.f32 $8.999999760e-01, v9  }
0x3d7: {  	v15 =	vand.u32 $0xFFFF0000, v15;
	v6 =	vadd.f32 v8, v6;
	v7 =	vsel vm4, v12, v7;
	v12 =	vld [tilespmem:s5+$0x40]  }
0x3d8: {  	[tilespmem:s5+$0x8010] =	vst v8;
	v14 =	vld [tilespmem:s5+$0x10040];
	vm4 =	veq.s32 v15, $0x0;
	v8 =	vmax.f32 v10, v15;
	v10 =	vmul.f32 $8.999999760e-01, v11  }
0x3d9: {  	v15 =	vshll.u32 v16, $0x10;
	v6 =	vadd.f32 v7, v6;
	v8 =	vsel vm4, v9, v8;
	v9 =	vld [tilespmem:s5+$0x8040]  }
0x3da: {  	[tilespmem:s5+$0x20] =	vst v7;
	vm4 =	veq.s32 v15, $0x0;
	v7 =	vmax.f32 v10, v15;
	v10 =	vmul.f32 $8.999999760e-01, v13  }
0x3db: {  	v16 =	vand.u32 $0xFFFF0000, v16;
	v6 =	vadd.f32 v8, v6;
	v7 =	vsel vm4, v11, v7;
	v11 =	vld [tilespmem:s5+$0x50]  }
0x3dc: {  	[tilespmem:s5+$0x8020] =	vst v8;
	v15 =	vld [tilespmem:s5+$0x10050];
	vm4 =	veq.s32 v16, $0x0;
	v8 =	vmax.f32 v10, v16;
	v10 =	vmul.f32 $8.999999760e-01, v12  }
0x3dd: {  	[tilespmem:s5+$0x30] =	vst v7;
	v16 =	vshll.u32 v14, $0x10;
	v7 =	vadd.f32 v7, v6;
	v8 =	vsel vm4, v13, v8  }
0x3de: {  	v13 =	vld [tilespmem:s5+$0x8050];
	vm4 =	veq.s32 v16, $0x0;
	v6 =	vmax.f32 v10, v16;
	v10 =	vmul.f32 $8.999999760e-01, v9  }
0x3df: {  	v14 =	vand.u32 $0xFFFF0000, v14;
	[tilespmem:s5+$0x8030] =	vst v8;
	v16 =	vld [tilespmem:s5+$0x10060];
	v8 =	vadd.f32 v8, v7;
	v12 =	vsel vm4, v12, v6  }
0x3e0: {  	v6 =	vld [tilespmem:s5+$0x60];
	vm4 =	veq.s32 v14, $0x0;
	v7 =	vmax.f32 v10, v14;
	v10 =	vmul.f32 $8.999999760e-01, v11  }
0x3e1: {  	v8 =	vadd.f32 v12, v8;
	v14 =	vsel vm4, v9, v7;
	v9 =	vshll.u32 v15, $0x10  }
0x3e2: {  	[tilespmem:s5+$0x40] =	vst v12;
	v12 =	vand.u32 $0xFFFF0000, v15;
	v7 =	vld [tilespmem:s5+$0x8060];
	vm4 =	veq.s32 v9, $0x0  }
0x3e3: {  	[tilespmem:s5+$0x8040] =	vst v14;
	v10 =	vmax.f32 v10, v9;
	v9 =	vld [tilespmem:s5+$0x10070];
	v8 =	vadd.f32 v14, v8;
	v14 =	vmul.f32 $8.999999760e-01, v13  }
0x3e4: {  	v11 =	vsel vm4, v11, v10;
	v10 =	vld [tilespmem:s5+$0x70];
	vm4 =	veq.s32 v12, $0x0;
	v15 =	vshll.u32 v16, $0x10  }
0x3e5: {  	v12 =	vmax.f32 v14, v12;
	v14 =	vadd.f32 v11, v8;
	v17 =	vmul.f32 $8.999999760e-01, v6  }
0x3e6: {  	s6 =	simm.s32 $0x80;
	[tilespmem:s5+$0x50] =	vst v11;
	v8 =	vld [tilespmem:s5+$0x8070];
	v12 =	vsel vm4, v13, v12;
	v13 =	vand.u32 $0xFFFF0000, v16;
	vm4 =	veq.s32 v15, $0x0  }
0x3e7: {  	s7 =	simm.s32 $0x400;
	v11 =	vld [tilespmem:s6+$0x10000];
	[tilespmem:s5+$0x8050] =	vst v12;
	v12 =	vadd.f32 v12, v14;
	v15 =	vmax.f32 v17, v15;
	v14 =	vmul.f32 $8.999999760e-01, v7  }
.LBB2_60:
0x3e8: {  	p0 =	sne.s32 s7, $0x1FE00;
	v16 =	vld [tilespmem:s6+$0x0];
	v6 =	vsel vm4, v6, v15;
	vm4 =	veq.s32 v13, $0x0;
	v15 =	vshll.u32 v9, $0x10  }
0x3e9: {  	v13 =	vmax.f32 v14, v13;
	[tilespmem:s5+$0x60] =	vst v6;
	v6 =	vadd.f32 v6, v12;
	v12 =	vmul.f32 $8.999999760e-01, v10  }
0x3ea: {  	v9 =	vand.u32 $0xFFFF0000, v9;
	v14 =	vld [tilespmem:s6+$0x8000];
	v7 =	vsel vm4, v7, v13;
	vm4 =	veq.s32 v15, $0x0  }
0x3eb: {  	v13 =	vld [tilespmem:s6+$0x10010];
	[tilespmem:s5+$0x8060] =	vst v7;
	v6 =	vadd.f32 v7, v6;
	v7 =	vmax.f32 v12, v15;
	v12 =	vmul.f32 $8.999999760e-01, v8  }
0x3ec: {  	v15 =	vshll.u32 v11, $0x10;
	v17 =	vld [tilespmem:s6+$0x10];
	v7 =	vsel vm4, v10, v7;
	vm4 =	veq.s32 v9, $0x0  }
0x3ed: {  	v10 =	vmul.f32 $8.999999760e-01, v16;
	v9 =	vmax.f32 v12, v9;
	[tilespmem:s5+$0x70] =	vst v7;
	v6 =	vadd.f32 v7, v6  }
0x3ee: {  	v7 =	vand.u32 $0xFFFF0000, v11;
	vm5 =	veq.s32 v15, $0x0;
	v11 =	vld [tilespmem:s6+$0x8010];
	v8 =	vsel vm4, v8, v9  }
0x3ef: {  	v9 =	vmax.f32 v10, v15;
	v10 =	vmul.f32 $8.999999760e-01, v14;
	v12 =	vld [tilespmem:s6+$0x10020];
	[tilespmem:s5+$0x8070] =	vst v8;
	v6 =	vadd.f32 v8, v6;
	s5 =	smov.u32 s6  }
0x3f0: {  	vm4 =	veq.s32 v7, $0x0;
	v8 =	vsel vm5, v16, v9;
	v9 =	vshll.u32 v13, $0x10;
	v15 =	vld [tilespmem:s5+$0x20]  }
0x3f1: {  	v7 =	vmax.f32 v10, v7;
	[tilespmem:s5+$0x0] =	vst v8;
	v6 =	vadd.f32 v8, v6;
	v8 =	vmul.f32 $8.999999760e-01, v17  }
0x3f2: {  	v10 =	vand.u32 $0xFFFF0000, v13;
	v7 =	vsel vm4, v14, v7;
	vm4 =	veq.s32 v9, $0x0;
	v13 =	vld [tilespmem:s5+$0x8020]  }
0x3f3: {  	[tilespmem:s5+$0x8000] =	vst v7;
	v6 =	vadd.f32 v7, v6;
	v7 =	vmax.f32 v8, v9;
	v8 =	vmul.f32 $8.999999760e-01, v11;
	v9 =	vld [tilespmem:s5+$0x10030]  }
0x3f4: {  	v7 =	vsel vm4, v17, v7;
	vm4 =	veq.s32 v10, $0x0;
	v14 =	vshll.u32 v12, $0x10;
	v16 =	vld [tilespmem:s5+$0x30]  }
0x3f5: {  	v8 =	vmax.f32 v8, v10;
	[tilespmem:s5+$0x10] =	vst v7;
	v6 =	vadd.f32 v7, v6;
	v7 =	vmul.f32 $8.999999760e-01, v15  }
0x3f6: {  	v10 =	vand.u32 $0xFFFF0000, v12;
	v8 =	vsel vm4, v11, v8;
	vm4 =	veq.s32 v14, $0x0;
	v11 =	vld [tilespmem:s5+$0x8030]  }
0x3f7: {  	[tilespmem:s5+$0x8010] =	vst v8;
	v6 =	vadd.f32 v8, v6;
	v7 =	vmax.f32 v7, v14;
	v8 =	vmul.f32 $8.999999760e-01, v13;
	v12 =	vld [tilespmem:s5+$0x10040]  }
0x3f8: {  	v7 =	vsel vm4, v15, v7;
	vm4 =	veq.s32 v10, $0x0;
	v14 =	vshll.u32 v9, $0x10;
	v15 =	vld [tilespmem:s5+$0x40]  }
0x3f9: {  	v8 =	vmax.f32 v8, v10;
	[tilespmem:s5+$0x20] =	vst v7;
	v6 =	vadd.f32 v7, v6;
	v7 =	vmul.f32 $8.999999760e-01, v16  }
0x3fa: {  	v9 =	vand.u32 $0xFFFF0000, v9;
	v8 =	vsel vm4, v13, v8;
	vm4 =	veq.s32 v14, $0x0;
	v10 =	vld [tilespmem:s5+$0x8040]  }
0x3fb: {  	[tilespmem:s5+$0x8020] =	vst v8;
	v6 =	vadd.f32 v8, v6;
	v7 =	vmax.f32 v7, v14;
	v8 =	vmul.f32 $8.999999760e-01, v11;
	v13 =	vld [tilespmem:s5+$0x10050]  }
0x3fc: {  	v7 =	vsel vm4, v16, v7;
	vm4 =	veq.s32 v9, $0x0;
	v14 =	vshll.u32 v12, $0x10;
	v16 =	vld [tilespmem:s5+$0x50]  }
0x3fd: {  	v8 =	vmax.f32 v8, v9;
	[tilespmem:s5+$0x30] =	vst v7;
	v6 =	vadd.f32 v7, v6;
	v7 =	vmul.f32 $8.999999760e-01, v15  }
0x3fe: {  	v9 =	vand.u32 $0xFFFF0000, v12;
	v8 =	vsel vm4, v11, v8;
	vm4 =	veq.s32 v14, $0x0;
	v11 =	vld [tilespmem:s5+$0x8050]  }
0x3ff: {  	[tilespmem:s5+$0x8030] =	vst v8;
	v8 =	vadd.f32 v8, v6;
	v6 =	vmax.f32 v7, v14;
	v7 =	vmul.f32 $8.999999760e-01, v10;
	v12 =	vld [tilespmem:s5+$0x10060]  }
0x400: {  	v14 =	vsel vm4, v15, v6;
	vm4 =	veq.s32 v9, $0x0;
	v15 =	vshll.u32 v13, $0x10;
	v6 =	vld [tilespmem:s5+$0x60]  }
0x401: {  	v7 =	vmax.f32 v7, v9;
	[tilespmem:s5+$0x40] =	vst v14;
	v8 =	vadd.f32 v14, v8;
	v9 =	vmul.f32 $8.999999760e-01, v16  }
0x402: {  	v13 =	vand.u32 $0xFFFF0000, v13;
	v10 =	vsel vm4, v10, v7;
	vm4 =	veq.s32 v15, $0x0;
	v7 =	vld [tilespmem:s5+$0x8060]  }
.Ltmp46:
0x403: {  	[tilespmem:s5+$0x8040] =	vst v10;
	v8 =	vadd.f32 v10, v8;
	v10 =	vmax.f32 v9, v15;
	v14 =	vmul.f32 $8.999999760e-01, v11;
	v9 =	vld [tilespmem:s5+$0x10070];
	(pc) =	sbr.rel @p0 .LBB2_60-.Ltmp46, $4  }
0x404: {  	v15 =	vsel vm4, v16, v10;
	vm4 =	veq.s32 v13, $0x0;
	v16 =	vshll.u32 v12, $0x10;
	v10 =	vld [tilespmem:s5+$0x70]  }
0x405: {  	v13 =	vmax.f32 v14, v13;
	[tilespmem:s5+$0x50] =	vst v15;
	v14 =	vadd.f32 v15, v8;
	v15 =	vmul.f32 $8.999999760e-01, v6  }
0x406: {  	s6 =	sshra.s32 s7, $0x2;
	v17 =	vsel vm4, v11, v13;
	v13 =	vand.u32 $0xFFFF0000, v12;
	vm4 =	veq.s32 v16, $0x0;
	v8 =	vld [tilespmem:s5+$0x8070]  }
0x407: {  	s7 =	sadd.s32 $0x200, s7;
	v11 =	vld [tilespmem:s6+$0x10000];
	[tilespmem:s5+$0x8050] =	vst v17;
	v12 =	vadd.f32 v17, v14;
	v15 =	vmax.f32 v15, v16;
	v14 =	vmul.f32 $8.999999760e-01, v7  }
0x408: {  	v6 =	vsel vm4, v6, v15  }
0x409: {  	vm4 =	veq.s32 v13, $0x0;
	v53 =	vmax.f32 v14, v13;
	v54 =	vmul.f32 $8.999999760e-01, v10  }
0x40a: {  	v16 =	vld [tilespmem:s6+$0x0];
	v17 =	vshll.u32 v9, $0x10;
	[tilespmem:s5+$0x60] =	vst v6;
	v7 =	vsel vm4, v7, v53  }
0x40b: {  	v55 =	vld [tilespmem:s6+$0x8000];
	vm4 =	veq.s32 v17, $0x0;
	v14 =	vmax.f32 v54, v17;
	v57 =	vmul.f32 $8.999999760e-01, v8  }
0x40c: {  	v60 =	vand.u32 $0xFFFF0000, v9;
	v56 =	vld [tilespmem:s6+$0x10010];
	[tilespmem:s5+$0x8060] =	vst v7;
	v58 =	vsel vm4, v10, v14  }
0x40d: {  	v59 =	vld [tilespmem:s6+$0x10];
	vm4 =	veq.s32 v60, $0x0;
	[tilespmem:s5+$0x70] =	vst v58;
	v9 =	vmax.f32 v57, v60  }
0x40e: {  	v6 =	vadd.f32 v6, v12;
	v62 =	vld [tilespmem:s6+$0x8010];
	v63 =	vsel vm4, v8, v9  }
0x40f: {  	v20 =	vld [tilespmem:s6+$0x10020];
	[tilespmem:s5+$0x8070] =	vst v63  }
0x410: {  	v6 =	vadd.f32 v7, v6;
	v23 =	vld [tilespmem:s6+$0x20]  }
0x411: {  	v26 =	vld [tilespmem:s6+$0x8020]  }
0x412: {  	v7 =	vshll.u32 v11, $0x10;
	v61 =	vmul.f32 $8.999999760e-01, v16;
	v6 =	vadd.f32 v58, v6;
	v29 =	vld [tilespmem:s6+$0x10030]  }
0x413: {  	v22 =	vand.u32 $0xFFFF0000, v11;
	vm4 =	veq.s32 v7, $0x0;
	v30 =	vld [tilespmem:s6+$0x30]  }
0x414: {  	v7 =	vmax.f32 v61, v7;
	v21 =	vmul.f32 $8.999999760e-01, v55;
	v6 =	vadd.f32 v63, v6;
	v32 =	vld [tilespmem:s6+$0x8030]  }
0x415: {  	v27 =	vshll.u32 v56, $0x10;
	v7 =	vsel vm4, v16, v7;
	vm4 =	veq.s32 v22, $0x0;
	v35 =	vld [tilespmem:s6+$0x10040]  }
0x416: {  	v36 =	vld [tilespmem:s6+$0x40];
	v24 =	vmax.f32 v21, v22;
	v25 =	vmul.f32 $8.999999760e-01, v59;
	v6 =	vadd.f32 v7, v6  }
0x417: {  	v13 =	vand.u32 $0xFFFF0000, v56;
	v39 =	vld [tilespmem:s6+$0x8040];
	v10 =	vsel vm4, v55, v24;
	vm4 =	veq.s32 v27, $0x0  }
0x418: {  	v42 =	vld [tilespmem:s6+$0x50];
	v8 =	vmax.f32 v25, v27;
	v28 =	vmul.f32 $8.999999760e-01, v62;
	v6 =	vadd.f32 v10, v6  }
0x419: {  	v41 =	vld [tilespmem:s6+$0x10050];
	v33 =	vshll.u32 v20, $0x10;
	v9 =	vand.u32 $0xFFFF0000, v20;
	v8 =	vsel vm4, v59, v8  }
0x41a: {  	v47 =	vld [tilespmem:s6+$0x10060];
	[tilespmem:s6+$0x0] =	vst v7;
	vm4 =	veq.s32 v13, $0x0;
	v7 =	vmax.f32 v28, v13;
	v31 =	vmul.f32 $8.999999760e-01, v23  }
0x41b: {  	v48 =	vld [tilespmem:s6+$0x60];
	v34 =	vmul.f32 $8.999999760e-01, v26;
	v6 =	vadd.f32 v8, v6;
	v38 =	vmul.f32 $8.999999760e-01, v30  }
0x41c: {  	v40 =	vmul.f32 $8.999999760e-01, v32;
	v15 =	vand.u32 $0xFFFF0000, v29;
	v43 =	vmul.f32 $8.999999760e-01, v36  }
0x41d: {  	v50 =	vld [tilespmem:s6+$0x8060];
	v45 =	vshll.u32 v35, $0x10;
	v46 =	vmul.f32 $8.999999760e-01, v39;
	v49 =	vmul.f32 $8.999999760e-01, v42  }
0x41e: {  	v51 =	vshll.u32 v41, $0x10;
	v12 =	vand.u32 $0xFFFF0000, v41;
	v7 =	vsel vm4, v62, v7  }
0x41f: {  	v54 =	vld [tilespmem:s6+$0x70];
	[tilespmem:s6+$0x8000] =	vst v10;
	vm4 =	veq.s32 v33, $0x0;
	v10 =	vmax.f32 v31, v33;
	v6 =	vadd.f32 v7, v6  }
0x420: {  	v55 =	vmul.f32 $8.999999760e-01, v48;
	v57 =	vshll.u32 v47, $0x10;
	v10 =	vsel vm4, v23, v10  }
0x421: {  	v56 =	vld [tilespmem:s6+$0x8070];
	[tilespmem:s6+$0x10] =	vst v8;
	v37 =	vmax.f32 v34, v9;
	vm4 =	veq.s32 v9, $0x0;
	v6 =	vadd.f32 v10, v6  }
0x422: {  	v59 =	vmul.f32 $8.999999760e-01, v50;
	[tilespmem:s6+$0x8010] =	vst v7;
	v7 =	vshll.u32 v29, $0x10;
	v8 =	vsel vm4, v26, v37  }
0x423: {  	v53 =	vld [tilespmem:s6+$0x10070];
	vm4 =	veq.s32 v7, $0x0;
	v7 =	vmax.f32 v38, v7;
	v6 =	vadd.f32 v8, v6  }
0x424: {  	v60 =	vand.u32 $0xFFFF0000, v47;
	v61 =	vmul.f32 $8.999999760e-01, v54;
	v7 =	vsel vm4, v30, v7  }
0x425: {  	v9 =	vmax.f32 v40, v15;
	vm4 =	veq.s32 v15, $0x0;
	v6 =	vadd.f32 v7, v6  }
0x426: {  	v44 =	vld [tilespmem:s6+$0x8050];
	v63 =	vmul.f32 $8.999999760e-01, v56;
	vm5 =	veq.s32 v57, $0x0;
	v9 =	vsel vm4, v32, v9  }
0x427: {  	[tilespmem:s6+$0x8020] =	vst v8;
	vm4 =	veq.s32 v45, $0x0;
	v8 =	vmax.f32 v43, v45;
	v6 =	vadd.f32 v9, v6  }
0x428: {  	v62 =	vshll.u32 v53, $0x10;
	[tilespmem:s6+$0x30] =	vst v7;
	v8 =	vsel vm4, v36, v8;
	v7 =	vand.u32 $0xFFFF0000, v35  }
0x429: {  	[tilespmem:s6+$0x20] =	vst v10;
	vm4 =	veq.s32 v7, $0x0;
	v7 =	vmax.f32 v46, v7;
	v6 =	vadd.f32 v8, v6  }
0x42a: {  	v52 =	vmax.f32 v49, v51;
	v58 =	vmax.f32 v55, v57;
	[tilespmem:s6+$0x8030] =	vst v9;
	v7 =	vsel vm4, v39, v7  }
0x42b: {  	vm4 =	veq.s32 v51, $0x0;
	[tilespmem:s6+$0x8040] =	vst v7;
	v6 =	vadd.f32 v7, v6;
	v7 =	vmul.f32 $8.999999760e-01, v44  }
0x42c: {  	v13 =	vmax.f32 v61, v62;
	[tilespmem:s6+$0x40] =	vst v8;
	v8 =	vsel vm4, v42, v52;
	vm4 =	veq.s32 v12, $0x0  }
0x42d: {  	[tilespmem:s6+$0x50] =	vst v8;
	v7 =	vmax.f32 v7, v12;
	v6 =	vadd.f32 v8, v6;
	v8 =	vsel vm5, v48, v58  }
0x42e: {  	v12 =	vmax.f32 v59, v60;
	v7 =	vsel vm4, v44, v7;
	vm4 =	veq.s32 v60, $0x0;
	[tilespmem:s6+$0x60] =	vst v8  }
0x42f: {  	v9 =	vand.u32 $0xFFFF0000, v53;
	[tilespmem:s6+$0x8050] =	vst v7;
	v10 =	vsel vm4, v50, v12;
	vm4 =	veq.s32 v62, $0x0  }
0x430: {  	[tilespmem:s6+$0x8060] =	vst v10;
	v11 =	vsel vm4, v54, v13;
	vm4 =	veq.s32 v9, $0x0;
	v9 =	vmax.f32 v63, v9  }
0x431: {  	[tilespmem:s6+$0x70] =	vst v11;
	v9 =	vsel vm4, v56, v9  }
0x432: {  	v6 =	vadd.f32 v7, v6;
	[tilespmem:s6+$0x8070] =	vst v9  }
0x433: {  	[hbm4b:s18+s26] =	stream.strided.scatter [tilespmem:s2], [sflag:$0x3], $0x8000, s28, s26, $0x38;
	[tilespmem:$0x1F080] =	vst v63  }
0x434: {  	v6 =	vadd.f32 v8, v6  }
0x435: {  	[hbm4b:s19+s26] =	stream.strided.scatter [tilespmem:s29], [sflag:$0x4], $0x8000, s28, s26, $0x38;
	[tilespmem:$0x1F080] =	vst v63  }
0x436: {  	v6 =	vadd.f32 v10, v6;
	_ =	swait.ge [sflag:s1], $0x8000  }
0x437: {  	[sflag:s1] =	ssyncset.done $0x0  }
0x438: {  	v6 =	vadd.f32 v11, v6;
	[sflag:s1] =	ssyncadd.s32 $0xFFFF8000  }
0x439: {  	_ =	swait.ge [sflag:s25], $0x8000  }
0x43a: {  	s4 =	sadd.s32 $0x1, s4;
	v6 =	vadd.f32 v9, v6;
	[sflag:s25] =	ssyncset.done $0x0  }
0x43b: {  	p0 =	sne.s32 s4, s24;
	[sflag:s25] =	ssyncadd.s32 $0xFFFF8000  }
.Ltmp47:
0x43c: {  	s13 =	simm.s32 $0x1F000;
	[tilespmem:$0x1F000] =	vst v6;
	(pc) =	sbr.rel @p0 .LBB2_1-.Ltmp47, $4  }
0x43d: {  	[hbm4b:s23+s2] =	stream.linear.scatter [tilespmem:s13], [sflag:$0x2], $0x80, $0x38;
	[tilespmem:$0x1F080] =	vst v63  }
0x43e: {  	_ =	swait.ge [sflag:s0], $0x80  }
0x43f: {  	[sflag:s0] =	ssyncset.done $0x0  }
0x440: {  	[sflag:s0] =	ssyncadd.s32 $0xFFFFFF80  }
0x441: {  	_ =	sfence.sel $0x180000  }
0x442: {  	[bflag:$0x0] =	sbarrier.arrive $0xFFFF  }
0x443: {  	_ =	strace $0x9000004A  }
0x444: {  	s0 =	stileid.u32;
	[bflag:$0x2] =	sbarrier.arrive $0xFFFF  }
0x445: {  	p0 =	sne.s32 s0, $0x0;
	s0 =	rddreg [dreg:$0x3]  }
0x446: {  	s0 =	sadd.s32 @!p0 $0x100000, s0  }
0x447: {  	[sflag:s0] =	ssyncadd.tile.s32 @!p0 $0x1;
	_ =	shalt  }
.Lfunc_end2:
_tile_overlayer_lowered:
.L_overlay_start_2:
0x448: {  	(tag) =	ssettag $0x2  }
0x449: {  	s0 =	rddreg [dreg:$0x0];
	s2 =	stileid.u32  }
0x44a: {  	s1 =	rddreg [dreg:$0x1];
	p0 =	sne.s32 s2, $0x0  }
0x44b: {  	s3 =	rddreg [dreg:$0x2];
	[bflag:$0x3] =	sbarrier.arrive $0xFFFF;
	s2 =	simm.s32 @!p0 $0x1C05  }
0x44c: {  	[timem:s3], [sflag:s2] =	dma.local @!p0 [hbm:s0], s1  }
0x44d: {  	s0 =	simm.s32 @!p0 $0x5  }
0x44e: {  	_ =	swait.ge @!p0 [sflag:s0], s1  }
0x44f: {  	s1 =	ssub.s32 @!p0 $0x0, s1;
	[sflag:s0] =	ssyncset.done @!p0 $0x0  }
0x450: {  	[sflag:s0] =	ssyncadd.s32 @!p0 s1  }
0x451: {  	[bflag:$0x3] =	sbarrier.arrive $0xFFFF  }
0x452: {  	_ =	shalt  }

</sc_bundles>
